<compile_context>
chip_gen: v7x
topology: tpu7x:2x2x1
jax: 0.10.2.dev20260603
libtpu: 0.0.44.dev20260713+nightly
codegen_flags: <defaults>
</compile_context>

<pallas_src>
import functools

import jax
import jax.numpy as jnp
from jax import lax
from jax.experimental import pallas as pl
from jax.experimental.pallas import tpu as pltpu
from jax.experimental.pallas import tpu_sc as plsc

NC = 2
NS = 16
NW = NC * NS
LANE = 16
GR = 4


def _mesh():
    return plsc.VectorSubcoreMesh(
        core_axis_name="c", subcore_axis_name="s",
        num_cores=NC, num_subcores=NS)


def _offs(width):
    offs = list(range(0, width - LANE + 1, LANE))
    if width % LANE:
        offs.append(width - LANE)
    return offs


def _zero_rows(ref, nrows, width):
    z = jnp.zeros((LANE,), jnp.float32)
    for i in range(nrows):
        for off in _offs(width):
            ref[i, pl.ds(off, LANE)] = z


@functools.lru_cache(maxsize=None)
def _build_degree(N, NCH, CH):
    SPAN = 640
    K = 8
    assert NCH % K == 0

    @functools.partial(
        pl.kernel,
        out_type=jax.ShapeDtypeStruct((NC, 2, N), jnp.float32),
        mesh=_mesh(),
        compiler_params=pltpu.CompilerParams(use_tc_tiling_on_sc=False),
        scratch_types=[
            pltpu.VMEM((NCH, CH), jnp.int32),
            pltpu.VMEM((NCH, CH), jnp.int32),
            pltpu.VMEM((CH,), jnp.float32),
            pltpu.VMEM((SPAN,), jnp.float32),
            pltpu.VMEM_SHARED((N,), jnp.float32),
            pltpu.VMEM_SHARED((N,), jnp.float32),
            pltpu.SemaphoreType.DMA,
        ],
    )
    def deg_kernel(src_hbm, dst_hbm, out_hbm,
                   src_v, dst_v, ones_v, zbuf, sh_do, sh_di, dsem):
        c = lax.axis_index("c")
        s = lax.axis_index("s")
        wid = s * NC + c
        ones = jnp.ones((LANE,), jnp.float32)
        zero = jnp.zeros((LANE,), jnp.float32)
        for off in _offs(CH):
            ones_v[pl.ds(off, LANE)] = ones
        for off in range(0, SPAN, LANE):
            zbuf[pl.ds(off, LANE)] = zero
        base = jnp.minimum(s * SPAN, N - SPAN)
        pltpu.sync_copy(zbuf, sh_do.at[pl.ds(base, SPAN)])
        pltpu.sync_copy(zbuf, sh_di.at[pl.ds(base, SPAN)])
        pltpu.sync_copy(src_hbm.at[wid], src_v)
        pltpu.sync_copy(dst_hbm.at[wid], dst_v)
        plsc.subcore_barrier()

        def body(i, carry):
            j0 = i * K
            for t in range(K):
                pltpu.async_copy(ones_v, sh_do.at[src_v.at[j0 + t]], dsem,
                                 add=True)
                pltpu.async_copy(ones_v, sh_di.at[dst_v.at[j0 + t]], dsem,
                                 add=True)
            for t in range(K):
                pltpu.make_async_copy(
                    ones_v, sh_do.at[src_v.at[j0 + t]], dsem).wait()
                pltpu.make_async_copy(
                    ones_v, sh_di.at[dst_v.at[j0 + t]], dsem).wait()
            return carry
        lax.fori_loop(0, NCH // K, body, None)
        plsc.subcore_barrier()

        pltpu.sync_copy(sh_do.at[pl.ds(base, SPAN)],
                        out_hbm.at[c, 0, pl.ds(base, SPAN)])
        pltpu.sync_copy(sh_di.at[pl.ds(base, SPAN)],
                        out_hbm.at[c, 1, pl.ds(base, SPAN)])

    return deg_kernel


@functools.lru_cache(maxsize=None)
def _build_prop(N, W, NCH, CH):
    RPT = N // NS
    ZR = 25
    NG = NCH // GR
    assert RPT % ZR == 0 and NCH % (2 * GR) == 0 and NG >= 4

    @functools.partial(
        pl.kernel,
        out_type=jax.ShapeDtypeStruct((NC, N, W), jnp.float32),
        mesh=_mesh(),
        compiler_params=pltpu.CompilerParams(use_tc_tiling_on_sc=False),
        scratch_types=[
            pltpu.VMEM((NCH, CH), jnp.int32),
            pltpu.VMEM((NCH, CH), jnp.int32),
        ] + [pltpu.VMEM((CH, W), jnp.float32) for _ in range(2 * GR)] + [
            pltpu.VMEM((ZR, W), jnp.float32),
            pltpu.VMEM_SHARED((N, W), jnp.float32),
            pltpu.SemaphoreType.DMA,
            pltpu.SemaphoreType.DMA,
            pltpu.SemaphoreType.DMA,
            pltpu.SemaphoreType.DMA,
        ],
    )
    def prop_kernel(tab_hbm, src_hbm, dst_hbm, out_hbm,
                    src_v, dst_v, b0, b1, b2, b3, b4, b5, b6, b7,
                    zbuf, sh_agg, gsA, gsB, ssA, ssB):
        c = lax.axis_index("c")
        s = lax.axis_index("s")
        wid = s * NC + c
        bufs = ((b0, b1, b2, b3), (b4, b5, b6, b7))
        gsem = (gsA, gsB)
        ssem = (ssA, ssB)

        _zero_rows(zbuf, ZR, W)

        def zbody(j, carry):
            pltpu.sync_copy(zbuf, sh_agg.at[pl.ds(s * RPT + j * ZR, ZR)])
            return carry
        lax.fori_loop(0, RPT // ZR, zbody, None)

        pltpu.sync_copy(src_hbm.at[wid], src_v)
        pltpu.sync_copy(dst_hbm.at[wid], dst_v)
        plsc.subcore_barrier()

        def fire_g(g, x):
            for t in range(GR):
                pltpu.async_copy(tab_hbm.at[src_v.at[g * GR + t]],
                                 bufs[x][t], gsem[x])

        def drain_g(g, x):
            for t in range(GR):
                pltpu.make_async_copy(tab_hbm.at[src_v.at[g * GR + t]],
                                      bufs[x][t], gsem[x]).wait()

        def fire_s(g, x):
            for t in range(GR):
                pltpu.async_copy(bufs[x][t],
                                 sh_agg.at[dst_v.at[g * GR + t]],
                                 ssem[x], add=True)

        def drain_s(g, x):
            for t in range(GR):
                pltpu.make_async_copy(bufs[x][t],
                                      sh_agg.at[dst_v.at[g * GR + t]],
                                      ssem[x]).wait()

        fire_g(0, 0)
        fire_g(1, 1)
        drain_g(0, 0)
        fire_s(0, 0)

        def body(i, carry):
            g = 2 * i + 1
            drain_s(g - 1, 0)
            fire_g(g + 1, 0)
            drain_g(g, 1)
            fire_s(g, 1)
            g2 = g + 1
            drain_s(g2 - 1, 1)
            fire_g(g2 + 1, 1)
            drain_g(g2, 0)
            fire_s(g2, 0)
            return carry
        lax.fori_loop(0, (NG - 2) // 2, body, None)

        gl = NG - 1
        drain_s(gl - 1, 0)
        drain_g(gl, 1)
        fire_s(gl, 1)
        drain_s(gl, 1)

        plsc.subcore_barrier()
        base = s * RPT
        pltpu.sync_copy(sh_agg.at[pl.ds(base, RPT)],
                        out_hbm.at[c, pl.ds(base, RPT)])

    return prop_kernel


def _tc_norms(degp):
    _, _, N = degp.shape

    def body(d_ref, out_ref):
        dp = d_ref[...]
        deg = dp[0] + dp[1]
        nrm = lax.rsqrt(jnp.maximum(deg, 1.0))
        out_ref[...] = nrm.T

    return pl.pallas_call(
        body,
        out_shape=jax.ShapeDtypeStruct((N, 2), jnp.float32),
    )(degp)


def _tc1a(x, W1, W2, B):
    N, F = x.shape
    H = W1.shape[1]
    C = W2.shape[1]
    G = N // B

    def body(x_ref, w1_ref, w2_ref, out_ref):
        wc = jnp.dot(w1_ref[...], w2_ref[...],
                     preferred_element_type=jnp.float32)
        out_ref[...] = jnp.dot(x_ref[...], wc,
                               preferred_element_type=jnp.float32)

    return pl.pallas_call(
        body,
        grid=(G,),
        in_specs=[
            pl.BlockSpec((B, F), lambda i: (i, 0)),
            pl.BlockSpec((F, H), lambda i: (0, 0)),
            pl.BlockSpec((H, C), lambda i: (0, 0)),
        ],
        out_specs=pl.BlockSpec((B, C), lambda i: (i, 0)),
        out_shape=jax.ShapeDtypeStruct((N, C), jnp.float32),
    )(x, W1, W2)


def _tc1b(z, nrm, WP, B):
    N, C = z.shape
    G = N // B

    def body(z_ref, n_ref, out_ref):
        z = z_ref[...]
        ns = n_ref[:, 0:1]
        out_ref[:, :C] = z * ns
        out_ref[:, C:C + 1] = ns
        out_ref[:, C + 1:] = jnp.zeros((z.shape[0], WP - C - 1), jnp.float32)

    return pl.pallas_call(
        body,
        grid=(G,),
        in_specs=[
            pl.BlockSpec((B, C), lambda i: (i, 0)),
            pl.BlockSpec((B, 2), lambda i: (i, 0)),
        ],
        out_specs=pl.BlockSpec((B, WP), lambda i: (i, 0)),
        out_shape=jax.ShapeDtypeStruct((N, WP), jnp.float32),
    )(z, nrm)


def _tc2(p1, nrm, C, B):
    _, N, WP = p1.shape
    G = N // B

    def body(p_ref, n_ref, t2_ref, c_ref):
        p = p_ref[...]
        ns = n_ref[:, 0:1]
        nd = n_ref[:, 1:2]
        ag = p[0] + p[1]
        t2_ref[...] = (ns * nd) * ag[:, :C]
        c_ref[...] = nd * ag[:, C:C + 1]

    return pl.pallas_call(
        body,
        grid=(G,),
        in_specs=[
            pl.BlockSpec((NC, B, WP), lambda i: (0, i, 0)),
            pl.BlockSpec((B, 2), lambda i: (i, 0)),
        ],
        out_specs=[
            pl.BlockSpec((B, C), lambda i: (i, 0)),
            pl.BlockSpec((B, 1), lambda i: (i, 0)),
        ],
        out_shape=[
            jax.ShapeDtypeStruct((N, C), jnp.float32),
            jax.ShapeDtypeStruct((N, 1), jnp.float32),
        ],
    )(p1, nrm)


def _tc3(p2, nrm, cvec, b1r, W2, b2r, B):
    _, N, C = p2.shape
    H = W2.shape[0]
    G = N // B

    def body(q_ref, n_ref, c_ref, b1_ref, w2_ref, b2_ref, out_ref):
        q = q_ref[...]
        nd = n_ref[:, 1:2]
        b1w2 = jnp.dot(b1_ref[...], w2_ref[...],
                       preferred_element_type=jnp.float32)
        logits = nd * (q[0] + q[1]) + c_ref[...] * b1w2 + b2_ref[...]
        m = jnp.max(logits, axis=1, keepdims=True)
        ex = jnp.exp(logits - m)
        lse = jnp.log(jnp.sum(ex, axis=1, keepdims=True)) + m
        out_ref[...] = logits - lse

    return pl.pallas_call(
        body,
        grid=(G,),
        in_specs=[
            pl.BlockSpec((NC, B, C), lambda i: (0, i, 0)),
            pl.BlockSpec((B, 2), lambda i: (i, 0)),
            pl.BlockSpec((B, 1), lambda i: (i, 0)),
            pl.BlockSpec((1, H), lambda i: (0, 0)),
            pl.BlockSpec((H, C), lambda i: (0, 0)),
            pl.BlockSpec((1, C), lambda i: (0, 0)),
        ],
        out_specs=pl.BlockSpec((B, C), lambda i: (i, 0)),
        out_shape=jax.ShapeDtypeStruct((N, C), jnp.float32),
    )(p2, nrm, cvec, b1r, W2, b2r)


def kernel(x, edge_index, W1, b1, W2, b2):
    N, F = x.shape
    C = W2.shape[1]
    E = edge_index.shape[1]
    per_w = E // NW
    assert per_w * NW == E and N % NS == 0

    CH = 125 if per_w % 125 == 0 else max(
        ch for ch in range(1, 129)
        if per_w % ch == 0 and (per_w // ch) % (2 * GR) == 0)
    NCH = per_w // CH

    WP = ((C + 1 + 15) // 16) * 16
    B = 2000 if N % 2000 == 0 else N

    src3 = edge_index[0].reshape(NW, NCH, CH)
    dst3 = edge_index[1].reshape(NW, NCH, CH)

    z = _tc1a(x, W1, W2, B)
    degp = _build_degree(N, NCH, CH)(src3, dst3)
    nrm = _tc_norms(degp)
    t1 = _tc1b(z, nrm, WP, B)
    p1 = _build_prop(N, WP, NCH, CH)(t1, src3, dst3)
    t2, cvec = _tc2(p1, nrm, C, B)
    p2 = _build_prop(N, C, NCH, CH)(t2, src3, dst3)
    return _tc3(p2, nrm, cvec, b1.reshape(1, -1), W2, b2.reshape(1, -1), B)

# --- scband reference (transcript-rebuilt; emitter-appended) ---
"""Pipeline reference for scband-sgc-63376537420316 (READ-ONLY COPY).

The authoritative reference and input builder live on the scoring server;
editing this copy changes nothing except your own understanding.
"""

import jax, jax.numpy as jnp
import numpy as np

N = 10000
E = 320000
F_IN = 128
HID = 128
N_CLS = 40


def setup_inputs(seed: int = 0) -> dict:
    key = jax.random.key(seed)
    k1, k2, k3, k4, k5, k6 = jax.random.split(key, 6)
    x = jax.random.normal(k1, (N, F_IN), dtype=jnp.float32)
    edge_index = jax.random.randint(k2, (2, E), 0, N, dtype=jnp.int32)
    W1 = jax.random.normal(k3, (F_IN, HID), dtype=jnp.float32) * (1.0 / np.sqrt(F_IN))
    b1 = jnp.zeros((HID,), dtype=jnp.float32)
    W2 = jax.random.normal(k4, (HID, N_CLS), dtype=jnp.float32) * (1.0 / np.sqrt(HID))
    b2 = jnp.zeros((N_CLS,), dtype=jnp.float32)
    return {"x": x, "edge_index": edge_index, "W1": W1, "b1": b1, "W2": W2, "b2": b2}


def _graph_conv(h, src, dst, norm_src, norm_dst, W, b, num_nodes):
    # DGL GraphConv with norm='both': D_dst^{-1/2} A D_src^{-1/2} X W + b
    h = h * norm_src[:, None]
    msg = jnp.take(h, src, axis=0)
    agg = jax.ops.segment_sum(msg, dst, num_segments=num_nodes)
    agg = agg * norm_dst[:, None]
    return agg @ W + b


def reference(x, edge_index, W1, b1, W2, b2):
    src = edge_index[0]
    dst = edge_index[1]
    num_nodes = x.shape[0]
    ones = jnp.ones((edge_index.shape[1],), dtype=jnp.float32)
    deg_out = jax.ops.segment_sum(ones, src, num_segments=num_nodes)
    deg_in = jax.ops.segment_sum(ones, dst, num_segments=num_nodes)
    norm_src = jax.lax.rsqrt(jnp.clip(deg_out, 1.0))
    norm_dst = jax.lax.rsqrt(jnp.clip(deg_in, 1.0))
    h = _graph_conv(x, src, dst, norm_src, norm_dst, W1, b1, num_nodes)
    h = _graph_conv(h, src, dst, norm_src, norm_dst, W2, b2, num_nodes)
    return jax.nn.log_softmax(h, axis=1)

if __name__ == "__main__":
    import jax
    _d = setup_inputs()
    print(jax.jit(kernel)(*tuple(_d.values())))

</pallas_src>

<mosaic_0001>
#map = affine_map<(d0, d1) -> (0, 0, 0)>
module attributes {stable_mosaic.version = 14 : i64} {
  func.func @deg_kernel(%arg0: i32, %arg1: i32, %arg2: memref<32x80x125xi32, #tpu.memory_space<hbm>>, %arg3: memref<32x80x125xi32, #tpu.memory_space<hbm>>, %arg4: memref<2x2x10000xf32, #tpu.memory_space<hbm>>, %arg5: memref<80x125xi32, #tpu.memory_space<vmem>>, %arg6: memref<80x125xi32, #tpu.memory_space<vmem>>, %arg7: memref<125xf32, #tpu.memory_space<vmem>>, %arg8: memref<640xf32, #tpu.memory_space<vmem>>, %arg9: memref<10000xf32, #tpu.memory_space<vmem_shared>>, %arg10: memref<10000xf32, #tpu.memory_space<vmem_shared>>, %arg11: memref<!tpu.dma_semaphore, #tpu.memory_space<semaphore_mem>>) attributes {dimension_semantics = [#tpu.dimension_semantics<core_parallel>, #tpu.dimension_semantics<subcore_parallel>], iteration_bounds = array<i64: 2, 16>, scalar_prefetch = 0 : i64, scratch_operands = 7 : i64, tpu.core_type = #tpu.core_type<sc_vector_subcore>, window_params = [{transform_indices = #map}, {transform_indices = #map}, {transform_indices = #map}]} {
    %mul3A = arith.constant 2 : i32
    %mul3A_0 = arith.muli %arg1, %mul3A : i32
    %add3A = arith.addi %mul3A_0, %arg0 : i32
    %broadcast_in_dim3A = arith.constant 1.000000e+00 : f32
    %broadcast_in_dim3A_1 = vector.broadcast %broadcast_in_dim3A : f32 to vector<16xf32>
    %broadcast_in_dim3A_2 = arith.constant 0.000000e+00 : f32
    %broadcast_in_dim3A_3 = vector.broadcast %broadcast_in_dim3A_2 : f32 to vector<16xf32>
    %swap3A = arith.constant 0 : index
    %swap3A_4 = tpu.vector_load %arg7[%swap3A] {strides = array<i32>} : memref<125xf32, #tpu.memory_space<vmem>>, vector<16xf32>,
    %swap3A_5 = vector.shape_cast %swap3A_4 : vector<16xf32> to vector<16xf32>
    %swap3A_6 = vector.shape_cast %broadcast_in_dim3A_1 : vector<16xf32> to vector<16xf32>
    tpu.vector_store %arg7[%swap3A], %swap3A_6 {strides = array<i32>} : memref<125xf32, #tpu.memory_space<vmem>>, vector<16xf32>,
    %swap3A_7 = arith.constant 16 : index
    %swap3A_8 = tpu.vector_load %arg7[%swap3A_7] {strides = array<i32>} : memref<125xf32, #tpu.memory_space<vmem>>, vector<16xf32>,
    %swap3A_9 = vector.shape_cast %swap3A_8 : vector<16xf32> to vector<16xf32>
    %swap3A_10 = vector.shape_cast %broadcast_in_dim3A_1 : vector<16xf32> to vector<16xf32>
    tpu.vector_store %arg7[%swap3A_7], %swap3A_10 {strides = array<i32>} : memref<125xf32, #tpu.memory_space<vmem>>, vector<16xf32>,
    %swap3A_11 = arith.constant 32 : index
    %swap3A_12 = tpu.vector_load %arg7[%swap3A_11] {strides = array<i32>} : memref<125xf32, #tpu.memory_space<vmem>>, vector<16xf32>,
    %swap3A_13 = vector.shape_cast %swap3A_12 : vector<16xf32> to vector<16xf32>
    %swap3A_14 = vector.shape_cast %broadcast_in_dim3A_1 : vector<16xf32> to vector<16xf32>
    tpu.vector_store %arg7[%swap3A_11], %swap3A_14 {strides = array<i32>} : memref<125xf32, #tpu.memory_space<vmem>>, vector<16xf32>,
    %swap3A_15 = arith.constant 48 : index
    %swap3A_16 = tpu.vector_load %arg7[%swap3A_15] {strides = array<i32>} : memref<125xf32, #tpu.memory_space<vmem>>, vector<16xf32>,
    %swap3A_17 = vector.shape_cast %swap3A_16 : vector<16xf32> to vector<16xf32>
    %swap3A_18 = vector.shape_cast %broadcast_in_dim3A_1 : vector<16xf32> to vector<16xf32>
    tpu.vector_store %arg7[%swap3A_15], %swap3A_18 {strides = array<i32>} : memref<125xf32, #tpu.memory_space<vmem>>, vector<16xf32>,
    %swap3A_19 = arith.constant 64 : index
    %swap3A_20 = tpu.vector_load %arg7[%swap3A_19] {strides = array<i32>} : memref<125xf32, #tpu.memory_space<vmem>>, vector<16xf32>,
    %swap3A_21 = vector.shape_cast %swap3A_20 : vector<16xf32> to vector<16xf32>
    %swap3A_22 = vector.shape_cast %broadcast_in_dim3A_1 : vector<16xf32> to vector<16xf32>
    tpu.vector_store %arg7[%swap3A_19], %swap3A_22 {strides = array<i32>} : memref<125xf32, #tpu.memory_space<vmem>>, vector<16xf32>,
    %swap3A_23 = arith.constant 80 : index
    %swap3A_24 = tpu.vector_load %arg7[%swap3A_23] {strides = array<i32>} : memref<125xf32, #tpu.memory_space<vmem>>, vector<16xf32>,
    %swap3A_25 = vector.shape_cast %swap3A_24 : vector<16xf32> to vector<16xf32>
    %swap3A_26 = vector.shape_cast %broadcast_in_dim3A_1 : vector<16xf32> to vector<16xf32>
    tpu.vector_store %arg7[%swap3A_23], %swap3A_26 {strides = array<i32>} : memref<125xf32, #tpu.memory_space<vmem>>, vector<16xf32>,
    %swap3A_27 = arith.constant 96 : index
    %swap3A_28 = tpu.vector_load %arg7[%swap3A_27] {strides = array<i32>} : memref<125xf32, #tpu.memory_space<vmem>>, vector<16xf32>,
    %swap3A_29 = vector.shape_cast %swap3A_28 : vector<16xf32> to vector<16xf32>
    %swap3A_30 = vector.shape_cast %broadcast_in_dim3A_1 : vector<16xf32> to vector<16xf32>
    tpu.vector_store %arg7[%swap3A_27], %swap3A_30 {strides = array<i32>} : memref<125xf32, #tpu.memory_space<vmem>>, vector<16xf32>,
    %swap3A_31 = arith.constant 109 : index
    %swap3A_32 = tpu.vector_load %arg7[%swap3A_31] {strides = array<i32>} : memref<125xf32, #tpu.memory_space<vmem>>, vector<16xf32>,
    %swap3A_33 = vector.shape_cast %swap3A_32 : vector<16xf32> to vector<16xf32>
    %swap3A_34 = vector.shape_cast %broadcast_in_dim3A_1 : vector<16xf32> to vector<16xf32>
    tpu.vector_store %arg7[%swap3A_31], %swap3A_34 {strides = array<i32>} : memref<125xf32, #tpu.memory_space<vmem>>, vector<16xf32>,
    %swap3A_35 = arith.constant 0 : index
    %swap3A_36 = tpu.vector_load %arg8[%swap3A_35] {strides = array<i32>} : memref<640xf32, #tpu.memory_space<vmem>>, vector<16xf32>,
    %swap3A_37 = vector.shape_cast %swap3A_36 : vector<16xf32> to vector<16xf32>
    %swap3A_38 = vector.shape_cast %broadcast_in_dim3A_3 : vector<16xf32> to vector<16xf32>
    tpu.vector_store %arg8[%swap3A_35], %swap3A_38 {strides = array<i32>} : memref<640xf32, #tpu.memory_space<vmem>>, vector<16xf32>,
    %swap3A_39 = arith.constant 16 : index
    %swap3A_40 = tpu.vector_load %arg8[%swap3A_39] {strides = array<i32>} : memref<640xf32, #tpu.memory_space<vmem>>, vector<16xf32>,
    %swap3A_41 = vector.shape_cast %swap3A_40 : vector<16xf32> to vector<16xf32>
    %swap3A_42 = vector.shape_cast %broadcast_in_dim3A_3 : vector<16xf32> to vector<16xf32>
    tpu.vector_store %arg8[%swap3A_39], %swap3A_42 {strides = array<i32>} : memref<640xf32, #tpu.memory_space<vmem>>, vector<16xf32>,
    %swap3A_43 = arith.constant 32 : index
    %swap3A_44 = tpu.vector_load %arg8[%swap3A_43] {strides = array<i32>} : memref<640xf32, #tpu.memory_space<vmem>>, vector<16xf32>,
    %swap3A_45 = vector.shape_cast %swap3A_44 : vector<16xf32> to vector<16xf32>
    %swap3A_46 = vector.shape_cast %broadcast_in_dim3A_3 : vector<16xf32> to vector<16xf32>
    tpu.vector_store %arg8[%swap3A_43], %swap3A_46 {strides = array<i32>} : memref<640xf32, #tpu.memory_space<vmem>>, vector<16xf32>,
    %swap3A_47 = arith.constant 48 : index
    %swap3A_48 = tpu.vector_load %arg8[%swap3A_47] {strides = array<i32>} : memref<640xf32, #tpu.memory_space<vmem>>, vector<16xf32>,
    %swap3A_49 = vector.shape_cast %swap3A_48 : vector<16xf32> to vector<16xf32>
    %swap3A_50 = vector.shape_cast %broadcast_in_dim3A_3 : vector<16xf32> to vector<16xf32>
    tpu.vector_store %arg8[%swap3A_47], %swap3A_50 {strides = array<i32>} : memref<640xf32, #tpu.memory_space<vmem>>, vector<16xf32>,
    %swap3A_51 = arith.constant 64 : index
    %swap3A_52 = tpu.vector_load %arg8[%swap3A_51] {strides = array<i32>} : memref<640xf32, #tpu.memory_space<vmem>>, vector<16xf32>,
    %swap3A_53 = vector.shape_cast %swap3A_52 : vector<16xf32> to vector<16xf32>
    %swap3A_54 = vector.shape_cast %broadcast_in_dim3A_3 : vector<16xf32> to vector<16xf32>
    tpu.vector_store %arg8[%swap3A_51], %swap3A_54 {strides = array<i32>} : memref<640xf32, #tpu.memory_space<vmem>>, vector<16xf32>,
    %swap3A_55 = arith.constant 80 : index
    %swap3A_56 = tpu.vector_load %arg8[%swap3A_55] {strides = array<i32>} : memref<640xf32, #tpu.memory_space<vmem>>, vector<16xf32>,
    %swap3A_57 = vector.shape_cast %swap3A_56 : vector<16xf32> to vector<16xf32>
    %swap3A_58 = vector.shape_cast %broadcast_in_dim3A_3 : vector<16xf32> to vector<16xf32>
    tpu.vector_store %arg8[%swap3A_55], %swap3A_58 {strides = array<i32>} : memref<640xf32, #tpu.memory_space<vmem>>, vector<16xf32>,
    %swap3A_59 = arith.constant 96 : index
    %swap3A_60 = tpu.vector_load %arg8[%swap3A_59] {strides = array<i32>} : memref<640xf32, #tpu.memory_space<vmem>>, vector<16xf32>,
    %swap3A_61 = vector.shape_cast %swap3A_60 : vector<16xf32> to vector<16xf32>
    %swap3A_62 = vector.shape_cast %broadcast_in_dim3A_3 : vector<16xf32> to vector<16xf32>
    tpu.vector_store %arg8[%swap3A_59], %swap3A_62 {strides = array<i32>} : memref<640xf32, #tpu.memory_space<vmem>>, vector<16xf32>,
    %swap3A_63 = arith.constant 112 : index
    %swap3A_64 = tpu.vector_load %arg8[%swap3A_63] {strides = array<i32>} : memref<640xf32, #tpu.memory_space<vmem>>, vector<16xf32>,
    %swap3A_65 = vector.shape_cast %swap3A_64 : vector<16xf32> to vector<16xf32>
    %swap3A_66 = vector.shape_cast %broadcast_in_dim3A_3 : vector<16xf32> to vector<16xf32>
    tpu.vector_store %arg8[%swap3A_63], %swap3A_66 {strides = array<i32>} : memref<640xf32, #tpu.memory_space<vmem>>, vector<16xf32>,
    %swap3A_67 = arith.constant 128 : index
    %swap3A_68 = tpu.vector_load %arg8[%swap3A_67] {strides = array<i32>} : memref<640xf32, #tpu.memory_space<vmem>>, vector<16xf32>,
    %swap3A_69 = vector.shape_cast %swap3A_68 : vector<16xf32> to vector<16xf32>
    %swap3A_70 = vector.shape_cast %broadcast_in_dim3A_3 : vector<16xf32> to vector<16xf32>
    tpu.vector_store %arg8[%swap3A_67], %swap3A_70 {strides = array<i32>} : memref<640xf32, #tpu.memory_space<vmem>>, vector<16xf32>,
    %swap3A_71 = arith.constant 144 : index
    %swap3A_72 = tpu.vector_load %arg8[%swap3A_71] {strides = array<i32>} : memref<640xf32, #tpu.memory_space<vmem>>, vector<16xf32>,
    %swap3A_73 = vector.shape_cast %swap3A_72 : vector<16xf32> to vector<16xf32>
    %swap3A_74 = vector.shape_cast %broadcast_in_dim3A_3 : vector<16xf32> to vector<16xf32>
    tpu.vector_store %arg8[%swap3A_71], %swap3A_74 {strides = array<i32>} : memref<640xf32, #tpu.memory_space<vmem>>, vector<16xf32>,
    %swap3A_75 = arith.constant 160 : index
    %swap3A_76 = tpu.vector_load %arg8[%swap3A_75] {strides = array<i32>} : memref<640xf32, #tpu.memory_space<vmem>>, vector<16xf32>,
    %swap3A_77 = vector.shape_cast %swap3A_76 : vector<16xf32> to vector<16xf32>
    %swap3A_78 = vector.shape_cast %broadcast_in_dim3A_3 : vector<16xf32> to vector<16xf32>
    tpu.vector_store %arg8[%swap3A_75], %swap3A_78 {strides = array<i32>} : memref<640xf32, #tpu.memory_space<vmem>>, vector<16xf32>,
    %swap3A_79 = arith.constant 176 : index
    %swap3A_80 = tpu.vector_load %arg8[%swap3A_79] {strides = array<i32>} : memref<640xf32, #tpu.memory_space<vmem>>, vector<16xf32>,
    %swap3A_81 = vector.shape_cast %swap3A_80 : vector<16xf32> to vector<16xf32>
    %swap3A_82 = vector.shape_cast %broadcast_in_dim3A_3 : vector<16xf32> to vector<16xf32>
    tpu.vector_store %arg8[%swap3A_79], %swap3A_82 {strides = array<i32>} : memref<640xf32, #tpu.memory_space<vmem>>, vector<16xf32>,
    %swap3A_83 = arith.constant 192 : index
    %swap3A_84 = tpu.vector_load %arg8[%swap3A_83] {strides = array<i32>} : memref<640xf32, #tpu.memory_space<vmem>>, vector<16xf32>,
    %swap3A_85 = vector.shape_cast %swap3A_84 : vector<16xf32> to vector<16xf32>
    %swap3A_86 = vector.shape_cast %broadcast_in_dim3A_3 : vector<16xf32> to vector<16xf32>
    tpu.vector_store %arg8[%swap3A_83], %swap3A_86 {strides = array<i32>} : memref<640xf32, #tpu.memory_space<vmem>>, vector<16xf32>,
    %swap3A_87 = arith.constant 208 : index
    %swap3A_88 = tpu.vector_load %arg8[%swap3A_87] {strides = array<i32>} : memref<640xf32, #tpu.memory_space<vmem>>, vector<16xf32>,
    %swap3A_89 = vector.shape_cast %swap3A_88 : vector<16xf32> to vector<16xf32>
    %swap3A_90 = vector.shape_cast %broadcast_in_dim3A_3 : vector<16xf32> to vector<16xf32>
    tpu.vector_store %arg8[%swap3A_87], %swap3A_90 {strides = array<i32>} : memref<640xf32, #tpu.memory_space<vmem>>, vector<16xf32>,
    %swap3A_91 = arith.constant 224 : index
    %swap3A_92 = tpu.vector_load %arg8[%swap3A_91] {strides = array<i32>} : memref<640xf32, #tpu.memory_space<vmem>>, vector<16xf32>,
    %swap3A_93 = vector.shape_cast %swap3A_92 : vector<16xf32> to vector<16xf32>
    %swap3A_94 = vector.shape_cast %broadcast_in_dim3A_3 : vector<16xf32> to vector<16xf32>
    tpu.vector_store %arg8[%swap3A_91], %swap3A_94 {strides = array<i32>} : memref<640xf32, #tpu.memory_space<vmem>>, vector<16xf32>,
    %swap3A_95 = arith.constant 240 : index
    %swap3A_96 = tpu.vector_load %arg8[%swap3A_95] {strides = array<i32>} : memref<640xf32, #tpu.memory_space<vmem>>, vector<16xf32>,
    %swap3A_97 = vector.shape_cast %swap3A_96 : vector<16xf32> to vector<16xf32>
    %swap3A_98 = vector.shape_cast %broadcast_in_dim3A_3 : vector<16xf32> to vector<16xf32>
    tpu.vector_store %arg8[%swap3A_95], %swap3A_98 {strides = array<i32>} : memref<640xf32, #tpu.memory_space<vmem>>, vector<16xf32>,
    %swap3A_99 = arith.constant 256 : index
    %swap3A_100 = tpu.vector_load %arg8[%swap3A_99] {strides = array<i32>} : memref<640xf32, #tpu.memory_space<vmem>>, vector<16xf32>,
    %swap3A_101 = vector.shape_cast %swap3A_100 : vector<16xf32> to vector<16xf32>
    %swap3A_102 = vector.shape_cast %broadcast_in_dim3A_3 : vector<16xf32> to vector<16xf32>
    tpu.vector_store %arg8[%swap3A_99], %swap3A_102 {strides = array<i32>} : memref<640xf32, #tpu.memory_space<vmem>>, vector<16xf32>,
    %swap3A_103 = arith.constant 272 : index
    %swap3A_104 = tpu.vector_load %arg8[%swap3A_103] {strides = array<i32>} : memref<640xf32, #tpu.memory_space<vmem>>, vector<16xf32>,
    %swap3A_105 = vector.shape_cast %swap3A_104 : vector<16xf32> to vector<16xf32>
    %swap3A_106 = vector.shape_cast %broadcast_in_dim3A_3 : vector<16xf32> to vector<16xf32>
    tpu.vector_store %arg8[%swap3A_103], %swap3A_106 {strides = array<i32>} : memref<640xf32, #tpu.memory_space<vmem>>, vector<16xf32>,
    %swap3A_107 = arith.constant 288 : index
    %swap3A_108 = tpu.vector_load %arg8[%swap3A_107] {strides = array<i32>} : memref<640xf32, #tpu.memory_space<vmem>>, vector<16xf32>,
    %swap3A_109 = vector.shape_cast %swap3A_108 : vector<16xf32> to vector<16xf32>
    %swap3A_110 = vector.shape_cast %broadcast_in_dim3A_3 : vector<16xf32> to vector<16xf32>
    tpu.vector_store %arg8[%swap3A_107], %swap3A_110 {strides = array<i32>} : memref<640xf32, #tpu.memory_space<vmem>>, vector<16xf32>,
    %swap3A_111 = arith.constant 304 : index
    %swap3A_112 = tpu.vector_load %arg8[%swap3A_111] {strides = array<i32>} : memref<640xf32, #tpu.memory_space<vmem>>, vector<16xf32>,
    %swap3A_113 = vector.shape_cast %swap3A_112 : vector<16xf32> to vector<16xf32>
    %swap3A_114 = vector.shape_cast %broadcast_in_dim3A_3 : vector<16xf32> to vector<16xf32>
    tpu.vector_store %arg8[%swap3A_111], %swap3A_114 {strides = array<i32>} : memref<640xf32, #tpu.memory_space<vmem>>, vector<16xf32>,
    %swap3A_115 = arith.constant 320 : index
    %swap3A_116 = tpu.vector_load %arg8[%swap3A_115] {strides = array<i32>} : memref<640xf32, #tpu.memory_space<vmem>>, vector<16xf32>,
    %swap3A_117 = vector.shape_cast %swap3A_116 : vector<16xf32> to vector<16xf32>
    %swap3A_118 = vector.shape_cast %broadcast_in_dim3A_3 : vector<16xf32> to vector<16xf32>
    tpu.vector_store %arg8[%swap3A_115], %swap3A_118 {strides = array<i32>} : memref<640xf32, #tpu.memory_space<vmem>>, vector<16xf32>,
    %swap3A_119 = arith.constant 336 : index
    %swap3A_120 = tpu.vector_load %arg8[%swap3A_119] {strides = array<i32>} : memref<640xf32, #tpu.memory_space<vmem>>, vector<16xf32>,
    %swap3A_121 = vector.shape_cast %swap3A_120 : vector<16xf32> to vector<16xf32>
    %swap3A_122 = vector.shape_cast %broadcast_in_dim3A_3 : vector<16xf32> to vector<16xf32>
    tpu.vector_store %arg8[%swap3A_119], %swap3A_122 {strides = array<i32>} : memref<640xf32, #tpu.memory_space<vmem>>, vector<16xf32>,
    %swap3A_123 = arith.constant 352 : index
    %swap3A_124 = tpu.vector_load %arg8[%swap3A_123] {strides = array<i32>} : memref<640xf32, #tpu.memory_space<vmem>>, vector<16xf32>,
    %swap3A_125 = vector.shape_cast %swap3A_124 : vector<16xf32> to vector<16xf32>
    %swap3A_126 = vector.shape_cast %broadcast_in_dim3A_3 : vector<16xf32> to vector<16xf32>
    tpu.vector_store %arg8[%swap3A_123], %swap3A_126 {strides = array<i32>} : memref<640xf32, #tpu.memory_space<vmem>>, vector<16xf32>,
    %swap3A_127 = arith.constant 368 : index
    %swap3A_128 = tpu.vector_load %arg8[%swap3A_127] {strides = array<i32>} : memref<640xf32, #tpu.memory_space<vmem>>, vector<16xf32>,
    %swap3A_129 = vector.shape_cast %swap3A_128 : vector<16xf32> to vector<16xf32>
    %swap3A_130 = vector.shape_cast %broadcast_in_dim3A_3 : vector<16xf32> to vector<16xf32>
    tpu.vector_store %arg8[%swap3A_127], %swap3A_130 {strides = array<i32>} : memref<640xf32, #tpu.memory_space<vmem>>, vector<16xf32>,
    %swap3A_131 = arith.constant 384 : index
    %swap3A_132 = tpu.vector_load %arg8[%swap3A_131] {strides = array<i32>} : memref<640xf32, #tpu.memory_space<vmem>>, vector<16xf32>,
    %swap3A_133 = vector.shape_cast %swap3A_132 : vector<16xf32> to vector<16xf32>
    %swap3A_134 = vector.shape_cast %broadcast_in_dim3A_3 : vector<16xf32> to vector<16xf32>
    tpu.vector_store %arg8[%swap3A_131], %swap3A_134 {strides = array<i32>} : memref<640xf32, #tpu.memory_space<vmem>>, vector<16xf32>,
    %swap3A_135 = arith.constant 400 : index
    %swap3A_136 = tpu.vector_load %arg8[%swap3A_135] {strides = array<i32>} : memref<640xf32, #tpu.memory_space<vmem>>, vector<16xf32>,
    %swap3A_137 = vector.shape_cast %swap3A_136 : vector<16xf32> to vector<16xf32>
    %swap3A_138 = vector.shape_cast %broadcast_in_dim3A_3 : vector<16xf32> to vector<16xf32>
    tpu.vector_store %arg8[%swap3A_135], %swap3A_138 {strides = array<i32>} : memref<640xf32, #tpu.memory_space<vmem>>, vector<16xf32>,
    %swap3A_139 = arith.constant 416 : index
    %swap3A_140 = tpu.vector_load %arg8[%swap3A_139] {strides = array<i32>} : memref<640xf32, #tpu.memory_space<vmem>>, vector<16xf32>,
    %swap3A_141 = vector.shape_cast %swap3A_140 : vector<16xf32> to vector<16xf32>
    %swap3A_142 = vector.shape_cast %broadcast_in_dim3A_3 : vector<16xf32> to vector<16xf32>
    tpu.vector_store %arg8[%swap3A_139], %swap3A_142 {strides = array<i32>} : memref<640xf32, #tpu.memory_space<vmem>>, vector<16xf32>,
    %swap3A_143 = arith.constant 432 : index
    %swap3A_144 = tpu.vector_load %arg8[%swap3A_143] {strides = array<i32>} : memref<640xf32, #tpu.memory_space<vmem>>, vector<16xf32>,
    %swap3A_145 = vector.shape_cast %swap3A_144 : vector<16xf32> to vector<16xf32>
    %swap3A_146 = vector.shape_cast %broadcast_in_dim3A_3 : vector<16xf32> to vector<16xf32>
    tpu.vector_store %arg8[%swap3A_143], %swap3A_146 {strides = array<i32>} : memref<640xf32, #tpu.memory_space<vmem>>, vector<16xf32>,
    %swap3A_147 = arith.constant 448 : index
    %swap3A_148 = tpu.vector_load %arg8[%swap3A_147] {strides = array<i32>} : memref<640xf32, #tpu.memory_space<vmem>>, vector<16xf32>,
    %swap3A_149 = vector.shape_cast %swap3A_148 : vector<16xf32> to vector<16xf32>
    %swap3A_150 = vector.shape_cast %broadcast_in_dim3A_3 : vector<16xf32> to vector<16xf32>
    tpu.vector_store %arg8[%swap3A_147], %swap3A_150 {strides = array<i32>} : memref<640xf32, #tpu.memory_space<vmem>>, vector<16xf32>,
    %swap3A_151 = arith.constant 464 : index
    %swap3A_152 = tpu.vector_load %arg8[%swap3A_151] {strides = array<i32>} : memref<640xf32, #tpu.memory_space<vmem>>, vector<16xf32>,
    %swap3A_153 = vector.shape_cast %swap3A_152 : vector<16xf32> to vector<16xf32>
    %swap3A_154 = vector.shape_cast %broadcast_in_dim3A_3 : vector<16xf32> to vector<16xf32>
    tpu.vector_store %arg8[%swap3A_151], %swap3A_154 {strides = array<i32>} : memref<640xf32, #tpu.memory_space<vmem>>, vector<16xf32>,
    %swap3A_155 = arith.constant 480 : index
    %swap3A_156 = tpu.vector_load %arg8[%swap3A_155] {strides = array<i32>} : memref<640xf32, #tpu.memory_space<vmem>>, vector<16xf32>,
    %swap3A_157 = vector.shape_cast %swap3A_156 : vector<16xf32> to vector<16xf32>
    %swap3A_158 = vector.shape_cast %broadcast_in_dim3A_3 : vector<16xf32> to vector<16xf32>
    tpu.vector_store %arg8[%swap3A_155], %swap3A_158 {strides = array<i32>} : memref<640xf32, #tpu.memory_space<vmem>>, vector<16xf32>,
    %swap3A_159 = arith.constant 496 : index
    %swap3A_160 = tpu.vector_load %arg8[%swap3A_159] {strides = array<i32>} : memref<640xf32, #tpu.memory_space<vmem>>, vector<16xf32>,
    %swap3A_161 = vector.shape_cast %swap3A_160 : vector<16xf32> to vector<16xf32>
    %swap3A_162 = vector.shape_cast %broadcast_in_dim3A_3 : vector<16xf32> to vector<16xf32>
    tpu.vector_store %arg8[%swap3A_159], %swap3A_162 {strides = array<i32>} : memref<640xf32, #tpu.memory_space<vmem>>, vector<16xf32>,
    %swap3A_163 = arith.constant 512 : index
    %swap3A_164 = tpu.vector_load %arg8[%swap3A_163] {strides = array<i32>} : memref<640xf32, #tpu.memory_space<vmem>>, vector<16xf32>,
    %swap3A_165 = vector.shape_cast %swap3A_164 : vector<16xf32> to vector<16xf32>
    %swap3A_166 = vector.shape_cast %broadcast_in_dim3A_3 : vector<16xf32> to vector<16xf32>
    tpu.vector_store %arg8[%swap3A_163], %swap3A_166 {strides = array<i32>} : memref<640xf32, #tpu.memory_space<vmem>>, vector<16xf32>,
    %swap3A_167 = arith.constant 528 : index
    %swap3A_168 = tpu.vector_load %arg8[%swap3A_167] {strides = array<i32>} : memref<640xf32, #tpu.memory_space<vmem>>, vector<16xf32>,
    %swap3A_169 = vector.shape_cast %swap3A_168 : vector<16xf32> to vector<16xf32>
    %swap3A_170 = vector.shape_cast %broadcast_in_dim3A_3 : vector<16xf32> to vector<16xf32>
    tpu.vector_store %arg8[%swap3A_167], %swap3A_170 {strides = array<i32>} : memref<640xf32, #tpu.memory_space<vmem>>, vector<16xf32>,
    %swap3A_171 = arith.constant 544 : index
    %swap3A_172 = tpu.vector_load %arg8[%swap3A_171] {strides = array<i32>} : memref<640xf32, #tpu.memory_space<vmem>>, vector<16xf32>,
    %swap3A_173 = vector.shape_cast %swap3A_172 : vector<16xf32> to vector<16xf32>
    %swap3A_174 = vector.shape_cast %broadcast_in_dim3A_3 : vector<16xf32> to vector<16xf32>
    tpu.vector_store %arg8[%swap3A_171], %swap3A_174 {strides = array<i32>} : memref<640xf32, #tpu.memory_space<vmem>>, vector<16xf32>,
    %swap3A_175 = arith.constant 560 : index
    %swap3A_176 = tpu.vector_load %arg8[%swap3A_175] {strides = array<i32>} : memref<640xf32, #tpu.memory_space<vmem>>, vector<16xf32>,
    %swap3A_177 = vector.shape_cast %swap3A_176 : vector<16xf32> to vector<16xf32>
    %swap3A_178 = vector.shape_cast %broadcast_in_dim3A_3 : vector<16xf32> to vector<16xf32>
    tpu.vector_store %arg8[%swap3A_175], %swap3A_178 {strides = array<i32>} : memref<640xf32, #tpu.memory_space<vmem>>, vector<16xf32>,
    %swap3A_179 = arith.constant 576 : index
    %swap3A_180 = tpu.vector_load %arg8[%swap3A_179] {strides = array<i32>} : memref<640xf32, #tpu.memory_space<vmem>>, vector<16xf32>,
    %swap3A_181 = vector.shape_cast %swap3A_180 : vector<16xf32> to vector<16xf32>
    %swap3A_182 = vector.shape_cast %broadcast_in_dim3A_3 : vector<16xf32> to vector<16xf32>
    tpu.vector_store %arg8[%swap3A_179], %swap3A_182 {strides = array<i32>} : memref<640xf32, #tpu.memory_space<vmem>>, vector<16xf32>,
    %swap3A_183 = arith.constant 592 : index
    %swap3A_184 = tpu.vector_load %arg8[%swap3A_183] {strides = array<i32>} : memref<640xf32, #tpu.memory_space<vmem>>, vector<16xf32>,
    %swap3A_185 = vector.shape_cast %swap3A_184 : vector<16xf32> to vector<16xf32>
    %swap3A_186 = vector.shape_cast %broadcast_in_dim3A_3 : vector<16xf32> to vector<16xf32>
    tpu.vector_store %arg8[%swap3A_183], %swap3A_186 {strides = array<i32>} : memref<640xf32, #tpu.memory_space<vmem>>, vector<16xf32>,
    %swap3A_187 = arith.constant 608 : index
    %swap3A_188 = tpu.vector_load %arg8[%swap3A_187] {strides = array<i32>} : memref<640xf32, #tpu.memory_space<vmem>>, vector<16xf32>,
    %swap3A_189 = vector.shape_cast %swap3A_188 : vector<16xf32> to vector<16xf32>
    %swap3A_190 = vector.shape_cast %broadcast_in_dim3A_3 : vector<16xf32> to vector<16xf32>
    tpu.vector_store %arg8[%swap3A_187], %swap3A_190 {strides = array<i32>} : memref<640xf32, #tpu.memory_space<vmem>>, vector<16xf32>,
    %swap3A_191 = arith.constant 624 : index
    %swap3A_192 = tpu.vector_load %arg8[%swap3A_191] {strides = array<i32>} : memref<640xf32, #tpu.memory_space<vmem>>, vector<16xf32>,
    %swap3A_193 = vector.shape_cast %swap3A_192 : vector<16xf32> to vector<16xf32>
    %swap3A_194 = vector.shape_cast %broadcast_in_dim3A_3 : vector<16xf32> to vector<16xf32>
    tpu.vector_store %arg8[%swap3A_191], %swap3A_194 {strides = array<i32>} : memref<640xf32, #tpu.memory_space<vmem>>, vector<16xf32>,
    %mul3A_195 = arith.constant 640 : i32
    %mul3A_196 = arith.muli %arg1, %mul3A_195 : i32
    %min3A = arith.constant 9360 : i32
    %min3A_197 = arith.minsi %mul3A_196, %min3A : i32
    "tpu.region"() ({
      %run_scoped3A_204 = tpu.sem_alloc : memref<!tpu.dma_semaphore, #tpu.memory_space<semaphore_mem>>
      %dma_start3A = tpu.memref_slice %arg9[%min3A_197] : memref<10000xf32, #tpu.memory_space<vmem_shared>> -> memref<640xf32, #tpu.memory_space<vmem_shared>>
      %dma_start3A_205 = tpu.memref_slice %arg9[%min3A_197] : memref<10000xf32, #tpu.memory_space<vmem_shared>> -> memref<640xf32, #tpu.memory_space<vmem_shared>>
      tpu.enqueue_dma source(%arg8 : memref<640xf32, #tpu.memory_space<vmem>>) target(%dma_start3A_205 : memref<640xf32, #tpu.memory_space<vmem_shared>>) target_semaphore(%run_scoped3A_204 : memref<!tpu.dma_semaphore, #tpu.memory_space<semaphore_mem>>)
      %dma_wait3A = tpu.memref_slice %arg9[%min3A_197] : memref<10000xf32, #tpu.memory_space<vmem_shared>> -> memref<640xf32, #tpu.memory_space<vmem_shared>>
      %dma_wait3A_206 = tpu.memref_slice %arg9[%min3A_197] : memref<10000xf32, #tpu.memory_space<vmem_shared>> -> memref<640xf32, #tpu.memory_space<vmem_shared>>
      tpu.wait_dma2 semaphore(%run_scoped3A_204 : memref<!tpu.dma_semaphore, #tpu.memory_space<semaphore_mem>>) src(%arg8 : memref<640xf32, #tpu.memory_space<vmem>>) dst(%dma_wait3A_206 : memref<640xf32, #tpu.memory_space<vmem_shared>>)
      tpu.yield
    }) : () -> ()
    "tpu.region"() ({
      %run_scoped3A_204 = tpu.sem_alloc : memref<!tpu.dma_semaphore, #tpu.memory_space<semaphore_mem>>
      %dma_start3A = tpu.memref_slice %arg10[%min3A_197] : memref<10000xf32, #tpu.memory_space<vmem_shared>> -> memref<640xf32, #tpu.memory_space<vmem_shared>>
      %dma_start3A_205 = tpu.memref_slice %arg10[%min3A_197] : memref<10000xf32, #tpu.memory_space<vmem_shared>> -> memref<640xf32, #tpu.memory_space<vmem_shared>>
      tpu.enqueue_dma source(%arg8 : memref<640xf32, #tpu.memory_space<vmem>>) target(%dma_start3A_205 : memref<640xf32, #tpu.memory_space<vmem_shared>>) target_semaphore(%run_scoped3A_204 : memref<!tpu.dma_semaphore, #tpu.memory_space<semaphore_mem>>)
      %dma_wait3A = tpu.memref_slice %arg10[%min3A_197] : memref<10000xf32, #tpu.memory_space<vmem_shared>> -> memref<640xf32, #tpu.memory_space<vmem_shared>>
      %dma_wait3A_206 = tpu.memref_slice %arg10[%min3A_197] : memref<10000xf32, #tpu.memory_space<vmem_shared>> -> memref<640xf32, #tpu.memory_space<vmem_shared>>
      tpu.wait_dma2 semaphore(%run_scoped3A_204 : memref<!tpu.dma_semaphore, #tpu.memory_space<semaphore_mem>>) src(%arg8 : memref<640xf32, #tpu.memory_space<vmem>>) dst(%dma_wait3A_206 : memref<640xf32, #tpu.memory_space<vmem_shared>>)
      tpu.yield
    }) : () -> ()
    "tpu.region"() ({
      %run_scoped3A_204 = tpu.sem_alloc : memref<!tpu.dma_semaphore, #tpu.memory_space<semaphore_mem>>
      %dma_start3A = arith.constant 0 : i32
      %dma_start3A_205 = arith.constant 0 : i32
      %dma_start3A_206 = tpu.memref_slice %arg2[%add3A, %dma_start3A, %dma_start3A_205] : memref<32x80x125xi32, #tpu.memory_space<hbm>> -> memref<1x80x125xi32, #tpu.memory_space<hbm>>
      %dma_start3A_207 = tpu.memref_squeeze %dma_start3A_206 : memref<1x80x125xi32, #tpu.memory_space<hbm>> -> memref<80x125xi32, #tpu.memory_space<hbm>>
      %dma_start3A_208 = arith.constant 0 : i32
      %dma_start3A_209 = arith.constant 0 : i32
      %dma_start3A_210 = tpu.memref_slice %arg2[%add3A, %dma_start3A_208, %dma_start3A_209] : memref<32x80x125xi32, #tpu.memory_space<hbm>> -> memref<1x80x125xi32, #tpu.memory_space<hbm>>
      %dma_start3A_211 = tpu.memref_squeeze %dma_start3A_210 : memref<1x80x125xi32, #tpu.memory_space<hbm>> -> memref<80x125xi32, #tpu.memory_space<hbm>>
      tpu.enqueue_dma source(%dma_start3A_211 : memref<80x125xi32, #tpu.memory_space<hbm>>) target(%arg5 : memref<80x125xi32, #tpu.memory_space<vmem>>) target_semaphore(%run_scoped3A_204 : memref<!tpu.dma_semaphore, #tpu.memory_space<semaphore_mem>>)
      %dma_wait3A = arith.constant 0 : i32
      %dma_wait3A_212 = arith.constant 0 : i32
      %dma_wait3A_213 = tpu.memref_slice %arg2[%add3A, %dma_wait3A, %dma_wait3A_212] : memref<32x80x125xi32, #tpu.memory_space<hbm>> -> memref<1x80x125xi32, #tpu.memory_space<hbm>>
      %dma_wait3A_214 = tpu.memref_squeeze %dma_wait3A_213 : memref<1x80x125xi32, #tpu.memory_space<hbm>> -> memref<80x125xi32, #tpu.memory_space<hbm>>
      %dma_wait3A_215 = arith.constant 0 : i32
      %dma_wait3A_216 = arith.constant 0 : i32
      %dma_wait3A_217 = tpu.memref_slice %arg2[%add3A, %dma_wait3A_215, %dma_wait3A_216] : memref<32x80x125xi32, #tpu.memory_space<hbm>> -> memref<1x80x125xi32, #tpu.memory_space<hbm>>
      %dma_wait3A_218 = tpu.memref_squeeze %dma_wait3A_217 : memref<1x80x125xi32, #tpu.memory_space<hbm>> -> memref<80x125xi32, #tpu.memory_space<hbm>>
      tpu.wait_dma2 semaphore(%run_scoped3A_204 : memref<!tpu.dma_semaphore, #tpu.memory_space<semaphore_mem>>) src(%dma_wait3A_218 : memref<80x125xi32, #tpu.memory_space<hbm>>) dst(%arg5 : memref<80x125xi32, #tpu.memory_space<vmem>>)
      tpu.yield
    }) : () -> ()
    "tpu.region"() ({
      %run_scoped3A_204 = tpu.sem_alloc : memref<!tpu.dma_semaphore, #tpu.memory_space<semaphore_mem>>
      %dma_start3A = arith.constant 0 : i32
      %dma_start3A_205 = arith.constant 0 : i32
      %dma_start3A_206 = tpu.memref_slice %arg3[%add3A, %dma_start3A, %dma_start3A_205] : memref<32x80x125xi32, #tpu.memory_space<hbm>> -> memref<1x80x125xi32, #tpu.memory_space<hbm>>
      %dma_start3A_207 = tpu.memref_squeeze %dma_start3A_206 : memref<1x80x125xi32, #tpu.memory_space<hbm>> -> memref<80x125xi32, #tpu.memory_space<hbm>>
      %dma_start3A_208 = arith.constant 0 : i32
      %dma_start3A_209 = arith.constant 0 : i32
      %dma_start3A_210 = tpu.memref_slice %arg3[%add3A, %dma_start3A_208, %dma_start3A_209] : memref<32x80x125xi32, #tpu.memory_space<hbm>> -> memref<1x80x125xi32, #tpu.memory_space<hbm>>
      %dma_start3A_211 = tpu.memref_squeeze %dma_start3A_210 : memref<1x80x125xi32, #tpu.memory_space<hbm>> -> memref<80x125xi32, #tpu.memory_space<hbm>>
      tpu.enqueue_dma source(%dma_start3A_211 : memref<80x125xi32, #tpu.memory_space<hbm>>) target(%arg6 : memref<80x125xi32, #tpu.memory_space<vmem>>) target_semaphore(%run_scoped3A_204 : memref<!tpu.dma_semaphore, #tpu.memory_space<semaphore_mem>>)
      %dma_wait3A = arith.constant 0 : i32
      %dma_wait3A_212 = arith.constant 0 : i32
      %dma_wait3A_213 = tpu.memref_slice %arg3[%add3A, %dma_wait3A, %dma_wait3A_212] : memref<32x80x125xi32, #tpu.memory_space<hbm>> -> memref<1x80x125xi32, #tpu.memory_space<hbm>>
      %dma_wait3A_214 = tpu.memref_squeeze %dma_wait3A_213 : memref<1x80x125xi32, #tpu.memory_space<hbm>> -> memref<80x125xi32, #tpu.memory_space<hbm>>
      %dma_wait3A_215 = arith.constant 0 : i32
      %dma_wait3A_216 = arith.constant 0 : i32
      %dma_wait3A_217 = tpu.memref_slice %arg3[%add3A, %dma_wait3A_215, %dma_wait3A_216] : memref<32x80x125xi32, #tpu.memory_space<hbm>> -> memref<1x80x125xi32, #tpu.memory_space<hbm>>
      %dma_wait3A_218 = tpu.memref_squeeze %dma_wait3A_217 : memref<1x80x125xi32, #tpu.memory_space<hbm>> -> memref<80x125xi32, #tpu.memory_space<hbm>>
      tpu.wait_dma2 semaphore(%run_scoped3A_204 : memref<!tpu.dma_semaphore, #tpu.memory_space<semaphore_mem>>) src(%dma_wait3A_218 : memref<80x125xi32, #tpu.memory_space<hbm>>) dst(%arg6 : memref<80x125xi32, #tpu.memory_space<vmem>>)
      tpu.yield
    }) : () -> ()
    %barrier3A = arith.constant 0 : index
    tpu.barrier barrier_id(%barrier3A)
    %scan3A = arith.constant 0 : i32
    %scan3A_198 = arith.constant 10 : i32
    %scan3A_199 = arith.addi %scan3A, %scan3A_198 : i32
    %scan3A_200 = arith.constant 1 : i32
    scf.for %scan3A_204 = %scan3A to %scan3A_199 step %scan3A_200  : i32 {
      %mul3A_205 = arith.constant 8 : i32
      %mul3A_206 = arith.muli %scan3A_204, %mul3A_205 : i32
      %add3A_207 = arith.constant 0 : i32
      %add3A_208 = arith.addi %mul3A_206, %add3A_207 : i32
      %dma_start3A = arith.constant 0 : i32
      %dma_start3A_209 = tpu.memref_slice %arg5[%add3A_208, %dma_start3A] : memref<80x125xi32, #tpu.memory_space<vmem>> -> memref<1x125xi32, #tpu.memory_space<vmem>>
      %dma_start3A_210 = tpu.memref_squeeze %dma_start3A_209 : memref<1x125xi32, #tpu.memory_space<vmem>> -> memref<125xi32, #tpu.memory_space<vmem>>
      %dma_start3A_211 = arith.constant 0 : i32
      %dma_start3A_212 = tpu.memref_slice %arg9[%dma_start3A_211] : memref<10000xf32, #tpu.memory_space<vmem_shared>> -> memref<10000xf32, #tpu.memory_space<vmem_shared>>
      tpu.enqueue_indirect_dma source(%arg7 : memref<125xf32, #tpu.memory_space<vmem>>) target(%dma_start3A_212 : memref<10000xf32, #tpu.memory_space<vmem_shared>>) offsets(%dma_start3A_210 : memref<125xi32, #tpu.memory_space<vmem>>) semaphore(%arg11 : memref<!tpu.dma_semaphore, #tpu.memory_space<semaphore_mem>>) {add = true}
      %add3A_213 = arith.constant 0 : i32
      %add3A_214 = arith.addi %mul3A_206, %add3A_213 : i32
      %dma_start3A_215 = arith.constant 0 : i32
      %dma_start3A_216 = tpu.memref_slice %arg6[%add3A_214, %dma_start3A_215] : memref<80x125xi32, #tpu.memory_space<vmem>> -> memref<1x125xi32, #tpu.memory_space<vmem>>
      %dma_start3A_217 = tpu.memref_squeeze %dma_start3A_216 : memref<1x125xi32, #tpu.memory_space<vmem>> -> memref<125xi32, #tpu.memory_space<vmem>>
      %dma_start3A_218 = arith.constant 0 : i32
      %dma_start3A_219 = tpu.memref_slice %arg10[%dma_start3A_218] : memref<10000xf32, #tpu.memory_space<vmem_shared>> -> memref<10000xf32, #tpu.memory_space<vmem_shared>>
      tpu.enqueue_indirect_dma source(%arg7 : memref<125xf32, #tpu.memory_space<vmem>>) target(%dma_start3A_219 : memref<10000xf32, #tpu.memory_space<vmem_shared>>) offsets(%dma_start3A_217 : memref<125xi32, #tpu.memory_space<vmem>>) semaphore(%arg11 : memref<!tpu.dma_semaphore, #tpu.memory_space<semaphore_mem>>) {add = true}
      %add3A_220 = arith.constant 1 : i32
      %add3A_221 = arith.addi %mul3A_206, %add3A_220 : i32
      %dma_start3A_222 = arith.constant 0 : i32
      %dma_start3A_223 = tpu.memref_slice %arg5[%add3A_221, %dma_start3A_222] : memref<80x125xi32, #tpu.memory_space<vmem>> -> memref<1x125xi32, #tpu.memory_space<vmem>>
      %dma_start3A_224 = tpu.memref_squeeze %dma_start3A_223 : memref<1x125xi32, #tpu.memory_space<vmem>> -> memref<125xi32, #tpu.memory_space<vmem>>
      %dma_start3A_225 = arith.constant 0 : i32
      %dma_start3A_226 = tpu.memref_slice %arg9[%dma_start3A_225] : memref<10000xf32, #tpu.memory_space<vmem_shared>> -> memref<10000xf32, #tpu.memory_space<vmem_shared>>
      tpu.enqueue_indirect_dma source(%arg7 : memref<125xf32, #tpu.memory_space<vmem>>) target(%dma_start3A_226 : memref<10000xf32, #tpu.memory_space<vmem_shared>>) offsets(%dma_start3A_224 : memref<125xi32, #tpu.memory_space<vmem>>) semaphore(%arg11 : memref<!tpu.dma_semaphore, #tpu.memory_space<semaphore_mem>>) {add = true}
      %add3A_227 = arith.constant 1 : i32
      %add3A_228 = arith.addi %mul3A_206, %add3A_227 : i32
      %dma_start3A_229 = arith.constant 0 : i32
      %dma_start3A_230 = tpu.memref_slice %arg6[%add3A_228, %dma_start3A_229] : memref<80x125xi32, #tpu.memory_space<vmem>> -> memref<1x125xi32, #tpu.memory_space<vmem>>
      %dma_start3A_231 = tpu.memref_squeeze %dma_start3A_230 : memref<1x125xi32, #tpu.memory_space<vmem>> -> memref<125xi32, #tpu.memory_space<vmem>>
      %dma_start3A_232 = arith.constant 0 : i32
      %dma_start3A_233 = tpu.memref_slice %arg10[%dma_start3A_232] : memref<10000xf32, #tpu.memory_space<vmem_shared>> -> memref<10000xf32, #tpu.memory_space<vmem_shared>>
      tpu.enqueue_indirect_dma source(%arg7 : memref<125xf32, #tpu.memory_space<vmem>>) target(%dma_start3A_233 : memref<10000xf32, #tpu.memory_space<vmem_shared>>) offsets(%dma_start3A_231 : memref<125xi32, #tpu.memory_space<vmem>>) semaphore(%arg11 : memref<!tpu.dma_semaphore, #tpu.memory_space<semaphore_mem>>) {add = true}
      %add3A_234 = arith.constant 2 : i32
      %add3A_235 = arith.addi %mul3A_206, %add3A_234 : i32
      %dma_start3A_236 = arith.constant 0 : i32
      %dma_start3A_237 = tpu.memref_slice %arg5[%add3A_235, %dma_start3A_236] : memref<80x125xi32, #tpu.memory_space<vmem>> -> memref<1x125xi32, #tpu.memory_space<vmem>>
      %dma_start3A_238 = tpu.memref_squeeze %dma_start3A_237 : memref<1x125xi32, #tpu.memory_space<vmem>> -> memref<125xi32, #tpu.memory_space<vmem>>
      %dma_start3A_239 = arith.constant 0 : i32
      %dma_start3A_240 = tpu.memref_slice %arg9[%dma_start3A_239] : memref<10000xf32, #tpu.memory_space<vmem_shared>> -> memref<10000xf32, #tpu.memory_space<vmem_shared>>
      tpu.enqueue_indirect_dma source(%arg7 : memref<125xf32, #tpu.memory_space<vmem>>) target(%dma_start3A_240 : memref<10000xf32, #tpu.memory_space<vmem_shared>>) offsets(%dma_start3A_238 : memref<125xi32, #tpu.memory_space<vmem>>) semaphore(%arg11 : memref<!tpu.dma_semaphore, #tpu.memory_space<semaphore_mem>>) {add = true}
      %add3A_241 = arith.constant 2 : i32
      %add3A_242 = arith.addi %mul3A_206, %add3A_241 : i32
      %dma_start3A_243 = arith.constant 0 : i32
      %dma_start3A_244 = tpu.memref_slice %arg6[%add3A_242, %dma_start3A_243] : memref<80x125xi32, #tpu.memory_space<vmem>> -> memref<1x125xi32, #tpu.memory_space<vmem>>
      %dma_start3A_245 = tpu.memref_squeeze %dma_start3A_244 : memref<1x125xi32, #tpu.memory_space<vmem>> -> memref<125xi32, #tpu.memory_space<vmem>>
      %dma_start3A_246 = arith.constant 0 : i32
      %dma_start3A_247 = tpu.memref_slice %arg10[%dma_start3A_246] : memref<10000xf32, #tpu.memory_space<vmem_shared>> -> memref<10000xf32, #tpu.memory_space<vmem_shared>>
      tpu.enqueue_indirect_dma source(%arg7 : memref<125xf32, #tpu.memory_space<vmem>>) target(%dma_start3A_247 : memref<10000xf32, #tpu.memory_space<vmem_shared>>) offsets(%dma_start3A_245 : memref<125xi32, #tpu.memory_space<vmem>>) semaphore(%arg11 : memref<!tpu.dma_semaphore, #tpu.memory_space<semaphore_mem>>) {add = true}
      %add3A_248 = arith.constant 3 : i32
      %add3A_249 = arith.addi %mul3A_206, %add3A_248 : i32
      %dma_start3A_250 = arith.constant 0 : i32
      %dma_start3A_251 = tpu.memref_slice %arg5[%add3A_249, %dma_start3A_250] : memref<80x125xi32, #tpu.memory_space<vmem>> -> memref<1x125xi32, #tpu.memory_space<vmem>>
      %dma_start3A_252 = tpu.memref_squeeze %dma_start3A_251 : memref<1x125xi32, #tpu.memory_space<vmem>> -> memref<125xi32, #tpu.memory_space<vmem>>
      %dma_start3A_253 = arith.constant 0 : i32
      %dma_start3A_254 = tpu.memref_slice %arg9[%dma_start3A_253] : memref<10000xf32, #tpu.memory_space<vmem_shared>> -> memref<10000xf32, #tpu.memory_space<vmem_shared>>
      tpu.enqueue_indirect_dma source(%arg7 : memref<125xf32, #tpu.memory_space<vmem>>) target(%dma_start3A_254 : memref<10000xf32, #tpu.memory_space<vmem_shared>>) offsets(%dma_start3A_252 : memref<125xi32, #tpu.memory_space<vmem>>) semaphore(%arg11 : memref<!tpu.dma_semaphore, #tpu.memory_space<semaphore_mem>>) {add = true}
      %add3A_255 = arith.constant 3 : i32
      %add3A_256 = arith.addi %mul3A_206, %add3A_255 : i32
      %dma_start3A_257 = arith.constant 0 : i32
      %dma_start3A_258 = tpu.memref_slice %arg6[%add3A_256, %dma_start3A_257] : memref<80x125xi32, #tpu.memory_space<vmem>> -> memref<1x125xi32, #tpu.memory_space<vmem>>
      %dma_start3A_259 = tpu.memref_squeeze %dma_start3A_258 : memref<1x125xi32, #tpu.memory_space<vmem>> -> memref<125xi32, #tpu.memory_space<vmem>>
      %dma_start3A_260 = arith.constant 0 : i32
      %dma_start3A_261 = tpu.memref_slice %arg10[%dma_start3A_260] : memref<10000xf32, #tpu.memory_space<vmem_shared>> -> memref<10000xf32, #tpu.memory_space<vmem_shared>>
      tpu.enqueue_indirect_dma source(%arg7 : memref<125xf32, #tpu.memory_space<vmem>>) target(%dma_start3A_261 : memref<10000xf32, #tpu.memory_space<vmem_shared>>) offsets(%dma_start3A_259 : memref<125xi32, #tpu.memory_space<vmem>>) semaphore(%arg11 : memref<!tpu.dma_semaphore, #tpu.memory_space<semaphore_mem>>) {add = true}
      %add3A_262 = arith.constant 4 : i32
      %add3A_263 = arith.addi %mul3A_206, %add3A_262 : i32
      %dma_start3A_264 = arith.constant 0 : i32
      %dma_start3A_265 = tpu.memref_slice %arg5[%add3A_263, %dma_start3A_264] : memref<80x125xi32, #tpu.memory_space<vmem>> -> memref<1x125xi32, #tpu.memory_space<vmem>>
      %dma_start3A_266 = tpu.memref_squeeze %dma_start3A_265 : memref<1x125xi32, #tpu.memory_space<vmem>> -> memref<125xi32, #tpu.memory_space<vmem>>
      %dma_start3A_267 = arith.constant 0 : i32
      %dma_start3A_268 = tpu.memref_slice %arg9[%dma_start3A_267] : memref<10000xf32, #tpu.memory_space<vmem_shared>> -> memref<10000xf32, #tpu.memory_space<vmem_shared>>
      tpu.enqueue_indirect_dma source(%arg7 : memref<125xf32, #tpu.memory_space<vmem>>) target(%dma_start3A_268 : memref<10000xf32, #tpu.memory_space<vmem_shared>>) offsets(%dma_start3A_266 : memref<125xi32, #tpu.memory_space<vmem>>) semaphore(%arg11 : memref<!tpu.dma_semaphore, #tpu.memory_space<semaphore_mem>>) {add = true}
      %add3A_269 = arith.constant 4 : i32
      %add3A_270 = arith.addi %mul3A_206, %add3A_269 : i32
      %dma_start3A_271 = arith.constant 0 : i32
      %dma_start3A_272 = tpu.memref_slice %arg6[%add3A_270, %dma_start3A_271] : memref<80x125xi32, #tpu.memory_space<vmem>> -> memref<1x125xi32, #tpu.memory_space<vmem>>
      %dma_start3A_273 = tpu.memref_squeeze %dma_start3A_272 : memref<1x125xi32, #tpu.memory_space<vmem>> -> memref<125xi32, #tpu.memory_space<vmem>>
      %dma_start3A_274 = arith.constant 0 : i32
      %dma_start3A_275 = tpu.memref_slice %arg10[%dma_start3A_274] : memref<10000xf32, #tpu.memory_space<vmem_shared>> -> memref<10000xf32, #tpu.memory_space<vmem_shared>>
      tpu.enqueue_indirect_dma source(%arg7 : memref<125xf32, #tpu.memory_space<vmem>>) target(%dma_start3A_275 : memref<10000xf32, #tpu.memory_space<vmem_shared>>) offsets(%dma_start3A_273 : memref<125xi32, #tpu.memory_space<vmem>>) semaphore(%arg11 : memref<!tpu.dma_semaphore, #tpu.memory_space<semaphore_mem>>) {add = true}
      %add3A_276 = arith.constant 5 : i32
      %add3A_277 = arith.addi %mul3A_206, %add3A_276 : i32
      %dma_start3A_278 = arith.constant 0 : i32
      %dma_start3A_279 = tpu.memref_slice %arg5[%add3A_277, %dma_start3A_278] : memref<80x125xi32, #tpu.memory_space<vmem>> -> memref<1x125xi32, #tpu.memory_space<vmem>>
      %dma_start3A_280 = tpu.memref_squeeze %dma_start3A_279 : memref<1x125xi32, #tpu.memory_space<vmem>> -> memref<125xi32, #tpu.memory_space<vmem>>
      %dma_start3A_281 = arith.constant 0 : i32
      %dma_start3A_282 = tpu.memref_slice %arg9[%dma_start3A_281] : memref<10000xf32, #tpu.memory_space<vmem_shared>> -> memref<10000xf32, #tpu.memory_space<vmem_shared>>
      tpu.enqueue_indirect_dma source(%arg7 : memref<125xf32, #tpu.memory_space<vmem>>) target(%dma_start3A_282 : memref<10000xf32, #tpu.memory_space<vmem_shared>>) offsets(%dma_start3A_280 : memref<125xi32, #tpu.memory_space<vmem>>) semaphore(%arg11 : memref<!tpu.dma_semaphore, #tpu.memory_space<semaphore_mem>>) {add = true}
      %add3A_283 = arith.constant 5 : i32
      %add3A_284 = arith.addi %mul3A_206, %add3A_283 : i32
      %dma_start3A_285 = arith.constant 0 : i32
      %dma_start3A_286 = tpu.memref_slice %arg6[%add3A_284, %dma_start3A_285] : memref<80x125xi32, #tpu.memory_space<vmem>> -> memref<1x125xi32, #tpu.memory_space<vmem>>
      %dma_start3A_287 = tpu.memref_squeeze %dma_start3A_286 : memref<1x125xi32, #tpu.memory_space<vmem>> -> memref<125xi32, #tpu.memory_space<vmem>>
      %dma_start3A_288 = arith.constant 0 : i32
      %dma_start3A_289 = tpu.memref_slice %arg10[%dma_start3A_288] : memref<10000xf32, #tpu.memory_space<vmem_shared>> -> memref<10000xf32, #tpu.memory_space<vmem_shared>>
      tpu.enqueue_indirect_dma source(%arg7 : memref<125xf32, #tpu.memory_space<vmem>>) target(%dma_start3A_289 : memref<10000xf32, #tpu.memory_space<vmem_shared>>) offsets(%dma_start3A_287 : memref<125xi32, #tpu.memory_space<vmem>>) semaphore(%arg11 : memref<!tpu.dma_semaphore, #tpu.memory_space<semaphore_mem>>) {add = true}
      %add3A_290 = arith.constant 6 : i32
      %add3A_291 = arith.addi %mul3A_206, %add3A_290 : i32
      %dma_start3A_292 = arith.constant 0 : i32
      %dma_start3A_293 = tpu.memref_slice %arg5[%add3A_291, %dma_start3A_292] : memref<80x125xi32, #tpu.memory_space<vmem>> -> memref<1x125xi32, #tpu.memory_space<vmem>>
      %dma_start3A_294 = tpu.memref_squeeze %dma_start3A_293 : memref<1x125xi32, #tpu.memory_space<vmem>> -> memref<125xi32, #tpu.memory_space<vmem>>
      %dma_start3A_295 = arith.constant 0 : i32
      %dma_start3A_296 = tpu.memref_slice %arg9[%dma_start3A_295] : memref<10000xf32, #tpu.memory_space<vmem_shared>> -> memref<10000xf32, #tpu.memory_space<vmem_shared>>
      tpu.enqueue_indirect_dma source(%arg7 : memref<125xf32, #tpu.memory_space<vmem>>) target(%dma_start3A_296 : memref<10000xf32, #tpu.memory_space<vmem_shared>>) offsets(%dma_start3A_294 : memref<125xi32, #tpu.memory_space<vmem>>) semaphore(%arg11 : memref<!tpu.dma_semaphore, #tpu.memory_space<semaphore_mem>>) {add = true}
      %add3A_297 = arith.constant 6 : i32
      %add3A_298 = arith.addi %mul3A_206, %add3A_297 : i32
      %dma_start3A_299 = arith.constant 0 : i32
      %dma_start3A_300 = tpu.memref_slice %arg6[%add3A_298, %dma_start3A_299] : memref<80x125xi32, #tpu.memory_space<vmem>> -> memref<1x125xi32, #tpu.memory_space<vmem>>
      %dma_start3A_301 = tpu.memref_squeeze %dma_start3A_300 : memref<1x125xi32, #tpu.memory_space<vmem>> -> memref<125xi32, #tpu.memory_space<vmem>>
      %dma_start3A_302 = arith.constant 0 : i32
      %dma_start3A_303 = tpu.memref_slice %arg10[%dma_start3A_302] : memref<10000xf32, #tpu.memory_space<vmem_shared>> -> memref<10000xf32, #tpu.memory_space<vmem_shared>>
      tpu.enqueue_indirect_dma source(%arg7 : memref<125xf32, #tpu.memory_space<vmem>>) target(%dma_start3A_303 : memref<10000xf32, #tpu.memory_space<vmem_shared>>) offsets(%dma_start3A_301 : memref<125xi32, #tpu.memory_space<vmem>>) semaphore(%arg11 : memref<!tpu.dma_semaphore, #tpu.memory_space<semaphore_mem>>) {add = true}
      %add3A_304 = arith.constant 7 : i32
      %add3A_305 = arith.addi %mul3A_206, %add3A_304 : i32
      %dma_start3A_306 = arith.constant 0 : i32
      %dma_start3A_307 = tpu.memref_slice %arg5[%add3A_305, %dma_start3A_306] : memref<80x125xi32, #tpu.memory_space<vmem>> -> memref<1x125xi32, #tpu.memory_space<vmem>>
      %dma_start3A_308 = tpu.memref_squeeze %dma_start3A_307 : memref<1x125xi32, #tpu.memory_space<vmem>> -> memref<125xi32, #tpu.memory_space<vmem>>
      %dma_start3A_309 = arith.constant 0 : i32
      %dma_start3A_310 = tpu.memref_slice %arg9[%dma_start3A_309] : memref<10000xf32, #tpu.memory_space<vmem_shared>> -> memref<10000xf32, #tpu.memory_space<vmem_shared>>
      tpu.enqueue_indirect_dma source(%arg7 : memref<125xf32, #tpu.memory_space<vmem>>) target(%dma_start3A_310 : memref<10000xf32, #tpu.memory_space<vmem_shared>>) offsets(%dma_start3A_308 : memref<125xi32, #tpu.memory_space<vmem>>) semaphore(%arg11 : memref<!tpu.dma_semaphore, #tpu.memory_space<semaphore_mem>>) {add = true}
      %add3A_311 = arith.constant 7 : i32
      %add3A_312 = arith.addi %mul3A_206, %add3A_311 : i32
      %dma_start3A_313 = arith.constant 0 : i32
      %dma_start3A_314 = tpu.memref_slice %arg6[%add3A_312, %dma_start3A_313] : memref<80x125xi32, #tpu.memory_space<vmem>> -> memref<1x125xi32, #tpu.memory_space<vmem>>
      %dma_start3A_315 = tpu.memref_squeeze %dma_start3A_314 : memref<1x125xi32, #tpu.memory_space<vmem>> -> memref<125xi32, #tpu.memory_space<vmem>>
      %dma_start3A_316 = arith.constant 0 : i32
      %dma_start3A_317 = tpu.memref_slice %arg10[%dma_start3A_316] : memref<10000xf32, #tpu.memory_space<vmem_shared>> -> memref<10000xf32, #tpu.memory_space<vmem_shared>>
      tpu.enqueue_indirect_dma source(%arg7 : memref<125xf32, #tpu.memory_space<vmem>>) target(%dma_start3A_317 : memref<10000xf32, #tpu.memory_space<vmem_shared>>) offsets(%dma_start3A_315 : memref<125xi32, #tpu.memory_space<vmem>>) semaphore(%arg11 : memref<!tpu.dma_semaphore, #tpu.memory_space<semaphore_mem>>) {add = true}
      %add3A_318 = arith.constant 0 : i32
      %add3A_319 = arith.addi %mul3A_206, %add3A_318 : i32
      %dma_wait3A = arith.constant 0 : i32
      %dma_wait3A_320 = tpu.memref_slice %arg5[%add3A_319, %dma_wait3A] : memref<80x125xi32, #tpu.memory_space<vmem>> -> memref<1x125xi32, #tpu.memory_space<vmem>>
      %dma_wait3A_321 = tpu.memref_squeeze %dma_wait3A_320 : memref<1x125xi32, #tpu.memory_space<vmem>> -> memref<125xi32, #tpu.memory_space<vmem>>
      %dma_wait3A_322 = arith.constant 0 : i32
      %dma_wait3A_323 = tpu.memref_slice %arg9[%dma_wait3A_322] : memref<10000xf32, #tpu.memory_space<vmem_shared>> -> memref<10000xf32, #tpu.memory_space<vmem_shared>>
      tpu.wait_indirect_dma semaphore(%arg11 : memref<!tpu.dma_semaphore, #tpu.memory_space<semaphore_mem>>) src(%arg7 : memref<125xf32, #tpu.memory_space<vmem>>) dst(%dma_wait3A_323 : memref<10000xf32, #tpu.memory_space<vmem_shared>>)
      %add3A_324 = arith.constant 0 : i32
      %add3A_325 = arith.addi %mul3A_206, %add3A_324 : i32
      %dma_wait3A_326 = arith.constant 0 : i32
      %dma_wait3A_327 = tpu.memref_slice %arg6[%add3A_325, %dma_wait3A_326] : memref<80x125xi32, #tpu.memory_space<vmem>> -> memref<1x125xi32, #tpu.memory_space<vmem>>
      %dma_wait3A_328 = tpu.memref_squeeze %dma_wait3A_327 : memref<1x125xi32, #tpu.memory_space<vmem>> -> memref<125xi32, #tpu.memory_space<vmem>>
      %dma_wait3A_329 = arith.constant 0 : i32
      %dma_wait3A_330 = tpu.memref_slice %arg10[%dma_wait3A_329] : memref<10000xf32, #tpu.memory_space<vmem_shared>> -> memref<10000xf32, #tpu.memory_space<vmem_shared>>
      tpu.wait_indirect_dma semaphore(%arg11 : memref<!tpu.dma_semaphore, #tpu.memory_space<semaphore_mem>>) src(%arg7 : memref<125xf32, #tpu.memory_space<vmem>>) dst(%dma_wait3A_330 : memref<10000xf32, #tpu.memory_space<vmem_shared>>)
      %add3A_331 = arith.constant 1 : i32
      %add3A_332 = arith.addi %mul3A_206, %add3A_331 : i32
      %dma_wait3A_333 = arith.constant 0 : i32
      %dma_wait3A_334 = tpu.memref_slice %arg5[%add3A_332, %dma_wait3A_333] : memref<80x125xi32, #tpu.memory_space<vmem>> -> memref<1x125xi32, #tpu.memory_space<vmem>>
      %dma_wait3A_335 = tpu.memref_squeeze %dma_wait3A_334 : memref<1x125xi32, #tpu.memory_space<vmem>> -> memref<125xi32, #tpu.memory_space<vmem>>
      %dma_wait3A_336 = arith.constant 0 : i32
      %dma_wait3A_337 = tpu.memref_slice %arg9[%dma_wait3A_336] : memref<10000xf32, #tpu.memory_space<vmem_shared>> -> memref<10000xf32, #tpu.memory_space<vmem_shared>>
      tpu.wait_indirect_dma semaphore(%arg11 : memref<!tpu.dma_semaphore, #tpu.memory_space<semaphore_mem>>) src(%arg7 : memref<125xf32, #tpu.memory_space<vmem>>) dst(%dma_wait3A_337 : memref<10000xf32, #tpu.memory_space<vmem_shared>>)
      %add3A_338 = arith.constant 1 : i32
      %add3A_339 = arith.addi %mul3A_206, %add3A_338 : i32
      %dma_wait3A_340 = arith.constant 0 : i32
      %dma_wait3A_341 = tpu.memref_slice %arg6[%add3A_339, %dma_wait3A_340] : memref<80x125xi32, #tpu.memory_space<vmem>> -> memref<1x125xi32, #tpu.memory_space<vmem>>
      %dma_wait3A_342 = tpu.memref_squeeze %dma_wait3A_341 : memref<1x125xi32, #tpu.memory_space<vmem>> -> memref<125xi32, #tpu.memory_space<vmem>>
      %dma_wait3A_343 = arith.constant 0 : i32
      %dma_wait3A_344 = tpu.memref_slice %arg10[%dma_wait3A_343] : memref<10000xf32, #tpu.memory_space<vmem_shared>> -> memref<10000xf32, #tpu.memory_space<vmem_shared>>
      tpu.wait_indirect_dma semaphore(%arg11 : memref<!tpu.dma_semaphore, #tpu.memory_space<semaphore_mem>>) src(%arg7 : memref<125xf32, #tpu.memory_space<vmem>>) dst(%dma_wait3A_344 : memref<10000xf32, #tpu.memory_space<vmem_shared>>)
      %add3A_345 = arith.constant 2 : i32
      %add3A_346 = arith.addi %mul3A_206, %add3A_345 : i32
      %dma_wait3A_347 = arith.constant 0 : i32
      %dma_wait3A_348 = tpu.memref_slice %arg5[%add3A_346, %dma_wait3A_347] : memref<80x125xi32, #tpu.memory_space<vmem>> -> memref<1x125xi32, #tpu.memory_space<vmem>>
      %dma_wait3A_349 = tpu.memref_squeeze %dma_wait3A_348 : memref<1x125xi32, #tpu.memory_space<vmem>> -> memref<125xi32, #tpu.memory_space<vmem>>
      %dma_wait3A_350 = arith.constant 0 : i32
      %dma_wait3A_351 = tpu.memref_slice %arg9[%dma_wait3A_350] : memref<10000xf32, #tpu.memory_space<vmem_shared>> -> memref<10000xf32, #tpu.memory_space<vmem_shared>>
      tpu.wait_indirect_dma semaphore(%arg11 : memref<!tpu.dma_semaphore, #tpu.memory_space<semaphore_mem>>) src(%arg7 : memref<125xf32, #tpu.memory_space<vmem>>) dst(%dma_wait3A_351 : memref<10000xf32, #tpu.memory_space<vmem_shared>>)
      %add3A_352 = arith.constant 2 : i32
      %add3A_353 = arith.addi %mul3A_206, %add3A_352 : i32
      %dma_wait3A_354 = arith.constant 0 : i32
      %dma_wait3A_355 = tpu.memref_slice %arg6[%add3A_353, %dma_wait3A_354] : memref<80x125xi32, #tpu.memory_space<vmem>> -> memref<1x125xi32, #tpu.memory_space<vmem>>
      %dma_wait3A_356 = tpu.memref_squeeze %dma_wait3A_355 : memref<1x125xi32, #tpu.memory_space<vmem>> -> memref<125xi32, #tpu.memory_space<vmem>>
      %dma_wait3A_357 = arith.constant 0 : i32
      %dma_wait3A_358 = tpu.memref_slice %arg10[%dma_wait3A_357] : memref<10000xf32, #tpu.memory_space<vmem_shared>> -> memref<10000xf32, #tpu.memory_space<vmem_shared>>
      tpu.wait_indirect_dma semaphore(%arg11 : memref<!tpu.dma_semaphore, #tpu.memory_space<semaphore_mem>>) src(%arg7 : memref<125xf32, #tpu.memory_space<vmem>>) dst(%dma_wait3A_358 : memref<10000xf32, #tpu.memory_space<vmem_shared>>)
      %add3A_359 = arith.constant 3 : i32
      %add3A_360 = arith.addi %mul3A_206, %add3A_359 : i32
      %dma_wait3A_361 = arith.constant 0 : i32
      %dma_wait3A_362 = tpu.memref_slice %arg5[%add3A_360, %dma_wait3A_361] : memref<80x125xi32, #tpu.memory_space<vmem>> -> memref<1x125xi32, #tpu.memory_space<vmem>>
      %dma_wait3A_363 = tpu.memref_squeeze %dma_wait3A_362 : memref<1x125xi32, #tpu.memory_space<vmem>> -> memref<125xi32, #tpu.memory_space<vmem>>
      %dma_wait3A_364 = arith.constant 0 : i32
      %dma_wait3A_365 = tpu.memref_slice %arg9[%dma_wait3A_364] : memref<10000xf32, #tpu.memory_space<vmem_shared>> -> memref<10000xf32, #tpu.memory_space<vmem_shared>>
      tpu.wait_indirect_dma semaphore(%arg11 : memref<!tpu.dma_semaphore, #tpu.memory_space<semaphore_mem>>) src(%arg7 : memref<125xf32, #tpu.memory_space<vmem>>) dst(%dma_wait3A_365 : memref<10000xf32, #tpu.memory_space<vmem_shared>>)
      %add3A_366 = arith.constant 3 : i32
      %add3A_367 = arith.addi %mul3A_206, %add3A_366 : i32
      %dma_wait3A_368 = arith.constant 0 : i32
      %dma_wait3A_369 = tpu.memref_slice %arg6[%add3A_367, %dma_wait3A_368] : memref<80x125xi32, #tpu.memory_space<vmem>> -> memref<1x125xi32, #tpu.memory_space<vmem>>
      %dma_wait3A_370 = tpu.memref_squeeze %dma_wait3A_369 : memref<1x125xi32, #tpu.memory_space<vmem>> -> memref<125xi32, #tpu.memory_space<vmem>>
      %dma_wait3A_371 = arith.constant 0 : i32
      %dma_wait3A_372 = tpu.memref_slice %arg10[%dma_wait3A_371] : memref<10000xf32, #tpu.memory_space<vmem_shared>> -> memref<10000xf32, #tpu.memory_space<vmem_shared>>
      tpu.wait_indirect_dma semaphore(%arg11 : memref<!tpu.dma_semaphore, #tpu.memory_space<semaphore_mem>>) src(%arg7 : memref<125xf32, #tpu.memory_space<vmem>>) dst(%dma_wait3A_372 : memref<10000xf32, #tpu.memory_space<vmem_shared>>)
      %add3A_373 = arith.constant 4 : i32
      %add3A_374 = arith.addi %mul3A_206, %add3A_373 : i32
      %dma_wait3A_375 = arith.constant 0 : i32
      %dma_wait3A_376 = tpu.memref_slice %arg5[%add3A_374, %dma_wait3A_375] : memref<80x125xi32, #tpu.memory_space<vmem>> -> memref<1x125xi32, #tpu.memory_space<vmem>>
      %dma_wait3A_377 = tpu.memref_squeeze %dma_wait3A_376 : memref<1x125xi32, #tpu.memory_space<vmem>> -> memref<125xi32, #tpu.memory_space<vmem>>
      %dma_wait3A_378 = arith.constant 0 : i32
      %dma_wait3A_379 = tpu.memref_slice %arg9[%dma_wait3A_378] : memref<10000xf32, #tpu.memory_space<vmem_shared>> -> memref<10000xf32, #tpu.memory_space<vmem_shared>>
      tpu.wait_indirect_dma semaphore(%arg11 : memref<!tpu.dma_semaphore, #tpu.memory_space<semaphore_mem>>) src(%arg7 : memref<125xf32, #tpu.memory_space<vmem>>) dst(%dma_wait3A_379 : memref<10000xf32, #tpu.memory_space<vmem_shared>>)
      %add3A_380 = arith.constant 4 : i32
      %add3A_381 = arith.addi %mul3A_206, %add3A_380 : i32
      %dma_wait3A_382 = arith.constant 0 : i32
      %dma_wait3A_383 = tpu.memref_slice %arg6[%add3A_381, %dma_wait3A_382] : memref<80x125xi32, #tpu.memory_space<vmem>> -> memref<1x125xi32, #tpu.memory_space<vmem>>
      %dma_wait3A_384 = tpu.memref_squeeze %dma_wait3A_383 : memref<1x125xi32, #tpu.memory_space<vmem>> -> memref<125xi32, #tpu.memory_space<vmem>>
      %dma_wait3A_385 = arith.constant 0 : i32
      %dma_wait3A_386 = tpu.memref_slice %arg10[%dma_wait3A_385] : memref<10000xf32, #tpu.memory_space<vmem_shared>> -> memref<10000xf32, #tpu.memory_space<vmem_shared>>
      tpu.wait_indirect_dma semaphore(%arg11 : memref<!tpu.dma_semaphore, #tpu.memory_space<semaphore_mem>>) src(%arg7 : memref<125xf32, #tpu.memory_space<vmem>>) dst(%dma_wait3A_386 : memref<10000xf32, #tpu.memory_space<vmem_shared>>)
      %add3A_387 = arith.constant 5 : i32
      %add3A_388 = arith.addi %mul3A_206, %add3A_387 : i32
      %dma_wait3A_389 = arith.constant 0 : i32
      %dma_wait3A_390 = tpu.memref_slice %arg5[%add3A_388, %dma_wait3A_389] : memref<80x125xi32, #tpu.memory_space<vmem>> -> memref<1x125xi32, #tpu.memory_space<vmem>>
      %dma_wait3A_391 = tpu.memref_squeeze %dma_wait3A_390 : memref<1x125xi32, #tpu.memory_space<vmem>> -> memref<125xi32, #tpu.memory_space<vmem>>
      %dma_wait3A_392 = arith.constant 0 : i32
      %dma_wait3A_393 = tpu.memref_slice %arg9[%dma_wait3A_392] : memref<10000xf32, #tpu.memory_space<vmem_shared>> -> memref<10000xf32, #tpu.memory_space<vmem_shared>>
      tpu.wait_indirect_dma semaphore(%arg11 : memref<!tpu.dma_semaphore, #tpu.memory_space<semaphore_mem>>) src(%arg7 : memref<125xf32, #tpu.memory_space<vmem>>) dst(%dma_wait3A_393 : memref<10000xf32, #tpu.memory_space<vmem_shared>>)
      %add3A_394 = arith.constant 5 : i32
      %add3A_395 = arith.addi %mul3A_206, %add3A_394 : i32
      %dma_wait3A_396 = arith.constant 0 : i32
      %dma_wait3A_397 = tpu.memref_slice %arg6[%add3A_395, %dma_wait3A_396] : memref<80x125xi32, #tpu.memory_space<vmem>> -> memref<1x125xi32, #tpu.memory_space<vmem>>
      %dma_wait3A_398 = tpu.memref_squeeze %dma_wait3A_397 : memref<1x125xi32, #tpu.memory_space<vmem>> -> memref<125xi32, #tpu.memory_space<vmem>>
      %dma_wait3A_399 = arith.constant 0 : i32
      %dma_wait3A_400 = tpu.memref_slice %arg10[%dma_wait3A_399] : memref<10000xf32, #tpu.memory_space<vmem_shared>> -> memref<10000xf32, #tpu.memory_space<vmem_shared>>
      tpu.wait_indirect_dma semaphore(%arg11 : memref<!tpu.dma_semaphore, #tpu.memory_space<semaphore_mem>>) src(%arg7 : memref<125xf32, #tpu.memory_space<vmem>>) dst(%dma_wait3A_400 : memref<10000xf32, #tpu.memory_space<vmem_shared>>)
      %add3A_401 = arith.constant 6 : i32
      %add3A_402 = arith.addi %mul3A_206, %add3A_401 : i32
      %dma_wait3A_403 = arith.constant 0 : i32
      %dma_wait3A_404 = tpu.memref_slice %arg5[%add3A_402, %dma_wait3A_403] : memref<80x125xi32, #tpu.memory_space<vmem>> -> memref<1x125xi32, #tpu.memory_space<vmem>>
      %dma_wait3A_405 = tpu.memref_squeeze %dma_wait3A_404 : memref<1x125xi32, #tpu.memory_space<vmem>> -> memref<125xi32, #tpu.memory_space<vmem>>
      %dma_wait3A_406 = arith.constant 0 : i32
      %dma_wait3A_407 = tpu.memref_slice %arg9[%dma_wait3A_406] : memref<10000xf32, #tpu.memory_space<vmem_shared>> -> memref<10000xf32, #tpu.memory_space<vmem_shared>>
      tpu.wait_indirect_dma semaphore(%arg11 : memref<!tpu.dma_semaphore, #tpu.memory_space<semaphore_mem>>) src(%arg7 : memref<125xf32, #tpu.memory_space<vmem>>) dst(%dma_wait3A_407 : memref<10000xf32, #tpu.memory_space<vmem_shared>>)
      %add3A_408 = arith.constant 6 : i32
      %add3A_409 = arith.addi %mul3A_206, %add3A_408 : i32
      %dma_wait3A_410 = arith.constant 0 : i32
      %dma_wait3A_411 = tpu.memref_slice %arg6[%add3A_409, %dma_wait3A_410] : memref<80x125xi32, #tpu.memory_space<vmem>> -> memref<1x125xi32, #tpu.memory_space<vmem>>
      %dma_wait3A_412 = tpu.memref_squeeze %dma_wait3A_411 : memref<1x125xi32, #tpu.memory_space<vmem>> -> memref<125xi32, #tpu.memory_space<vmem>>
      %dma_wait3A_413 = arith.constant 0 : i32
      %dma_wait3A_414 = tpu.memref_slice %arg10[%dma_wait3A_413] : memref<10000xf32, #tpu.memory_space<vmem_shared>> -> memref<10000xf32, #tpu.memory_space<vmem_shared>>
      tpu.wait_indirect_dma semaphore(%arg11 : memref<!tpu.dma_semaphore, #tpu.memory_space<semaphore_mem>>) src(%arg7 : memref<125xf32, #tpu.memory_space<vmem>>) dst(%dma_wait3A_414 : memref<10000xf32, #tpu.memory_space<vmem_shared>>)
      %add3A_415 = arith.constant 7 : i32
      %add3A_416 = arith.addi %mul3A_206, %add3A_415 : i32
      %dma_wait3A_417 = arith.constant 0 : i32
      %dma_wait3A_418 = tpu.memref_slice %arg5[%add3A_416, %dma_wait3A_417] : memref<80x125xi32, #tpu.memory_space<vmem>> -> memref<1x125xi32, #tpu.memory_space<vmem>>
      %dma_wait3A_419 = tpu.memref_squeeze %dma_wait3A_418 : memref<1x125xi32, #tpu.memory_space<vmem>> -> memref<125xi32, #tpu.memory_space<vmem>>
      %dma_wait3A_420 = arith.constant 0 : i32
      %dma_wait3A_421 = tpu.memref_slice %arg9[%dma_wait3A_420] : memref<10000xf32, #tpu.memory_space<vmem_shared>> -> memref<10000xf32, #tpu.memory_space<vmem_shared>>
      tpu.wait_indirect_dma semaphore(%arg11 : memref<!tpu.dma_semaphore, #tpu.memory_space<semaphore_mem>>) src(%arg7 : memref<125xf32, #tpu.memory_space<vmem>>) dst(%dma_wait3A_421 : memref<10000xf32, #tpu.memory_space<vmem_shared>>)
      %add3A_422 = arith.constant 7 : i32
      %add3A_423 = arith.addi %mul3A_206, %add3A_422 : i32
      %dma_wait3A_424 = arith.constant 0 : i32
      %dma_wait3A_425 = tpu.memref_slice %arg6[%add3A_423, %dma_wait3A_424] : memref<80x125xi32, #tpu.memory_space<vmem>> -> memref<1x125xi32, #tpu.memory_space<vmem>>
      %dma_wait3A_426 = tpu.memref_squeeze %dma_wait3A_425 : memref<1x125xi32, #tpu.memory_space<vmem>> -> memref<125xi32, #tpu.memory_space<vmem>>
      %dma_wait3A_427 = arith.constant 0 : i32
      %dma_wait3A_428 = tpu.memref_slice %arg10[%dma_wait3A_427] : memref<10000xf32, #tpu.memory_space<vmem_shared>> -> memref<10000xf32, #tpu.memory_space<vmem_shared>>
      tpu.wait_indirect_dma semaphore(%arg11 : memref<!tpu.dma_semaphore, #tpu.memory_space<semaphore_mem>>) src(%arg7 : memref<125xf32, #tpu.memory_space<vmem>>) dst(%dma_wait3A_428 : memref<10000xf32, #tpu.memory_space<vmem_shared>>)
    }
    %scan3A_201 = arith.constant 10 : i32
    %barrier3A_202 = arith.constant 0 : index
    tpu.barrier barrier_id(%barrier3A_202)
    %run_scoped3A = arith.constant 0 : i32
    "tpu.region"() ({
      %run_scoped3A_204 = tpu.sem_alloc : memref<!tpu.dma_semaphore, #tpu.memory_space<semaphore_mem>>
      %dma_start3A = tpu.memref_slice %arg4[%arg0, %run_scoped3A, %min3A_197] : memref<2x2x10000xf32, #tpu.memory_space<hbm>> -> memref<1x1x640xf32, #tpu.memory_space<hbm>>
      %dma_start3A_205 = tpu.memref_squeeze %dma_start3A : memref<1x1x640xf32, #tpu.memory_space<hbm>> -> memref<640xf32, #tpu.memory_space<hbm>>
      %dma_start3A_206 = tpu.memref_slice %arg9[%min3A_197] : memref<10000xf32, #tpu.memory_space<vmem_shared>> -> memref<640xf32, #tpu.memory_space<vmem_shared>>
      tpu.enqueue_dma source(%dma_start3A_206 : memref<640xf32, #tpu.memory_space<vmem_shared>>) target(%dma_start3A_205 : memref<640xf32, #tpu.memory_space<hbm>>) target_semaphore(%run_scoped3A_204 : memref<!tpu.dma_semaphore, #tpu.memory_space<semaphore_mem>>)
      %dma_wait3A = tpu.memref_slice %arg4[%arg0, %run_scoped3A, %min3A_197] : memref<2x2x10000xf32, #tpu.memory_space<hbm>> -> memref<1x1x640xf32, #tpu.memory_space<hbm>>
      %dma_wait3A_207 = tpu.memref_squeeze %dma_wait3A : memref<1x1x640xf32, #tpu.memory_space<hbm>> -> memref<640xf32, #tpu.memory_space<hbm>>
      %dma_wait3A_208 = tpu.memref_slice %arg9[%min3A_197] : memref<10000xf32, #tpu.memory_space<vmem_shared>> -> memref<640xf32, #tpu.memory_space<vmem_shared>>
      tpu.wait_dma2 semaphore(%run_scoped3A_204 : memref<!tpu.dma_semaphore, #tpu.memory_space<semaphore_mem>>) src(%dma_wait3A_208 : memref<640xf32, #tpu.memory_space<vmem_shared>>) dst(%dma_wait3A_207 : memref<640xf32, #tpu.memory_space<hbm>>)
      tpu.yield
    }) : () -> ()
    %run_scoped3A_203 = arith.constant 1 : i32
    "tpu.region"() ({
      %run_scoped3A_204 = tpu.sem_alloc : memref<!tpu.dma_semaphore, #tpu.memory_space<semaphore_mem>>
      %dma_start3A = tpu.memref_slice %arg4[%arg0, %run_scoped3A_203, %min3A_197] : memref<2x2x10000xf32, #tpu.memory_space<hbm>> -> memref<1x1x640xf32, #tpu.memory_space<hbm>>
      %dma_start3A_205 = tpu.memref_squeeze %dma_start3A : memref<1x1x640xf32, #tpu.memory_space<hbm>> -> memref<640xf32, #tpu.memory_space<hbm>>
      %dma_start3A_206 = tpu.memref_slice %arg10[%min3A_197] : memref<10000xf32, #tpu.memory_space<vmem_shared>> -> memref<640xf32, #tpu.memory_space<vmem_shared>>
      tpu.enqueue_dma source(%dma_start3A_206 : memref<640xf32, #tpu.memory_space<vmem_shared>>) target(%dma_start3A_205 : memref<640xf32, #tpu.memory_space<hbm>>) target_semaphore(%run_scoped3A_204 : memref<!tpu.dma_semaphore, #tpu.memory_space<semaphore_mem>>)
      %dma_wait3A = tpu.memref_slice %arg4[%arg0, %run_scoped3A_203, %min3A_197] : memref<2x2x10000xf32, #tpu.memory_space<hbm>> -> memref<1x1x640xf32, #tpu.memory_space<hbm>>
      %dma_wait3A_207 = tpu.memref_squeeze %dma_wait3A : memref<1x1x640xf32, #tpu.memory_space<hbm>> -> memref<640xf32, #tpu.memory_space<hbm>>
      %dma_wait3A_208 = tpu.memref_slice %arg10[%min3A_197] : memref<10000xf32, #tpu.memory_space<vmem_shared>> -> memref<640xf32, #tpu.memory_space<vmem_shared>>
      tpu.wait_dma2 semaphore(%run_scoped3A_204 : memref<!tpu.dma_semaphore, #tpu.memory_space<semaphore_mem>>) src(%dma_wait3A_208 : memref<640xf32, #tpu.memory_space<vmem_shared>>) dst(%dma_wait3A_207 : memref<640xf32, #tpu.memory_space<hbm>>)
      tpu.yield
    }) : () -> ()
    return
  }
}

#map = affine_map<(d0, d1) -> (0, 0)>
#map1 = affine_map<(d0, d1) -> (0, 0, 0)>
module attributes {stable_mosaic.version = 14 : i64} {
  func.func @prop_kernel(%arg0: i32, %arg1: i32, %arg2: memref<10000x48xf32, #tpu.memory_space<hbm>>, %arg3: memref<32x80x125xi32, #tpu.memory_space<hbm>>, %arg4: memref<32x80x125xi32, #tpu.memory_space<hbm>>, %arg5: memref<2x10000x48xf32, #tpu.memory_space<hbm>>, %arg6: memref<80x125xi32, #tpu.memory_space<vmem>>, %arg7: memref<80x125xi32, #tpu.memory_space<vmem>>, %arg8: memref<125x48xf32, #tpu.memory_space<vmem>>, %arg9: memref<125x48xf32, #tpu.memory_space<vmem>>, %arg10: memref<125x48xf32, #tpu.memory_space<vmem>>, %arg11: memref<125x48xf32, #tpu.memory_space<vmem>>, %arg12: memref<125x48xf32, #tpu.memory_space<vmem>>, %arg13: memref<125x48xf32, #tpu.memory_space<vmem>>, %arg14: memref<125x48xf32, #tpu.memory_space<vmem>>, %arg15: memref<125x48xf32, #tpu.memory_space<vmem>>, %arg16: memref<25x48xf32, #tpu.memory_space<vmem>>, %arg17: memref<10000x48xf32, #tpu.memory_space<vmem_shared>>, %arg18: memref<!tpu.dma_semaphore, #tpu.memory_space<semaphore_mem>>, %arg19: memref<!tpu.dma_semaphore, #tpu.memory_space<semaphore_mem>>, %arg20: memref<!tpu.dma_semaphore, #tpu.memory_space<semaphore_mem>>, %arg21: memref<!tpu.dma_semaphore, #tpu.memory_space<semaphore_mem>>) attributes {dimension_semantics = [#tpu.dimension_semantics<core_parallel>, #tpu.dimension_semantics<subcore_parallel>], iteration_bounds = array<i64: 2, 16>, scalar_prefetch = 0 : i64, scratch_operands = 16 : i64, tpu.core_type = #tpu.core_type<sc_vector_subcore>, window_params = [{transform_indices = #map}, {transform_indices = #map1}, {transform_indices = #map1}, {transform_indices = #map1}]} {
    %mul3A = arith.constant 2 : i32
    %mul3A_0 = arith.muli %arg1, %mul3A : i32
    %add3A = arith.addi %mul3A_0, %arg0 : i32
    %broadcast_in_dim3A = arith.constant 0.000000e+00 : f32
    %broadcast_in_dim3A_1 = vector.broadcast %broadcast_in_dim3A : f32 to vector<16xf32>
    %swap3A = arith.constant 0 : i32
    %swap3A_2 = arith.index_cast %swap3A : i32 to index
    %swap3A_3 = arith.constant 0 : index
    %swap3A_4 = tpu.vector_load %arg16[%swap3A_2, %swap3A_3] {strides = array<i32>} : memref<25x48xf32, #tpu.memory_space<vmem>>, vector<1x16xf32>,
    %swap3A_5 = vector.shape_cast %swap3A_4 : vector<1x16xf32> to vector<16xf32>
    %swap3A_6 = vector.shape_cast %broadcast_in_dim3A_1 : vector<16xf32> to vector<1x16xf32>
    tpu.vector_store %arg16[%swap3A_2, %swap3A_3], %swap3A_6 {strides = array<i32>} : memref<25x48xf32, #tpu.memory_space<vmem>>, vector<1x16xf32>,
    %swap3A_7 = arith.constant 0 : i32
    %swap3A_8 = arith.index_cast %swap3A_7 : i32 to index
    %swap3A_9 = arith.constant 16 : index
    %swap3A_10 = tpu.vector_load %arg16[%swap3A_8, %swap3A_9] {strides = array<i32>} : memref<25x48xf32, #tpu.memory_space<vmem>>, vector<1x16xf32>,
    %swap3A_11 = vector.shape_cast %swap3A_10 : vector<1x16xf32> to vector<16xf32>
    %swap3A_12 = vector.shape_cast %broadcast_in_dim3A_1 : vector<16xf32> to vector<1x16xf32>
    tpu.vector_store %arg16[%swap3A_8, %swap3A_9], %swap3A_12 {strides = array<i32>} : memref<25x48xf32, #tpu.memory_space<vmem>>, vector<1x16xf32>,
    %swap3A_13 = arith.constant 0 : i32
    %swap3A_14 = arith.index_cast %swap3A_13 : i32 to index
    %swap3A_15 = arith.constant 32 : index
    %swap3A_16 = tpu.vector_load %arg16[%swap3A_14, %swap3A_15] {strides = array<i32>} : memref<25x48xf32, #tpu.memory_space<vmem>>, vector<1x16xf32>,
    %swap3A_17 = vector.shape_cast %swap3A_16 : vector<1x16xf32> to vector<16xf32>
    %swap3A_18 = vector.shape_cast %broadcast_in_dim3A_1 : vector<16xf32> to vector<1x16xf32>
    tpu.vector_store %arg16[%swap3A_14, %swap3A_15], %swap3A_18 {strides = array<i32>} : memref<25x48xf32, #tpu.memory_space<vmem>>, vector<1x16xf32>,
    %swap3A_19 = arith.constant 1 : i32
    %swap3A_20 = arith.index_cast %swap3A_19 : i32 to index
    %swap3A_21 = arith.constant 0 : index
    %swap3A_22 = tpu.vector_load %arg16[%swap3A_20, %swap3A_21] {strides = array<i32>} : memref<25x48xf32, #tpu.memory_space<vmem>>, vector<1x16xf32>,
    %swap3A_23 = vector.shape_cast %swap3A_22 : vector<1x16xf32> to vector<16xf32>
    %swap3A_24 = vector.shape_cast %broadcast_in_dim3A_1 : vector<16xf32> to vector<1x16xf32>
    tpu.vector_store %arg16[%swap3A_20, %swap3A_21], %swap3A_24 {strides = array<i32>} : memref<25x48xf32, #tpu.memory_space<vmem>>, vector<1x16xf32>,
    %swap3A_25 = arith.constant 1 : i32
    %swap3A_26 = arith.index_cast %swap3A_25 : i32 to index
    %swap3A_27 = arith.constant 16 : index
    %swap3A_28 = tpu.vector_load %arg16[%swap3A_26, %swap3A_27] {strides = array<i32>} : memref<25x48xf32, #tpu.memory_space<vmem>>, vector<1x16xf32>,
    %swap3A_29 = vector.shape_cast %swap3A_28 : vector<1x16xf32> to vector<16xf32>
    %swap3A_30 = vector.shape_cast %broadcast_in_dim3A_1 : vector<16xf32> to vector<1x16xf32>
    tpu.vector_store %arg16[%swap3A_26, %swap3A_27], %swap3A_30 {strides = array<i32>} : memref<25x48xf32, #tpu.memory_space<vmem>>, vector<1x16xf32>,
    %swap3A_31 = arith.constant 1 : i32
    %swap3A_32 = arith.index_cast %swap3A_31 : i32 to index
    %swap3A_33 = arith.constant 32 : index
    %swap3A_34 = tpu.vector_load %arg16[%swap3A_32, %swap3A_33] {strides = array<i32>} : memref<25x48xf32, #tpu.memory_space<vmem>>, vector<1x16xf32>,
    %swap3A_35 = vector.shape_cast %swap3A_34 : vector<1x16xf32> to vector<16xf32>
    %swap3A_36 = vector.shape_cast %broadcast_in_dim3A_1 : vector<16xf32> to vector<1x16xf32>
    tpu.vector_store %arg16[%swap3A_32, %swap3A_33], %swap3A_36 {strides = array<i32>} : memref<25x48xf32, #tpu.memory_space<vmem>>, vector<1x16xf32>,
    %swap3A_37 = arith.constant 2 : i32
    %swap3A_38 = arith.index_cast %swap3A_37 : i32 to index
    %swap3A_39 = arith.constant 0 : index
    %swap3A_40 = tpu.vector_load %arg16[%swap3A_38, %swap3A_39] {strides = array<i32>} : memref<25x48xf32, #tpu.memory_space<vmem>>, vector<1x16xf32>,
    %swap3A_41 = vector.shape_cast %swap3A_40 : vector<1x16xf32> to vector<16xf32>
    %swap3A_42 = vector.shape_cast %broadcast_in_dim3A_1 : vector<16xf32> to vector<1x16xf32>
    tpu.vector_store %arg16[%swap3A_38, %swap3A_39], %swap3A_42 {strides = array<i32>} : memref<25x48xf32, #tpu.memory_space<vmem>>, vector<1x16xf32>,
    %swap3A_43 = arith.constant 2 : i32
    %swap3A_44 = arith.index_cast %swap3A_43 : i32 to index
    %swap3A_45 = arith.constant 16 : index
    %swap3A_46 = tpu.vector_load %arg16[%swap3A_44, %swap3A_45] {strides = array<i32>} : memref<25x48xf32, #tpu.memory_space<vmem>>, vector<1x16xf32>,
    %swap3A_47 = vector.shape_cast %swap3A_46 : vector<1x16xf32> to vector<16xf32>
    %swap3A_48 = vector.shape_cast %broadcast_in_dim3A_1 : vector<16xf32> to vector<1x16xf32>
    tpu.vector_store %arg16[%swap3A_44, %swap3A_45], %swap3A_48 {strides = array<i32>} : memref<25x48xf32, #tpu.memory_space<vmem>>, vector<1x16xf32>,
    %swap3A_49 = arith.constant 2 : i32
    %swap3A_50 = arith.index_cast %swap3A_49 : i32 to index
    %swap3A_51 = arith.constant 32 : index
    %swap3A_52 = tpu.vector_load %arg16[%swap3A_50, %swap3A_51] {strides = array<i32>} : memref<25x48xf32, #tpu.memory_space<vmem>>, vector<1x16xf32>,
    %swap3A_53 = vector.shape_cast %swap3A_52 : vector<1x16xf32> to vector<16xf32>
    %swap3A_54 = vector.shape_cast %broadcast_in_dim3A_1 : vector<16xf32> to vector<1x16xf32>
    tpu.vector_store %arg16[%swap3A_50, %swap3A_51], %swap3A_54 {strides = array<i32>} : memref<25x48xf32, #tpu.memory_space<vmem>>, vector<1x16xf32>,
    %swap3A_55 = arith.constant 3 : i32
    %swap3A_56 = arith.index_cast %swap3A_55 : i32 to index
    %swap3A_57 = arith.constant 0 : index
    %swap3A_58 = tpu.vector_load %arg16[%swap3A_56, %swap3A_57] {strides = array<i32>} : memref<25x48xf32, #tpu.memory_space<vmem>>, vector<1x16xf32>,
    %swap3A_59 = vector.shape_cast %swap3A_58 : vector<1x16xf32> to vector<16xf32>
    %swap3A_60 = vector.shape_cast %broadcast_in_dim3A_1 : vector<16xf32> to vector<1x16xf32>
    tpu.vector_store %arg16[%swap3A_56, %swap3A_57], %swap3A_60 {strides = array<i32>} : memref<25x48xf32, #tpu.memory_space<vmem>>, vector<1x16xf32>,
    %swap3A_61 = arith.constant 3 : i32
    %swap3A_62 = arith.index_cast %swap3A_61 : i32 to index
    %swap3A_63 = arith.constant 16 : index
    %swap3A_64 = tpu.vector_load %arg16[%swap3A_62, %swap3A_63] {strides = array<i32>} : memref<25x48xf32, #tpu.memory_space<vmem>>, vector<1x16xf32>,
    %swap3A_65 = vector.shape_cast %swap3A_64 : vector<1x16xf32> to vector<16xf32>
    %swap3A_66 = vector.shape_cast %broadcast_in_dim3A_1 : vector<16xf32> to vector<1x16xf32>
    tpu.vector_store %arg16[%swap3A_62, %swap3A_63], %swap3A_66 {strides = array<i32>} : memref<25x48xf32, #tpu.memory_space<vmem>>, vector<1x16xf32>,
    %swap3A_67 = arith.constant 3 : i32
    %swap3A_68 = arith.index_cast %swap3A_67 : i32 to index
    %swap3A_69 = arith.constant 32 : index
    %swap3A_70 = tpu.vector_load %arg16[%swap3A_68, %swap3A_69] {strides = array<i32>} : memref<25x48xf32, #tpu.memory_space<vmem>>, vector<1x16xf32>,
    %swap3A_71 = vector.shape_cast %swap3A_70 : vector<1x16xf32> to vector<16xf32>
    %swap3A_72 = vector.shape_cast %broadcast_in_dim3A_1 : vector<16xf32> to vector<1x16xf32>
    tpu.vector_store %arg16[%swap3A_68, %swap3A_69], %swap3A_72 {strides = array<i32>} : memref<25x48xf32, #tpu.memory_space<vmem>>, vector<1x16xf32>,
    %swap3A_73 = arith.constant 4 : i32
    %swap3A_74 = arith.index_cast %swap3A_73 : i32 to index
    %swap3A_75 = arith.constant 0 : index
    %swap3A_76 = tpu.vector_load %arg16[%swap3A_74, %swap3A_75] {strides = array<i32>} : memref<25x48xf32, #tpu.memory_space<vmem>>, vector<1x16xf32>,
    %swap3A_77 = vector.shape_cast %swap3A_76 : vector<1x16xf32> to vector<16xf32>
    %swap3A_78 = vector.shape_cast %broadcast_in_dim3A_1 : vector<16xf32> to vector<1x16xf32>
    tpu.vector_store %arg16[%swap3A_74, %swap3A_75], %swap3A_78 {strides = array<i32>} : memref<25x48xf32, #tpu.memory_space<vmem>>, vector<1x16xf32>,
    %swap3A_79 = arith.constant 4 : i32
    %swap3A_80 = arith.index_cast %swap3A_79 : i32 to index
    %swap3A_81 = arith.constant 16 : index
    %swap3A_82 = tpu.vector_load %arg16[%swap3A_80, %swap3A_81] {strides = array<i32>} : memref<25x48xf32, #tpu.memory_space<vmem>>, vector<1x16xf32>,
    %swap3A_83 = vector.shape_cast %swap3A_82 : vector<1x16xf32> to vector<16xf32>
    %swap3A_84 = vector.shape_cast %broadcast_in_dim3A_1 : vector<16xf32> to vector<1x16xf32>
    tpu.vector_store %arg16[%swap3A_80, %swap3A_81], %swap3A_84 {strides = array<i32>} : memref<25x48xf32, #tpu.memory_space<vmem>>, vector<1x16xf32>,
    %swap3A_85 = arith.constant 4 : i32
    %swap3A_86 = arith.index_cast %swap3A_85 : i32 to index
    %swap3A_87 = arith.constant 32 : index
    %swap3A_88 = tpu.vector_load %arg16[%swap3A_86, %swap3A_87] {strides = array<i32>} : memref<25x48xf32, #tpu.memory_space<vmem>>, vector<1x16xf32>,
    %swap3A_89 = vector.shape_cast %swap3A_88 : vector<1x16xf32> to vector<16xf32>
    %swap3A_90 = vector.shape_cast %broadcast_in_dim3A_1 : vector<16xf32> to vector<1x16xf32>
    tpu.vector_store %arg16[%swap3A_86, %swap3A_87], %swap3A_90 {strides = array<i32>} : memref<25x48xf32, #tpu.memory_space<vmem>>, vector<1x16xf32>,
    %swap3A_91 = arith.constant 5 : i32
    %swap3A_92 = arith.index_cast %swap3A_91 : i32 to index
    %swap3A_93 = arith.constant 0 : index
    %swap3A_94 = tpu.vector_load %arg16[%swap3A_92, %swap3A_93] {strides = array<i32>} : memref<25x48xf32, #tpu.memory_space<vmem>>, vector<1x16xf32>,
    %swap3A_95 = vector.shape_cast %swap3A_94 : vector<1x16xf32> to vector<16xf32>
    %swap3A_96 = vector.shape_cast %broadcast_in_dim3A_1 : vector<16xf32> to vector<1x16xf32>
    tpu.vector_store %arg16[%swap3A_92, %swap3A_93], %swap3A_96 {strides = array<i32>} : memref<25x48xf32, #tpu.memory_space<vmem>>, vector<1x16xf32>,
    %swap3A_97 = arith.constant 5 : i32
    %swap3A_98 = arith.index_cast %swap3A_97 : i32 to index
    %swap3A_99 = arith.constant 16 : index
    %swap3A_100 = tpu.vector_load %arg16[%swap3A_98, %swap3A_99] {strides = array<i32>} : memref<25x48xf32, #tpu.memory_space<vmem>>, vector<1x16xf32>,
    %swap3A_101 = vector.shape_cast %swap3A_100 : vector<1x16xf32> to vector<16xf32>
    %swap3A_102 = vector.shape_cast %broadcast_in_dim3A_1 : vector<16xf32> to vector<1x16xf32>
    tpu.vector_store %arg16[%swap3A_98, %swap3A_99], %swap3A_102 {strides = array<i32>} : memref<25x48xf32, #tpu.memory_space<vmem>>, vector<1x16xf32>,
    %swap3A_103 = arith.constant 5 : i32
    %swap3A_104 = arith.index_cast %swap3A_103 : i32 to index
    %swap3A_105 = arith.constant 32 : index
    %swap3A_106 = tpu.vector_load %arg16[%swap3A_104, %swap3A_105] {strides = array<i32>} : memref<25x48xf32, #tpu.memory_space<vmem>>, vector<1x16xf32>,
    %swap3A_107 = vector.shape_cast %swap3A_106 : vector<1x16xf32> to vector<16xf32>
    %swap3A_108 = vector.shape_cast %broadcast_in_dim3A_1 : vector<16xf32> to vector<1x16xf32>
    tpu.vector_store %arg16[%swap3A_104, %swap3A_105], %swap3A_108 {strides = array<i32>} : memref<25x48xf32, #tpu.memory_space<vmem>>, vector<1x16xf32>,
    %swap3A_109 = arith.constant 6 : i32
    %swap3A_110 = arith.index_cast %swap3A_109 : i32 to index
    %swap3A_111 = arith.constant 0 : index
    %swap3A_112 = tpu.vector_load %arg16[%swap3A_110, %swap3A_111] {strides = array<i32>} : memref<25x48xf32, #tpu.memory_space<vmem>>, vector<1x16xf32>,
    %swap3A_113 = vector.shape_cast %swap3A_112 : vector<1x16xf32> to vector<16xf32>
    %swap3A_114 = vector.shape_cast %broadcast_in_dim3A_1 : vector<16xf32> to vector<1x16xf32>
    tpu.vector_store %arg16[%swap3A_110, %swap3A_111], %swap3A_114 {strides = array<i32>} : memref<25x48xf32, #tpu.memory_space<vmem>>, vector<1x16xf32>,
    %swap3A_115 = arith.constant 6 : i32
    %swap3A_116 = arith.index_cast %swap3A_115 : i32 to index
    %swap3A_117 = arith.constant 16 : index
    %swap3A_118 = tpu.vector_load %arg16[%swap3A_116, %swap3A_117] {strides = array<i32>} : memref<25x48xf32, #tpu.memory_space<vmem>>, vector<1x16xf32>,
    %swap3A_119 = vector.shape_cast %swap3A_118 : vector<1x16xf32> to vector<16xf32>
    %swap3A_120 = vector.shape_cast %broadcast_in_dim3A_1 : vector<16xf32> to vector<1x16xf32>
    tpu.vector_store %arg16[%swap3A_116, %swap3A_117], %swap3A_120 {strides = array<i32>} : memref<25x48xf32, #tpu.memory_space<vmem>>, vector<1x16xf32>,
    %swap3A_121 = arith.constant 6 : i32
    %swap3A_122 = arith.index_cast %swap3A_121 : i32 to index
    %swap3A_123 = arith.constant 32 : index
    %swap3A_124 = tpu.vector_load %arg16[%swap3A_122, %swap3A_123] {strides = array<i32>} : memref<25x48xf32, #tpu.memory_space<vmem>>, vector<1x16xf32>,
    %swap3A_125 = vector.shape_cast %swap3A_124 : vector<1x16xf32> to vector<16xf32>
    %swap3A_126 = vector.shape_cast %broadcast_in_dim3A_1 : vector<16xf32> to vector<1x16xf32>
    tpu.vector_store %arg16[%swap3A_122, %swap3A_123], %swap3A_126 {strides = array<i32>} : memref<25x48xf32, #tpu.memory_space<vmem>>, vector<1x16xf32>,
    %swap3A_127 = arith.constant 7 : i32
    %swap3A_128 = arith.index_cast %swap3A_127 : i32 to index
    %swap3A_129 = arith.constant 0 : index
    %swap3A_130 = tpu.vector_load %arg16[%swap3A_128, %swap3A_129] {strides = array<i32>} : memref<25x48xf32, #tpu.memory_space<vmem>>, vector<1x16xf32>,
    %swap3A_131 = vector.shape_cast %swap3A_130 : vector<1x16xf32> to vector<16xf32>
    %swap3A_132 = vector.shape_cast %broadcast_in_dim3A_1 : vector<16xf32> to vector<1x16xf32>
    tpu.vector_store %arg16[%swap3A_128, %swap3A_129], %swap3A_132 {strides = array<i32>} : memref<25x48xf32, #tpu.memory_space<vmem>>, vector<1x16xf32>,
    %swap3A_133 = arith.constant 7 : i32
    %swap3A_134 = arith.index_cast %swap3A_133 : i32 to index
    %swap3A_135 = arith.constant 16 : index
    %swap3A_136 = tpu.vector_load %arg16[%swap3A_134, %swap3A_135] {strides = array<i32>} : memref<25x48xf32, #tpu.memory_space<vmem>>, vector<1x16xf32>,
    %swap3A_137 = vector.shape_cast %swap3A_136 : vector<1x16xf32> to vector<16xf32>
    %swap3A_138 = vector.shape_cast %broadcast_in_dim3A_1 : vector<16xf32> to vector<1x16xf32>
    tpu.vector_store %arg16[%swap3A_134, %swap3A_135], %swap3A_138 {strides = array<i32>} : memref<25x48xf32, #tpu.memory_space<vmem>>, vector<1x16xf32>,
    %swap3A_139 = arith.constant 7 : i32
    %swap3A_140 = arith.index_cast %swap3A_139 : i32 to index
    %swap3A_141 = arith.constant 32 : index
    %swap3A_142 = tpu.vector_load %arg16[%swap3A_140, %swap3A_141] {strides = array<i32>} : memref<25x48xf32, #tpu.memory_space<vmem>>, vector<1x16xf32>,
    %swap3A_143 = vector.shape_cast %swap3A_142 : vector<1x16xf32> to vector<16xf32>
    %swap3A_144 = vector.shape_cast %broadcast_in_dim3A_1 : vector<16xf32> to vector<1x16xf32>
    tpu.vector_store %arg16[%swap3A_140, %swap3A_141], %swap3A_144 {strides = array<i32>} : memref<25x48xf32, #tpu.memory_space<vmem>>, vector<1x16xf32>,
    %swap3A_145 = arith.constant 8 : i32
    %swap3A_146 = arith.index_cast %swap3A_145 : i32 to index
    %swap3A_147 = arith.constant 0 : index
    %swap3A_148 = tpu.vector_load %arg16[%swap3A_146, %swap3A_147] {strides = array<i32>} : memref<25x48xf32, #tpu.memory_space<vmem>>, vector<1x16xf32>,
    %swap3A_149 = vector.shape_cast %swap3A_148 : vector<1x16xf32> to vector<16xf32>
    %swap3A_150 = vector.shape_cast %broadcast_in_dim3A_1 : vector<16xf32> to vector<1x16xf32>
    tpu.vector_store %arg16[%swap3A_146, %swap3A_147], %swap3A_150 {strides = array<i32>} : memref<25x48xf32, #tpu.memory_space<vmem>>, vector<1x16xf32>,
    %swap3A_151 = arith.constant 8 : i32
    %swap3A_152 = arith.index_cast %swap3A_151 : i32 to index
    %swap3A_153 = arith.constant 16 : index
    %swap3A_154 = tpu.vector_load %arg16[%swap3A_152, %swap3A_153] {strides = array<i32>} : memref<25x48xf32, #tpu.memory_space<vmem>>, vector<1x16xf32>,
    %swap3A_155 = vector.shape_cast %swap3A_154 : vector<1x16xf32> to vector<16xf32>
    %swap3A_156 = vector.shape_cast %broadcast_in_dim3A_1 : vector<16xf32> to vector<1x16xf32>
    tpu.vector_store %arg16[%swap3A_152, %swap3A_153], %swap3A_156 {strides = array<i32>} : memref<25x48xf32, #tpu.memory_space<vmem>>, vector<1x16xf32>,
    %swap3A_157 = arith.constant 8 : i32
    %swap3A_158 = arith.index_cast %swap3A_157 : i32 to index
    %swap3A_159 = arith.constant 32 : index
    %swap3A_160 = tpu.vector_load %arg16[%swap3A_158, %swap3A_159] {strides = array<i32>} : memref<25x48xf32, #tpu.memory_space<vmem>>, vector<1x16xf32>,
    %swap3A_161 = vector.shape_cast %swap3A_160 : vector<1x16xf32> to vector<16xf32>
    %swap3A_162 = vector.shape_cast %broadcast_in_dim3A_1 : vector<16xf32> to vector<1x16xf32>
    tpu.vector_store %arg16[%swap3A_158, %swap3A_159], %swap3A_162 {strides = array<i32>} : memref<25x48xf32, #tpu.memory_space<vmem>>, vector<1x16xf32>,
    %swap3A_163 = arith.constant 9 : i32
    %swap3A_164 = arith.index_cast %swap3A_163 : i32 to index
    %swap3A_165 = arith.constant 0 : index
    %swap3A_166 = tpu.vector_load %arg16[%swap3A_164, %swap3A_165] {strides = array<i32>} : memref<25x48xf32, #tpu.memory_space<vmem>>, vector<1x16xf32>,
    %swap3A_167 = vector.shape_cast %swap3A_166 : vector<1x16xf32> to vector<16xf32>
    %swap3A_168 = vector.shape_cast %broadcast_in_dim3A_1 : vector<16xf32> to vector<1x16xf32>
    tpu.vector_store %arg16[%swap3A_164, %swap3A_165], %swap3A_168 {strides = array<i32>} : memref<25x48xf32, #tpu.memory_space<vmem>>, vector<1x16xf32>,
    %swap3A_169 = arith.constant 9 : i32
    %swap3A_170 = arith.index_cast %swap3A_169 : i32 to index
    %swap3A_171 = arith.constant 16 : index
    %swap3A_172 = tpu.vector_load %arg16[%swap3A_170, %swap3A_171] {strides = array<i32>} : memref<25x48xf32, #tpu.memory_space<vmem>>, vector<1x16xf32>,
    %swap3A_173 = vector.shape_cast %swap3A_172 : vector<1x16xf32> to vector<16xf32>
    %swap3A_174 = vector.shape_cast %broadcast_in_dim3A_1 : vector<16xf32> to vector<1x16xf32>
    tpu.vector_store %arg16[%swap3A_170, %swap3A_171], %swap3A_174 {strides = array<i32>} : memref<25x48xf32, #tpu.memory_space<vmem>>, vector<1x16xf32>,
    %swap3A_175 = arith.constant 9 : i32
    %swap3A_176 = arith.index_cast %swap3A_175 : i32 to index
    %swap3A_177 = arith.constant 32 : index
    %swap3A_178 = tpu.vector_load %arg16[%swap3A_176, %swap3A_177] {strides = array<i32>} : memref<25x48xf32, #tpu.memory_space<vmem>>, vector<1x16xf32>,
    %swap3A_179 = vector.shape_cast %swap3A_178 : vector<1x16xf32> to vector<16xf32>
    %swap3A_180 = vector.shape_cast %broadcast_in_dim3A_1 : vector<16xf32> to vector<1x16xf32>
    tpu.vector_store %arg16[%swap3A_176, %swap3A_177], %swap3A_180 {strides = array<i32>} : memref<25x48xf32, #tpu.memory_space<vmem>>, vector<1x16xf32>,
    %swap3A_181 = arith.constant 10 : i32
    %swap3A_182 = arith.index_cast %swap3A_181 : i32 to index
    %swap3A_183 = arith.constant 0 : index
    %swap3A_184 = tpu.vector_load %arg16[%swap3A_182, %swap3A_183] {strides = array<i32>} : memref<25x48xf32, #tpu.memory_space<vmem>>, vector<1x16xf32>,
    %swap3A_185 = vector.shape_cast %swap3A_184 : vector<1x16xf32> to vector<16xf32>
    %swap3A_186 = vector.shape_cast %broadcast_in_dim3A_1 : vector<16xf32> to vector<1x16xf32>
    tpu.vector_store %arg16[%swap3A_182, %swap3A_183], %swap3A_186 {strides = array<i32>} : memref<25x48xf32, #tpu.memory_space<vmem>>, vector<1x16xf32>,
    %swap3A_187 = arith.constant 10 : i32
    %swap3A_188 = arith.index_cast %swap3A_187 : i32 to index
    %swap3A_189 = arith.constant 16 : index
    %swap3A_190 = tpu.vector_load %arg16[%swap3A_188, %swap3A_189] {strides = array<i32>} : memref<25x48xf32, #tpu.memory_space<vmem>>, vector<1x16xf32>,
    %swap3A_191 = vector.shape_cast %swap3A_190 : vector<1x16xf32> to vector<16xf32>
    %swap3A_192 = vector.shape_cast %broadcast_in_dim3A_1 : vector<16xf32> to vector<1x16xf32>
    tpu.vector_store %arg16[%swap3A_188, %swap3A_189], %swap3A_192 {strides = array<i32>} : memref<25x48xf32, #tpu.memory_space<vmem>>, vector<1x16xf32>,
    %swap3A_193 = arith.constant 10 : i32
    %swap3A_194 = arith.index_cast %swap3A_193 : i32 to index
    %swap3A_195 = arith.constant 32 : index
    %swap3A_196 = tpu.vector_load %arg16[%swap3A_194, %swap3A_195] {strides = array<i32>} : memref<25x48xf32, #tpu.memory_space<vmem>>, vector<1x16xf32>,
    %swap3A_197 = vector.shape_cast %swap3A_196 : vector<1x16xf32> to vector<16xf32>
    %swap3A_198 = vector.shape_cast %broadcast_in_dim3A_1 : vector<16xf32> to vector<1x16xf32>
    tpu.vector_store %arg16[%swap3A_194, %swap3A_195], %swap3A_198 {strides = array<i32>} : memref<25x48xf32, #tpu.memory_space<vmem>>, vector<1x16xf32>,
    %swap3A_199 = arith.constant 11 : i32
    %swap3A_200 = arith.index_cast %swap3A_199 : i32 to index
    %swap3A_201 = arith.constant 0 : index
    %swap3A_202 = tpu.vector_load %arg16[%swap3A_200, %swap3A_201] {strides = array<i32>} : memref<25x48xf32, #tpu.memory_space<vmem>>, vector<1x16xf32>,
    %swap3A_203 = vector.shape_cast %swap3A_202 : vector<1x16xf32> to vector<16xf32>
    %swap3A_204 = vector.shape_cast %broadcast_in_dim3A_1 : vector<16xf32> to vector<1x16xf32>
    tpu.vector_store %arg16[%swap3A_200, %swap3A_201], %swap3A_204 {strides = array<i32>} : memref<25x48xf32, #tpu.memory_space<vmem>>, vector<1x16xf32>,
    %swap3A_205 = arith.constant 11 : i32
    %swap3A_206 = arith.index_cast %swap3A_205 : i32 to index
    %swap3A_207 = arith.constant 16 : index
    %swap3A_208 = tpu.vector_load %arg16[%swap3A_206, %swap3A_207] {strides = array<i32>} : memref<25x48xf32, #tpu.memory_space<vmem>>, vector<1x16xf32>,
    %swap3A_209 = vector.shape_cast %swap3A_208 : vector<1x16xf32> to vector<16xf32>
    %swap3A_210 = vector.shape_cast %broadcast_in_dim3A_1 : vector<16xf32> to vector<1x16xf32>
    tpu.vector_store %arg16[%swap3A_206, %swap3A_207], %swap3A_210 {strides = array<i32>} : memref<25x48xf32, #tpu.memory_space<vmem>>, vector<1x16xf32>,
    %swap3A_211 = arith.constant 11 : i32
    %swap3A_212 = arith.index_cast %swap3A_211 : i32 to index
    %swap3A_213 = arith.constant 32 : index
    %swap3A_214 = tpu.vector_load %arg16[%swap3A_212, %swap3A_213] {strides = array<i32>} : memref<25x48xf32, #tpu.memory_space<vmem>>, vector<1x16xf32>,
    %swap3A_215 = vector.shape_cast %swap3A_214 : vector<1x16xf32> to vector<16xf32>
    %swap3A_216 = vector.shape_cast %broadcast_in_dim3A_1 : vector<16xf32> to vector<1x16xf32>
    tpu.vector_store %arg16[%swap3A_212, %swap3A_213], %swap3A_216 {strides = array<i32>} : memref<25x48xf32, #tpu.memory_space<vmem>>, vector<1x16xf32>,
    %swap3A_217 = arith.constant 12 : i32
    %swap3A_218 = arith.index_cast %swap3A_217 : i32 to index
    %swap3A_219 = arith.constant 0 : index
    %swap3A_220 = tpu.vector_load %arg16[%swap3A_218, %swap3A_219] {strides = array<i32>} : memref<25x48xf32, #tpu.memory_space<vmem>>, vector<1x16xf32>,
    %swap3A_221 = vector.shape_cast %swap3A_220 : vector<1x16xf32> to vector<16xf32>
    %swap3A_222 = vector.shape_cast %broadcast_in_dim3A_1 : vector<16xf32> to vector<1x16xf32>
    tpu.vector_store %arg16[%swap3A_218, %swap3A_219], %swap3A_222 {strides = array<i32>} : memref<25x48xf32, #tpu.memory_space<vmem>>, vector<1x16xf32>,
    %swap3A_223 = arith.constant 12 : i32
    %swap3A_224 = arith.index_cast %swap3A_223 : i32 to index
    %swap3A_225 = arith.constant 16 : index
    %swap3A_226 = tpu.vector_load %arg16[%swap3A_224, %swap3A_225] {strides = array<i32>} : memref<25x48xf32, #tpu.memory_space<vmem>>, vector<1x16xf32>,
    %swap3A_227 = vector.shape_cast %swap3A_226 : vector<1x16xf32> to vector<16xf32>
    %swap3A_228 = vector.shape_cast %broadcast_in_dim3A_1 : vector<16xf32> to vector<1x16xf32>
    tpu.vector_store %arg16[%swap3A_224, %swap3A_225], %swap3A_228 {strides = array<i32>} : memref<25x48xf32, #tpu.memory_space<vmem>>, vector<1x16xf32>,
    %swap3A_229 = arith.constant 12 : i32
    %swap3A_230 = arith.index_cast %swap3A_229 : i32 to index
    %swap3A_231 = arith.constant 32 : index
    %swap3A_232 = tpu.vector_load %arg16[%swap3A_230, %swap3A_231] {strides = array<i32>} : memref<25x48xf32, #tpu.memory_space<vmem>>, vector<1x16xf32>,
    %swap3A_233 = vector.shape_cast %swap3A_232 : vector<1x16xf32> to vector<16xf32>
    %swap3A_234 = vector.shape_cast %broadcast_in_dim3A_1 : vector<16xf32> to vector<1x16xf32>
    tpu.vector_store %arg16[%swap3A_230, %swap3A_231], %swap3A_234 {strides = array<i32>} : memref<25x48xf32, #tpu.memory_space<vmem>>, vector<1x16xf32>,
    %swap3A_235 = arith.constant 13 : i32
    %swap3A_236 = arith.index_cast %swap3A_235 : i32 to index
    %swap3A_237 = arith.constant 0 : index
    %swap3A_238 = tpu.vector_load %arg16[%swap3A_236, %swap3A_237] {strides = array<i32>} : memref<25x48xf32, #tpu.memory_space<vmem>>, vector<1x16xf32>,
    %swap3A_239 = vector.shape_cast %swap3A_238 : vector<1x16xf32> to vector<16xf32>
    %swap3A_240 = vector.shape_cast %broadcast_in_dim3A_1 : vector<16xf32> to vector<1x16xf32>
    tpu.vector_store %arg16[%swap3A_236, %swap3A_237], %swap3A_240 {strides = array<i32>} : memref<25x48xf32, #tpu.memory_space<vmem>>, vector<1x16xf32>,
    %swap3A_241 = arith.constant 13 : i32
    %swap3A_242 = arith.index_cast %swap3A_241 : i32 to index
    %swap3A_243 = arith.constant 16 : index
    %swap3A_244 = tpu.vector_load %arg16[%swap3A_242, %swap3A_243] {strides = array<i32>} : memref<25x48xf32, #tpu.memory_space<vmem>>, vector<1x16xf32>,
    %swap3A_245 = vector.shape_cast %swap3A_244 : vector<1x16xf32> to vector<16xf32>
    %swap3A_246 = vector.shape_cast %broadcast_in_dim3A_1 : vector<16xf32> to vector<1x16xf32>
    tpu.vector_store %arg16[%swap3A_242, %swap3A_243], %swap3A_246 {strides = array<i32>} : memref<25x48xf32, #tpu.memory_space<vmem>>, vector<1x16xf32>,
    %swap3A_247 = arith.constant 13 : i32
    %swap3A_248 = arith.index_cast %swap3A_247 : i32 to index
    %swap3A_249 = arith.constant 32 : index
    %swap3A_250 = tpu.vector_load %arg16[%swap3A_248, %swap3A_249] {strides = array<i32>} : memref<25x48xf32, #tpu.memory_space<vmem>>, vector<1x16xf32>,
    %swap3A_251 = vector.shape_cast %swap3A_250 : vector<1x16xf32> to vector<16xf32>
    %swap3A_252 = vector.shape_cast %broadcast_in_dim3A_1 : vector<16xf32> to vector<1x16xf32>
    tpu.vector_store %arg16[%swap3A_248, %swap3A_249], %swap3A_252 {strides = array<i32>} : memref<25x48xf32, #tpu.memory_space<vmem>>, vector<1x16xf32>,
    %swap3A_253 = arith.constant 14 : i32
    %swap3A_254 = arith.index_cast %swap3A_253 : i32 to index
    %swap3A_255 = arith.constant 0 : index
    %swap3A_256 = tpu.vector_load %arg16[%swap3A_254, %swap3A_255] {strides = array<i32>} : memref<25x48xf32, #tpu.memory_space<vmem>>, vector<1x16xf32>,
    %swap3A_257 = vector.shape_cast %swap3A_256 : vector<1x16xf32> to vector<16xf32>
    %swap3A_258 = vector.shape_cast %broadcast_in_dim3A_1 : vector<16xf32> to vector<1x16xf32>
    tpu.vector_store %arg16[%swap3A_254, %swap3A_255], %swap3A_258 {strides = array<i32>} : memref<25x48xf32, #tpu.memory_space<vmem>>, vector<1x16xf32>,
    %swap3A_259 = arith.constant 14 : i32
    %swap3A_260 = arith.index_cast %swap3A_259 : i32 to index
    %swap3A_261 = arith.constant 16 : index
    %swap3A_262 = tpu.vector_load %arg16[%swap3A_260, %swap3A_261] {strides = array<i32>} : memref<25x48xf32, #tpu.memory_space<vmem>>, vector<1x16xf32>,
    %swap3A_263 = vector.shape_cast %swap3A_262 : vector<1x16xf32> to vector<16xf32>
    %swap3A_264 = vector.shape_cast %broadcast_in_dim3A_1 : vector<16xf32> to vector<1x16xf32>
    tpu.vector_store %arg16[%swap3A_260, %swap3A_261], %swap3A_264 {strides = array<i32>} : memref<25x48xf32, #tpu.memory_space<vmem>>, vector<1x16xf32>,
    %swap3A_265 = arith.constant 14 : i32
    %swap3A_266 = arith.index_cast %swap3A_265 : i32 to index
    %swap3A_267 = arith.constant 32 : index
    %swap3A_268 = tpu.vector_load %arg16[%swap3A_266, %swap3A_267] {strides = array<i32>} : memref<25x48xf32, #tpu.memory_space<vmem>>, vector<1x16xf32>,
    %swap3A_269 = vector.shape_cast %swap3A_268 : vector<1x16xf32> to vector<16xf32>
    %swap3A_270 = vector.shape_cast %broadcast_in_dim3A_1 : vector<16xf32> to vector<1x16xf32>
    tpu.vector_store %arg16[%swap3A_266, %swap3A_267], %swap3A_270 {strides = array<i32>} : memref<25x48xf32, #tpu.memory_space<vmem>>, vector<1x16xf32>,
    %swap3A_271 = arith.constant 15 : i32
    %swap3A_272 = arith.index_cast %swap3A_271 : i32 to index
    %swap3A_273 = arith.constant 0 : index
    %swap3A_274 = tpu.vector_load %arg16[%swap3A_272, %swap3A_273] {strides = array<i32>} : memref<25x48xf32, #tpu.memory_space<vmem>>, vector<1x16xf32>,
    %swap3A_275 = vector.shape_cast %swap3A_274 : vector<1x16xf32> to vector<16xf32>
    %swap3A_276 = vector.shape_cast %broadcast_in_dim3A_1 : vector<16xf32> to vector<1x16xf32>
    tpu.vector_store %arg16[%swap3A_272, %swap3A_273], %swap3A_276 {strides = array<i32>} : memref<25x48xf32, #tpu.memory_space<vmem>>, vector<1x16xf32>,
    %swap3A_277 = arith.constant 15 : i32
    %swap3A_278 = arith.index_cast %swap3A_277 : i32 to index
    %swap3A_279 = arith.constant 16 : index
    %swap3A_280 = tpu.vector_load %arg16[%swap3A_278, %swap3A_279] {strides = array<i32>} : memref<25x48xf32, #tpu.memory_space<vmem>>, vector<1x16xf32>,
    %swap3A_281 = vector.shape_cast %swap3A_280 : vector<1x16xf32> to vector<16xf32>
    %swap3A_282 = vector.shape_cast %broadcast_in_dim3A_1 : vector<16xf32> to vector<1x16xf32>
    tpu.vector_store %arg16[%swap3A_278, %swap3A_279], %swap3A_282 {strides = array<i32>} : memref<25x48xf32, #tpu.memory_space<vmem>>, vector<1x16xf32>,
    %swap3A_283 = arith.constant 15 : i32
    %swap3A_284 = arith.index_cast %swap3A_283 : i32 to index
    %swap3A_285 = arith.constant 32 : index
    %swap3A_286 = tpu.vector_load %arg16[%swap3A_284, %swap3A_285] {strides = array<i32>} : memref<25x48xf32, #tpu.memory_space<vmem>>, vector<1x16xf32>,
    %swap3A_287 = vector.shape_cast %swap3A_286 : vector<1x16xf32> to vector<16xf32>
    %swap3A_288 = vector.shape_cast %broadcast_in_dim3A_1 : vector<16xf32> to vector<1x16xf32>
    tpu.vector_store %arg16[%swap3A_284, %swap3A_285], %swap3A_288 {strides = array<i32>} : memref<25x48xf32, #tpu.memory_space<vmem>>, vector<1x16xf32>,
    %swap3A_289 = arith.constant 16 : i32
    %swap3A_290 = arith.index_cast %swap3A_289 : i32 to index
    %swap3A_291 = arith.constant 0 : index
    %swap3A_292 = tpu.vector_load %arg16[%swap3A_290, %swap3A_291] {strides = array<i32>} : memref<25x48xf32, #tpu.memory_space<vmem>>, vector<1x16xf32>,
    %swap3A_293 = vector.shape_cast %swap3A_292 : vector<1x16xf32> to vector<16xf32>
    %swap3A_294 = vector.shape_cast %broadcast_in_dim3A_1 : vector<16xf32> to vector<1x16xf32>
    tpu.vector_store %arg16[%swap3A_290, %swap3A_291], %swap3A_294 {strides = array<i32>} : memref<25x48xf32, #tpu.memory_space<vmem>>, vector<1x16xf32>,
    %swap3A_295 = arith.constant 16 : i32
    %swap3A_296 = arith.index_cast %swap3A_295 : i32 to index
    %swap3A_297 = arith.constant 16 : index
    %swap3A_298 = tpu.vector_load %arg16[%swap3A_296, %swap3A_297] {strides = array<i32>} : memref<25x48xf32, #tpu.memory_space<vmem>>, vector<1x16xf32>,
    %swap3A_299 = vector.shape_cast %swap3A_298 : vector<1x16xf32> to vector<16xf32>
    %swap3A_300 = vector.shape_cast %broadcast_in_dim3A_1 : vector<16xf32> to vector<1x16xf32>
    tpu.vector_store %arg16[%swap3A_296, %swap3A_297], %swap3A_300 {strides = array<i32>} : memref<25x48xf32, #tpu.memory_space<vmem>>, vector<1x16xf32>,
    %swap3A_301 = arith.constant 16 : i32
    %swap3A_302 = arith.index_cast %swap3A_301 : i32 to index
    %swap3A_303 = arith.constant 32 : index
    %swap3A_304 = tpu.vector_load %arg16[%swap3A_302, %swap3A_303] {strides = array<i32>} : memref<25x48xf32, #tpu.memory_space<vmem>>, vector<1x16xf32>,
    %swap3A_305 = vector.shape_cast %swap3A_304 : vector<1x16xf32> to vector<16xf32>
    %swap3A_306 = vector.shape_cast %broadcast_in_dim3A_1 : vector<16xf32> to vector<1x16xf32>
    tpu.vector_store %arg16[%swap3A_302, %swap3A_303], %swap3A_306 {strides = array<i32>} : memref<25x48xf32, #tpu.memory_space<vmem>>, vector<1x16xf32>,
    %swap3A_307 = arith.constant 17 : i32
    %swap3A_308 = arith.index_cast %swap3A_307 : i32 to index
    %swap3A_309 = arith.constant 0 : index
    %swap3A_310 = tpu.vector_load %arg16[%swap3A_308, %swap3A_309] {strides = array<i32>} : memref<25x48xf32, #tpu.memory_space<vmem>>, vector<1x16xf32>,
    %swap3A_311 = vector.shape_cast %swap3A_310 : vector<1x16xf32> to vector<16xf32>
    %swap3A_312 = vector.shape_cast %broadcast_in_dim3A_1 : vector<16xf32> to vector<1x16xf32>
    tpu.vector_store %arg16[%swap3A_308, %swap3A_309], %swap3A_312 {strides = array<i32>} : memref<25x48xf32, #tpu.memory_space<vmem>>, vector<1x16xf32>,
    %swap3A_313 = arith.constant 17 : i32
    %swap3A_314 = arith.index_cast %swap3A_313 : i32 to index
    %swap3A_315 = arith.constant 16 : index
    %swap3A_316 = tpu.vector_load %arg16[%swap3A_314, %swap3A_315] {strides = array<i32>} : memref<25x48xf32, #tpu.memory_space<vmem>>, vector<1x16xf32>,
    %swap3A_317 = vector.shape_cast %swap3A_316 : vector<1x16xf32> to vector<16xf32>
    %swap3A_318 = vector.shape_cast %broadcast_in_dim3A_1 : vector<16xf32> to vector<1x16xf32>
    tpu.vector_store %arg16[%swap3A_314, %swap3A_315], %swap3A_318 {strides = array<i32>} : memref<25x48xf32, #tpu.memory_space<vmem>>, vector<1x16xf32>,
    %swap3A_319 = arith.constant 17 : i32
    %swap3A_320 = arith.index_cast %swap3A_319 : i32 to index
    %swap3A_321 = arith.constant 32 : index
    %swap3A_322 = tpu.vector_load %arg16[%swap3A_320, %swap3A_321] {strides = array<i32>} : memref<25x48xf32, #tpu.memory_space<vmem>>, vector<1x16xf32>,
    %swap3A_323 = vector.shape_cast %swap3A_322 : vector<1x16xf32> to vector<16xf32>
    %swap3A_324 = vector.shape_cast %broadcast_in_dim3A_1 : vector<16xf32> to vector<1x16xf32>
    tpu.vector_store %arg16[%swap3A_320, %swap3A_321], %swap3A_324 {strides = array<i32>} : memref<25x48xf32, #tpu.memory_space<vmem>>, vector<1x16xf32>,
    %swap3A_325 = arith.constant 18 : i32
    %swap3A_326 = arith.index_cast %swap3A_325 : i32 to index
    %swap3A_327 = arith.constant 0 : index
    %swap3A_328 = tpu.vector_load %arg16[%swap3A_326, %swap3A_327] {strides = array<i32>} : memref<25x48xf32, #tpu.memory_space<vmem>>, vector<1x16xf32>,
    %swap3A_329 = vector.shape_cast %swap3A_328 : vector<1x16xf32> to vector<16xf32>
    %swap3A_330 = vector.shape_cast %broadcast_in_dim3A_1 : vector<16xf32> to vector<1x16xf32>
    tpu.vector_store %arg16[%swap3A_326, %swap3A_327], %swap3A_330 {strides = array<i32>} : memref<25x48xf32, #tpu.memory_space<vmem>>, vector<1x16xf32>,
    %swap3A_331 = arith.constant 18 : i32
    %swap3A_332 = arith.index_cast %swap3A_331 : i32 to index
    %swap3A_333 = arith.constant 16 : index
    %swap3A_334 = tpu.vector_load %arg16[%swap3A_332, %swap3A_333] {strides = array<i32>} : memref<25x48xf32, #tpu.memory_space<vmem>>, vector<1x16xf32>,
    %swap3A_335 = vector.shape_cast %swap3A_334 : vector<1x16xf32> to vector<16xf32>
    %swap3A_336 = vector.shape_cast %broadcast_in_dim3A_1 : vector<16xf32> to vector<1x16xf32>
    tpu.vector_store %arg16[%swap3A_332, %swap3A_333], %swap3A_336 {strides = array<i32>} : memref<25x48xf32, #tpu.memory_space<vmem>>, vector<1x16xf32>,
    %swap3A_337 = arith.constant 18 : i32
    %swap3A_338 = arith.index_cast %swap3A_337 : i32 to index
    %swap3A_339 = arith.constant 32 : index
    %swap3A_340 = tpu.vector_load %arg16[%swap3A_338, %swap3A_339] {strides = array<i32>} : memref<25x48xf32, #tpu.memory_space<vmem>>, vector<1x16xf32>,
    %swap3A_341 = vector.shape_cast %swap3A_340 : vector<1x16xf32> to vector<16xf32>
    %swap3A_342 = vector.shape_cast %broadcast_in_dim3A_1 : vector<16xf32> to vector<1x16xf32>
    tpu.vector_store %arg16[%swap3A_338, %swap3A_339], %swap3A_342 {strides = array<i32>} : memref<25x48xf32, #tpu.memory_space<vmem>>, vector<1x16xf32>,
    %swap3A_343 = arith.constant 19 : i32
    %swap3A_344 = arith.index_cast %swap3A_343 : i32 to index
    %swap3A_345 = arith.constant 0 : index
    %swap3A_346 = tpu.vector_load %arg16[%swap3A_344, %swap3A_345] {strides = array<i32>} : memref<25x48xf32, #tpu.memory_space<vmem>>, vector<1x16xf32>,
    %swap3A_347 = vector.shape_cast %swap3A_346 : vector<1x16xf32> to vector<16xf32>
    %swap3A_348 = vector.shape_cast %broadcast_in_dim3A_1 : vector<16xf32> to vector<1x16xf32>
    tpu.vector_store %arg16[%swap3A_344, %swap3A_345], %swap3A_348 {strides = array<i32>} : memref<25x48xf32, #tpu.memory_space<vmem>>, vector<1x16xf32>,
    %swap3A_349 = arith.constant 19 : i32
    %swap3A_350 = arith.index_cast %swap3A_349 : i32 to index
    %swap3A_351 = arith.constant 16 : index
    %swap3A_352 = tpu.vector_load %arg16[%swap3A_350, %swap3A_351] {strides = array<i32>} : memref<25x48xf32, #tpu.memory_space<vmem>>, vector<1x16xf32>,
    %swap3A_353 = vector.shape_cast %swap3A_352 : vector<1x16xf32> to vector<16xf32>
    %swap3A_354 = vector.shape_cast %broadcast_in_dim3A_1 : vector<16xf32> to vector<1x16xf32>
    tpu.vector_store %arg16[%swap3A_350, %swap3A_351], %swap3A_354 {strides = array<i32>} : memref<25x48xf32, #tpu.memory_space<vmem>>, vector<1x16xf32>,
    %swap3A_355 = arith.constant 19 : i32
    %swap3A_356 = arith.index_cast %swap3A_355 : i32 to index
    %swap3A_357 = arith.constant 32 : index
    %swap3A_358 = tpu.vector_load %arg16[%swap3A_356, %swap3A_357] {strides = array<i32>} : memref<25x48xf32, #tpu.memory_space<vmem>>, vector<1x16xf32>,
    %swap3A_359 = vector.shape_cast %swap3A_358 : vector<1x16xf32> to vector<16xf32>
    %swap3A_360 = vector.shape_cast %broadcast_in_dim3A_1 : vector<16xf32> to vector<1x16xf32>
    tpu.vector_store %arg16[%swap3A_356, %swap3A_357], %swap3A_360 {strides = array<i32>} : memref<25x48xf32, #tpu.memory_space<vmem>>, vector<1x16xf32>,
    %swap3A_361 = arith.constant 20 : i32
    %swap3A_362 = arith.index_cast %swap3A_361 : i32 to index
    %swap3A_363 = arith.constant 0 : index
    %swap3A_364 = tpu.vector_load %arg16[%swap3A_362, %swap3A_363] {strides = array<i32>} : memref<25x48xf32, #tpu.memory_space<vmem>>, vector<1x16xf32>,
    %swap3A_365 = vector.shape_cast %swap3A_364 : vector<1x16xf32> to vector<16xf32>
    %swap3A_366 = vector.shape_cast %broadcast_in_dim3A_1 : vector<16xf32> to vector<1x16xf32>
    tpu.vector_store %arg16[%swap3A_362, %swap3A_363], %swap3A_366 {strides = array<i32>} : memref<25x48xf32, #tpu.memory_space<vmem>>, vector<1x16xf32>,
    %swap3A_367 = arith.constant 20 : i32
    %swap3A_368 = arith.index_cast %swap3A_367 : i32 to index
    %swap3A_369 = arith.constant 16 : index
    %swap3A_370 = tpu.vector_load %arg16[%swap3A_368, %swap3A_369] {strides = array<i32>} : memref<25x48xf32, #tpu.memory_space<vmem>>, vector<1x16xf32>,
    %swap3A_371 = vector.shape_cast %swap3A_370 : vector<1x16xf32> to vector<16xf32>
    %swap3A_372 = vector.shape_cast %broadcast_in_dim3A_1 : vector<16xf32> to vector<1x16xf32>
    tpu.vector_store %arg16[%swap3A_368, %swap3A_369], %swap3A_372 {strides = array<i32>} : memref<25x48xf32, #tpu.memory_space<vmem>>, vector<1x16xf32>,
    %swap3A_373 = arith.constant 20 : i32
    %swap3A_374 = arith.index_cast %swap3A_373 : i32 to index
    %swap3A_375 = arith.constant 32 : index
    %swap3A_376 = tpu.vector_load %arg16[%swap3A_374, %swap3A_375] {strides = array<i32>} : memref<25x48xf32, #tpu.memory_space<vmem>>, vector<1x16xf32>,
    %swap3A_377 = vector.shape_cast %swap3A_376 : vector<1x16xf32> to vector<16xf32>
    %swap3A_378 = vector.shape_cast %broadcast_in_dim3A_1 : vector<16xf32> to vector<1x16xf32>
    tpu.vector_store %arg16[%swap3A_374, %swap3A_375], %swap3A_378 {strides = array<i32>} : memref<25x48xf32, #tpu.memory_space<vmem>>, vector<1x16xf32>,
    %swap3A_379 = arith.constant 21 : i32
    %swap3A_380 = arith.index_cast %swap3A_379 : i32 to index
    %swap3A_381 = arith.constant 0 : index
    %swap3A_382 = tpu.vector_load %arg16[%swap3A_380, %swap3A_381] {strides = array<i32>} : memref<25x48xf32, #tpu.memory_space<vmem>>, vector<1x16xf32>,
    %swap3A_383 = vector.shape_cast %swap3A_382 : vector<1x16xf32> to vector<16xf32>
    %swap3A_384 = vector.shape_cast %broadcast_in_dim3A_1 : vector<16xf32> to vector<1x16xf32>
    tpu.vector_store %arg16[%swap3A_380, %swap3A_381], %swap3A_384 {strides = array<i32>} : memref<25x48xf32, #tpu.memory_space<vmem>>, vector<1x16xf32>,
    %swap3A_385 = arith.constant 21 : i32
    %swap3A_386 = arith.index_cast %swap3A_385 : i32 to index
    %swap3A_387 = arith.constant 16 : index
    %swap3A_388 = tpu.vector_load %arg16[%swap3A_386, %swap3A_387] {strides = array<i32>} : memref<25x48xf32, #tpu.memory_space<vmem>>, vector<1x16xf32>,
    %swap3A_389 = vector.shape_cast %swap3A_388 : vector<1x16xf32> to vector<16xf32>
    %swap3A_390 = vector.shape_cast %broadcast_in_dim3A_1 : vector<16xf32> to vector<1x16xf32>
    tpu.vector_store %arg16[%swap3A_386, %swap3A_387], %swap3A_390 {strides = array<i32>} : memref<25x48xf32, #tpu.memory_space<vmem>>, vector<1x16xf32>,
    %swap3A_391 = arith.constant 21 : i32
    %swap3A_392 = arith.index_cast %swap3A_391 : i32 to index
    %swap3A_393 = arith.constant 32 : index
    %swap3A_394 = tpu.vector_load %arg16[%swap3A_392, %swap3A_393] {strides = array<i32>} : memref<25x48xf32, #tpu.memory_space<vmem>>, vector<1x16xf32>,
    %swap3A_395 = vector.shape_cast %swap3A_394 : vector<1x16xf32> to vector<16xf32>
    %swap3A_396 = vector.shape_cast %broadcast_in_dim3A_1 : vector<16xf32> to vector<1x16xf32>
    tpu.vector_store %arg16[%swap3A_392, %swap3A_393], %swap3A_396 {strides = array<i32>} : memref<25x48xf32, #tpu.memory_space<vmem>>, vector<1x16xf32>,
    %swap3A_397 = arith.constant 22 : i32
    %swap3A_398 = arith.index_cast %swap3A_397 : i32 to index
    %swap3A_399 = arith.constant 0 : index
    %swap3A_400 = tpu.vector_load %arg16[%swap3A_398, %swap3A_399] {strides = array<i32>} : memref<25x48xf32, #tpu.memory_space<vmem>>, vector<1x16xf32>,
    %swap3A_401 = vector.shape_cast %swap3A_400 : vector<1x16xf32> to vector<16xf32>
    %swap3A_402 = vector.shape_cast %broadcast_in_dim3A_1 : vector<16xf32> to vector<1x16xf32>
    tpu.vector_store %arg16[%swap3A_398, %swap3A_399], %swap3A_402 {strides = array<i32>} : memref<25x48xf32, #tpu.memory_space<vmem>>, vector<1x16xf32>,
    %swap3A_403 = arith.constant 22 : i32
    %swap3A_404 = arith.index_cast %swap3A_403 : i32 to index
    %swap3A_405 = arith.constant 16 : index
    %swap3A_406 = tpu.vector_load %arg16[%swap3A_404, %swap3A_405] {strides = array<i32>} : memref<25x48xf32, #tpu.memory_space<vmem>>, vector<1x16xf32>,
    %swap3A_407 = vector.shape_cast %swap3A_406 : vector<1x16xf32> to vector<16xf32>
    %swap3A_408 = vector.shape_cast %broadcast_in_dim3A_1 : vector<16xf32> to vector<1x16xf32>
    tpu.vector_store %arg16[%swap3A_404, %swap3A_405], %swap3A_408 {strides = array<i32>} : memref<25x48xf32, #tpu.memory_space<vmem>>, vector<1x16xf32>,
    %swap3A_409 = arith.constant 22 : i32
    %swap3A_410 = arith.index_cast %swap3A_409 : i32 to index
    %swap3A_411 = arith.constant 32 : index
    %swap3A_412 = tpu.vector_load %arg16[%swap3A_410, %swap3A_411] {strides = array<i32>} : memref<25x48xf32, #tpu.memory_space<vmem>>, vector<1x16xf32>,
    %swap3A_413 = vector.shape_cast %swap3A_412 : vector<1x16xf32> to vector<16xf32>
    %swap3A_414 = vector.shape_cast %broadcast_in_dim3A_1 : vector<16xf32> to vector<1x16xf32>
    tpu.vector_store %arg16[%swap3A_410, %swap3A_411], %swap3A_414 {strides = array<i32>} : memref<25x48xf32, #tpu.memory_space<vmem>>, vector<1x16xf32>,
    %swap3A_415 = arith.constant 23 : i32
    %swap3A_416 = arith.index_cast %swap3A_415 : i32 to index
    %swap3A_417 = arith.constant 0 : index
    %swap3A_418 = tpu.vector_load %arg16[%swap3A_416, %swap3A_417] {strides = array<i32>} : memref<25x48xf32, #tpu.memory_space<vmem>>, vector<1x16xf32>,
    %swap3A_419 = vector.shape_cast %swap3A_418 : vector<1x16xf32> to vector<16xf32>
    %swap3A_420 = vector.shape_cast %broadcast_in_dim3A_1 : vector<16xf32> to vector<1x16xf32>
    tpu.vector_store %arg16[%swap3A_416, %swap3A_417], %swap3A_420 {strides = array<i32>} : memref<25x48xf32, #tpu.memory_space<vmem>>, vector<1x16xf32>,
    %swap3A_421 = arith.constant 23 : i32
    %swap3A_422 = arith.index_cast %swap3A_421 : i32 to index
    %swap3A_423 = arith.constant 16 : index
    %swap3A_424 = tpu.vector_load %arg16[%swap3A_422, %swap3A_423] {strides = array<i32>} : memref<25x48xf32, #tpu.memory_space<vmem>>, vector<1x16xf32>,
    %swap3A_425 = vector.shape_cast %swap3A_424 : vector<1x16xf32> to vector<16xf32>
    %swap3A_426 = vector.shape_cast %broadcast_in_dim3A_1 : vector<16xf32> to vector<1x16xf32>
    tpu.vector_store %arg16[%swap3A_422, %swap3A_423], %swap3A_426 {strides = array<i32>} : memref<25x48xf32, #tpu.memory_space<vmem>>, vector<1x16xf32>,
    %swap3A_427 = arith.constant 23 : i32
    %swap3A_428 = arith.index_cast %swap3A_427 : i32 to index
    %swap3A_429 = arith.constant 32 : index
    %swap3A_430 = tpu.vector_load %arg16[%swap3A_428, %swap3A_429] {strides = array<i32>} : memref<25x48xf32, #tpu.memory_space<vmem>>, vector<1x16xf32>,
    %swap3A_431 = vector.shape_cast %swap3A_430 : vector<1x16xf32> to vector<16xf32>
    %swap3A_432 = vector.shape_cast %broadcast_in_dim3A_1 : vector<16xf32> to vector<1x16xf32>
    tpu.vector_store %arg16[%swap3A_428, %swap3A_429], %swap3A_432 {strides = array<i32>} : memref<25x48xf32, #tpu.memory_space<vmem>>, vector<1x16xf32>,
    %swap3A_433 = arith.constant 24 : i32
    %swap3A_434 = arith.index_cast %swap3A_433 : i32 to index
    %swap3A_435 = arith.constant 0 : index
    %swap3A_436 = tpu.vector_load %arg16[%swap3A_434, %swap3A_435] {strides = array<i32>} : memref<25x48xf32, #tpu.memory_space<vmem>>, vector<1x16xf32>,
    %swap3A_437 = vector.shape_cast %swap3A_436 : vector<1x16xf32> to vector<16xf32>
    %swap3A_438 = vector.shape_cast %broadcast_in_dim3A_1 : vector<16xf32> to vector<1x16xf32>
    tpu.vector_store %arg16[%swap3A_434, %swap3A_435], %swap3A_438 {strides = array<i32>} : memref<25x48xf32, #tpu.memory_space<vmem>>, vector<1x16xf32>,
    %swap3A_439 = arith.constant 24 : i32
    %swap3A_440 = arith.index_cast %swap3A_439 : i32 to index
    %swap3A_441 = arith.constant 16 : index
    %swap3A_442 = tpu.vector_load %arg16[%swap3A_440, %swap3A_441] {strides = array<i32>} : memref<25x48xf32, #tpu.memory_space<vmem>>, vector<1x16xf32>,
    %swap3A_443 = vector.shape_cast %swap3A_442 : vector<1x16xf32> to vector<16xf32>
    %swap3A_444 = vector.shape_cast %broadcast_in_dim3A_1 : vector<16xf32> to vector<1x16xf32>
    tpu.vector_store %arg16[%swap3A_440, %swap3A_441], %swap3A_444 {strides = array<i32>} : memref<25x48xf32, #tpu.memory_space<vmem>>, vector<1x16xf32>,
    %swap3A_445 = arith.constant 24 : i32
    %swap3A_446 = arith.index_cast %swap3A_445 : i32 to index
    %swap3A_447 = arith.constant 32 : index
    %swap3A_448 = tpu.vector_load %arg16[%swap3A_446, %swap3A_447] {strides = array<i32>} : memref<25x48xf32, #tpu.memory_space<vmem>>, vector<1x16xf32>,
    %swap3A_449 = vector.shape_cast %swap3A_448 : vector<1x16xf32> to vector<16xf32>
    %swap3A_450 = vector.shape_cast %broadcast_in_dim3A_1 : vector<16xf32> to vector<1x16xf32>
    tpu.vector_store %arg16[%swap3A_446, %swap3A_447], %swap3A_450 {strides = array<i32>} : memref<25x48xf32, #tpu.memory_space<vmem>>, vector<1x16xf32>,
    %scan3A = arith.constant 0 : i32
    %scan3A_451 = arith.constant 25 : i32
    %scan3A_452 = arith.addi %scan3A, %scan3A_451 : i32
    %scan3A_453 = arith.constant 1 : i32
    scf.for %scan3A_685 = %scan3A to %scan3A_452 step %scan3A_453  : i32 {
      %mul3A_686 = arith.constant 625 : i32
      %mul3A_687 = arith.muli %arg1, %mul3A_686 : i32
      %mul3A_688 = arith.constant 25 : i32
      %mul3A_689 = arith.muli %scan3A_685, %mul3A_688 : i32
      %add3A_690 = arith.addi %mul3A_687, %mul3A_689 : i32
      "tpu.region"() ({
        %run_scoped3A = tpu.sem_alloc : memref<!tpu.dma_semaphore, #tpu.memory_space<semaphore_mem>>
        %dma_start3A_691 = arith.constant 0 : i32
        %dma_start3A_692 = tpu.memref_slice %arg17[%add3A_690, %dma_start3A_691] : memref<10000x48xf32, #tpu.memory_space<vmem_shared>> -> memref<25x48xf32, #tpu.memory_space<vmem_shared>>
        %dma_start3A_693 = arith.constant 0 : i32
        %dma_start3A_694 = tpu.memref_slice %arg17[%add3A_690, %dma_start3A_693] : memref<10000x48xf32, #tpu.memory_space<vmem_shared>> -> memref<25x48xf32, #tpu.memory_space<vmem_shared>>
        tpu.enqueue_dma source(%arg16 : memref<25x48xf32, #tpu.memory_space<vmem>>) target(%dma_start3A_694 : memref<25x48xf32, #tpu.memory_space<vmem_shared>>) target_semaphore(%run_scoped3A : memref<!tpu.dma_semaphore, #tpu.memory_space<semaphore_mem>>)
        %dma_wait3A_695 = arith.constant 0 : i32
        %dma_wait3A_696 = tpu.memref_slice %arg17[%add3A_690, %dma_wait3A_695] : memref<10000x48xf32, #tpu.memory_space<vmem_shared>> -> memref<25x48xf32, #tpu.memory_space<vmem_shared>>
        %dma_wait3A_697 = arith.constant 0 : i32
        %dma_wait3A_698 = tpu.memref_slice %arg17[%add3A_690, %dma_wait3A_697] : memref<10000x48xf32, #tpu.memory_space<vmem_shared>> -> memref<25x48xf32, #tpu.memory_space<vmem_shared>>
        tpu.wait_dma2 semaphore(%run_scoped3A : memref<!tpu.dma_semaphore, #tpu.memory_space<semaphore_mem>>) src(%arg16 : memref<25x48xf32, #tpu.memory_space<vmem>>) dst(%dma_wait3A_698 : memref<25x48xf32, #tpu.memory_space<vmem_shared>>)
        tpu.yield
      }) : () -> ()
    }
    %scan3A_454 = arith.constant 25 : i32
    "tpu.region"() ({
      %run_scoped3A = tpu.sem_alloc : memref<!tpu.dma_semaphore, #tpu.memory_space<semaphore_mem>>
      %dma_start3A_685 = arith.constant 0 : i32
      %dma_start3A_686 = arith.constant 0 : i32
      %dma_start3A_687 = tpu.memref_slice %arg3[%add3A, %dma_start3A_685, %dma_start3A_686] : memref<32x80x125xi32, #tpu.memory_space<hbm>> -> memref<1x80x125xi32, #tpu.memory_space<hbm>>
      %dma_start3A_688 = tpu.memref_squeeze %dma_start3A_687 : memref<1x80x125xi32, #tpu.memory_space<hbm>> -> memref<80x125xi32, #tpu.memory_space<hbm>>
      %dma_start3A_689 = arith.constant 0 : i32
      %dma_start3A_690 = arith.constant 0 : i32
      %dma_start3A_691 = tpu.memref_slice %arg3[%add3A, %dma_start3A_689, %dma_start3A_690] : memref<32x80x125xi32, #tpu.memory_space<hbm>> -> memref<1x80x125xi32, #tpu.memory_space<hbm>>
      %dma_start3A_692 = tpu.memref_squeeze %dma_start3A_691 : memref<1x80x125xi32, #tpu.memory_space<hbm>> -> memref<80x125xi32, #tpu.memory_space<hbm>>
      tpu.enqueue_dma source(%dma_start3A_692 : memref<80x125xi32, #tpu.memory_space<hbm>>) target(%arg6 : memref<80x125xi32, #tpu.memory_space<vmem>>) target_semaphore(%run_scoped3A : memref<!tpu.dma_semaphore, #tpu.memory_space<semaphore_mem>>)
      %dma_wait3A_693 = arith.constant 0 : i32
      %dma_wait3A_694 = arith.constant 0 : i32
      %dma_wait3A_695 = tpu.memref_slice %arg3[%add3A, %dma_wait3A_693, %dma_wait3A_694] : memref<32x80x125xi32, #tpu.memory_space<hbm>> -> memref<1x80x125xi32, #tpu.memory_space<hbm>>
      %dma_wait3A_696 = tpu.memref_squeeze %dma_wait3A_695 : memref<1x80x125xi32, #tpu.memory_space<hbm>> -> memref<80x125xi32, #tpu.memory_space<hbm>>
      %dma_wait3A_697 = arith.constant 0 : i32
      %dma_wait3A_698 = arith.constant 0 : i32
      %dma_wait3A_699 = tpu.memref_slice %arg3[%add3A, %dma_wait3A_697, %dma_wait3A_698] : memref<32x80x125xi32, #tpu.memory_space<hbm>> -> memref<1x80x125xi32, #tpu.memory_space<hbm>>
      %dma_wait3A_700 = tpu.memref_squeeze %dma_wait3A_699 : memref<1x80x125xi32, #tpu.memory_space<hbm>> -> memref<80x125xi32, #tpu.memory_space<hbm>>
      tpu.wait_dma2 semaphore(%run_scoped3A : memref<!tpu.dma_semaphore, #tpu.memory_space<semaphore_mem>>) src(%dma_wait3A_700 : memref<80x125xi32, #tpu.memory_space<hbm>>) dst(%arg6 : memref<80x125xi32, #tpu.memory_space<vmem>>)
      tpu.yield
    }) : () -> ()
    "tpu.region"() ({
      %run_scoped3A = tpu.sem_alloc : memref<!tpu.dma_semaphore, #tpu.memory_space<semaphore_mem>>
      %dma_start3A_685 = arith.constant 0 : i32
      %dma_start3A_686 = arith.constant 0 : i32
      %dma_start3A_687 = tpu.memref_slice %arg4[%add3A, %dma_start3A_685, %dma_start3A_686] : memref<32x80x125xi32, #tpu.memory_space<hbm>> -> memref<1x80x125xi32, #tpu.memory_space<hbm>>
      %dma_start3A_688 = tpu.memref_squeeze %dma_start3A_687 : memref<1x80x125xi32, #tpu.memory_space<hbm>> -> memref<80x125xi32, #tpu.memory_space<hbm>>
      %dma_start3A_689 = arith.constant 0 : i32
      %dma_start3A_690 = arith.constant 0 : i32
      %dma_start3A_691 = tpu.memref_slice %arg4[%add3A, %dma_start3A_689, %dma_start3A_690] : memref<32x80x125xi32, #tpu.memory_space<hbm>> -> memref<1x80x125xi32, #tpu.memory_space<hbm>>
      %dma_start3A_692 = tpu.memref_squeeze %dma_start3A_691 : memref<1x80x125xi32, #tpu.memory_space<hbm>> -> memref<80x125xi32, #tpu.memory_space<hbm>>
      tpu.enqueue_dma source(%dma_start3A_692 : memref<80x125xi32, #tpu.memory_space<hbm>>) target(%arg7 : memref<80x125xi32, #tpu.memory_space<vmem>>) target_semaphore(%run_scoped3A : memref<!tpu.dma_semaphore, #tpu.memory_space<semaphore_mem>>)
      %dma_wait3A_693 = arith.constant 0 : i32
      %dma_wait3A_694 = arith.constant 0 : i32
      %dma_wait3A_695 = tpu.memref_slice %arg4[%add3A, %dma_wait3A_693, %dma_wait3A_694] : memref<32x80x125xi32, #tpu.memory_space<hbm>> -> memref<1x80x125xi32, #tpu.memory_space<hbm>>
      %dma_wait3A_696 = tpu.memref_squeeze %dma_wait3A_695 : memref<1x80x125xi32, #tpu.memory_space<hbm>> -> memref<80x125xi32, #tpu.memory_space<hbm>>
      %dma_wait3A_697 = arith.constant 0 : i32
      %dma_wait3A_698 = arith.constant 0 : i32
      %dma_wait3A_699 = tpu.memref_slice %arg4[%add3A, %dma_wait3A_697, %dma_wait3A_698] : memref<32x80x125xi32, #tpu.memory_space<hbm>> -> memref<1x80x125xi32, #tpu.memory_space<hbm>>
      %dma_wait3A_700 = tpu.memref_squeeze %dma_wait3A_699 : memref<1x80x125xi32, #tpu.memory_space<hbm>> -> memref<80x125xi32, #tpu.memory_space<hbm>>
      tpu.wait_dma2 semaphore(%run_scoped3A : memref<!tpu.dma_semaphore, #tpu.memory_space<semaphore_mem>>) src(%dma_wait3A_700 : memref<80x125xi32, #tpu.memory_space<hbm>>) dst(%arg7 : memref<80x125xi32, #tpu.memory_space<vmem>>)
      tpu.yield
    }) : () -> ()
    %barrier3A = arith.constant 0 : index
    tpu.barrier barrier_id(%barrier3A)
    %dma_start3A = arith.constant 0 : i32
    %dma_start3A_455 = arith.constant 0 : i32
    %dma_start3A_456 = tpu.memref_slice %arg6[%dma_start3A, %dma_start3A_455] : memref<80x125xi32, #tpu.memory_space<vmem>> -> memref<1x125xi32, #tpu.memory_space<vmem>>
    %dma_start3A_457 = tpu.memref_squeeze %dma_start3A_456 : memref<1x125xi32, #tpu.memory_space<vmem>> -> memref<125xi32, #tpu.memory_space<vmem>>
    %dma_start3A_458 = arith.constant 0 : i32
    %dma_start3A_459 = arith.constant 0 : i32
    %dma_start3A_460 = tpu.memref_slice %arg2[%dma_start3A_458, %dma_start3A_459] : memref<10000x48xf32, #tpu.memory_space<hbm>> -> memref<10000x48xf32, #tpu.memory_space<hbm>>
    tpu.enqueue_indirect_dma source(%dma_start3A_460 : memref<10000x48xf32, #tpu.memory_space<hbm>>) target(%arg8 : memref<125x48xf32, #tpu.memory_space<vmem>>) offsets(%dma_start3A_457 : memref<125xi32, #tpu.memory_space<vmem>>) semaphore(%arg18 : memref<!tpu.dma_semaphore, #tpu.memory_space<semaphore_mem>>)
    %dma_start3A_461 = arith.constant 1 : i32
    %dma_start3A_462 = arith.constant 0 : i32
    %dma_start3A_463 = tpu.memref_slice %arg6[%dma_start3A_461, %dma_start3A_462] : memref<80x125xi32, #tpu.memory_space<vmem>> -> memref<1x125xi32, #tpu.memory_space<vmem>>
    %dma_start3A_464 = tpu.memref_squeeze %dma_start3A_463 : memref<1x125xi32, #tpu.memory_space<vmem>> -> memref<125xi32, #tpu.memory_space<vmem>>
    %dma_start3A_465 = arith.constant 0 : i32
    %dma_start3A_466 = arith.constant 0 : i32
    %dma_start3A_467 = tpu.memref_slice %arg2[%dma_start3A_465, %dma_start3A_466] : memref<10000x48xf32, #tpu.memory_space<hbm>> -> memref<10000x48xf32, #tpu.memory_space<hbm>>
    tpu.enqueue_indirect_dma source(%dma_start3A_467 : memref<10000x48xf32, #tpu.memory_space<hbm>>) target(%arg9 : memref<125x48xf32, #tpu.memory_space<vmem>>) offsets(%dma_start3A_464 : memref<125xi32, #tpu.memory_space<vmem>>) semaphore(%arg18 : memref<!tpu.dma_semaphore, #tpu.memory_space<semaphore_mem>>)
    %dma_start3A_468 = arith.constant 2 : i32
    %dma_start3A_469 = arith.constant 0 : i32
    %dma_start3A_470 = tpu.memref_slice %arg6[%dma_start3A_468, %dma_start3A_469] : memref<80x125xi32, #tpu.memory_space<vmem>> -> memref<1x125xi32, #tpu.memory_space<vmem>>
    %dma_start3A_471 = tpu.memref_squeeze %dma_start3A_470 : memref<1x125xi32, #tpu.memory_space<vmem>> -> memref<125xi32, #tpu.memory_space<vmem>>
    %dma_start3A_472 = arith.constant 0 : i32
    %dma_start3A_473 = arith.constant 0 : i32
    %dma_start3A_474 = tpu.memref_slice %arg2[%dma_start3A_472, %dma_start3A_473] : memref<10000x48xf32, #tpu.memory_space<hbm>> -> memref<10000x48xf32, #tpu.memory_space<hbm>>
    tpu.enqueue_indirect_dma source(%dma_start3A_474 : memref<10000x48xf32, #tpu.memory_space<hbm>>) target(%arg10 : memref<125x48xf32, #tpu.memory_space<vmem>>) offsets(%dma_start3A_471 : memref<125xi32, #tpu.memory_space<vmem>>) semaphore(%arg18 : memref<!tpu.dma_semaphore, #tpu.memory_space<semaphore_mem>>)
    %dma_start3A_475 = arith.constant 3 : i32
    %dma_start3A_476 = arith.constant 0 : i32
    %dma_start3A_477 = tpu.memref_slice %arg6[%dma_start3A_475, %dma_start3A_476] : memref<80x125xi32, #tpu.memory_space<vmem>> -> memref<1x125xi32, #tpu.memory_space<vmem>>
    %dma_start3A_478 = tpu.memref_squeeze %dma_start3A_477 : memref<1x125xi32, #tpu.memory_space<vmem>> -> memref<125xi32, #tpu.memory_space<vmem>>
    %dma_start3A_479 = arith.constant 0 : i32
    %dma_start3A_480 = arith.constant 0 : i32
    %dma_start3A_481 = tpu.memref_slice %arg2[%dma_start3A_479, %dma_start3A_480] : memref<10000x48xf32, #tpu.memory_space<hbm>> -> memref<10000x48xf32, #tpu.memory_space<hbm>>
    tpu.enqueue_indirect_dma source(%dma_start3A_481 : memref<10000x48xf32, #tpu.memory_space<hbm>>) target(%arg11 : memref<125x48xf32, #tpu.memory_space<vmem>>) offsets(%dma_start3A_478 : memref<125xi32, #tpu.memory_space<vmem>>) semaphore(%arg18 : memref<!tpu.dma_semaphore, #tpu.memory_space<semaphore_mem>>)
    %dma_start3A_482 = arith.constant 4 : i32
    %dma_start3A_483 = arith.constant 0 : i32
    %dma_start3A_484 = tpu.memref_slice %arg6[%dma_start3A_482, %dma_start3A_483] : memref<80x125xi32, #tpu.memory_space<vmem>> -> memref<1x125xi32, #tpu.memory_space<vmem>>
    %dma_start3A_485 = tpu.memref_squeeze %dma_start3A_484 : memref<1x125xi32, #tpu.memory_space<vmem>> -> memref<125xi32, #tpu.memory_space<vmem>>
    %dma_start3A_486 = arith.constant 0 : i32
    %dma_start3A_487 = arith.constant 0 : i32
    %dma_start3A_488 = tpu.memref_slice %arg2[%dma_start3A_486, %dma_start3A_487] : memref<10000x48xf32, #tpu.memory_space<hbm>> -> memref<10000x48xf32, #tpu.memory_space<hbm>>
    tpu.enqueue_indirect_dma source(%dma_start3A_488 : memref<10000x48xf32, #tpu.memory_space<hbm>>) target(%arg12 : memref<125x48xf32, #tpu.memory_space<vmem>>) offsets(%dma_start3A_485 : memref<125xi32, #tpu.memory_space<vmem>>) semaphore(%arg19 : memref<!tpu.dma_semaphore, #tpu.memory_space<semaphore_mem>>)
    %dma_start3A_489 = arith.constant 5 : i32
    %dma_start3A_490 = arith.constant 0 : i32
    %dma_start3A_491 = tpu.memref_slice %arg6[%dma_start3A_489, %dma_start3A_490] : memref<80x125xi32, #tpu.memory_space<vmem>> -> memref<1x125xi32, #tpu.memory_space<vmem>>
    %dma_start3A_492 = tpu.memref_squeeze %dma_start3A_491 : memref<1x125xi32, #tpu.memory_space<vmem>> -> memref<125xi32, #tpu.memory_space<vmem>>
    %dma_start3A_493 = arith.constant 0 : i32
    %dma_start3A_494 = arith.constant 0 : i32
    %dma_start3A_495 = tpu.memref_slice %arg2[%dma_start3A_493, %dma_start3A_494] : memref<10000x48xf32, #tpu.memory_space<hbm>> -> memref<10000x48xf32, #tpu.memory_space<hbm>>
    tpu.enqueue_indirect_dma source(%dma_start3A_495 : memref<10000x48xf32, #tpu.memory_space<hbm>>) target(%arg13 : memref<125x48xf32, #tpu.memory_space<vmem>>) offsets(%dma_start3A_492 : memref<125xi32, #tpu.memory_space<vmem>>) semaphore(%arg19 : memref<!tpu.dma_semaphore, #tpu.memory_space<semaphore_mem>>)
    %dma_start3A_496 = arith.constant 6 : i32
    %dma_start3A_497 = arith.constant 0 : i32
    %dma_start3A_498 = tpu.memref_slice %arg6[%dma_start3A_496, %dma_start3A_497] : memref<80x125xi32, #tpu.memory_space<vmem>> -> memref<1x125xi32, #tpu.memory_space<vmem>>
    %dma_start3A_499 = tpu.memref_squeeze %dma_start3A_498 : memref<1x125xi32, #tpu.memory_space<vmem>> -> memref<125xi32, #tpu.memory_space<vmem>>
    %dma_start3A_500 = arith.constant 0 : i32
    %dma_start3A_501 = arith.constant 0 : i32
    %dma_start3A_502 = tpu.memref_slice %arg2[%dma_start3A_500, %dma_start3A_501] : memref<10000x48xf32, #tpu.memory_space<hbm>> -> memref<10000x48xf32, #tpu.memory_space<hbm>>
    tpu.enqueue_indirect_dma source(%dma_start3A_502 : memref<10000x48xf32, #tpu.memory_space<hbm>>) target(%arg14 : memref<125x48xf32, #tpu.memory_space<vmem>>) offsets(%dma_start3A_499 : memref<125xi32, #tpu.memory_space<vmem>>) semaphore(%arg19 : memref<!tpu.dma_semaphore, #tpu.memory_space<semaphore_mem>>)
    %dma_start3A_503 = arith.constant 7 : i32
    %dma_start3A_504 = arith.constant 0 : i32
    %dma_start3A_505 = tpu.memref_slice %arg6[%dma_start3A_503, %dma_start3A_504] : memref<80x125xi32, #tpu.memory_space<vmem>> -> memref<1x125xi32, #tpu.memory_space<vmem>>
    %dma_start3A_506 = tpu.memref_squeeze %dma_start3A_505 : memref<1x125xi32, #tpu.memory_space<vmem>> -> memref<125xi32, #tpu.memory_space<vmem>>
    %dma_start3A_507 = arith.constant 0 : i32
    %dma_start3A_508 = arith.constant 0 : i32
    %dma_start3A_509 = tpu.memref_slice %arg2[%dma_start3A_507, %dma_start3A_508] : memref<10000x48xf32, #tpu.memory_space<hbm>> -> memref<10000x48xf32, #tpu.memory_space<hbm>>
    tpu.enqueue_indirect_dma source(%dma_start3A_509 : memref<10000x48xf32, #tpu.memory_space<hbm>>) target(%arg15 : memref<125x48xf32, #tpu.memory_space<vmem>>) offsets(%dma_start3A_506 : memref<125xi32, #tpu.memory_space<vmem>>) semaphore(%arg19 : memref<!tpu.dma_semaphore, #tpu.memory_space<semaphore_mem>>)
    %dma_wait3A = arith.constant 0 : i32
    %dma_wait3A_510 = arith.constant 0 : i32
    %dma_wait3A_511 = tpu.memref_slice %arg6[%dma_wait3A, %dma_wait3A_510] : memref<80x125xi32, #tpu.memory_space<vmem>> -> memref<1x125xi32, #tpu.memory_space<vmem>>
    %dma_wait3A_512 = tpu.memref_squeeze %dma_wait3A_511 : memref<1x125xi32, #tpu.memory_space<vmem>> -> memref<125xi32, #tpu.memory_space<vmem>>
    %dma_wait3A_513 = arith.constant 0 : i32
    %dma_wait3A_514 = arith.constant 0 : i32
    %dma_wait3A_515 = tpu.memref_slice %arg2[%dma_wait3A_513, %dma_wait3A_514] : memref<10000x48xf32, #tpu.memory_space<hbm>> -> memref<10000x48xf32, #tpu.memory_space<hbm>>
    tpu.wait_indirect_dma semaphore(%arg18 : memref<!tpu.dma_semaphore, #tpu.memory_space<semaphore_mem>>) src(%dma_wait3A_515 : memref<10000x48xf32, #tpu.memory_space<hbm>>) dst(%arg8 : memref<125x48xf32, #tpu.memory_space<vmem>>)
    %dma_wait3A_516 = arith.constant 1 : i32
    %dma_wait3A_517 = arith.constant 0 : i32
    %dma_wait3A_518 = tpu.memref_slice %arg6[%dma_wait3A_516, %dma_wait3A_517] : memref<80x125xi32, #tpu.memory_space<vmem>> -> memref<1x125xi32, #tpu.memory_space<vmem>>
    %dma_wait3A_519 = tpu.memref_squeeze %dma_wait3A_518 : memref<1x125xi32, #tpu.memory_space<vmem>> -> memref<125xi32, #tpu.memory_space<vmem>>
    %dma_wait3A_520 = arith.constant 0 : i32
    %dma_wait3A_521 = arith.constant 0 : i32
    %dma_wait3A_522 = tpu.memref_slice %arg2[%dma_wait3A_520, %dma_wait3A_521] : memref<10000x48xf32, #tpu.memory_space<hbm>> -> memref<10000x48xf32, #tpu.memory_space<hbm>>
    tpu.wait_indirect_dma semaphore(%arg18 : memref<!tpu.dma_semaphore, #tpu.memory_space<semaphore_mem>>) src(%dma_wait3A_522 : memref<10000x48xf32, #tpu.memory_space<hbm>>) dst(%arg9 : memref<125x48xf32, #tpu.memory_space<vmem>>)
    %dma_wait3A_523 = arith.constant 2 : i32
    %dma_wait3A_524 = arith.constant 0 : i32
    %dma_wait3A_525 = tpu.memref_slice %arg6[%dma_wait3A_523, %dma_wait3A_524] : memref<80x125xi32, #tpu.memory_space<vmem>> -> memref<1x125xi32, #tpu.memory_space<vmem>>
    %dma_wait3A_526 = tpu.memref_squeeze %dma_wait3A_525 : memref<1x125xi32, #tpu.memory_space<vmem>> -> memref<125xi32, #tpu.memory_space<vmem>>
    %dma_wait3A_527 = arith.constant 0 : i32
    %dma_wait3A_528 = arith.constant 0 : i32
    %dma_wait3A_529 = tpu.memref_slice %arg2[%dma_wait3A_527, %dma_wait3A_528] : memref<10000x48xf32, #tpu.memory_space<hbm>> -> memref<10000x48xf32, #tpu.memory_space<hbm>>
    tpu.wait_indirect_dma semaphore(%arg18 : memref<!tpu.dma_semaphore, #tpu.memory_space<semaphore_mem>>) src(%dma_wait3A_529 : memref<10000x48xf32, #tpu.memory_space<hbm>>) dst(%arg10 : memref<125x48xf32, #tpu.memory_space<vmem>>)
    %dma_wait3A_530 = arith.constant 3 : i32
    %dma_wait3A_531 = arith.constant 0 : i32
    %dma_wait3A_532 = tpu.memref_slice %arg6[%dma_wait3A_530, %dma_wait3A_531] : memref<80x125xi32, #tpu.memory_space<vmem>> -> memref<1x125xi32, #tpu.memory_space<vmem>>
    %dma_wait3A_533 = tpu.memref_squeeze %dma_wait3A_532 : memref<1x125xi32, #tpu.memory_space<vmem>> -> memref<125xi32, #tpu.memory_space<vmem>>
    %dma_wait3A_534 = arith.constant 0 : i32
    %dma_wait3A_535 = arith.constant 0 : i32
    %dma_wait3A_536 = tpu.memref_slice %arg2[%dma_wait3A_534, %dma_wait3A_535] : memref<10000x48xf32, #tpu.memory_space<hbm>> -> memref<10000x48xf32, #tpu.memory_space<hbm>>
    tpu.wait_indirect_dma semaphore(%arg18 : memref<!tpu.dma_semaphore, #tpu.memory_space<semaphore_mem>>) src(%dma_wait3A_536 : memref<10000x48xf32, #tpu.memory_space<hbm>>) dst(%arg11 : memref<125x48xf32, #tpu.memory_space<vmem>>)
    %dma_start3A_537 = arith.constant 0 : i32
    %dma_start3A_538 = arith.constant 0 : i32
    %dma_start3A_539 = tpu.memref_slice %arg7[%dma_start3A_537, %dma_start3A_538] : memref<80x125xi32, #tpu.memory_space<vmem>> -> memref<1x125xi32, #tpu.memory_space<vmem>>
    %dma_start3A_540 = tpu.memref_squeeze %dma_start3A_539 : memref<1x125xi32, #tpu.memory_space<vmem>> -> memref<125xi32, #tpu.memory_space<vmem>>
    %dma_start3A_541 = arith.constant 0 : i32
    %dma_start3A_542 = arith.constant 0 : i32
    %dma_start3A_543 = tpu.memref_slice %arg17[%dma_start3A_541, %dma_start3A_542] : memref<10000x48xf32, #tpu.memory_space<vmem_shared>> -> memref<10000x48xf32, #tpu.memory_space<vmem_shared>>
    tpu.enqueue_indirect_dma source(%arg8 : memref<125x48xf32, #tpu.memory_space<vmem>>) target(%dma_start3A_543 : memref<10000x48xf32, #tpu.memory_space<vmem_shared>>) offsets(%dma_start3A_540 : memref<125xi32, #tpu.memory_space<vmem>>) semaphore(%arg20 : memref<!tpu.dma_semaphore, #tpu.memory_space<semaphore_mem>>) {add = true}
    %dma_start3A_544 = arith.constant 1 : i32
    %dma_start3A_545 = arith.constant 0 : i32
    %dma_start3A_546 = tpu.memref_slice %arg7[%dma_start3A_544, %dma_start3A_545] : memref<80x125xi32, #tpu.memory_space<vmem>> -> memref<1x125xi32, #tpu.memory_space<vmem>>
    %dma_start3A_547 = tpu.memref_squeeze %dma_start3A_546 : memref<1x125xi32, #tpu.memory_space<vmem>> -> memref<125xi32, #tpu.memory_space<vmem>>
    %dma_start3A_548 = arith.constant 0 : i32
    %dma_start3A_549 = arith.constant 0 : i32
    %dma_start3A_550 = tpu.memref_slice %arg17[%dma_start3A_548, %dma_start3A_549] : memref<10000x48xf32, #tpu.memory_space<vmem_shared>> -> memref<10000x48xf32, #tpu.memory_space<vmem_shared>>
    tpu.enqueue_indirect_dma source(%arg9 : memref<125x48xf32, #tpu.memory_space<vmem>>) target(%dma_start3A_550 : memref<10000x48xf32, #tpu.memory_space<vmem_shared>>) offsets(%dma_start3A_547 : memref<125xi32, #tpu.memory_space<vmem>>) semaphore(%arg20 : memref<!tpu.dma_semaphore, #tpu.memory_space<semaphore_mem>>) {add = true}
    %dma_start3A_551 = arith.constant 2 : i32
    %dma_start3A_552 = arith.constant 0 : i32
    %dma_start3A_553 = tpu.memref_slice %arg7[%dma_start3A_551, %dma_start3A_552] : memref<80x125xi32, #tpu.memory_space<vmem>> -> memref<1x125xi32, #tpu.memory_space<vmem>>
    %dma_start3A_554 = tpu.memref_squeeze %dma_start3A_553 : memref<1x125xi32, #tpu.memory_space<vmem>> -> memref<125xi32, #tpu.memory_space<vmem>>
    %dma_start3A_555 = arith.constant 0 : i32
    %dma_start3A_556 = arith.constant 0 : i32
    %dma_start3A_557 = tpu.memref_slice %arg17[%dma_start3A_555, %dma_start3A_556] : memref<10000x48xf32, #tpu.memory_space<vmem_shared>> -> memref<10000x48xf32, #tpu.memory_space<vmem_shared>>
    tpu.enqueue_indirect_dma source(%arg10 : memref<125x48xf32, #tpu.memory_space<vmem>>) target(%dma_start3A_557 : memref<10000x48xf32, #tpu.memory_space<vmem_shared>>) offsets(%dma_start3A_554 : memref<125xi32, #tpu.memory_space<vmem>>) semaphore(%arg20 : memref<!tpu.dma_semaphore, #tpu.memory_space<semaphore_mem>>) {add = true}
    %dma_start3A_558 = arith.constant 3 : i32
    %dma_start3A_559 = arith.constant 0 : i32
    %dma_start3A_560 = tpu.memref_slice %arg7[%dma_start3A_558, %dma_start3A_559] : memref<80x125xi32, #tpu.memory_space<vmem>> -> memref<1x125xi32, #tpu.memory_space<vmem>>
    %dma_start3A_561 = tpu.memref_squeeze %dma_start3A_560 : memref<1x125xi32, #tpu.memory_space<vmem>> -> memref<125xi32, #tpu.memory_space<vmem>>
    %dma_start3A_562 = arith.constant 0 : i32
    %dma_start3A_563 = arith.constant 0 : i32
    %dma_start3A_564 = tpu.memref_slice %arg17[%dma_start3A_562, %dma_start3A_563] : memref<10000x48xf32, #tpu.memory_space<vmem_shared>> -> memref<10000x48xf32, #tpu.memory_space<vmem_shared>>
    tpu.enqueue_indirect_dma source(%arg11 : memref<125x48xf32, #tpu.memory_space<vmem>>) target(%dma_start3A_564 : memref<10000x48xf32, #tpu.memory_space<vmem_shared>>) offsets(%dma_start3A_561 : memref<125xi32, #tpu.memory_space<vmem>>) semaphore(%arg20 : memref<!tpu.dma_semaphore, #tpu.memory_space<semaphore_mem>>) {add = true}
    %scan3A_565 = arith.constant 0 : i32
    %scan3A_566 = arith.constant 9 : i32
    %scan3A_567 = arith.addi %scan3A_565, %scan3A_566 : i32
    %scan3A_568 = arith.constant 1 : i32
    scf.for %scan3A_685 = %scan3A_565 to %scan3A_567 step %scan3A_568  : i32 {
      %mul3A_686 = arith.constant 2 : i32
      %mul3A_687 = arith.muli %mul3A_686, %scan3A_685 : i32
      %add3A_688 = arith.constant 1 : i32
      %add3A_689 = arith.addi %mul3A_687, %add3A_688 : i32
      %sub3A = arith.constant 1 : i32
      %sub3A_690 = arith.subi %add3A_689, %sub3A : i32
      %mul3A_691 = arith.constant 4 : i32
      %mul3A_692 = arith.muli %sub3A_690, %mul3A_691 : i32
      %add3A_693 = arith.constant 0 : i32
      %add3A_694 = arith.addi %mul3A_692, %add3A_693 : i32
      %dma_wait3A_695 = arith.constant 0 : i32
      %dma_wait3A_696 = tpu.memref_slice %arg7[%add3A_694, %dma_wait3A_695] : memref<80x125xi32, #tpu.memory_space<vmem>> -> memref<1x125xi32, #tpu.memory_space<vmem>>
      %dma_wait3A_697 = tpu.memref_squeeze %dma_wait3A_696 : memref<1x125xi32, #tpu.memory_space<vmem>> -> memref<125xi32, #tpu.memory_space<vmem>>
      %dma_wait3A_698 = arith.constant 0 : i32
      %dma_wait3A_699 = arith.constant 0 : i32
      %dma_wait3A_700 = tpu.memref_slice %arg17[%dma_wait3A_698, %dma_wait3A_699] : memref<10000x48xf32, #tpu.memory_space<vmem_shared>> -> memref<10000x48xf32, #tpu.memory_space<vmem_shared>>
      tpu.wait_indirect_dma semaphore(%arg20 : memref<!tpu.dma_semaphore, #tpu.memory_space<semaphore_mem>>) src(%arg8 : memref<125x48xf32, #tpu.memory_space<vmem>>) dst(%dma_wait3A_700 : memref<10000x48xf32, #tpu.memory_space<vmem_shared>>)
      %mul3A_701 = arith.constant 4 : i32
      %mul3A_702 = arith.muli %sub3A_690, %mul3A_701 : i32
      %add3A_703 = arith.constant 1 : i32
      %add3A_704 = arith.addi %mul3A_702, %add3A_703 : i32
      %dma_wait3A_705 = arith.constant 0 : i32
      %dma_wait3A_706 = tpu.memref_slice %arg7[%add3A_704, %dma_wait3A_705] : memref<80x125xi32, #tpu.memory_space<vmem>> -> memref<1x125xi32, #tpu.memory_space<vmem>>
      %dma_wait3A_707 = tpu.memref_squeeze %dma_wait3A_706 : memref<1x125xi32, #tpu.memory_space<vmem>> -> memref<125xi32, #tpu.memory_space<vmem>>
      %dma_wait3A_708 = arith.constant 0 : i32
      %dma_wait3A_709 = arith.constant 0 : i32
      %dma_wait3A_710 = tpu.memref_slice %arg17[%dma_wait3A_708, %dma_wait3A_709] : memref<10000x48xf32, #tpu.memory_space<vmem_shared>> -> memref<10000x48xf32, #tpu.memory_space<vmem_shared>>
      tpu.wait_indirect_dma semaphore(%arg20 : memref<!tpu.dma_semaphore, #tpu.memory_space<semaphore_mem>>) src(%arg9 : memref<125x48xf32, #tpu.memory_space<vmem>>) dst(%dma_wait3A_710 : memref<10000x48xf32, #tpu.memory_space<vmem_shared>>)
      %mul3A_711 = arith.constant 4 : i32
      %mul3A_712 = arith.muli %sub3A_690, %mul3A_711 : i32
      %add3A_713 = arith.constant 2 : i32
      %add3A_714 = arith.addi %mul3A_712, %add3A_713 : i32
      %dma_wait3A_715 = arith.constant 0 : i32
      %dma_wait3A_716 = tpu.memref_slice %arg7[%add3A_714, %dma_wait3A_715] : memref<80x125xi32, #tpu.memory_space<vmem>> -> memref<1x125xi32, #tpu.memory_space<vmem>>
      %dma_wait3A_717 = tpu.memref_squeeze %dma_wait3A_716 : memref<1x125xi32, #tpu.memory_space<vmem>> -> memref<125xi32, #tpu.memory_space<vmem>>
      %dma_wait3A_718 = arith.constant 0 : i32
      %dma_wait3A_719 = arith.constant 0 : i32
      %dma_wait3A_720 = tpu.memref_slice %arg17[%dma_wait3A_718, %dma_wait3A_719] : memref<10000x48xf32, #tpu.memory_space<vmem_shared>> -> memref<10000x48xf32, #tpu.memory_space<vmem_shared>>
      tpu.wait_indirect_dma semaphore(%arg20 : memref<!tpu.dma_semaphore, #tpu.memory_space<semaphore_mem>>) src(%arg10 : memref<125x48xf32, #tpu.memory_space<vmem>>) dst(%dma_wait3A_720 : memref<10000x48xf32, #tpu.memory_space<vmem_shared>>)
      %mul3A_721 = arith.constant 4 : i32
      %mul3A_722 = arith.muli %sub3A_690, %mul3A_721 : i32
      %add3A_723 = arith.constant 3 : i32
      %add3A_724 = arith.addi %mul3A_722, %add3A_723 : i32
      %dma_wait3A_725 = arith.constant 0 : i32
      %dma_wait3A_726 = tpu.memref_slice %arg7[%add3A_724, %dma_wait3A_725] : memref<80x125xi32, #tpu.memory_space<vmem>> -> memref<1x125xi32, #tpu.memory_space<vmem>>
      %dma_wait3A_727 = tpu.memref_squeeze %dma_wait3A_726 : memref<1x125xi32, #tpu.memory_space<vmem>> -> memref<125xi32, #tpu.memory_space<vmem>>
      %dma_wait3A_728 = arith.constant 0 : i32
      %dma_wait3A_729 = arith.constant 0 : i32
      %dma_wait3A_730 = tpu.memref_slice %arg17[%dma_wait3A_728, %dma_wait3A_729] : memref<10000x48xf32, #tpu.memory_space<vmem_shared>> -> memref<10000x48xf32, #tpu.memory_space<vmem_shared>>
      tpu.wait_indirect_dma semaphore(%arg20 : memref<!tpu.dma_semaphore, #tpu.memory_space<semaphore_mem>>) src(%arg11 : memref<125x48xf32, #tpu.memory_space<vmem>>) dst(%dma_wait3A_730 : memref<10000x48xf32, #tpu.memory_space<vmem_shared>>)
      %add3A_731 = arith.constant 1 : i32
      %add3A_732 = arith.addi %add3A_689, %add3A_731 : i32
      %mul3A_733 = arith.constant 4 : i32
      %mul3A_734 = arith.muli %add3A_732, %mul3A_733 : i32
      %add3A_735 = arith.constant 0 : i32
      %add3A_736 = arith.addi %mul3A_734, %add3A_735 : i32
      %dma_start3A_737 = arith.constant 0 : i32
      %dma_start3A_738 = tpu.memref_slice %arg6[%add3A_736, %dma_start3A_737] : memref<80x125xi32, #tpu.memory_space<vmem>> -> memref<1x125xi32, #tpu.memory_space<vmem>>
      %dma_start3A_739 = tpu.memref_squeeze %dma_start3A_738 : memref<1x125xi32, #tpu.memory_space<vmem>> -> memref<125xi32, #tpu.memory_space<vmem>>
      %dma_start3A_740 = arith.constant 0 : i32
      %dma_start3A_741 = arith.constant 0 : i32
      %dma_start3A_742 = tpu.memref_slice %arg2[%dma_start3A_740, %dma_start3A_741] : memref<10000x48xf32, #tpu.memory_space<hbm>> -> memref<10000x48xf32, #tpu.memory_space<hbm>>
      tpu.enqueue_indirect_dma source(%dma_start3A_742 : memref<10000x48xf32, #tpu.memory_space<hbm>>) target(%arg8 : memref<125x48xf32, #tpu.memory_space<vmem>>) offsets(%dma_start3A_739 : memref<125xi32, #tpu.memory_space<vmem>>) semaphore(%arg18 : memref<!tpu.dma_semaphore, #tpu.memory_space<semaphore_mem>>)
      %mul3A_743 = arith.constant 4 : i32
      %mul3A_744 = arith.muli %add3A_732, %mul3A_743 : i32
      %add3A_745 = arith.constant 1 : i32
      %add3A_746 = arith.addi %mul3A_744, %add3A_745 : i32
      %dma_start3A_747 = arith.constant 0 : i32
      %dma_start3A_748 = tpu.memref_slice %arg6[%add3A_746, %dma_start3A_747] : memref<80x125xi32, #tpu.memory_space<vmem>> -> memref<1x125xi32, #tpu.memory_space<vmem>>
      %dma_start3A_749 = tpu.memref_squeeze %dma_start3A_748 : memref<1x125xi32, #tpu.memory_space<vmem>> -> memref<125xi32, #tpu.memory_space<vmem>>
      %dma_start3A_750 = arith.constant 0 : i32
      %dma_start3A_751 = arith.constant 0 : i32
      %dma_start3A_752 = tpu.memref_slice %arg2[%dma_start3A_750, %dma_start3A_751] : memref<10000x48xf32, #tpu.memory_space<hbm>> -> memref<10000x48xf32, #tpu.memory_space<hbm>>
      tpu.enqueue_indirect_dma source(%dma_start3A_752 : memref<10000x48xf32, #tpu.memory_space<hbm>>) target(%arg9 : memref<125x48xf32, #tpu.memory_space<vmem>>) offsets(%dma_start3A_749 : memref<125xi32, #tpu.memory_space<vmem>>) semaphore(%arg18 : memref<!tpu.dma_semaphore, #tpu.memory_space<semaphore_mem>>)
      %mul3A_753 = arith.constant 4 : i32
      %mul3A_754 = arith.muli %add3A_732, %mul3A_753 : i32
      %add3A_755 = arith.constant 2 : i32
      %add3A_756 = arith.addi %mul3A_754, %add3A_755 : i32
      %dma_start3A_757 = arith.constant 0 : i32
      %dma_start3A_758 = tpu.memref_slice %arg6[%add3A_756, %dma_start3A_757] : memref<80x125xi32, #tpu.memory_space<vmem>> -> memref<1x125xi32, #tpu.memory_space<vmem>>
      %dma_start3A_759 = tpu.memref_squeeze %dma_start3A_758 : memref<1x125xi32, #tpu.memory_space<vmem>> -> memref<125xi32, #tpu.memory_space<vmem>>
      %dma_start3A_760 = arith.constant 0 : i32
      %dma_start3A_761 = arith.constant 0 : i32
      %dma_start3A_762 = tpu.memref_slice %arg2[%dma_start3A_760, %dma_start3A_761] : memref<10000x48xf32, #tpu.memory_space<hbm>> -> memref<10000x48xf32, #tpu.memory_space<hbm>>
      tpu.enqueue_indirect_dma source(%dma_start3A_762 : memref<10000x48xf32, #tpu.memory_space<hbm>>) target(%arg10 : memref<125x48xf32, #tpu.memory_space<vmem>>) offsets(%dma_start3A_759 : memref<125xi32, #tpu.memory_space<vmem>>) semaphore(%arg18 : memref<!tpu.dma_semaphore, #tpu.memory_space<semaphore_mem>>)
      %mul3A_763 = arith.constant 4 : i32
      %mul3A_764 = arith.muli %add3A_732, %mul3A_763 : i32
      %add3A_765 = arith.constant 3 : i32
      %add3A_766 = arith.addi %mul3A_764, %add3A_765 : i32
      %dma_start3A_767 = arith.constant 0 : i32
      %dma_start3A_768 = tpu.memref_slice %arg6[%add3A_766, %dma_start3A_767] : memref<80x125xi32, #tpu.memory_space<vmem>> -> memref<1x125xi32, #tpu.memory_space<vmem>>
      %dma_start3A_769 = tpu.memref_squeeze %dma_start3A_768 : memref<1x125xi32, #tpu.memory_space<vmem>> -> memref<125xi32, #tpu.memory_space<vmem>>
      %dma_start3A_770 = arith.constant 0 : i32
      %dma_start3A_771 = arith.constant 0 : i32
      %dma_start3A_772 = tpu.memref_slice %arg2[%dma_start3A_770, %dma_start3A_771] : memref<10000x48xf32, #tpu.memory_space<hbm>> -> memref<10000x48xf32, #tpu.memory_space<hbm>>
      tpu.enqueue_indirect_dma source(%dma_start3A_772 : memref<10000x48xf32, #tpu.memory_space<hbm>>) target(%arg11 : memref<125x48xf32, #tpu.memory_space<vmem>>) offsets(%dma_start3A_769 : memref<125xi32, #tpu.memory_space<vmem>>) semaphore(%arg18 : memref<!tpu.dma_semaphore, #tpu.memory_space<semaphore_mem>>)
      %mul3A_773 = arith.constant 4 : i32
      %mul3A_774 = arith.muli %add3A_689, %mul3A_773 : i32
      %add3A_775 = arith.constant 0 : i32
      %add3A_776 = arith.addi %mul3A_774, %add3A_775 : i32
      %dma_wait3A_777 = arith.constant 0 : i32
      %dma_wait3A_778 = tpu.memref_slice %arg6[%add3A_776, %dma_wait3A_777] : memref<80x125xi32, #tpu.memory_space<vmem>> -> memref<1x125xi32, #tpu.memory_space<vmem>>
      %dma_wait3A_779 = tpu.memref_squeeze %dma_wait3A_778 : memref<1x125xi32, #tpu.memory_space<vmem>> -> memref<125xi32, #tpu.memory_space<vmem>>
      %dma_wait3A_780 = arith.constant 0 : i32
      %dma_wait3A_781 = arith.constant 0 : i32
      %dma_wait3A_782 = tpu.memref_slice %arg2[%dma_wait3A_780, %dma_wait3A_781] : memref<10000x48xf32, #tpu.memory_space<hbm>> -> memref<10000x48xf32, #tpu.memory_space<hbm>>
      tpu.wait_indirect_dma semaphore(%arg19 : memref<!tpu.dma_semaphore, #tpu.memory_space<semaphore_mem>>) src(%dma_wait3A_782 : memref<10000x48xf32, #tpu.memory_space<hbm>>) dst(%arg12 : memref<125x48xf32, #tpu.memory_space<vmem>>)
      %mul3A_783 = arith.constant 4 : i32
      %mul3A_784 = arith.muli %add3A_689, %mul3A_783 : i32
      %add3A_785 = arith.constant 1 : i32
      %add3A_786 = arith.addi %mul3A_784, %add3A_785 : i32
      %dma_wait3A_787 = arith.constant 0 : i32
      %dma_wait3A_788 = tpu.memref_slice %arg6[%add3A_786, %dma_wait3A_787] : memref<80x125xi32, #tpu.memory_space<vmem>> -> memref<1x125xi32, #tpu.memory_space<vmem>>
      %dma_wait3A_789 = tpu.memref_squeeze %dma_wait3A_788 : memref<1x125xi32, #tpu.memory_space<vmem>> -> memref<125xi32, #tpu.memory_space<vmem>>
      %dma_wait3A_790 = arith.constant 0 : i32
      %dma_wait3A_791 = arith.constant 0 : i32
      %dma_wait3A_792 = tpu.memref_slice %arg2[%dma_wait3A_790, %dma_wait3A_791] : memref<10000x48xf32, #tpu.memory_space<hbm>> -> memref<10000x48xf32, #tpu.memory_space<hbm>>
      tpu.wait_indirect_dma semaphore(%arg19 : memref<!tpu.dma_semaphore, #tpu.memory_space<semaphore_mem>>) src(%dma_wait3A_792 : memref<10000x48xf32, #tpu.memory_space<hbm>>) dst(%arg13 : memref<125x48xf32, #tpu.memory_space<vmem>>)
      %mul3A_793 = arith.constant 4 : i32
      %mul3A_794 = arith.muli %add3A_689, %mul3A_793 : i32
      %add3A_795 = arith.constant 2 : i32
      %add3A_796 = arith.addi %mul3A_794, %add3A_795 : i32
      %dma_wait3A_797 = arith.constant 0 : i32
      %dma_wait3A_798 = tpu.memref_slice %arg6[%add3A_796, %dma_wait3A_797] : memref<80x125xi32, #tpu.memory_space<vmem>> -> memref<1x125xi32, #tpu.memory_space<vmem>>
      %dma_wait3A_799 = tpu.memref_squeeze %dma_wait3A_798 : memref<1x125xi32, #tpu.memory_space<vmem>> -> memref<125xi32, #tpu.memory_space<vmem>>
      %dma_wait3A_800 = arith.constant 0 : i32
      %dma_wait3A_801 = arith.constant 0 : i32
      %dma_wait3A_802 = tpu.memref_slice %arg2[%dma_wait3A_800, %dma_wait3A_801] : memref<10000x48xf32, #tpu.memory_space<hbm>> -> memref<10000x48xf32, #tpu.memory_space<hbm>>
      tpu.wait_indirect_dma semaphore(%arg19 : memref<!tpu.dma_semaphore, #tpu.memory_space<semaphore_mem>>) src(%dma_wait3A_802 : memref<10000x48xf32, #tpu.memory_space<hbm>>) dst(%arg14 : memref<125x48xf32, #tpu.memory_space<vmem>>)
      %mul3A_803 = arith.constant 4 : i32
      %mul3A_804 = arith.muli %add3A_689, %mul3A_803 : i32
      %add3A_805 = arith.constant 3 : i32
      %add3A_806 = arith.addi %mul3A_804, %add3A_805 : i32
      %dma_wait3A_807 = arith.constant 0 : i32
      %dma_wait3A_808 = tpu.memref_slice %arg6[%add3A_806, %dma_wait3A_807] : memref<80x125xi32, #tpu.memory_space<vmem>> -> memref<1x125xi32, #tpu.memory_space<vmem>>
      %dma_wait3A_809 = tpu.memref_squeeze %dma_wait3A_808 : memref<1x125xi32, #tpu.memory_space<vmem>> -> memref<125xi32, #tpu.memory_space<vmem>>
      %dma_wait3A_810 = arith.constant 0 : i32
      %dma_wait3A_811 = arith.constant 0 : i32
      %dma_wait3A_812 = tpu.memref_slice %arg2[%dma_wait3A_810, %dma_wait3A_811] : memref<10000x48xf32, #tpu.memory_space<hbm>> -> memref<10000x48xf32, #tpu.memory_space<hbm>>
      tpu.wait_indirect_dma semaphore(%arg19 : memref<!tpu.dma_semaphore, #tpu.memory_space<semaphore_mem>>) src(%dma_wait3A_812 : memref<10000x48xf32, #tpu.memory_space<hbm>>) dst(%arg15 : memref<125x48xf32, #tpu.memory_space<vmem>>)
      %mul3A_813 = arith.constant 4 : i32
      %mul3A_814 = arith.muli %add3A_689, %mul3A_813 : i32
      %add3A_815 = arith.constant 0 : i32
      %add3A_816 = arith.addi %mul3A_814, %add3A_815 : i32
      %dma_start3A_817 = arith.constant 0 : i32
      %dma_start3A_818 = tpu.memref_slice %arg7[%add3A_816, %dma_start3A_817] : memref<80x125xi32, #tpu.memory_space<vmem>> -> memref<1x125xi32, #tpu.memory_space<vmem>>
      %dma_start3A_819 = tpu.memref_squeeze %dma_start3A_818 : memref<1x125xi32, #tpu.memory_space<vmem>> -> memref<125xi32, #tpu.memory_space<vmem>>
      %dma_start3A_820 = arith.constant 0 : i32
      %dma_start3A_821 = arith.constant 0 : i32
      %dma_start3A_822 = tpu.memref_slice %arg17[%dma_start3A_820, %dma_start3A_821] : memref<10000x48xf32, #tpu.memory_space<vmem_shared>> -> memref<10000x48xf32, #tpu.memory_space<vmem_shared>>
      tpu.enqueue_indirect_dma source(%arg12 : memref<125x48xf32, #tpu.memory_space<vmem>>) target(%dma_start3A_822 : memref<10000x48xf32, #tpu.memory_space<vmem_shared>>) offsets(%dma_start3A_819 : memref<125xi32, #tpu.memory_space<vmem>>) semaphore(%arg21 : memref<!tpu.dma_semaphore, #tpu.memory_space<semaphore_mem>>) {add = true}
      %mul3A_823 = arith.constant 4 : i32
      %mul3A_824 = arith.muli %add3A_689, %mul3A_823 : i32
      %add3A_825 = arith.constant 1 : i32
      %add3A_826 = arith.addi %mul3A_824, %add3A_825 : i32
      %dma_start3A_827 = arith.constant 0 : i32
      %dma_start3A_828 = tpu.memref_slice %arg7[%add3A_826, %dma_start3A_827] : memref<80x125xi32, #tpu.memory_space<vmem>> -> memref<1x125xi32, #tpu.memory_space<vmem>>
      %dma_start3A_829 = tpu.memref_squeeze %dma_start3A_828 : memref<1x125xi32, #tpu.memory_space<vmem>> -> memref<125xi32, #tpu.memory_space<vmem>>
      %dma_start3A_830 = arith.constant 0 : i32
      %dma_start3A_831 = arith.constant 0 : i32
      %dma_start3A_832 = tpu.memref_slice %arg17[%dma_start3A_830, %dma_start3A_831] : memref<10000x48xf32, #tpu.memory_space<vmem_shared>> -> memref<10000x48xf32, #tpu.memory_space<vmem_shared>>
      tpu.enqueue_indirect_dma source(%arg13 : memref<125x48xf32, #tpu.memory_space<vmem>>) target(%dma_start3A_832 : memref<10000x48xf32, #tpu.memory_space<vmem_shared>>) offsets(%dma_start3A_829 : memref<125xi32, #tpu.memory_space<vmem>>) semaphore(%arg21 : memref<!tpu.dma_semaphore, #tpu.memory_space<semaphore_mem>>) {add = true}
      %mul3A_833 = arith.constant 4 : i32
      %mul3A_834 = arith.muli %add3A_689, %mul3A_833 : i32
      %add3A_835 = arith.constant 2 : i32
      %add3A_836 = arith.addi %mul3A_834, %add3A_835 : i32
      %dma_start3A_837 = arith.constant 0 : i32
      %dma_start3A_838 = tpu.memref_slice %arg7[%add3A_836, %dma_start3A_837] : memref<80x125xi32, #tpu.memory_space<vmem>> -> memref<1x125xi32, #tpu.memory_space<vmem>>
      %dma_start3A_839 = tpu.memref_squeeze %dma_start3A_838 : memref<1x125xi32, #tpu.memory_space<vmem>> -> memref<125xi32, #tpu.memory_space<vmem>>
      %dma_start3A_840 = arith.constant 0 : i32
      %dma_start3A_841 = arith.constant 0 : i32
      %dma_start3A_842 = tpu.memref_slice %arg17[%dma_start3A_840, %dma_start3A_841] : memref<10000x48xf32, #tpu.memory_space<vmem_shared>> -> memref<10000x48xf32, #tpu.memory_space<vmem_shared>>
      tpu.enqueue_indirect_dma source(%arg14 : memref<125x48xf32, #tpu.memory_space<vmem>>) target(%dma_start3A_842 : memref<10000x48xf32, #tpu.memory_space<vmem_shared>>) offsets(%dma_start3A_839 : memref<125xi32, #tpu.memory_space<vmem>>) semaphore(%arg21 : memref<!tpu.dma_semaphore, #tpu.memory_space<semaphore_mem>>) {add = true}
      %mul3A_843 = arith.constant 4 : i32
      %mul3A_844 = arith.muli %add3A_689, %mul3A_843 : i32
      %add3A_845 = arith.constant 3 : i32
      %add3A_846 = arith.addi %mul3A_844, %add3A_845 : i32
      %dma_start3A_847 = arith.constant 0 : i32
      %dma_start3A_848 = tpu.memref_slice %arg7[%add3A_846, %dma_start3A_847] : memref<80x125xi32, #tpu.memory_space<vmem>> -> memref<1x125xi32, #tpu.memory_space<vmem>>
      %dma_start3A_849 = tpu.memref_squeeze %dma_start3A_848 : memref<1x125xi32, #tpu.memory_space<vmem>> -> memref<125xi32, #tpu.memory_space<vmem>>
      %dma_start3A_850 = arith.constant 0 : i32
      %dma_start3A_851 = arith.constant 0 : i32
      %dma_start3A_852 = tpu.memref_slice %arg17[%dma_start3A_850, %dma_start3A_851] : memref<10000x48xf32, #tpu.memory_space<vmem_shared>> -> memref<10000x48xf32, #tpu.memory_space<vmem_shared>>
      tpu.enqueue_indirect_dma source(%arg15 : memref<125x48xf32, #tpu.memory_space<vmem>>) target(%dma_start3A_852 : memref<10000x48xf32, #tpu.memory_space<vmem_shared>>) offsets(%dma_start3A_849 : memref<125xi32, #tpu.memory_space<vmem>>) semaphore(%arg21 : memref<!tpu.dma_semaphore, #tpu.memory_space<semaphore_mem>>) {add = true}
      %add3A_853 = arith.constant 1 : i32
      %add3A_854 = arith.addi %add3A_689, %add3A_853 : i32
      %sub3A_855 = arith.constant 1 : i32
      %sub3A_856 = arith.subi %add3A_854, %sub3A_855 : i32
      %mul3A_857 = arith.constant 4 : i32
      %mul3A_858 = arith.muli %sub3A_856, %mul3A_857 : i32
      %add3A_859 = arith.constant 0 : i32
      %add3A_860 = arith.addi %mul3A_858, %add3A_859 : i32
      %dma_wait3A_861 = arith.constant 0 : i32
      %dma_wait3A_862 = tpu.memref_slice %arg7[%add3A_860, %dma_wait3A_861] : memref<80x125xi32, #tpu.memory_space<vmem>> -> memref<1x125xi32, #tpu.memory_space<vmem>>
      %dma_wait3A_863 = tpu.memref_squeeze %dma_wait3A_862 : memref<1x125xi32, #tpu.memory_space<vmem>> -> memref<125xi32, #tpu.memory_space<vmem>>
      %dma_wait3A_864 = arith.constant 0 : i32
      %dma_wait3A_865 = arith.constant 0 : i32
      %dma_wait3A_866 = tpu.memref_slice %arg17[%dma_wait3A_864, %dma_wait3A_865] : memref<10000x48xf32, #tpu.memory_space<vmem_shared>> -> memref<10000x48xf32, #tpu.memory_space<vmem_shared>>
      tpu.wait_indirect_dma semaphore(%arg21 : memref<!tpu.dma_semaphore, #tpu.memory_space<semaphore_mem>>) src(%arg12 : memref<125x48xf32, #tpu.memory_space<vmem>>) dst(%dma_wait3A_866 : memref<10000x48xf32, #tpu.memory_space<vmem_shared>>)
      %mul3A_867 = arith.constant 4 : i32
      %mul3A_868 = arith.muli %sub3A_856, %mul3A_867 : i32
      %add3A_869 = arith.constant 1 : i32
      %add3A_870 = arith.addi %mul3A_868, %add3A_869 : i32
      %dma_wait3A_871 = arith.constant 0 : i32
      %dma_wait3A_872 = tpu.memref_slice %arg7[%add3A_870, %dma_wait3A_871] : memref<80x125xi32, #tpu.memory_space<vmem>> -> memref<1x125xi32, #tpu.memory_space<vmem>>
      %dma_wait3A_873 = tpu.memref_squeeze %dma_wait3A_872 : memref<1x125xi32, #tpu.memory_space<vmem>> -> memref<125xi32, #tpu.memory_space<vmem>>
      %dma_wait3A_874 = arith.constant 0 : i32
      %dma_wait3A_875 = arith.constant 0 : i32
      %dma_wait3A_876 = tpu.memref_slice %arg17[%dma_wait3A_874, %dma_wait3A_875] : memref<10000x48xf32, #tpu.memory_space<vmem_shared>> -> memref<10000x48xf32, #tpu.memory_space<vmem_shared>>
      tpu.wait_indirect_dma semaphore(%arg21 : memref<!tpu.dma_semaphore, #tpu.memory_space<semaphore_mem>>) src(%arg13 : memref<125x48xf32, #tpu.memory_space<vmem>>) dst(%dma_wait3A_876 : memref<10000x48xf32, #tpu.memory_space<vmem_shared>>)
      %mul3A_877 = arith.constant 4 : i32
      %mul3A_878 = arith.muli %sub3A_856, %mul3A_877 : i32
      %add3A_879 = arith.constant 2 : i32
      %add3A_880 = arith.addi %mul3A_878, %add3A_879 : i32
      %dma_wait3A_881 = arith.constant 0 : i32
      %dma_wait3A_882 = tpu.memref_slice %arg7[%add3A_880, %dma_wait3A_881] : memref<80x125xi32, #tpu.memory_space<vmem>> -> memref<1x125xi32, #tpu.memory_space<vmem>>
      %dma_wait3A_883 = tpu.memref_squeeze %dma_wait3A_882 : memref<1x125xi32, #tpu.memory_space<vmem>> -> memref<125xi32, #tpu.memory_space<vmem>>
      %dma_wait3A_884 = arith.constant 0 : i32
      %dma_wait3A_885 = arith.constant 0 : i32
      %dma_wait3A_886 = tpu.memref_slice %arg17[%dma_wait3A_884, %dma_wait3A_885] : memref<10000x48xf32, #tpu.memory_space<vmem_shared>> -> memref<10000x48xf32, #tpu.memory_space<vmem_shared>>
      tpu.wait_indirect_dma semaphore(%arg21 : memref<!tpu.dma_semaphore, #tpu.memory_space<semaphore_mem>>) src(%arg14 : memref<125x48xf32, #tpu.memory_space<vmem>>) dst(%dma_wait3A_886 : memref<10000x48xf32, #tpu.memory_space<vmem_shared>>)
      %mul3A_887 = arith.constant 4 : i32
      %mul3A_888 = arith.muli %sub3A_856, %mul3A_887 : i32
      %add3A_889 = arith.constant 3 : i32
      %add3A_890 = arith.addi %mul3A_888, %add3A_889 : i32
      %dma_wait3A_891 = arith.constant 0 : i32
      %dma_wait3A_892 = tpu.memref_slice %arg7[%add3A_890, %dma_wait3A_891] : memref<80x125xi32, #tpu.memory_space<vmem>> -> memref<1x125xi32, #tpu.memory_space<vmem>>
      %dma_wait3A_893 = tpu.memref_squeeze %dma_wait3A_892 : memref<1x125xi32, #tpu.memory_space<vmem>> -> memref<125xi32, #tpu.memory_space<vmem>>
      %dma_wait3A_894 = arith.constant 0 : i32
      %dma_wait3A_895 = arith.constant 0 : i32
      %dma_wait3A_896 = tpu.memref_slice %arg17[%dma_wait3A_894, %dma_wait3A_895] : memref<10000x48xf32, #tpu.memory_space<vmem_shared>> -> memref<10000x48xf32, #tpu.memory_space<vmem_shared>>
      tpu.wait_indirect_dma semaphore(%arg21 : memref<!tpu.dma_semaphore, #tpu.memory_space<semaphore_mem>>) src(%arg15 : memref<125x48xf32, #tpu.memory_space<vmem>>) dst(%dma_wait3A_896 : memref<10000x48xf32, #tpu.memory_space<vmem_shared>>)
      %add3A_897 = arith.constant 1 : i32
      %add3A_898 = arith.addi %add3A_854, %add3A_897 : i32
      %mul3A_899 = arith.constant 4 : i32
      %mul3A_900 = arith.muli %add3A_898, %mul3A_899 : i32
      %add3A_901 = arith.constant 0 : i32
      %add3A_902 = arith.addi %mul3A_900, %add3A_901 : i32
      %dma_start3A_903 = arith.constant 0 : i32
      %dma_start3A_904 = tpu.memref_slice %arg6[%add3A_902, %dma_start3A_903] : memref<80x125xi32, #tpu.memory_space<vmem>> -> memref<1x125xi32, #tpu.memory_space<vmem>>
      %dma_start3A_905 = tpu.memref_squeeze %dma_start3A_904 : memref<1x125xi32, #tpu.memory_space<vmem>> -> memref<125xi32, #tpu.memory_space<vmem>>
      %dma_start3A_906 = arith.constant 0 : i32
      %dma_start3A_907 = arith.constant 0 : i32
      %dma_start3A_908 = tpu.memref_slice %arg2[%dma_start3A_906, %dma_start3A_907] : memref<10000x48xf32, #tpu.memory_space<hbm>> -> memref<10000x48xf32, #tpu.memory_space<hbm>>
      tpu.enqueue_indirect_dma source(%dma_start3A_908 : memref<10000x48xf32, #tpu.memory_space<hbm>>) target(%arg12 : memref<125x48xf32, #tpu.memory_space<vmem>>) offsets(%dma_start3A_905 : memref<125xi32, #tpu.memory_space<vmem>>) semaphore(%arg19 : memref<!tpu.dma_semaphore, #tpu.memory_space<semaphore_mem>>)
      %mul3A_909 = arith.constant 4 : i32
      %mul3A_910 = arith.muli %add3A_898, %mul3A_909 : i32
      %add3A_911 = arith.constant 1 : i32
      %add3A_912 = arith.addi %mul3A_910, %add3A_911 : i32
      %dma_start3A_913 = arith.constant 0 : i32
      %dma_start3A_914 = tpu.memref_slice %arg6[%add3A_912, %dma_start3A_913] : memref<80x125xi32, #tpu.memory_space<vmem>> -> memref<1x125xi32, #tpu.memory_space<vmem>>
      %dma_start3A_915 = tpu.memref_squeeze %dma_start3A_914 : memref<1x125xi32, #tpu.memory_space<vmem>> -> memref<125xi32, #tpu.memory_space<vmem>>
      %dma_start3A_916 = arith.constant 0 : i32
      %dma_start3A_917 = arith.constant 0 : i32
      %dma_start3A_918 = tpu.memref_slice %arg2[%dma_start3A_916, %dma_start3A_917] : memref<10000x48xf32, #tpu.memory_space<hbm>> -> memref<10000x48xf32, #tpu.memory_space<hbm>>
      tpu.enqueue_indirect_dma source(%dma_start3A_918 : memref<10000x48xf32, #tpu.memory_space<hbm>>) target(%arg13 : memref<125x48xf32, #tpu.memory_space<vmem>>) offsets(%dma_start3A_915 : memref<125xi32, #tpu.memory_space<vmem>>) semaphore(%arg19 : memref<!tpu.dma_semaphore, #tpu.memory_space<semaphore_mem>>)
      %mul3A_919 = arith.constant 4 : i32
      %mul3A_920 = arith.muli %add3A_898, %mul3A_919 : i32
      %add3A_921 = arith.constant 2 : i32
      %add3A_922 = arith.addi %mul3A_920, %add3A_921 : i32
      %dma_start3A_923 = arith.constant 0 : i32
      %dma_start3A_924 = tpu.memref_slice %arg6[%add3A_922, %dma_start3A_923] : memref<80x125xi32, #tpu.memory_space<vmem>> -> memref<1x125xi32, #tpu.memory_space<vmem>>
      %dma_start3A_925 = tpu.memref_squeeze %dma_start3A_924 : memref<1x125xi32, #tpu.memory_space<vmem>> -> memref<125xi32, #tpu.memory_space<vmem>>
      %dma_start3A_926 = arith.constant 0 : i32
      %dma_start3A_927 = arith.constant 0 : i32
      %dma_start3A_928 = tpu.memref_slice %arg2[%dma_start3A_926, %dma_start3A_927] : memref<10000x48xf32, #tpu.memory_space<hbm>> -> memref<10000x48xf32, #tpu.memory_space<hbm>>
      tpu.enqueue_indirect_dma source(%dma_start3A_928 : memref<10000x48xf32, #tpu.memory_space<hbm>>) target(%arg14 : memref<125x48xf32, #tpu.memory_space<vmem>>) offsets(%dma_start3A_925 : memref<125xi32, #tpu.memory_space<vmem>>) semaphore(%arg19 : memref<!tpu.dma_semaphore, #tpu.memory_space<semaphore_mem>>)
      %mul3A_929 = arith.constant 4 : i32
      %mul3A_930 = arith.muli %add3A_898, %mul3A_929 : i32
      %add3A_931 = arith.constant 3 : i32
      %add3A_932 = arith.addi %mul3A_930, %add3A_931 : i32
      %dma_start3A_933 = arith.constant 0 : i32
      %dma_start3A_934 = tpu.memref_slice %arg6[%add3A_932, %dma_start3A_933] : memref<80x125xi32, #tpu.memory_space<vmem>> -> memref<1x125xi32, #tpu.memory_space<vmem>>
      %dma_start3A_935 = tpu.memref_squeeze %dma_start3A_934 : memref<1x125xi32, #tpu.memory_space<vmem>> -> memref<125xi32, #tpu.memory_space<vmem>>
      %dma_start3A_936 = arith.constant 0 : i32
      %dma_start3A_937 = arith.constant 0 : i32
      %dma_start3A_938 = tpu.memref_slice %arg2[%dma_start3A_936, %dma_start3A_937] : memref<10000x48xf32, #tpu.memory_space<hbm>> -> memref<10000x48xf32, #tpu.memory_space<hbm>>
      tpu.enqueue_indirect_dma source(%dma_start3A_938 : memref<10000x48xf32, #tpu.memory_space<hbm>>) target(%arg15 : memref<125x48xf32, #tpu.memory_space<vmem>>) offsets(%dma_start3A_935 : memref<125xi32, #tpu.memory_space<vmem>>) semaphore(%arg19 : memref<!tpu.dma_semaphore, #tpu.memory_space<semaphore_mem>>)
      %mul3A_939 = arith.constant 4 : i32
      %mul3A_940 = arith.muli %add3A_854, %mul3A_939 : i32
      %add3A_941 = arith.constant 0 : i32
      %add3A_942 = arith.addi %mul3A_940, %add3A_941 : i32
      %dma_wait3A_943 = arith.constant 0 : i32
      %dma_wait3A_944 = tpu.memref_slice %arg6[%add3A_942, %dma_wait3A_943] : memref<80x125xi32, #tpu.memory_space<vmem>> -> memref<1x125xi32, #tpu.memory_space<vmem>>
      %dma_wait3A_945 = tpu.memref_squeeze %dma_wait3A_944 : memref<1x125xi32, #tpu.memory_space<vmem>> -> memref<125xi32, #tpu.memory_space<vmem>>
      %dma_wait3A_946 = arith.constant 0 : i32
      %dma_wait3A_947 = arith.constant 0 : i32
      %dma_wait3A_948 = tpu.memref_slice %arg2[%dma_wait3A_946, %dma_wait3A_947] : memref<10000x48xf32, #tpu.memory_space<hbm>> -> memref<10000x48xf32, #tpu.memory_space<hbm>>
      tpu.wait_indirect_dma semaphore(%arg18 : memref<!tpu.dma_semaphore, #tpu.memory_space<semaphore_mem>>) src(%dma_wait3A_948 : memref<10000x48xf32, #tpu.memory_space<hbm>>) dst(%arg8 : memref<125x48xf32, #tpu.memory_space<vmem>>)
      %mul3A_949 = arith.constant 4 : i32
      %mul3A_950 = arith.muli %add3A_854, %mul3A_949 : i32
      %add3A_951 = arith.constant 1 : i32
      %add3A_952 = arith.addi %mul3A_950, %add3A_951 : i32
      %dma_wait3A_953 = arith.constant 0 : i32
      %dma_wait3A_954 = tpu.memref_slice %arg6[%add3A_952, %dma_wait3A_953] : memref<80x125xi32, #tpu.memory_space<vmem>> -> memref<1x125xi32, #tpu.memory_space<vmem>>
      %dma_wait3A_955 = tpu.memref_squeeze %dma_wait3A_954 : memref<1x125xi32, #tpu.memory_space<vmem>> -> memref<125xi32, #tpu.memory_space<vmem>>
      %dma_wait3A_956 = arith.constant 0 : i32
      %dma_wait3A_957 = arith.constant 0 : i32
      %dma_wait3A_958 = tpu.memref_slice %arg2[%dma_wait3A_956, %dma_wait3A_957] : memref<10000x48xf32, #tpu.memory_space<hbm>> -> memref<10000x48xf32, #tpu.memory_space<hbm>>
      tpu.wait_indirect_dma semaphore(%arg18 : memref<!tpu.dma_semaphore, #tpu.memory_space<semaphore_mem>>) src(%dma_wait3A_958 : memref<10000x48xf32, #tpu.memory_space<hbm>>) dst(%arg9 : memref<125x48xf32, #tpu.memory_space<vmem>>)
      %mul3A_959 = arith.constant 4 : i32
      %mul3A_960 = arith.muli %add3A_854, %mul3A_959 : i32
      %add3A_961 = arith.constant 2 : i32
      %add3A_962 = arith.addi %mul3A_960, %add3A_961 : i32
      %dma_wait3A_963 = arith.constant 0 : i32
      %dma_wait3A_964 = tpu.memref_slice %arg6[%add3A_962, %dma_wait3A_963] : memref<80x125xi32, #tpu.memory_space<vmem>> -> memref<1x125xi32, #tpu.memory_space<vmem>>
      %dma_wait3A_965 = tpu.memref_squeeze %dma_wait3A_964 : memref<1x125xi32, #tpu.memory_space<vmem>> -> memref<125xi32, #tpu.memory_space<vmem>>
      %dma_wait3A_966 = arith.constant 0 : i32
      %dma_wait3A_967 = arith.constant 0 : i32
      %dma_wait3A_968 = tpu.memref_slice %arg2[%dma_wait3A_966, %dma_wait3A_967] : memref<10000x48xf32, #tpu.memory_space<hbm>> -> memref<10000x48xf32, #tpu.memory_space<hbm>>
      tpu.wait_indirect_dma semaphore(%arg18 : memref<!tpu.dma_semaphore, #tpu.memory_space<semaphore_mem>>) src(%dma_wait3A_968 : memref<10000x48xf32, #tpu.memory_space<hbm>>) dst(%arg10 : memref<125x48xf32, #tpu.memory_space<vmem>>)
      %mul3A_969 = arith.constant 4 : i32
      %mul3A_970 = arith.muli %add3A_854, %mul3A_969 : i32
      %add3A_971 = arith.constant 3 : i32
      %add3A_972 = arith.addi %mul3A_970, %add3A_971 : i32
      %dma_wait3A_973 = arith.constant 0 : i32
      %dma_wait3A_974 = tpu.memref_slice %arg6[%add3A_972, %dma_wait3A_973] : memref<80x125xi32, #tpu.memory_space<vmem>> -> memref<1x125xi32, #tpu.memory_space<vmem>>
      %dma_wait3A_975 = tpu.memref_squeeze %dma_wait3A_974 : memref<1x125xi32, #tpu.memory_space<vmem>> -> memref<125xi32, #tpu.memory_space<vmem>>
      %dma_wait3A_976 = arith.constant 0 : i32
      %dma_wait3A_977 = arith.constant 0 : i32
      %dma_wait3A_978 = tpu.memref_slice %arg2[%dma_wait3A_976, %dma_wait3A_977] : memref<10000x48xf32, #tpu.memory_space<hbm>> -> memref<10000x48xf32, #tpu.memory_space<hbm>>
      tpu.wait_indirect_dma semaphore(%arg18 : memref<!tpu.dma_semaphore, #tpu.memory_space<semaphore_mem>>) src(%dma_wait3A_978 : memref<10000x48xf32, #tpu.memory_space<hbm>>) dst(%arg11 : memref<125x48xf32, #tpu.memory_space<vmem>>)
      %mul3A_979 = arith.constant 4 : i32
      %mul3A_980 = arith.muli %add3A_854, %mul3A_979 : i32
      %add3A_981 = arith.constant 0 : i32
      %add3A_982 = arith.addi %mul3A_980, %add3A_981 : i32
      %dma_start3A_983 = arith.constant 0 : i32
      %dma_start3A_984 = tpu.memref_slice %arg7[%add3A_982, %dma_start3A_983] : memref<80x125xi32, #tpu.memory_space<vmem>> -> memref<1x125xi32, #tpu.memory_space<vmem>>
      %dma_start3A_985 = tpu.memref_squeeze %dma_start3A_984 : memref<1x125xi32, #tpu.memory_space<vmem>> -> memref<125xi32, #tpu.memory_space<vmem>>
      %dma_start3A_986 = arith.constant 0 : i32
      %dma_start3A_987 = arith.constant 0 : i32
      %dma_start3A_988 = tpu.memref_slice %arg17[%dma_start3A_986, %dma_start3A_987] : memref<10000x48xf32, #tpu.memory_space<vmem_shared>> -> memref<10000x48xf32, #tpu.memory_space<vmem_shared>>
      tpu.enqueue_indirect_dma source(%arg8 : memref<125x48xf32, #tpu.memory_space<vmem>>) target(%dma_start3A_988 : memref<10000x48xf32, #tpu.memory_space<vmem_shared>>) offsets(%dma_start3A_985 : memref<125xi32, #tpu.memory_space<vmem>>) semaphore(%arg20 : memref<!tpu.dma_semaphore, #tpu.memory_space<semaphore_mem>>) {add = true}
      %mul3A_989 = arith.constant 4 : i32
      %mul3A_990 = arith.muli %add3A_854, %mul3A_989 : i32
      %add3A_991 = arith.constant 1 : i32
      %add3A_992 = arith.addi %mul3A_990, %add3A_991 : i32
      %dma_start3A_993 = arith.constant 0 : i32
      %dma_start3A_994 = tpu.memref_slice %arg7[%add3A_992, %dma_start3A_993] : memref<80x125xi32, #tpu.memory_space<vmem>> -> memref<1x125xi32, #tpu.memory_space<vmem>>
      %dma_start3A_995 = tpu.memref_squeeze %dma_start3A_994 : memref<1x125xi32, #tpu.memory_space<vmem>> -> memref<125xi32, #tpu.memory_space<vmem>>
      %dma_start3A_996 = arith.constant 0 : i32
      %dma_start3A_997 = arith.constant 0 : i32
      %dma_start3A_998 = tpu.memref_slice %arg17[%dma_start3A_996, %dma_start3A_997] : memref<10000x48xf32, #tpu.memory_space<vmem_shared>> -> memref<10000x48xf32, #tpu.memory_space<vmem_shared>>
      tpu.enqueue_indirect_dma source(%arg9 : memref<125x48xf32, #tpu.memory_space<vmem>>) target(%dma_start3A_998 : memref<10000x48xf32, #tpu.memory_space<vmem_shared>>) offsets(%dma_start3A_995 : memref<125xi32, #tpu.memory_space<vmem>>) semaphore(%arg20 : memref<!tpu.dma_semaphore, #tpu.memory_space<semaphore_mem>>) {add = true}
      %mul3A_999 = arith.constant 4 : i32
      %mul3A_1000 = arith.muli %add3A_854, %mul3A_999 : i32
      %add3A_1001 = arith.constant 2 : i32
      %add3A_1002 = arith.addi %mul3A_1000, %add3A_1001 : i32
      %dma_start3A_1003 = arith.constant 0 : i32
      %dma_start3A_1004 = tpu.memref_slice %arg7[%add3A_1002, %dma_start3A_1003] : memref<80x125xi32, #tpu.memory_space<vmem>> -> memref<1x125xi32, #tpu.memory_space<vmem>>
      %dma_start3A_1005 = tpu.memref_squeeze %dma_start3A_1004 : memref<1x125xi32, #tpu.memory_space<vmem>> -> memref<125xi32, #tpu.memory_space<vmem>>
      %dma_start3A_1006 = arith.constant 0 : i32
      %dma_start3A_1007 = arith.constant 0 : i32
      %dma_start3A_1008 = tpu.memref_slice %arg17[%dma_start3A_1006, %dma_start3A_1007] : memref<10000x48xf32, #tpu.memory_space<vmem_shared>> -> memref<10000x48xf32, #tpu.memory_space<vmem_shared>>
      tpu.enqueue_indirect_dma source(%arg10 : memref<125x48xf32, #tpu.memory_space<vmem>>) target(%dma_start3A_1008 : memref<10000x48xf32, #tpu.memory_space<vmem_shared>>) offsets(%dma_start3A_1005 : memref<125xi32, #tpu.memory_space<vmem>>) semaphore(%arg20 : memref<!tpu.dma_semaphore, #tpu.memory_space<semaphore_mem>>) {add = true}
      %mul3A_1009 = arith.constant 4 : i32
      %mul3A_1010 = arith.muli %add3A_854, %mul3A_1009 : i32
      %add3A_1011 = arith.constant 3 : i32
      %add3A_1012 = arith.addi %mul3A_1010, %add3A_1011 : i32
      %dma_start3A_1013 = arith.constant 0 : i32
      %dma_start3A_1014 = tpu.memref_slice %arg7[%add3A_1012, %dma_start3A_1013] : memref<80x125xi32, #tpu.memory_space<vmem>> -> memref<1x125xi32, #tpu.memory_space<vmem>>
      %dma_start3A_1015 = tpu.memref_squeeze %dma_start3A_1014 : memref<1x125xi32, #tpu.memory_space<vmem>> -> memref<125xi32, #tpu.memory_space<vmem>>
      %dma_start3A_1016 = arith.constant 0 : i32
      %dma_start3A_1017 = arith.constant 0 : i32
      %dma_start3A_1018 = tpu.memref_slice %arg17[%dma_start3A_1016, %dma_start3A_1017] : memref<10000x48xf32, #tpu.memory_space<vmem_shared>> -> memref<10000x48xf32, #tpu.memory_space<vmem_shared>>
      tpu.enqueue_indirect_dma source(%arg11 : memref<125x48xf32, #tpu.memory_space<vmem>>) target(%dma_start3A_1018 : memref<10000x48xf32, #tpu.memory_space<vmem_shared>>) offsets(%dma_start3A_1015 : memref<125xi32, #tpu.memory_space<vmem>>) semaphore(%arg20 : memref<!tpu.dma_semaphore, #tpu.memory_space<semaphore_mem>>) {add = true}
    }
    %scan3A_569 = arith.constant 9 : i32
    %dma_wait3A_570 = arith.constant 72 : i32
    %dma_wait3A_571 = arith.constant 0 : i32
    %dma_wait3A_572 = tpu.memref_slice %arg7[%dma_wait3A_570, %dma_wait3A_571] : memref<80x125xi32, #tpu.memory_space<vmem>> -> memref<1x125xi32, #tpu.memory_space<vmem>>
    %dma_wait3A_573 = tpu.memref_squeeze %dma_wait3A_572 : memref<1x125xi32, #tpu.memory_space<vmem>> -> memref<125xi32, #tpu.memory_space<vmem>>
    %dma_wait3A_574 = arith.constant 0 : i32
    %dma_wait3A_575 = arith.constant 0 : i32
    %dma_wait3A_576 = tpu.memref_slice %arg17[%dma_wait3A_574, %dma_wait3A_575] : memref<10000x48xf32, #tpu.memory_space<vmem_shared>> -> memref<10000x48xf32, #tpu.memory_space<vmem_shared>>
    tpu.wait_indirect_dma semaphore(%arg20 : memref<!tpu.dma_semaphore, #tpu.memory_space<semaphore_mem>>) src(%arg8 : memref<125x48xf32, #tpu.memory_space<vmem>>) dst(%dma_wait3A_576 : memref<10000x48xf32, #tpu.memory_space<vmem_shared>>)
    %dma_wait3A_577 = arith.constant 73 : i32
    %dma_wait3A_578 = arith.constant 0 : i32
    %dma_wait3A_579 = tpu.memref_slice %arg7[%dma_wait3A_577, %dma_wait3A_578] : memref<80x125xi32, #tpu.memory_space<vmem>> -> memref<1x125xi32, #tpu.memory_space<vmem>>
    %dma_wait3A_580 = tpu.memref_squeeze %dma_wait3A_579 : memref<1x125xi32, #tpu.memory_space<vmem>> -> memref<125xi32, #tpu.memory_space<vmem>>
    %dma_wait3A_581 = arith.constant 0 : i32
    %dma_wait3A_582 = arith.constant 0 : i32
    %dma_wait3A_583 = tpu.memref_slice %arg17[%dma_wait3A_581, %dma_wait3A_582] : memref<10000x48xf32, #tpu.memory_space<vmem_shared>> -> memref<10000x48xf32, #tpu.memory_space<vmem_shared>>
    tpu.wait_indirect_dma semaphore(%arg20 : memref<!tpu.dma_semaphore, #tpu.memory_space<semaphore_mem>>) src(%arg9 : memref<125x48xf32, #tpu.memory_space<vmem>>) dst(%dma_wait3A_583 : memref<10000x48xf32, #tpu.memory_space<vmem_shared>>)
    %dma_wait3A_584 = arith.constant 74 : i32
    %dma_wait3A_585 = arith.constant 0 : i32
    %dma_wait3A_586 = tpu.memref_slice %arg7[%dma_wait3A_584, %dma_wait3A_585] : memref<80x125xi32, #tpu.memory_space<vmem>> -> memref<1x125xi32, #tpu.memory_space<vmem>>
    %dma_wait3A_587 = tpu.memref_squeeze %dma_wait3A_586 : memref<1x125xi32, #tpu.memory_space<vmem>> -> memref<125xi32, #tpu.memory_space<vmem>>
    %dma_wait3A_588 = arith.constant 0 : i32
    %dma_wait3A_589 = arith.constant 0 : i32
    %dma_wait3A_590 = tpu.memref_slice %arg17[%dma_wait3A_588, %dma_wait3A_589] : memref<10000x48xf32, #tpu.memory_space<vmem_shared>> -> memref<10000x48xf32, #tpu.memory_space<vmem_shared>>
    tpu.wait_indirect_dma semaphore(%arg20 : memref<!tpu.dma_semaphore, #tpu.memory_space<semaphore_mem>>) src(%arg10 : memref<125x48xf32, #tpu.memory_space<vmem>>) dst(%dma_wait3A_590 : memref<10000x48xf32, #tpu.memory_space<vmem_shared>>)
    %dma_wait3A_591 = arith.constant 75 : i32
    %dma_wait3A_592 = arith.constant 0 : i32
    %dma_wait3A_593 = tpu.memref_slice %arg7[%dma_wait3A_591, %dma_wait3A_592] : memref<80x125xi32, #tpu.memory_space<vmem>> -> memref<1x125xi32, #tpu.memory_space<vmem>>
    %dma_wait3A_594 = tpu.memref_squeeze %dma_wait3A_593 : memref<1x125xi32, #tpu.memory_space<vmem>> -> memref<125xi32, #tpu.memory_space<vmem>>
    %dma_wait3A_595 = arith.constant 0 : i32
    %dma_wait3A_596 = arith.constant 0 : i32
    %dma_wait3A_597 = tpu.memref_slice %arg17[%dma_wait3A_595, %dma_wait3A_596] : memref<10000x48xf32, #tpu.memory_space<vmem_shared>> -> memref<10000x48xf32, #tpu.memory_space<vmem_shared>>
    tpu.wait_indirect_dma semaphore(%arg20 : memref<!tpu.dma_semaphore, #tpu.memory_space<semaphore_mem>>) src(%arg11 : memref<125x48xf32, #tpu.memory_space<vmem>>) dst(%dma_wait3A_597 : memref<10000x48xf32, #tpu.memory_space<vmem_shared>>)
    %dma_wait3A_598 = arith.constant 76 : i32
    %dma_wait3A_599 = arith.constant 0 : i32
    %dma_wait3A_600 = tpu.memref_slice %arg6[%dma_wait3A_598, %dma_wait3A_599] : memref<80x125xi32, #tpu.memory_space<vmem>> -> memref<1x125xi32, #tpu.memory_space<vmem>>
    %dma_wait3A_601 = tpu.memref_squeeze %dma_wait3A_600 : memref<1x125xi32, #tpu.memory_space<vmem>> -> memref<125xi32, #tpu.memory_space<vmem>>
    %dma_wait3A_602 = arith.constant 0 : i32
    %dma_wait3A_603 = arith.constant 0 : i32
    %dma_wait3A_604 = tpu.memref_slice %arg2[%dma_wait3A_602, %dma_wait3A_603] : memref<10000x48xf32, #tpu.memory_space<hbm>> -> memref<10000x48xf32, #tpu.memory_space<hbm>>
    tpu.wait_indirect_dma semaphore(%arg19 : memref<!tpu.dma_semaphore, #tpu.memory_space<semaphore_mem>>) src(%dma_wait3A_604 : memref<10000x48xf32, #tpu.memory_space<hbm>>) dst(%arg12 : memref<125x48xf32, #tpu.memory_space<vmem>>)
    %dma_wait3A_605 = arith.constant 77 : i32
    %dma_wait3A_606 = arith.constant 0 : i32
    %dma_wait3A_607 = tpu.memref_slice %arg6[%dma_wait3A_605, %dma_wait3A_606] : memref<80x125xi32, #tpu.memory_space<vmem>> -> memref<1x125xi32, #tpu.memory_space<vmem>>
    %dma_wait3A_608 = tpu.memref_squeeze %dma_wait3A_607 : memref<1x125xi32, #tpu.memory_space<vmem>> -> memref<125xi32, #tpu.memory_space<vmem>>
    %dma_wait3A_609 = arith.constant 0 : i32
    %dma_wait3A_610 = arith.constant 0 : i32
    %dma_wait3A_611 = tpu.memref_slice %arg2[%dma_wait3A_609, %dma_wait3A_610] : memref<10000x48xf32, #tpu.memory_space<hbm>> -> memref<10000x48xf32, #tpu.memory_space<hbm>>
    tpu.wait_indirect_dma semaphore(%arg19 : memref<!tpu.dma_semaphore, #tpu.memory_space<semaphore_mem>>) src(%dma_wait3A_611 : memref<10000x48xf32, #tpu.memory_space<hbm>>) dst(%arg13 : memref<125x48xf32, #tpu.memory_space<vmem>>)
    %dma_wait3A_612 = arith.constant 78 : i32
    %dma_wait3A_613 = arith.constant 0 : i32
    %dma_wait3A_614 = tpu.memref_slice %arg6[%dma_wait3A_612, %dma_wait3A_613] : memref<80x125xi32, #tpu.memory_space<vmem>> -> memref<1x125xi32, #tpu.memory_space<vmem>>
    %dma_wait3A_615 = tpu.memref_squeeze %dma_wait3A_614 : memref<1x125xi32, #tpu.memory_space<vmem>> -> memref<125xi32, #tpu.memory_space<vmem>>
    %dma_wait3A_616 = arith.constant 0 : i32
    %dma_wait3A_617 = arith.constant 0 : i32
    %dma_wait3A_618 = tpu.memref_slice %arg2[%dma_wait3A_616, %dma_wait3A_617] : memref<10000x48xf32, #tpu.memory_space<hbm>> -> memref<10000x48xf32, #tpu.memory_space<hbm>>
    tpu.wait_indirect_dma semaphore(%arg19 : memref<!tpu.dma_semaphore, #tpu.memory_space<semaphore_mem>>) src(%dma_wait3A_618 : memref<10000x48xf32, #tpu.memory_space<hbm>>) dst(%arg14 : memref<125x48xf32, #tpu.memory_space<vmem>>)
    %dma_wait3A_619 = arith.constant 79 : i32
    %dma_wait3A_620 = arith.constant 0 : i32
    %dma_wait3A_621 = tpu.memref_slice %arg6[%dma_wait3A_619, %dma_wait3A_620] : memref<80x125xi32, #tpu.memory_space<vmem>> -> memref<1x125xi32, #tpu.memory_space<vmem>>
    %dma_wait3A_622 = tpu.memref_squeeze %dma_wait3A_621 : memref<1x125xi32, #tpu.memory_space<vmem>> -> memref<125xi32, #tpu.memory_space<vmem>>
    %dma_wait3A_623 = arith.constant 0 : i32
    %dma_wait3A_624 = arith.constant 0 : i32
    %dma_wait3A_625 = tpu.memref_slice %arg2[%dma_wait3A_623, %dma_wait3A_624] : memref<10000x48xf32, #tpu.memory_space<hbm>> -> memref<10000x48xf32, #tpu.memory_space<hbm>>
    tpu.wait_indirect_dma semaphore(%arg19 : memref<!tpu.dma_semaphore, #tpu.memory_space<semaphore_mem>>) src(%dma_wait3A_625 : memref<10000x48xf32, #tpu.memory_space<hbm>>) dst(%arg15 : memref<125x48xf32, #tpu.memory_space<vmem>>)
    %dma_start3A_626 = arith.constant 76 : i32
    %dma_start3A_627 = arith.constant 0 : i32
    %dma_start3A_628 = tpu.memref_slice %arg7[%dma_start3A_626, %dma_start3A_627] : memref<80x125xi32, #tpu.memory_space<vmem>> -> memref<1x125xi32, #tpu.memory_space<vmem>>
    %dma_start3A_629 = tpu.memref_squeeze %dma_start3A_628 : memref<1x125xi32, #tpu.memory_space<vmem>> -> memref<125xi32, #tpu.memory_space<vmem>>
    %dma_start3A_630 = arith.constant 0 : i32
    %dma_start3A_631 = arith.constant 0 : i32
    %dma_start3A_632 = tpu.memref_slice %arg17[%dma_start3A_630, %dma_start3A_631] : memref<10000x48xf32, #tpu.memory_space<vmem_shared>> -> memref<10000x48xf32, #tpu.memory_space<vmem_shared>>
    tpu.enqueue_indirect_dma source(%arg12 : memref<125x48xf32, #tpu.memory_space<vmem>>) target(%dma_start3A_632 : memref<10000x48xf32, #tpu.memory_space<vmem_shared>>) offsets(%dma_start3A_629 : memref<125xi32, #tpu.memory_space<vmem>>) semaphore(%arg21 : memref<!tpu.dma_semaphore, #tpu.memory_space<semaphore_mem>>) {add = true}
    %dma_start3A_633 = arith.constant 77 : i32
    %dma_start3A_634 = arith.constant 0 : i32
    %dma_start3A_635 = tpu.memref_slice %arg7[%dma_start3A_633, %dma_start3A_634] : memref<80x125xi32, #tpu.memory_space<vmem>> -> memref<1x125xi32, #tpu.memory_space<vmem>>
    %dma_start3A_636 = tpu.memref_squeeze %dma_start3A_635 : memref<1x125xi32, #tpu.memory_space<vmem>> -> memref<125xi32, #tpu.memory_space<vmem>>
    %dma_start3A_637 = arith.constant 0 : i32
    %dma_start3A_638 = arith.constant 0 : i32
    %dma_start3A_639 = tpu.memref_slice %arg17[%dma_start3A_637, %dma_start3A_638] : memref<10000x48xf32, #tpu.memory_space<vmem_shared>> -> memref<10000x48xf32, #tpu.memory_space<vmem_shared>>
    tpu.enqueue_indirect_dma source(%arg13 : memref<125x48xf32, #tpu.memory_space<vmem>>) target(%dma_start3A_639 : memref<10000x48xf32, #tpu.memory_space<vmem_shared>>) offsets(%dma_start3A_636 : memref<125xi32, #tpu.memory_space<vmem>>) semaphore(%arg21 : memref<!tpu.dma_semaphore, #tpu.memory_space<semaphore_mem>>) {add = true}
    %dma_start3A_640 = arith.constant 78 : i32
    %dma_start3A_641 = arith.constant 0 : i32
    %dma_start3A_642 = tpu.memref_slice %arg7[%dma_start3A_640, %dma_start3A_641] : memref<80x125xi32, #tpu.memory_space<vmem>> -> memref<1x125xi32, #tpu.memory_space<vmem>>
    %dma_start3A_643 = tpu.memref_squeeze %dma_start3A_642 : memref<1x125xi32, #tpu.memory_space<vmem>> -> memref<125xi32, #tpu.memory_space<vmem>>
    %dma_start3A_644 = arith.constant 0 : i32
    %dma_start3A_645 = arith.constant 0 : i32
    %dma_start3A_646 = tpu.memref_slice %arg17[%dma_start3A_644, %dma_start3A_645] : memref<10000x48xf32, #tpu.memory_space<vmem_shared>> -> memref<10000x48xf32, #tpu.memory_space<vmem_shared>>
    tpu.enqueue_indirect_dma source(%arg14 : memref<125x48xf32, #tpu.memory_space<vmem>>) target(%dma_start3A_646 : memref<10000x48xf32, #tpu.memory_space<vmem_shared>>) offsets(%dma_start3A_643 : memref<125xi32, #tpu.memory_space<vmem>>) semaphore(%arg21 : memref<!tpu.dma_semaphore, #tpu.memory_space<semaphore_mem>>) {add = true}
    %dma_start3A_647 = arith.constant 79 : i32
    %dma_start3A_648 = arith.constant 0 : i32
    %dma_start3A_649 = tpu.memref_slice %arg7[%dma_start3A_647, %dma_start3A_648] : memref<80x125xi32, #tpu.memory_space<vmem>> -> memref<1x125xi32, #tpu.memory_space<vmem>>
    %dma_start3A_650 = tpu.memref_squeeze %dma_start3A_649 : memref<1x125xi32, #tpu.memory_space<vmem>> -> memref<125xi32, #tpu.memory_space<vmem>>
    %dma_start3A_651 = arith.constant 0 : i32
    %dma_start3A_652 = arith.constant 0 : i32
    %dma_start3A_653 = tpu.memref_slice %arg17[%dma_start3A_651, %dma_start3A_652] : memref<10000x48xf32, #tpu.memory_space<vmem_shared>> -> memref<10000x48xf32, #tpu.memory_space<vmem_shared>>
    tpu.enqueue_indirect_dma source(%arg15 : memref<125x48xf32, #tpu.memory_space<vmem>>) target(%dma_start3A_653 : memref<10000x48xf32, #tpu.memory_space<vmem_shared>>) offsets(%dma_start3A_650 : memref<125xi32, #tpu.memory_space<vmem>>) semaphore(%arg21 : memref<!tpu.dma_semaphore, #tpu.memory_space<semaphore_mem>>) {add = true}
    %dma_wait3A_654 = arith.constant 76 : i32
    %dma_wait3A_655 = arith.constant 0 : i32
    %dma_wait3A_656 = tpu.memref_slice %arg7[%dma_wait3A_654, %dma_wait3A_655] : memref<80x125xi32, #tpu.memory_space<vmem>> -> memref<1x125xi32, #tpu.memory_space<vmem>>
    %dma_wait3A_657 = tpu.memref_squeeze %dma_wait3A_656 : memref<1x125xi32, #tpu.memory_space<vmem>> -> memref<125xi32, #tpu.memory_space<vmem>>
    %dma_wait3A_658 = arith.constant 0 : i32
    %dma_wait3A_659 = arith.constant 0 : i32
    %dma_wait3A_660 = tpu.memref_slice %arg17[%dma_wait3A_658, %dma_wait3A_659] : memref<10000x48xf32, #tpu.memory_space<vmem_shared>> -> memref<10000x48xf32, #tpu.memory_space<vmem_shared>>
    tpu.wait_indirect_dma semaphore(%arg21 : memref<!tpu.dma_semaphore, #tpu.memory_space<semaphore_mem>>) src(%arg12 : memref<125x48xf32, #tpu.memory_space<vmem>>) dst(%dma_wait3A_660 : memref<10000x48xf32, #tpu.memory_space<vmem_shared>>)
    %dma_wait3A_661 = arith.constant 77 : i32
    %dma_wait3A_662 = arith.constant 0 : i32
    %dma_wait3A_663 = tpu.memref_slice %arg7[%dma_wait3A_661, %dma_wait3A_662] : memref<80x125xi32, #tpu.memory_space<vmem>> -> memref<1x125xi32, #tpu.memory_space<vmem>>
    %dma_wait3A_664 = tpu.memref_squeeze %dma_wait3A_663 : memref<1x125xi32, #tpu.memory_space<vmem>> -> memref<125xi32, #tpu.memory_space<vmem>>
    %dma_wait3A_665 = arith.constant 0 : i32
    %dma_wait3A_666 = arith.constant 0 : i32
    %dma_wait3A_667 = tpu.memref_slice %arg17[%dma_wait3A_665, %dma_wait3A_666] : memref<10000x48xf32, #tpu.memory_space<vmem_shared>> -> memref<10000x48xf32, #tpu.memory_space<vmem_shared>>
    tpu.wait_indirect_dma semaphore(%arg21 : memref<!tpu.dma_semaphore, #tpu.memory_space<semaphore_mem>>) src(%arg13 : memref<125x48xf32, #tpu.memory_space<vmem>>) dst(%dma_wait3A_667 : memref<10000x48xf32, #tpu.memory_space<vmem_shared>>)
    %dma_wait3A_668 = arith.constant 78 : i32
    %dma_wait3A_669 = arith.constant 0 : i32
    %dma_wait3A_670 = tpu.memref_slice %arg7[%dma_wait3A_668, %dma_wait3A_669] : memref<80x125xi32, #tpu.memory_space<vmem>> -> memref<1x125xi32, #tpu.memory_space<vmem>>
    %dma_wait3A_671 = tpu.memref_squeeze %dma_wait3A_670 : memref<1x125xi32, #tpu.memory_space<vmem>> -> memref<125xi32, #tpu.memory_space<vmem>>
    %dma_wait3A_672 = arith.constant 0 : i32
    %dma_wait3A_673 = arith.constant 0 : i32
    %dma_wait3A_674 = tpu.memref_slice %arg17[%dma_wait3A_672, %dma_wait3A_673] : memref<10000x48xf32, #tpu.memory_space<vmem_shared>> -> memref<10000x48xf32, #tpu.memory_space<vmem_shared>>
    tpu.wait_indirect_dma semaphore(%arg21 : memref<!tpu.dma_semaphore, #tpu.memory_space<semaphore_mem>>) src(%arg14 : memref<125x48xf32, #tpu.memory_space<vmem>>) dst(%dma_wait3A_674 : memref<10000x48xf32, #tpu.memory_space<vmem_shared>>)
    %dma_wait3A_675 = arith.constant 79 : i32
    %dma_wait3A_676 = arith.constant 0 : i32
    %dma_wait3A_677 = tpu.memref_slice %arg7[%dma_wait3A_675, %dma_wait3A_676] : memref<80x125xi32, #tpu.memory_space<vmem>> -> memref<1x125xi32, #tpu.memory_space<vmem>>
    %dma_wait3A_678 = tpu.memref_squeeze %dma_wait3A_677 : memref<1x125xi32, #tpu.memory_space<vmem>> -> memref<125xi32, #tpu.memory_space<vmem>>
    %dma_wait3A_679 = arith.constant 0 : i32
    %dma_wait3A_680 = arith.constant 0 : i32
    %dma_wait3A_681 = tpu.memref_slice %arg17[%dma_wait3A_679, %dma_wait3A_680] : memref<10000x48xf32, #tpu.memory_space<vmem_shared>> -> memref<10000x48xf32, #tpu.memory_space<vmem_shared>>
    tpu.wait_indirect_dma semaphore(%arg21 : memref<!tpu.dma_semaphore, #tpu.memory_space<semaphore_mem>>) src(%arg15 : memref<125x48xf32, #tpu.memory_space<vmem>>) dst(%dma_wait3A_681 : memref<10000x48xf32, #tpu.memory_space<vmem_shared>>)
    %barrier3A_682 = arith.constant 0 : index
    tpu.barrier barrier_id(%barrier3A_682)
    %mul3A_683 = arith.constant 625 : i32
    %mul3A_684 = arith.muli %arg1, %mul3A_683 : i32
    "tpu.region"() ({
      %run_scoped3A = tpu.sem_alloc : memref<!tpu.dma_semaphore, #tpu.memory_space<semaphore_mem>>
      %dma_start3A_685 = arith.constant 0 : i32
      %dma_start3A_686 = tpu.memref_slice %arg5[%arg0, %mul3A_684, %dma_start3A_685] : memref<2x10000x48xf32, #tpu.memory_space<hbm>> -> memref<1x625x48xf32, #tpu.memory_space<hbm>>
      %dma_start3A_687 = tpu.memref_squeeze %dma_start3A_686 : memref<1x625x48xf32, #tpu.memory_space<hbm>> -> memref<625x48xf32, #tpu.memory_space<hbm>>
      %dma_start3A_688 = arith.constant 0 : i32
      %dma_start3A_689 = tpu.memref_slice %arg17[%mul3A_684, %dma_start3A_688] : memref<10000x48xf32, #tpu.memory_space<vmem_shared>> -> memref<625x48xf32, #tpu.memory_space<vmem_shared>>
      tpu.enqueue_dma source(%dma_start3A_689 : memref<625x48xf32, #tpu.memory_space<vmem_shared>>) target(%dma_start3A_687 : memref<625x48xf32, #tpu.memory_space<hbm>>) target_semaphore(%run_scoped3A : memref<!tpu.dma_semaphore, #tpu.memory_space<semaphore_mem>>)
      %dma_wait3A_690 = arith.constant 0 : i32
      %dma_wait3A_691 = tpu.memref_slice %arg5[%arg0, %mul3A_684, %dma_wait3A_690] : memref<2x10000x48xf32, #tpu.memory_space<hbm>> -> memref<1x625x48xf32, #tpu.memory_space<hbm>>
      %dma_wait3A_692 = tpu.memref_squeeze %dma_wait3A_691 : memref<1x625x48xf32, #tpu.memory_space<hbm>> -> memref<625x48xf32, #tpu.memory_space<hbm>>
      %dma_wait3A_693 = arith.constant 0 : i32
      %dma_wait3A_694 = tpu.memref_slice %arg17[%mul3A_684, %dma_wait3A_693] : memref<10000x48xf32, #tpu.memory_space<vmem_shared>> -> memref<625x48xf32, #tpu.memory_space<vmem_shared>>
      tpu.wait_dma2 semaphore(%run_scoped3A : memref<!tpu.dma_semaphore, #tpu.memory_space<semaphore_mem>>) src(%dma_wait3A_694 : memref<625x48xf32, #tpu.memory_space<vmem_shared>>) dst(%dma_wait3A_692 : memref<625x48xf32, #tpu.memory_space<hbm>>)
      tpu.yield
    }) : () -> ()
    return
  }
}

#map = affine_map<(d0, d1) -> (0, 0)>
#map1 = affine_map<(d0, d1) -> (0, 0, 0)>
module attributes {stable_mosaic.version = 14 : i64} {
  func.func @prop_kernel(%arg0: i32, %arg1: i32, %arg2: memref<10000x40xf32, #tpu.memory_space<hbm>>, %arg3: memref<32x80x125xi32, #tpu.memory_space<hbm>>, %arg4: memref<32x80x125xi32, #tpu.memory_space<hbm>>, %arg5: memref<2x10000x40xf32, #tpu.memory_space<hbm>>, %arg6: memref<80x125xi32, #tpu.memory_space<vmem>>, %arg7: memref<80x125xi32, #tpu.memory_space<vmem>>, %arg8: memref<125x40xf32, #tpu.memory_space<vmem>>, %arg9: memref<125x40xf32, #tpu.memory_space<vmem>>, %arg10: memref<125x40xf32, #tpu.memory_space<vmem>>, %arg11: memref<125x40xf32, #tpu.memory_space<vmem>>, %arg12: memref<125x40xf32, #tpu.memory_space<vmem>>, %arg13: memref<125x40xf32, #tpu.memory_space<vmem>>, %arg14: memref<125x40xf32, #tpu.memory_space<vmem>>, %arg15: memref<125x40xf32, #tpu.memory_space<vmem>>, %arg16: memref<25x40xf32, #tpu.memory_space<vmem>>, %arg17: memref<10000x40xf32, #tpu.memory_space<vmem_shared>>, %arg18: memref<!tpu.dma_semaphore, #tpu.memory_space<semaphore_mem>>, %arg19: memref<!tpu.dma_semaphore, #tpu.memory_space<semaphore_mem>>, %arg20: memref<!tpu.dma_semaphore, #tpu.memory_space<semaphore_mem>>, %arg21: memref<!tpu.dma_semaphore, #tpu.memory_space<semaphore_mem>>) attributes {dimension_semantics = [#tpu.dimension_semantics<core_parallel>, #tpu.dimension_semantics<subcore_parallel>], iteration_bounds = array<i64: 2, 16>, scalar_prefetch = 0 : i64, scratch_operands = 16 : i64, tpu.core_type = #tpu.core_type<sc_vector_subcore>, window_params = [{transform_indices = #map}, {transform_indices = #map1}, {transform_indices = #map1}, {transform_indices = #map1}]} {
    %mul3A = arith.constant 2 : i32
    %mul3A_0 = arith.muli %arg1, %mul3A : i32
    %add3A = arith.addi %mul3A_0, %arg0 : i32
    %broadcast_in_dim3A = arith.constant 0.000000e+00 : f32
    %broadcast_in_dim3A_1 = vector.broadcast %broadcast_in_dim3A : f32 to vector<16xf32>
    %swap3A = arith.constant 0 : i32
    %swap3A_2 = arith.index_cast %swap3A : i32 to index
    %swap3A_3 = arith.constant 0 : index
    %swap3A_4 = tpu.vector_load %arg16[%swap3A_2, %swap3A_3] {strides = array<i32>} : memref<25x40xf32, #tpu.memory_space<vmem>>, vector<1x16xf32>,
    %swap3A_5 = vector.shape_cast %swap3A_4 : vector<1x16xf32> to vector<16xf32>
    %swap3A_6 = vector.shape_cast %broadcast_in_dim3A_1 : vector<16xf32> to vector<1x16xf32>
    tpu.vector_store %arg16[%swap3A_2, %swap3A_3], %swap3A_6 {strides = array<i32>} : memref<25x40xf32, #tpu.memory_space<vmem>>, vector<1x16xf32>,
    %swap3A_7 = arith.constant 0 : i32
    %swap3A_8 = arith.index_cast %swap3A_7 : i32 to index
    %swap3A_9 = arith.constant 16 : index
    %swap3A_10 = tpu.vector_load %arg16[%swap3A_8, %swap3A_9] {strides = array<i32>} : memref<25x40xf32, #tpu.memory_space<vmem>>, vector<1x16xf32>,
    %swap3A_11 = vector.shape_cast %swap3A_10 : vector<1x16xf32> to vector<16xf32>
    %swap3A_12 = vector.shape_cast %broadcast_in_dim3A_1 : vector<16xf32> to vector<1x16xf32>
    tpu.vector_store %arg16[%swap3A_8, %swap3A_9], %swap3A_12 {strides = array<i32>} : memref<25x40xf32, #tpu.memory_space<vmem>>, vector<1x16xf32>,
    %swap3A_13 = arith.constant 0 : i32
    %swap3A_14 = arith.index_cast %swap3A_13 : i32 to index
    %swap3A_15 = arith.constant 24 : index
    %swap3A_16 = tpu.vector_load %arg16[%swap3A_14, %swap3A_15] {strides = array<i32>} : memref<25x40xf32, #tpu.memory_space<vmem>>, vector<1x16xf32>,
    %swap3A_17 = vector.shape_cast %swap3A_16 : vector<1x16xf32> to vector<16xf32>
    %swap3A_18 = vector.shape_cast %broadcast_in_dim3A_1 : vector<16xf32> to vector<1x16xf32>
    tpu.vector_store %arg16[%swap3A_14, %swap3A_15], %swap3A_18 {strides = array<i32>} : memref<25x40xf32, #tpu.memory_space<vmem>>, vector<1x16xf32>,
    %swap3A_19 = arith.constant 1 : i32
    %swap3A_20 = arith.index_cast %swap3A_19 : i32 to index
    %swap3A_21 = arith.constant 0 : index
    %swap3A_22 = tpu.vector_load %arg16[%swap3A_20, %swap3A_21] {strides = array<i32>} : memref<25x40xf32, #tpu.memory_space<vmem>>, vector<1x16xf32>,
    %swap3A_23 = vector.shape_cast %swap3A_22 : vector<1x16xf32> to vector<16xf32>
    %swap3A_24 = vector.shape_cast %broadcast_in_dim3A_1 : vector<16xf32> to vector<1x16xf32>
    tpu.vector_store %arg16[%swap3A_20, %swap3A_21], %swap3A_24 {strides = array<i32>} : memref<25x40xf32, #tpu.memory_space<vmem>>, vector<1x16xf32>,
    %swap3A_25 = arith.constant 1 : i32
    %swap3A_26 = arith.index_cast %swap3A_25 : i32 to index
    %swap3A_27 = arith.constant 16 : index
    %swap3A_28 = tpu.vector_load %arg16[%swap3A_26, %swap3A_27] {strides = array<i32>} : memref<25x40xf32, #tpu.memory_space<vmem>>, vector<1x16xf32>,
    %swap3A_29 = vector.shape_cast %swap3A_28 : vector<1x16xf32> to vector<16xf32>
    %swap3A_30 = vector.shape_cast %broadcast_in_dim3A_1 : vector<16xf32> to vector<1x16xf32>
    tpu.vector_store %arg16[%swap3A_26, %swap3A_27], %swap3A_30 {strides = array<i32>} : memref<25x40xf32, #tpu.memory_space<vmem>>, vector<1x16xf32>,
    %swap3A_31 = arith.constant 1 : i32
    %swap3A_32 = arith.index_cast %swap3A_31 : i32 to index
    %swap3A_33 = arith.constant 24 : index
    %swap3A_34 = tpu.vector_load %arg16[%swap3A_32, %swap3A_33] {strides = array<i32>} : memref<25x40xf32, #tpu.memory_space<vmem>>, vector<1x16xf32>,
    %swap3A_35 = vector.shape_cast %swap3A_34 : vector<1x16xf32> to vector<16xf32>
    %swap3A_36 = vector.shape_cast %broadcast_in_dim3A_1 : vector<16xf32> to vector<1x16xf32>
    tpu.vector_store %arg16[%swap3A_32, %swap3A_33], %swap3A_36 {strides = array<i32>} : memref<25x40xf32, #tpu.memory_space<vmem>>, vector<1x16xf32>,
    %swap3A_37 = arith.constant 2 : i32
    %swap3A_38 = arith.index_cast %swap3A_37 : i32 to index
    %swap3A_39 = arith.constant 0 : index
    %swap3A_40 = tpu.vector_load %arg16[%swap3A_38, %swap3A_39] {strides = array<i32>} : memref<25x40xf32, #tpu.memory_space<vmem>>, vector<1x16xf32>,
    %swap3A_41 = vector.shape_cast %swap3A_40 : vector<1x16xf32> to vector<16xf32>
    %swap3A_42 = vector.shape_cast %broadcast_in_dim3A_1 : vector<16xf32> to vector<1x16xf32>
    tpu.vector_store %arg16[%swap3A_38, %swap3A_39], %swap3A_42 {strides = array<i32>} : memref<25x40xf32, #tpu.memory_space<vmem>>, vector<1x16xf32>,
    %swap3A_43 = arith.constant 2 : i32
    %swap3A_44 = arith.index_cast %swap3A_43 : i32 to index
    %swap3A_45 = arith.constant 16 : index
    %swap3A_46 = tpu.vector_load %arg16[%swap3A_44, %swap3A_45] {strides = array<i32>} : memref<25x40xf32, #tpu.memory_space<vmem>>, vector<1x16xf32>,
    %swap3A_47 = vector.shape_cast %swap3A_46 : vector<1x16xf32> to vector<16xf32>
    %swap3A_48 = vector.shape_cast %broadcast_in_dim3A_1 : vector<16xf32> to vector<1x16xf32>
    tpu.vector_store %arg16[%swap3A_44, %swap3A_45], %swap3A_48 {strides = array<i32>} : memref<25x40xf32, #tpu.memory_space<vmem>>, vector<1x16xf32>,
    %swap3A_49 = arith.constant 2 : i32
    %swap3A_50 = arith.index_cast %swap3A_49 : i32 to index
    %swap3A_51 = arith.constant 24 : index
    %swap3A_52 = tpu.vector_load %arg16[%swap3A_50, %swap3A_51] {strides = array<i32>} : memref<25x40xf32, #tpu.memory_space<vmem>>, vector<1x16xf32>,
    %swap3A_53 = vector.shape_cast %swap3A_52 : vector<1x16xf32> to vector<16xf32>
    %swap3A_54 = vector.shape_cast %broadcast_in_dim3A_1 : vector<16xf32> to vector<1x16xf32>
    tpu.vector_store %arg16[%swap3A_50, %swap3A_51], %swap3A_54 {strides = array<i32>} : memref<25x40xf32, #tpu.memory_space<vmem>>, vector<1x16xf32>,
    %swap3A_55 = arith.constant 3 : i32
    %swap3A_56 = arith.index_cast %swap3A_55 : i32 to index
    %swap3A_57 = arith.constant 0 : index
    %swap3A_58 = tpu.vector_load %arg16[%swap3A_56, %swap3A_57] {strides = array<i32>} : memref<25x40xf32, #tpu.memory_space<vmem>>, vector<1x16xf32>,
    %swap3A_59 = vector.shape_cast %swap3A_58 : vector<1x16xf32> to vector<16xf32>
    %swap3A_60 = vector.shape_cast %broadcast_in_dim3A_1 : vector<16xf32> to vector<1x16xf32>
    tpu.vector_store %arg16[%swap3A_56, %swap3A_57], %swap3A_60 {strides = array<i32>} : memref<25x40xf32, #tpu.memory_space<vmem>>, vector<1x16xf32>,
    %swap3A_61 = arith.constant 3 : i32
    %swap3A_62 = arith.index_cast %swap3A_61 : i32 to index
    %swap3A_63 = arith.constant 16 : index
    %swap3A_64 = tpu.vector_load %arg16[%swap3A_62, %swap3A_63] {strides = array<i32>} : memref<25x40xf32, #tpu.memory_space<vmem>>, vector<1x16xf32>,
    %swap3A_65 = vector.shape_cast %swap3A_64 : vector<1x16xf32> to vector<16xf32>
    %swap3A_66 = vector.shape_cast %broadcast_in_dim3A_1 : vector<16xf32> to vector<1x16xf32>
    tpu.vector_store %arg16[%swap3A_62, %swap3A_63], %swap3A_66 {strides = array<i32>} : memref<25x40xf32, #tpu.memory_space<vmem>>, vector<1x16xf32>,
    %swap3A_67 = arith.constant 3 : i32
    %swap3A_68 = arith.index_cast %swap3A_67 : i32 to index
    %swap3A_69 = arith.constant 24 : index
    %swap3A_70 = tpu.vector_load %arg16[%swap3A_68, %swap3A_69] {strides = array<i32>} : memref<25x40xf32, #tpu.memory_space<vmem>>, vector<1x16xf32>,
    %swap3A_71 = vector.shape_cast %swap3A_70 : vector<1x16xf32> to vector<16xf32>
    %swap3A_72 = vector.shape_cast %broadcast_in_dim3A_1 : vector<16xf32> to vector<1x16xf32>
    tpu.vector_store %arg16[%swap3A_68, %swap3A_69], %swap3A_72 {strides = array<i32>} : memref<25x40xf32, #tpu.memory_space<vmem>>, vector<1x16xf32>,
    %swap3A_73 = arith.constant 4 : i32
    %swap3A_74 = arith.index_cast %swap3A_73 : i32 to index
    %swap3A_75 = arith.constant 0 : index
    %swap3A_76 = tpu.vector_load %arg16[%swap3A_74, %swap3A_75] {strides = array<i32>} : memref<25x40xf32, #tpu.memory_space<vmem>>, vector<1x16xf32>,
    %swap3A_77 = vector.shape_cast %swap3A_76 : vector<1x16xf32> to vector<16xf32>
    %swap3A_78 = vector.shape_cast %broadcast_in_dim3A_1 : vector<16xf32> to vector<1x16xf32>
    tpu.vector_store %arg16[%swap3A_74, %swap3A_75], %swap3A_78 {strides = array<i32>} : memref<25x40xf32, #tpu.memory_space<vmem>>, vector<1x16xf32>,
    %swap3A_79 = arith.constant 4 : i32
    %swap3A_80 = arith.index_cast %swap3A_79 : i32 to index
    %swap3A_81 = arith.constant 16 : index
    %swap3A_82 = tpu.vector_load %arg16[%swap3A_80, %swap3A_81] {strides = array<i32>} : memref<25x40xf32, #tpu.memory_space<vmem>>, vector<1x16xf32>,
    %swap3A_83 = vector.shape_cast %swap3A_82 : vector<1x16xf32> to vector<16xf32>
    %swap3A_84 = vector.shape_cast %broadcast_in_dim3A_1 : vector<16xf32> to vector<1x16xf32>
    tpu.vector_store %arg16[%swap3A_80, %swap3A_81], %swap3A_84 {strides = array<i32>} : memref<25x40xf32, #tpu.memory_space<vmem>>, vector<1x16xf32>,
    %swap3A_85 = arith.constant 4 : i32
    %swap3A_86 = arith.index_cast %swap3A_85 : i32 to index
    %swap3A_87 = arith.constant 24 : index
    %swap3A_88 = tpu.vector_load %arg16[%swap3A_86, %swap3A_87] {strides = array<i32>} : memref<25x40xf32, #tpu.memory_space<vmem>>, vector<1x16xf32>,
    %swap3A_89 = vector.shape_cast %swap3A_88 : vector<1x16xf32> to vector<16xf32>
    %swap3A_90 = vector.shape_cast %broadcast_in_dim3A_1 : vector<16xf32> to vector<1x16xf32>
    tpu.vector_store %arg16[%swap3A_86, %swap3A_87], %swap3A_90 {strides = array<i32>} : memref<25x40xf32, #tpu.memory_space<vmem>>, vector<1x16xf32>,
    %swap3A_91 = arith.constant 5 : i32
    %swap3A_92 = arith.index_cast %swap3A_91 : i32 to index
    %swap3A_93 = arith.constant 0 : index
    %swap3A_94 = tpu.vector_load %arg16[%swap3A_92, %swap3A_93] {strides = array<i32>} : memref<25x40xf32, #tpu.memory_space<vmem>>, vector<1x16xf32>,
    %swap3A_95 = vector.shape_cast %swap3A_94 : vector<1x16xf32> to vector<16xf32>
    %swap3A_96 = vector.shape_cast %broadcast_in_dim3A_1 : vector<16xf32> to vector<1x16xf32>
    tpu.vector_store %arg16[%swap3A_92, %swap3A_93], %swap3A_96 {strides = array<i32>} : memref<25x40xf32, #tpu.memory_space<vmem>>, vector<1x16xf32>,
    %swap3A_97 = arith.constant 5 : i32
    %swap3A_98 = arith.index_cast %swap3A_97 : i32 to index
    %swap3A_99 = arith.constant 16 : index
    %swap3A_100 = tpu.vector_load %arg16[%swap3A_98, %swap3A_99] {strides = array<i32>} : memref<25x40xf32, #tpu.memory_space<vmem>>, vector<1x16xf32>,
    %swap3A_101 = vector.shape_cast %swap3A_100 : vector<1x16xf32> to vector<16xf32>
    %swap3A_102 = vector.shape_cast %broadcast_in_dim3A_1 : vector<16xf32> to vector<1x16xf32>
    tpu.vector_store %arg16[%swap3A_98, %swap3A_99], %swap3A_102 {strides = array<i32>} : memref<25x40xf32, #tpu.memory_space<vmem>>, vector<1x16xf32>,
    %swap3A_103 = arith.constant 5 : i32
    %swap3A_104 = arith.index_cast %swap3A_103 : i32 to index
    %swap3A_105 = arith.constant 24 : index
    %swap3A_106 = tpu.vector_load %arg16[%swap3A_104, %swap3A_105] {strides = array<i32>} : memref<25x40xf32, #tpu.memory_space<vmem>>, vector<1x16xf32>,
    %swap3A_107 = vector.shape_cast %swap3A_106 : vector<1x16xf32> to vector<16xf32>
    %swap3A_108 = vector.shape_cast %broadcast_in_dim3A_1 : vector<16xf32> to vector<1x16xf32>
    tpu.vector_store %arg16[%swap3A_104, %swap3A_105], %swap3A_108 {strides = array<i32>} : memref<25x40xf32, #tpu.memory_space<vmem>>, vector<1x16xf32>,
    %swap3A_109 = arith.constant 6 : i32
    %swap3A_110 = arith.index_cast %swap3A_109 : i32 to index
    %swap3A_111 = arith.constant 0 : index
    %swap3A_112 = tpu.vector_load %arg16[%swap3A_110, %swap3A_111] {strides = array<i32>} : memref<25x40xf32, #tpu.memory_space<vmem>>, vector<1x16xf32>,
    %swap3A_113 = vector.shape_cast %swap3A_112 : vector<1x16xf32> to vector<16xf32>
    %swap3A_114 = vector.shape_cast %broadcast_in_dim3A_1 : vector<16xf32> to vector<1x16xf32>
    tpu.vector_store %arg16[%swap3A_110, %swap3A_111], %swap3A_114 {strides = array<i32>} : memref<25x40xf32, #tpu.memory_space<vmem>>, vector<1x16xf32>,
    %swap3A_115 = arith.constant 6 : i32
    %swap3A_116 = arith.index_cast %swap3A_115 : i32 to index
    %swap3A_117 = arith.constant 16 : index
    %swap3A_118 = tpu.vector_load %arg16[%swap3A_116, %swap3A_117] {strides = array<i32>} : memref<25x40xf32, #tpu.memory_space<vmem>>, vector<1x16xf32>,
    %swap3A_119 = vector.shape_cast %swap3A_118 : vector<1x16xf32> to vector<16xf32>
    %swap3A_120 = vector.shape_cast %broadcast_in_dim3A_1 : vector<16xf32> to vector<1x16xf32>
    tpu.vector_store %arg16[%swap3A_116, %swap3A_117], %swap3A_120 {strides = array<i32>} : memref<25x40xf32, #tpu.memory_space<vmem>>, vector<1x16xf32>,
    %swap3A_121 = arith.constant 6 : i32
    %swap3A_122 = arith.index_cast %swap3A_121 : i32 to index
    %swap3A_123 = arith.constant 24 : index
    %swap3A_124 = tpu.vector_load %arg16[%swap3A_122, %swap3A_123] {strides = array<i32>} : memref<25x40xf32, #tpu.memory_space<vmem>>, vector<1x16xf32>,
    %swap3A_125 = vector.shape_cast %swap3A_124 : vector<1x16xf32> to vector<16xf32>
    %swap3A_126 = vector.shape_cast %broadcast_in_dim3A_1 : vector<16xf32> to vector<1x16xf32>
    tpu.vector_store %arg16[%swap3A_122, %swap3A_123], %swap3A_126 {strides = array<i32>} : memref<25x40xf32, #tpu.memory_space<vmem>>, vector<1x16xf32>,
    %swap3A_127 = arith.constant 7 : i32
    %swap3A_128 = arith.index_cast %swap3A_127 : i32 to index
    %swap3A_129 = arith.constant 0 : index
    %swap3A_130 = tpu.vector_load %arg16[%swap3A_128, %swap3A_129] {strides = array<i32>} : memref<25x40xf32, #tpu.memory_space<vmem>>, vector<1x16xf32>,
    %swap3A_131 = vector.shape_cast %swap3A_130 : vector<1x16xf32> to vector<16xf32>
    %swap3A_132 = vector.shape_cast %broadcast_in_dim3A_1 : vector<16xf32> to vector<1x16xf32>
    tpu.vector_store %arg16[%swap3A_128, %swap3A_129], %swap3A_132 {strides = array<i32>} : memref<25x40xf32, #tpu.memory_space<vmem>>, vector<1x16xf32>,
    %swap3A_133 = arith.constant 7 : i32
    %swap3A_134 = arith.index_cast %swap3A_133 : i32 to index
    %swap3A_135 = arith.constant 16 : index
    %swap3A_136 = tpu.vector_load %arg16[%swap3A_134, %swap3A_135] {strides = array<i32>} : memref<25x40xf32, #tpu.memory_space<vmem>>, vector<1x16xf32>,
    %swap3A_137 = vector.shape_cast %swap3A_136 : vector<1x16xf32> to vector<16xf32>
    %swap3A_138 = vector.shape_cast %broadcast_in_dim3A_1 : vector<16xf32> to vector<1x16xf32>
    tpu.vector_store %arg16[%swap3A_134, %swap3A_135], %swap3A_138 {strides = array<i32>} : memref<25x40xf32, #tpu.memory_space<vmem>>, vector<1x16xf32>,
    %swap3A_139 = arith.constant 7 : i32
    %swap3A_140 = arith.index_cast %swap3A_139 : i32 to index
    %swap3A_141 = arith.constant 24 : index
    %swap3A_142 = tpu.vector_load %arg16[%swap3A_140, %swap3A_141] {strides = array<i32>} : memref<25x40xf32, #tpu.memory_space<vmem>>, vector<1x16xf32>,
    %swap3A_143 = vector.shape_cast %swap3A_142 : vector<1x16xf32> to vector<16xf32>
    %swap3A_144 = vector.shape_cast %broadcast_in_dim3A_1 : vector<16xf32> to vector<1x16xf32>
    tpu.vector_store %arg16[%swap3A_140, %swap3A_141], %swap3A_144 {strides = array<i32>} : memref<25x40xf32, #tpu.memory_space<vmem>>, vector<1x16xf32>,
    %swap3A_145 = arith.constant 8 : i32
    %swap3A_146 = arith.index_cast %swap3A_145 : i32 to index
    %swap3A_147 = arith.constant 0 : index
    %swap3A_148 = tpu.vector_load %arg16[%swap3A_146, %swap3A_147] {strides = array<i32>} : memref<25x40xf32, #tpu.memory_space<vmem>>, vector<1x16xf32>,
    %swap3A_149 = vector.shape_cast %swap3A_148 : vector<1x16xf32> to vector<16xf32>
    %swap3A_150 = vector.shape_cast %broadcast_in_dim3A_1 : vector<16xf32> to vector<1x16xf32>
    tpu.vector_store %arg16[%swap3A_146, %swap3A_147], %swap3A_150 {strides = array<i32>} : memref<25x40xf32, #tpu.memory_space<vmem>>, vector<1x16xf32>,
    %swap3A_151 = arith.constant 8 : i32
    %swap3A_152 = arith.index_cast %swap3A_151 : i32 to index
    %swap3A_153 = arith.constant 16 : index
    %swap3A_154 = tpu.vector_load %arg16[%swap3A_152, %swap3A_153] {strides = array<i32>} : memref<25x40xf32, #tpu.memory_space<vmem>>, vector<1x16xf32>,
    %swap3A_155 = vector.shape_cast %swap3A_154 : vector<1x16xf32> to vector<16xf32>
    %swap3A_156 = vector.shape_cast %broadcast_in_dim3A_1 : vector<16xf32> to vector<1x16xf32>
    tpu.vector_store %arg16[%swap3A_152, %swap3A_153], %swap3A_156 {strides = array<i32>} : memref<25x40xf32, #tpu.memory_space<vmem>>, vector<1x16xf32>,
    %swap3A_157 = arith.constant 8 : i32
    %swap3A_158 = arith.index_cast %swap3A_157 : i32 to index
    %swap3A_159 = arith.constant 24 : index
    %swap3A_160 = tpu.vector_load %arg16[%swap3A_158, %swap3A_159] {strides = array<i32>} : memref<25x40xf32, #tpu.memory_space<vmem>>, vector<1x16xf32>,
    %swap3A_161 = vector.shape_cast %swap3A_160 : vector<1x16xf32> to vector<16xf32>
    %swap3A_162 = vector.shape_cast %broadcast_in_dim3A_1 : vector<16xf32> to vector<1x16xf32>
    tpu.vector_store %arg16[%swap3A_158, %swap3A_159], %swap3A_162 {strides = array<i32>} : memref<25x40xf32, #tpu.memory_space<vmem>>, vector<1x16xf32>,
    %swap3A_163 = arith.constant 9 : i32
    %swap3A_164 = arith.index_cast %swap3A_163 : i32 to index
    %swap3A_165 = arith.constant 0 : index
    %swap3A_166 = tpu.vector_load %arg16[%swap3A_164, %swap3A_165] {strides = array<i32>} : memref<25x40xf32, #tpu.memory_space<vmem>>, vector<1x16xf32>,
    %swap3A_167 = vector.shape_cast %swap3A_166 : vector<1x16xf32> to vector<16xf32>
    %swap3A_168 = vector.shape_cast %broadcast_in_dim3A_1 : vector<16xf32> to vector<1x16xf32>
    tpu.vector_store %arg16[%swap3A_164, %swap3A_165], %swap3A_168 {strides = array<i32>} : memref<25x40xf32, #tpu.memory_space<vmem>>, vector<1x16xf32>,
    %swap3A_169 = arith.constant 9 : i32
    %swap3A_170 = arith.index_cast %swap3A_169 : i32 to index
    %swap3A_171 = arith.constant 16 : index
    %swap3A_172 = tpu.vector_load %arg16[%swap3A_170, %swap3A_171] {strides = array<i32>} : memref<25x40xf32, #tpu.memory_space<vmem>>, vector<1x16xf32>,
    %swap3A_173 = vector.shape_cast %swap3A_172 : vector<1x16xf32> to vector<16xf32>
    %swap3A_174 = vector.shape_cast %broadcast_in_dim3A_1 : vector<16xf32> to vector<1x16xf32>
    tpu.vector_store %arg16[%swap3A_170, %swap3A_171], %swap3A_174 {strides = array<i32>} : memref<25x40xf32, #tpu.memory_space<vmem>>, vector<1x16xf32>,
    %swap3A_175 = arith.constant 9 : i32
    %swap3A_176 = arith.index_cast %swap3A_175 : i32 to index
    %swap3A_177 = arith.constant 24 : index
    %swap3A_178 = tpu.vector_load %arg16[%swap3A_176, %swap3A_177] {strides = array<i32>} : memref<25x40xf32, #tpu.memory_space<vmem>>, vector<1x16xf32>,
    %swap3A_179 = vector.shape_cast %swap3A_178 : vector<1x16xf32> to vector<16xf32>
    %swap3A_180 = vector.shape_cast %broadcast_in_dim3A_1 : vector<16xf32> to vector<1x16xf32>
    tpu.vector_store %arg16[%swap3A_176, %swap3A_177], %swap3A_180 {strides = array<i32>} : memref<25x40xf32, #tpu.memory_space<vmem>>, vector<1x16xf32>,
    %swap3A_181 = arith.constant 10 : i32
    %swap3A_182 = arith.index_cast %swap3A_181 : i32 to index
    %swap3A_183 = arith.constant 0 : index
    %swap3A_184 = tpu.vector_load %arg16[%swap3A_182, %swap3A_183] {strides = array<i32>} : memref<25x40xf32, #tpu.memory_space<vmem>>, vector<1x16xf32>,
    %swap3A_185 = vector.shape_cast %swap3A_184 : vector<1x16xf32> to vector<16xf32>
    %swap3A_186 = vector.shape_cast %broadcast_in_dim3A_1 : vector<16xf32> to vector<1x16xf32>
    tpu.vector_store %arg16[%swap3A_182, %swap3A_183], %swap3A_186 {strides = array<i32>} : memref<25x40xf32, #tpu.memory_space<vmem>>, vector<1x16xf32>,
    %swap3A_187 = arith.constant 10 : i32
    %swap3A_188 = arith.index_cast %swap3A_187 : i32 to index
    %swap3A_189 = arith.constant 16 : index
    %swap3A_190 = tpu.vector_load %arg16[%swap3A_188, %swap3A_189] {strides = array<i32>} : memref<25x40xf32, #tpu.memory_space<vmem>>, vector<1x16xf32>,
    %swap3A_191 = vector.shape_cast %swap3A_190 : vector<1x16xf32> to vector<16xf32>
    %swap3A_192 = vector.shape_cast %broadcast_in_dim3A_1 : vector<16xf32> to vector<1x16xf32>
    tpu.vector_store %arg16[%swap3A_188, %swap3A_189], %swap3A_192 {strides = array<i32>} : memref<25x40xf32, #tpu.memory_space<vmem>>, vector<1x16xf32>,
    %swap3A_193 = arith.constant 10 : i32
    %swap3A_194 = arith.index_cast %swap3A_193 : i32 to index
    %swap3A_195 = arith.constant 24 : index
    %swap3A_196 = tpu.vector_load %arg16[%swap3A_194, %swap3A_195] {strides = array<i32>} : memref<25x40xf32, #tpu.memory_space<vmem>>, vector<1x16xf32>,
    %swap3A_197 = vector.shape_cast %swap3A_196 : vector<1x16xf32> to vector<16xf32>
    %swap3A_198 = vector.shape_cast %broadcast_in_dim3A_1 : vector<16xf32> to vector<1x16xf32>
    tpu.vector_store %arg16[%swap3A_194, %swap3A_195], %swap3A_198 {strides = array<i32>} : memref<25x40xf32, #tpu.memory_space<vmem>>, vector<1x16xf32>,
    %swap3A_199 = arith.constant 11 : i32
    %swap3A_200 = arith.index_cast %swap3A_199 : i32 to index
    %swap3A_201 = arith.constant 0 : index
    %swap3A_202 = tpu.vector_load %arg16[%swap3A_200, %swap3A_201] {strides = array<i32>} : memref<25x40xf32, #tpu.memory_space<vmem>>, vector<1x16xf32>,
    %swap3A_203 = vector.shape_cast %swap3A_202 : vector<1x16xf32> to vector<16xf32>
    %swap3A_204 = vector.shape_cast %broadcast_in_dim3A_1 : vector<16xf32> to vector<1x16xf32>
    tpu.vector_store %arg16[%swap3A_200, %swap3A_201], %swap3A_204 {strides = array<i32>} : memref<25x40xf32, #tpu.memory_space<vmem>>, vector<1x16xf32>,
    %swap3A_205 = arith.constant 11 : i32
    %swap3A_206 = arith.index_cast %swap3A_205 : i32 to index
    %swap3A_207 = arith.constant 16 : index
    %swap3A_208 = tpu.vector_load %arg16[%swap3A_206, %swap3A_207] {strides = array<i32>} : memref<25x40xf32, #tpu.memory_space<vmem>>, vector<1x16xf32>,
    %swap3A_209 = vector.shape_cast %swap3A_208 : vector<1x16xf32> to vector<16xf32>
    %swap3A_210 = vector.shape_cast %broadcast_in_dim3A_1 : vector<16xf32> to vector<1x16xf32>
    tpu.vector_store %arg16[%swap3A_206, %swap3A_207], %swap3A_210 {strides = array<i32>} : memref<25x40xf32, #tpu.memory_space<vmem>>, vector<1x16xf32>,
    %swap3A_211 = arith.constant 11 : i32
    %swap3A_212 = arith.index_cast %swap3A_211 : i32 to index
    %swap3A_213 = arith.constant 24 : index
    %swap3A_214 = tpu.vector_load %arg16[%swap3A_212, %swap3A_213] {strides = array<i32>} : memref<25x40xf32, #tpu.memory_space<vmem>>, vector<1x16xf32>,
    %swap3A_215 = vector.shape_cast %swap3A_214 : vector<1x16xf32> to vector<16xf32>
    %swap3A_216 = vector.shape_cast %broadcast_in_dim3A_1 : vector<16xf32> to vector<1x16xf32>
    tpu.vector_store %arg16[%swap3A_212, %swap3A_213], %swap3A_216 {strides = array<i32>} : memref<25x40xf32, #tpu.memory_space<vmem>>, vector<1x16xf32>,
    %swap3A_217 = arith.constant 12 : i32
    %swap3A_218 = arith.index_cast %swap3A_217 : i32 to index
    %swap3A_219 = arith.constant 0 : index
    %swap3A_220 = tpu.vector_load %arg16[%swap3A_218, %swap3A_219] {strides = array<i32>} : memref<25x40xf32, #tpu.memory_space<vmem>>, vector<1x16xf32>,
    %swap3A_221 = vector.shape_cast %swap3A_220 : vector<1x16xf32> to vector<16xf32>
    %swap3A_222 = vector.shape_cast %broadcast_in_dim3A_1 : vector<16xf32> to vector<1x16xf32>
    tpu.vector_store %arg16[%swap3A_218, %swap3A_219], %swap3A_222 {strides = array<i32>} : memref<25x40xf32, #tpu.memory_space<vmem>>, vector<1x16xf32>,
    %swap3A_223 = arith.constant 12 : i32
    %swap3A_224 = arith.index_cast %swap3A_223 : i32 to index
    %swap3A_225 = arith.constant 16 : index
    %swap3A_226 = tpu.vector_load %arg16[%swap3A_224, %swap3A_225] {strides = array<i32>} : memref<25x40xf32, #tpu.memory_space<vmem>>, vector<1x16xf32>,
    %swap3A_227 = vector.shape_cast %swap3A_226 : vector<1x16xf32> to vector<16xf32>
    %swap3A_228 = vector.shape_cast %broadcast_in_dim3A_1 : vector<16xf32> to vector<1x16xf32>
    tpu.vector_store %arg16[%swap3A_224, %swap3A_225], %swap3A_228 {strides = array<i32>} : memref<25x40xf32, #tpu.memory_space<vmem>>, vector<1x16xf32>,
    %swap3A_229 = arith.constant 12 : i32
    %swap3A_230 = arith.index_cast %swap3A_229 : i32 to index
    %swap3A_231 = arith.constant 24 : index
    %swap3A_232 = tpu.vector_load %arg16[%swap3A_230, %swap3A_231] {strides = array<i32>} : memref<25x40xf32, #tpu.memory_space<vmem>>, vector<1x16xf32>,
    %swap3A_233 = vector.shape_cast %swap3A_232 : vector<1x16xf32> to vector<16xf32>
    %swap3A_234 = vector.shape_cast %broadcast_in_dim3A_1 : vector<16xf32> to vector<1x16xf32>
    tpu.vector_store %arg16[%swap3A_230, %swap3A_231], %swap3A_234 {strides = array<i32>} : memref<25x40xf32, #tpu.memory_space<vmem>>, vector<1x16xf32>,
    %swap3A_235 = arith.constant 13 : i32
    %swap3A_236 = arith.index_cast %swap3A_235 : i32 to index
    %swap3A_237 = arith.constant 0 : index
    %swap3A_238 = tpu.vector_load %arg16[%swap3A_236, %swap3A_237] {strides = array<i32>} : memref<25x40xf32, #tpu.memory_space<vmem>>, vector<1x16xf32>,
    %swap3A_239 = vector.shape_cast %swap3A_238 : vector<1x16xf32> to vector<16xf32>
    %swap3A_240 = vector.shape_cast %broadcast_in_dim3A_1 : vector<16xf32> to vector<1x16xf32>
    tpu.vector_store %arg16[%swap3A_236, %swap3A_237], %swap3A_240 {strides = array<i32>} : memref<25x40xf32, #tpu.memory_space<vmem>>, vector<1x16xf32>,
    %swap3A_241 = arith.constant 13 : i32
    %swap3A_242 = arith.index_cast %swap3A_241 : i32 to index
    %swap3A_243 = arith.constant 16 : index
    %swap3A_244 = tpu.vector_load %arg16[%swap3A_242, %swap3A_243] {strides = array<i32>} : memref<25x40xf32, #tpu.memory_space<vmem>>, vector<1x16xf32>,
    %swap3A_245 = vector.shape_cast %swap3A_244 : vector<1x16xf32> to vector<16xf32>
    %swap3A_246 = vector.shape_cast %broadcast_in_dim3A_1 : vector<16xf32> to vector<1x16xf32>
    tpu.vector_store %arg16[%swap3A_242, %swap3A_243], %swap3A_246 {strides = array<i32>} : memref<25x40xf32, #tpu.memory_space<vmem>>, vector<1x16xf32>,
    %swap3A_247 = arith.constant 13 : i32
    %swap3A_248 = arith.index_cast %swap3A_247 : i32 to index
    %swap3A_249 = arith.constant 24 : index
    %swap3A_250 = tpu.vector_load %arg16[%swap3A_248, %swap3A_249] {strides = array<i32>} : memref<25x40xf32, #tpu.memory_space<vmem>>, vector<1x16xf32>,
    %swap3A_251 = vector.shape_cast %swap3A_250 : vector<1x16xf32> to vector<16xf32>
    %swap3A_252 = vector.shape_cast %broadcast_in_dim3A_1 : vector<16xf32> to vector<1x16xf32>
    tpu.vector_store %arg16[%swap3A_248, %swap3A_249], %swap3A_252 {strides = array<i32>} : memref<25x40xf32, #tpu.memory_space<vmem>>, vector<1x16xf32>,
    %swap3A_253 = arith.constant 14 : i32
    %swap3A_254 = arith.index_cast %swap3A_253 : i32 to index
    %swap3A_255 = arith.constant 0 : index
    %swap3A_256 = tpu.vector_load %arg16[%swap3A_254, %swap3A_255] {strides = array<i32>} : memref<25x40xf32, #tpu.memory_space<vmem>>, vector<1x16xf32>,
    %swap3A_257 = vector.shape_cast %swap3A_256 : vector<1x16xf32> to vector<16xf32>
    %swap3A_258 = vector.shape_cast %broadcast_in_dim3A_1 : vector<16xf32> to vector<1x16xf32>
    tpu.vector_store %arg16[%swap3A_254, %swap3A_255], %swap3A_258 {strides = array<i32>} : memref<25x40xf32, #tpu.memory_space<vmem>>, vector<1x16xf32>,
    %swap3A_259 = arith.constant 14 : i32
    %swap3A_260 = arith.index_cast %swap3A_259 : i32 to index
    %swap3A_261 = arith.constant 16 : index
    %swap3A_262 = tpu.vector_load %arg16[%swap3A_260, %swap3A_261] {strides = array<i32>} : memref<25x40xf32, #tpu.memory_space<vmem>>, vector<1x16xf32>,
    %swap3A_263 = vector.shape_cast %swap3A_262 : vector<1x16xf32> to vector<16xf32>
    %swap3A_264 = vector.shape_cast %broadcast_in_dim3A_1 : vector<16xf32> to vector<1x16xf32>
    tpu.vector_store %arg16[%swap3A_260, %swap3A_261], %swap3A_264 {strides = array<i32>} : memref<25x40xf32, #tpu.memory_space<vmem>>, vector<1x16xf32>,
    %swap3A_265 = arith.constant 14 : i32
    %swap3A_266 = arith.index_cast %swap3A_265 : i32 to index
    %swap3A_267 = arith.constant 24 : index
    %swap3A_268 = tpu.vector_load %arg16[%swap3A_266, %swap3A_267] {strides = array<i32>} : memref<25x40xf32, #tpu.memory_space<vmem>>, vector<1x16xf32>,
    %swap3A_269 = vector.shape_cast %swap3A_268 : vector<1x16xf32> to vector<16xf32>
    %swap3A_270 = vector.shape_cast %broadcast_in_dim3A_1 : vector<16xf32> to vector<1x16xf32>
    tpu.vector_store %arg16[%swap3A_266, %swap3A_267], %swap3A_270 {strides = array<i32>} : memref<25x40xf32, #tpu.memory_space<vmem>>, vector<1x16xf32>,
    %swap3A_271 = arith.constant 15 : i32
    %swap3A_272 = arith.index_cast %swap3A_271 : i32 to index
    %swap3A_273 = arith.constant 0 : index
    %swap3A_274 = tpu.vector_load %arg16[%swap3A_272, %swap3A_273] {strides = array<i32>} : memref<25x40xf32, #tpu.memory_space<vmem>>, vector<1x16xf32>,
    %swap3A_275 = vector.shape_cast %swap3A_274 : vector<1x16xf32> to vector<16xf32>
    %swap3A_276 = vector.shape_cast %broadcast_in_dim3A_1 : vector<16xf32> to vector<1x16xf32>
    tpu.vector_store %arg16[%swap3A_272, %swap3A_273], %swap3A_276 {strides = array<i32>} : memref<25x40xf32, #tpu.memory_space<vmem>>, vector<1x16xf32>,
    %swap3A_277 = arith.constant 15 : i32
    %swap3A_278 = arith.index_cast %swap3A_277 : i32 to index
    %swap3A_279 = arith.constant 16 : index
    %swap3A_280 = tpu.vector_load %arg16[%swap3A_278, %swap3A_279] {strides = array<i32>} : memref<25x40xf32, #tpu.memory_space<vmem>>, vector<1x16xf32>,
    %swap3A_281 = vector.shape_cast %swap3A_280 : vector<1x16xf32> to vector<16xf32>
    %swap3A_282 = vector.shape_cast %broadcast_in_dim3A_1 : vector<16xf32> to vector<1x16xf32>
    tpu.vector_store %arg16[%swap3A_278, %swap3A_279], %swap3A_282 {strides = array<i32>} : memref<25x40xf32, #tpu.memory_space<vmem>>, vector<1x16xf32>,
    %swap3A_283 = arith.constant 15 : i32
    %swap3A_284 = arith.index_cast %swap3A_283 : i32 to index
    %swap3A_285 = arith.constant 24 : index
    %swap3A_286 = tpu.vector_load %arg16[%swap3A_284, %swap3A_285] {strides = array<i32>} : memref<25x40xf32, #tpu.memory_space<vmem>>, vector<1x16xf32>,
    %swap3A_287 = vector.shape_cast %swap3A_286 : vector<1x16xf32> to vector<16xf32>
    %swap3A_288 = vector.shape_cast %broadcast_in_dim3A_1 : vector<16xf32> to vector<1x16xf32>
    tpu.vector_store %arg16[%swap3A_284, %swap3A_285], %swap3A_288 {strides = array<i32>} : memref<25x40xf32, #tpu.memory_space<vmem>>, vector<1x16xf32>,
    %swap3A_289 = arith.constant 16 : i32
    %swap3A_290 = arith.index_cast %swap3A_289 : i32 to index
    %swap3A_291 = arith.constant 0 : index
    %swap3A_292 = tpu.vector_load %arg16[%swap3A_290, %swap3A_291] {strides = array<i32>} : memref<25x40xf32, #tpu.memory_space<vmem>>, vector<1x16xf32>,
    %swap3A_293 = vector.shape_cast %swap3A_292 : vector<1x16xf32> to vector<16xf32>
    %swap3A_294 = vector.shape_cast %broadcast_in_dim3A_1 : vector<16xf32> to vector<1x16xf32>
    tpu.vector_store %arg16[%swap3A_290, %swap3A_291], %swap3A_294 {strides = array<i32>} : memref<25x40xf32, #tpu.memory_space<vmem>>, vector<1x16xf32>,
    %swap3A_295 = arith.constant 16 : i32
    %swap3A_296 = arith.index_cast %swap3A_295 : i32 to index
    %swap3A_297 = arith.constant 16 : index
    %swap3A_298 = tpu.vector_load %arg16[%swap3A_296, %swap3A_297] {strides = array<i32>} : memref<25x40xf32, #tpu.memory_space<vmem>>, vector<1x16xf32>,
    %swap3A_299 = vector.shape_cast %swap3A_298 : vector<1x16xf32> to vector<16xf32>
    %swap3A_300 = vector.shape_cast %broadcast_in_dim3A_1 : vector<16xf32> to vector<1x16xf32>
    tpu.vector_store %arg16[%swap3A_296, %swap3A_297], %swap3A_300 {strides = array<i32>} : memref<25x40xf32, #tpu.memory_space<vmem>>, vector<1x16xf32>,
    %swap3A_301 = arith.constant 16 : i32
    %swap3A_302 = arith.index_cast %swap3A_301 : i32 to index
    %swap3A_303 = arith.constant 24 : index
    %swap3A_304 = tpu.vector_load %arg16[%swap3A_302, %swap3A_303] {strides = array<i32>} : memref<25x40xf32, #tpu.memory_space<vmem>>, vector<1x16xf32>,
    %swap3A_305 = vector.shape_cast %swap3A_304 : vector<1x16xf32> to vector<16xf32>
    %swap3A_306 = vector.shape_cast %broadcast_in_dim3A_1 : vector<16xf32> to vector<1x16xf32>
    tpu.vector_store %arg16[%swap3A_302, %swap3A_303], %swap3A_306 {strides = array<i32>} : memref<25x40xf32, #tpu.memory_space<vmem>>, vector<1x16xf32>,
    %swap3A_307 = arith.constant 17 : i32
    %swap3A_308 = arith.index_cast %swap3A_307 : i32 to index
    %swap3A_309 = arith.constant 0 : index
    %swap3A_310 = tpu.vector_load %arg16[%swap3A_308, %swap3A_309] {strides = array<i32>} : memref<25x40xf32, #tpu.memory_space<vmem>>, vector<1x16xf32>,
    %swap3A_311 = vector.shape_cast %swap3A_310 : vector<1x16xf32> to vector<16xf32>
    %swap3A_312 = vector.shape_cast %broadcast_in_dim3A_1 : vector<16xf32> to vector<1x16xf32>
    tpu.vector_store %arg16[%swap3A_308, %swap3A_309], %swap3A_312 {strides = array<i32>} : memref<25x40xf32, #tpu.memory_space<vmem>>, vector<1x16xf32>,
    %swap3A_313 = arith.constant 17 : i32
    %swap3A_314 = arith.index_cast %swap3A_313 : i32 to index
    %swap3A_315 = arith.constant 16 : index
    %swap3A_316 = tpu.vector_load %arg16[%swap3A_314, %swap3A_315] {strides = array<i32>} : memref<25x40xf32, #tpu.memory_space<vmem>>, vector<1x16xf32>,
    %swap3A_317 = vector.shape_cast %swap3A_316 : vector<1x16xf32> to vector<16xf32>
    %swap3A_318 = vector.shape_cast %broadcast_in_dim3A_1 : vector<16xf32> to vector<1x16xf32>
    tpu.vector_store %arg16[%swap3A_314, %swap3A_315], %swap3A_318 {strides = array<i32>} : memref<25x40xf32, #tpu.memory_space<vmem>>, vector<1x16xf32>,
    %swap3A_319 = arith.constant 17 : i32
    %swap3A_320 = arith.index_cast %swap3A_319 : i32 to index
    %swap3A_321 = arith.constant 24 : index
    %swap3A_322 = tpu.vector_load %arg16[%swap3A_320, %swap3A_321] {strides = array<i32>} : memref<25x40xf32, #tpu.memory_space<vmem>>, vector<1x16xf32>,
    %swap3A_323 = vector.shape_cast %swap3A_322 : vector<1x16xf32> to vector<16xf32>
    %swap3A_324 = vector.shape_cast %broadcast_in_dim3A_1 : vector<16xf32> to vector<1x16xf32>
    tpu.vector_store %arg16[%swap3A_320, %swap3A_321], %swap3A_324 {strides = array<i32>} : memref<25x40xf32, #tpu.memory_space<vmem>>, vector<1x16xf32>,
    %swap3A_325 = arith.constant 18 : i32
    %swap3A_326 = arith.index_cast %swap3A_325 : i32 to index
    %swap3A_327 = arith.constant 0 : index
    %swap3A_328 = tpu.vector_load %arg16[%swap3A_326, %swap3A_327] {strides = array<i32>} : memref<25x40xf32, #tpu.memory_space<vmem>>, vector<1x16xf32>,
    %swap3A_329 = vector.shape_cast %swap3A_328 : vector<1x16xf32> to vector<16xf32>
    %swap3A_330 = vector.shape_cast %broadcast_in_dim3A_1 : vector<16xf32> to vector<1x16xf32>
    tpu.vector_store %arg16[%swap3A_326, %swap3A_327], %swap3A_330 {strides = array<i32>} : memref<25x40xf32, #tpu.memory_space<vmem>>, vector<1x16xf32>,
    %swap3A_331 = arith.constant 18 : i32
    %swap3A_332 = arith.index_cast %swap3A_331 : i32 to index
    %swap3A_333 = arith.constant 16 : index
    %swap3A_334 = tpu.vector_load %arg16[%swap3A_332, %swap3A_333] {strides = array<i32>} : memref<25x40xf32, #tpu.memory_space<vmem>>, vector<1x16xf32>,
    %swap3A_335 = vector.shape_cast %swap3A_334 : vector<1x16xf32> to vector<16xf32>
    %swap3A_336 = vector.shape_cast %broadcast_in_dim3A_1 : vector<16xf32> to vector<1x16xf32>
    tpu.vector_store %arg16[%swap3A_332, %swap3A_333], %swap3A_336 {strides = array<i32>} : memref<25x40xf32, #tpu.memory_space<vmem>>, vector<1x16xf32>,
    %swap3A_337 = arith.constant 18 : i32
    %swap3A_338 = arith.index_cast %swap3A_337 : i32 to index
    %swap3A_339 = arith.constant 24 : index
    %swap3A_340 = tpu.vector_load %arg16[%swap3A_338, %swap3A_339] {strides = array<i32>} : memref<25x40xf32, #tpu.memory_space<vmem>>, vector<1x16xf32>,
    %swap3A_341 = vector.shape_cast %swap3A_340 : vector<1x16xf32> to vector<16xf32>
    %swap3A_342 = vector.shape_cast %broadcast_in_dim3A_1 : vector<16xf32> to vector<1x16xf32>
    tpu.vector_store %arg16[%swap3A_338, %swap3A_339], %swap3A_342 {strides = array<i32>} : memref<25x40xf32, #tpu.memory_space<vmem>>, vector<1x16xf32>,
    %swap3A_343 = arith.constant 19 : i32
    %swap3A_344 = arith.index_cast %swap3A_343 : i32 to index
    %swap3A_345 = arith.constant 0 : index
    %swap3A_346 = tpu.vector_load %arg16[%swap3A_344, %swap3A_345] {strides = array<i32>} : memref<25x40xf32, #tpu.memory_space<vmem>>, vector<1x16xf32>,
    %swap3A_347 = vector.shape_cast %swap3A_346 : vector<1x16xf32> to vector<16xf32>
    %swap3A_348 = vector.shape_cast %broadcast_in_dim3A_1 : vector<16xf32> to vector<1x16xf32>
    tpu.vector_store %arg16[%swap3A_344, %swap3A_345], %swap3A_348 {strides = array<i32>} : memref<25x40xf32, #tpu.memory_space<vmem>>, vector<1x16xf32>,
    %swap3A_349 = arith.constant 19 : i32
    %swap3A_350 = arith.index_cast %swap3A_349 : i32 to index
    %swap3A_351 = arith.constant 16 : index
    %swap3A_352 = tpu.vector_load %arg16[%swap3A_350, %swap3A_351] {strides = array<i32>} : memref<25x40xf32, #tpu.memory_space<vmem>>, vector<1x16xf32>,
    %swap3A_353 = vector.shape_cast %swap3A_352 : vector<1x16xf32> to vector<16xf32>
    %swap3A_354 = vector.shape_cast %broadcast_in_dim3A_1 : vector<16xf32> to vector<1x16xf32>
    tpu.vector_store %arg16[%swap3A_350, %swap3A_351], %swap3A_354 {strides = array<i32>} : memref<25x40xf32, #tpu.memory_space<vmem>>, vector<1x16xf32>,
    %swap3A_355 = arith.constant 19 : i32
    %swap3A_356 = arith.index_cast %swap3A_355 : i32 to index
    %swap3A_357 = arith.constant 24 : index
    %swap3A_358 = tpu.vector_load %arg16[%swap3A_356, %swap3A_357] {strides = array<i32>} : memref<25x40xf32, #tpu.memory_space<vmem>>, vector<1x16xf32>,
    %swap3A_359 = vector.shape_cast %swap3A_358 : vector<1x16xf32> to vector<16xf32>
    %swap3A_360 = vector.shape_cast %broadcast_in_dim3A_1 : vector<16xf32> to vector<1x16xf32>
    tpu.vector_store %arg16[%swap3A_356, %swap3A_357], %swap3A_360 {strides = array<i32>} : memref<25x40xf32, #tpu.memory_space<vmem>>, vector<1x16xf32>,
    %swap3A_361 = arith.constant 20 : i32
    %swap3A_362 = arith.index_cast %swap3A_361 : i32 to index
    %swap3A_363 = arith.constant 0 : index
    %swap3A_364 = tpu.vector_load %arg16[%swap3A_362, %swap3A_363] {strides = array<i32>} : memref<25x40xf32, #tpu.memory_space<vmem>>, vector<1x16xf32>,
    %swap3A_365 = vector.shape_cast %swap3A_364 : vector<1x16xf32> to vector<16xf32>
    %swap3A_366 = vector.shape_cast %broadcast_in_dim3A_1 : vector<16xf32> to vector<1x16xf32>
    tpu.vector_store %arg16[%swap3A_362, %swap3A_363], %swap3A_366 {strides = array<i32>} : memref<25x40xf32, #tpu.memory_space<vmem>>, vector<1x16xf32>,
    %swap3A_367 = arith.constant 20 : i32
    %swap3A_368 = arith.index_cast %swap3A_367 : i32 to index
    %swap3A_369 = arith.constant 16 : index
    %swap3A_370 = tpu.vector_load %arg16[%swap3A_368, %swap3A_369] {strides = array<i32>} : memref<25x40xf32, #tpu.memory_space<vmem>>, vector<1x16xf32>,
    %swap3A_371 = vector.shape_cast %swap3A_370 : vector<1x16xf32> to vector<16xf32>
    %swap3A_372 = vector.shape_cast %broadcast_in_dim3A_1 : vector<16xf32> to vector<1x16xf32>
    tpu.vector_store %arg16[%swap3A_368, %swap3A_369], %swap3A_372 {strides = array<i32>} : memref<25x40xf32, #tpu.memory_space<vmem>>, vector<1x16xf32>,
    %swap3A_373 = arith.constant 20 : i32
    %swap3A_374 = arith.index_cast %swap3A_373 : i32 to index
    %swap3A_375 = arith.constant 24 : index
    %swap3A_376 = tpu.vector_load %arg16[%swap3A_374, %swap3A_375] {strides = array<i32>} : memref<25x40xf32, #tpu.memory_space<vmem>>, vector<1x16xf32>,
    %swap3A_377 = vector.shape_cast %swap3A_376 : vector<1x16xf32> to vector<16xf32>
    %swap3A_378 = vector.shape_cast %broadcast_in_dim3A_1 : vector<16xf32> to vector<1x16xf32>
    tpu.vector_store %arg16[%swap3A_374, %swap3A_375], %swap3A_378 {strides = array<i32>} : memref<25x40xf32, #tpu.memory_space<vmem>>, vector<1x16xf32>,
    %swap3A_379 = arith.constant 21 : i32
    %swap3A_380 = arith.index_cast %swap3A_379 : i32 to index
    %swap3A_381 = arith.constant 0 : index
    %swap3A_382 = tpu.vector_load %arg16[%swap3A_380, %swap3A_381] {strides = array<i32>} : memref<25x40xf32, #tpu.memory_space<vmem>>, vector<1x16xf32>,
    %swap3A_383 = vector.shape_cast %swap3A_382 : vector<1x16xf32> to vector<16xf32>
    %swap3A_384 = vector.shape_cast %broadcast_in_dim3A_1 : vector<16xf32> to vector<1x16xf32>
    tpu.vector_store %arg16[%swap3A_380, %swap3A_381], %swap3A_384 {strides = array<i32>} : memref<25x40xf32, #tpu.memory_space<vmem>>, vector<1x16xf32>,
    %swap3A_385 = arith.constant 21 : i32
    %swap3A_386 = arith.index_cast %swap3A_385 : i32 to index
    %swap3A_387 = arith.constant 16 : index
    %swap3A_388 = tpu.vector_load %arg16[%swap3A_386, %swap3A_387] {strides = array<i32>} : memref<25x40xf32, #tpu.memory_space<vmem>>, vector<1x16xf32>,
    %swap3A_389 = vector.shape_cast %swap3A_388 : vector<1x16xf32> to vector<16xf32>
    %swap3A_390 = vector.shape_cast %broadcast_in_dim3A_1 : vector<16xf32> to vector<1x16xf32>
    tpu.vector_store %arg16[%swap3A_386, %swap3A_387], %swap3A_390 {strides = array<i32>} : memref<25x40xf32, #tpu.memory_space<vmem>>, vector<1x16xf32>,
    %swap3A_391 = arith.constant 21 : i32
    %swap3A_392 = arith.index_cast %swap3A_391 : i32 to index
    %swap3A_393 = arith.constant 24 : index
    %swap3A_394 = tpu.vector_load %arg16[%swap3A_392, %swap3A_393] {strides = array<i32>} : memref<25x40xf32, #tpu.memory_space<vmem>>, vector<1x16xf32>,
    %swap3A_395 = vector.shape_cast %swap3A_394 : vector<1x16xf32> to vector<16xf32>
    %swap3A_396 = vector.shape_cast %broadcast_in_dim3A_1 : vector<16xf32> to vector<1x16xf32>
    tpu.vector_store %arg16[%swap3A_392, %swap3A_393], %swap3A_396 {strides = array<i32>} : memref<25x40xf32, #tpu.memory_space<vmem>>, vector<1x16xf32>,
    %swap3A_397 = arith.constant 22 : i32
    %swap3A_398 = arith.index_cast %swap3A_397 : i32 to index
    %swap3A_399 = arith.constant 0 : index
    %swap3A_400 = tpu.vector_load %arg16[%swap3A_398, %swap3A_399] {strides = array<i32>} : memref<25x40xf32, #tpu.memory_space<vmem>>, vector<1x16xf32>,
    %swap3A_401 = vector.shape_cast %swap3A_400 : vector<1x16xf32> to vector<16xf32>
    %swap3A_402 = vector.shape_cast %broadcast_in_dim3A_1 : vector<16xf32> to vector<1x16xf32>
    tpu.vector_store %arg16[%swap3A_398, %swap3A_399], %swap3A_402 {strides = array<i32>} : memref<25x40xf32, #tpu.memory_space<vmem>>, vector<1x16xf32>,
    %swap3A_403 = arith.constant 22 : i32
    %swap3A_404 = arith.index_cast %swap3A_403 : i32 to index
    %swap3A_405 = arith.constant 16 : index
    %swap3A_406 = tpu.vector_load %arg16[%swap3A_404, %swap3A_405] {strides = array<i32>} : memref<25x40xf32, #tpu.memory_space<vmem>>, vector<1x16xf32>,
    %swap3A_407 = vector.shape_cast %swap3A_406 : vector<1x16xf32> to vector<16xf32>
    %swap3A_408 = vector.shape_cast %broadcast_in_dim3A_1 : vector<16xf32> to vector<1x16xf32>
    tpu.vector_store %arg16[%swap3A_404, %swap3A_405], %swap3A_408 {strides = array<i32>} : memref<25x40xf32, #tpu.memory_space<vmem>>, vector<1x16xf32>,
    %swap3A_409 = arith.constant 22 : i32
    %swap3A_410 = arith.index_cast %swap3A_409 : i32 to index
    %swap3A_411 = arith.constant 24 : index
    %swap3A_412 = tpu.vector_load %arg16[%swap3A_410, %swap3A_411] {strides = array<i32>} : memref<25x40xf32, #tpu.memory_space<vmem>>, vector<1x16xf32>,
    %swap3A_413 = vector.shape_cast %swap3A_412 : vector<1x16xf32> to vector<16xf32>
    %swap3A_414 = vector.shape_cast %broadcast_in_dim3A_1 : vector<16xf32> to vector<1x16xf32>
    tpu.vector_store %arg16[%swap3A_410, %swap3A_411], %swap3A_414 {strides = array<i32>} : memref<25x40xf32, #tpu.memory_space<vmem>>, vector<1x16xf32>,
    %swap3A_415 = arith.constant 23 : i32
    %swap3A_416 = arith.index_cast %swap3A_415 : i32 to index
    %swap3A_417 = arith.constant 0 : index
    %swap3A_418 = tpu.vector_load %arg16[%swap3A_416, %swap3A_417] {strides = array<i32>} : memref<25x40xf32, #tpu.memory_space<vmem>>, vector<1x16xf32>,
    %swap3A_419 = vector.shape_cast %swap3A_418 : vector<1x16xf32> to vector<16xf32>
    %swap3A_420 = vector.shape_cast %broadcast_in_dim3A_1 : vector<16xf32> to vector<1x16xf32>
    tpu.vector_store %arg16[%swap3A_416, %swap3A_417], %swap3A_420 {strides = array<i32>} : memref<25x40xf32, #tpu.memory_space<vmem>>, vector<1x16xf32>,
    %swap3A_421 = arith.constant 23 : i32
    %swap3A_422 = arith.index_cast %swap3A_421 : i32 to index
    %swap3A_423 = arith.constant 16 : index
    %swap3A_424 = tpu.vector_load %arg16[%swap3A_422, %swap3A_423] {strides = array<i32>} : memref<25x40xf32, #tpu.memory_space<vmem>>, vector<1x16xf32>,
    %swap3A_425 = vector.shape_cast %swap3A_424 : vector<1x16xf32> to vector<16xf32>
    %swap3A_426 = vector.shape_cast %broadcast_in_dim3A_1 : vector<16xf32> to vector<1x16xf32>
    tpu.vector_store %arg16[%swap3A_422, %swap3A_423], %swap3A_426 {strides = array<i32>} : memref<25x40xf32, #tpu.memory_space<vmem>>, vector<1x16xf32>,
    %swap3A_427 = arith.constant 23 : i32
    %swap3A_428 = arith.index_cast %swap3A_427 : i32 to index
    %swap3A_429 = arith.constant 24 : index
    %swap3A_430 = tpu.vector_load %arg16[%swap3A_428, %swap3A_429] {strides = array<i32>} : memref<25x40xf32, #tpu.memory_space<vmem>>, vector<1x16xf32>,
    %swap3A_431 = vector.shape_cast %swap3A_430 : vector<1x16xf32> to vector<16xf32>
    %swap3A_432 = vector.shape_cast %broadcast_in_dim3A_1 : vector<16xf32> to vector<1x16xf32>
    tpu.vector_store %arg16[%swap3A_428, %swap3A_429], %swap3A_432 {strides = array<i32>} : memref<25x40xf32, #tpu.memory_space<vmem>>, vector<1x16xf32>,
    %swap3A_433 = arith.constant 24 : i32
    %swap3A_434 = arith.index_cast %swap3A_433 : i32 to index
    %swap3A_435 = arith.constant 0 : index
    %swap3A_436 = tpu.vector_load %arg16[%swap3A_434, %swap3A_435] {strides = array<i32>} : memref<25x40xf32, #tpu.memory_space<vmem>>, vector<1x16xf32>,
    %swap3A_437 = vector.shape_cast %swap3A_436 : vector<1x16xf32> to vector<16xf32>
    %swap3A_438 = vector.shape_cast %broadcast_in_dim3A_1 : vector<16xf32> to vector<1x16xf32>
    tpu.vector_store %arg16[%swap3A_434, %swap3A_435], %swap3A_438 {strides = array<i32>} : memref<25x40xf32, #tpu.memory_space<vmem>>, vector<1x16xf32>,
    %swap3A_439 = arith.constant 24 : i32
    %swap3A_440 = arith.index_cast %swap3A_439 : i32 to index
    %swap3A_441 = arith.constant 16 : index
    %swap3A_442 = tpu.vector_load %arg16[%swap3A_440, %swap3A_441] {strides = array<i32>} : memref<25x40xf32, #tpu.memory_space<vmem>>, vector<1x16xf32>,
    %swap3A_443 = vector.shape_cast %swap3A_442 : vector<1x16xf32> to vector<16xf32>
    %swap3A_444 = vector.shape_cast %broadcast_in_dim3A_1 : vector<16xf32> to vector<1x16xf32>
    tpu.vector_store %arg16[%swap3A_440, %swap3A_441], %swap3A_444 {strides = array<i32>} : memref<25x40xf32, #tpu.memory_space<vmem>>, vector<1x16xf32>,
    %swap3A_445 = arith.constant 24 : i32
    %swap3A_446 = arith.index_cast %swap3A_445 : i32 to index
    %swap3A_447 = arith.constant 24 : index
    %swap3A_448 = tpu.vector_load %arg16[%swap3A_446, %swap3A_447] {strides = array<i32>} : memref<25x40xf32, #tpu.memory_space<vmem>>, vector<1x16xf32>,
    %swap3A_449 = vector.shape_cast %swap3A_448 : vector<1x16xf32> to vector<16xf32>
    %swap3A_450 = vector.shape_cast %broadcast_in_dim3A_1 : vector<16xf32> to vector<1x16xf32>
    tpu.vector_store %arg16[%swap3A_446, %swap3A_447], %swap3A_450 {strides = array<i32>} : memref<25x40xf32, #tpu.memory_space<vmem>>, vector<1x16xf32>,
    %scan3A = arith.constant 0 : i32
    %scan3A_451 = arith.constant 25 : i32
    %scan3A_452 = arith.addi %scan3A, %scan3A_451 : i32
    %scan3A_453 = arith.constant 1 : i32
    scf.for %scan3A_685 = %scan3A to %scan3A_452 step %scan3A_453  : i32 {
      %mul3A_686 = arith.constant 625 : i32
      %mul3A_687 = arith.muli %arg1, %mul3A_686 : i32
      %mul3A_688 = arith.constant 25 : i32
      %mul3A_689 = arith.muli %scan3A_685, %mul3A_688 : i32
      %add3A_690 = arith.addi %mul3A_687, %mul3A_689 : i32
      "tpu.region"() ({
        %run_scoped3A = tpu.sem_alloc : memref<!tpu.dma_semaphore, #tpu.memory_space<semaphore_mem>>
        %dma_start3A_691 = arith.constant 0 : i32
        %dma_start3A_692 = tpu.memref_slice %arg17[%add3A_690, %dma_start3A_691] : memref<10000x40xf32, #tpu.memory_space<vmem_shared>> -> memref<25x40xf32, #tpu.memory_space<vmem_shared>>
        %dma_start3A_693 = arith.constant 0 : i32
        %dma_start3A_694 = tpu.memref_slice %arg17[%add3A_690, %dma_start3A_693] : memref<10000x40xf32, #tpu.memory_space<vmem_shared>> -> memref<25x40xf32, #tpu.memory_space<vmem_shared>>
        tpu.enqueue_dma source(%arg16 : memref<25x40xf32, #tpu.memory_space<vmem>>) target(%dma_start3A_694 : memref<25x40xf32, #tpu.memory_space<vmem_shared>>) target_semaphore(%run_scoped3A : memref<!tpu.dma_semaphore, #tpu.memory_space<semaphore_mem>>)
        %dma_wait3A_695 = arith.constant 0 : i32
        %dma_wait3A_696 = tpu.memref_slice %arg17[%add3A_690, %dma_wait3A_695] : memref<10000x40xf32, #tpu.memory_space<vmem_shared>> -> memref<25x40xf32, #tpu.memory_space<vmem_shared>>
        %dma_wait3A_697 = arith.constant 0 : i32
        %dma_wait3A_698 = tpu.memref_slice %arg17[%add3A_690, %dma_wait3A_697] : memref<10000x40xf32, #tpu.memory_space<vmem_shared>> -> memref<25x40xf32, #tpu.memory_space<vmem_shared>>
        tpu.wait_dma2 semaphore(%run_scoped3A : memref<!tpu.dma_semaphore, #tpu.memory_space<semaphore_mem>>) src(%arg16 : memref<25x40xf32, #tpu.memory_space<vmem>>) dst(%dma_wait3A_698 : memref<25x40xf32, #tpu.memory_space<vmem_shared>>)
        tpu.yield
      }) : () -> ()
    }
    %scan3A_454 = arith.constant 25 : i32
    "tpu.region"() ({
      %run_scoped3A = tpu.sem_alloc : memref<!tpu.dma_semaphore, #tpu.memory_space<semaphore_mem>>
      %dma_start3A_685 = arith.constant 0 : i32
      %dma_start3A_686 = arith.constant 0 : i32
      %dma_start3A_687 = tpu.memref_slice %arg3[%add3A, %dma_start3A_685, %dma_start3A_686] : memref<32x80x125xi32, #tpu.memory_space<hbm>> -> memref<1x80x125xi32, #tpu.memory_space<hbm>>
      %dma_start3A_688 = tpu.memref_squeeze %dma_start3A_687 : memref<1x80x125xi32, #tpu.memory_space<hbm>> -> memref<80x125xi32, #tpu.memory_space<hbm>>
      %dma_start3A_689 = arith.constant 0 : i32
      %dma_start3A_690 = arith.constant 0 : i32
      %dma_start3A_691 = tpu.memref_slice %arg3[%add3A, %dma_start3A_689, %dma_start3A_690] : memref<32x80x125xi32, #tpu.memory_space<hbm>> -> memref<1x80x125xi32, #tpu.memory_space<hbm>>
      %dma_start3A_692 = tpu.memref_squeeze %dma_start3A_691 : memref<1x80x125xi32, #tpu.memory_space<hbm>> -> memref<80x125xi32, #tpu.memory_space<hbm>>
      tpu.enqueue_dma source(%dma_start3A_692 : memref<80x125xi32, #tpu.memory_space<hbm>>) target(%arg6 : memref<80x125xi32, #tpu.memory_space<vmem>>) target_semaphore(%run_scoped3A : memref<!tpu.dma_semaphore, #tpu.memory_space<semaphore_mem>>)
      %dma_wait3A_693 = arith.constant 0 : i32
      %dma_wait3A_694 = arith.constant 0 : i32
      %dma_wait3A_695 = tpu.memref_slice %arg3[%add3A, %dma_wait3A_693, %dma_wait3A_694] : memref<32x80x125xi32, #tpu.memory_space<hbm>> -> memref<1x80x125xi32, #tpu.memory_space<hbm>>
      %dma_wait3A_696 = tpu.memref_squeeze %dma_wait3A_695 : memref<1x80x125xi32, #tpu.memory_space<hbm>> -> memref<80x125xi32, #tpu.memory_space<hbm>>
      %dma_wait3A_697 = arith.constant 0 : i32
      %dma_wait3A_698 = arith.constant 0 : i32
      %dma_wait3A_699 = tpu.memref_slice %arg3[%add3A, %dma_wait3A_697, %dma_wait3A_698] : memref<32x80x125xi32, #tpu.memory_space<hbm>> -> memref<1x80x125xi32, #tpu.memory_space<hbm>>
      %dma_wait3A_700 = tpu.memref_squeeze %dma_wait3A_699 : memref<1x80x125xi32, #tpu.memory_space<hbm>> -> memref<80x125xi32, #tpu.memory_space<hbm>>
      tpu.wait_dma2 semaphore(%run_scoped3A : memref<!tpu.dma_semaphore, #tpu.memory_space<semaphore_mem>>) src(%dma_wait3A_700 : memref<80x125xi32, #tpu.memory_space<hbm>>) dst(%arg6 : memref<80x125xi32, #tpu.memory_space<vmem>>)
      tpu.yield
    }) : () -> ()
    "tpu.region"() ({
      %run_scoped3A = tpu.sem_alloc : memref<!tpu.dma_semaphore, #tpu.memory_space<semaphore_mem>>
      %dma_start3A_685 = arith.constant 0 : i32
      %dma_start3A_686 = arith.constant 0 : i32
      %dma_start3A_687 = tpu.memref_slice %arg4[%add3A, %dma_start3A_685, %dma_start3A_686] : memref<32x80x125xi32, #tpu.memory_space<hbm>> -> memref<1x80x125xi32, #tpu.memory_space<hbm>>
      %dma_start3A_688 = tpu.memref_squeeze %dma_start3A_687 : memref<1x80x125xi32, #tpu.memory_space<hbm>> -> memref<80x125xi32, #tpu.memory_space<hbm>>
      %dma_start3A_689 = arith.constant 0 : i32
      %dma_start3A_690 = arith.constant 0 : i32
      %dma_start3A_691 = tpu.memref_slice %arg4[%add3A, %dma_start3A_689, %dma_start3A_690] : memref<32x80x125xi32, #tpu.memory_space<hbm>> -> memref<1x80x125xi32, #tpu.memory_space<hbm>>
      %dma_start3A_692 = tpu.memref_squeeze %dma_start3A_691 : memref<1x80x125xi32, #tpu.memory_space<hbm>> -> memref<80x125xi32, #tpu.memory_space<hbm>>
      tpu.enqueue_dma source(%dma_start3A_692 : memref<80x125xi32, #tpu.memory_space<hbm>>) target(%arg7 : memref<80x125xi32, #tpu.memory_space<vmem>>) target_semaphore(%run_scoped3A : memref<!tpu.dma_semaphore, #tpu.memory_space<semaphore_mem>>)
      %dma_wait3A_693 = arith.constant 0 : i32
      %dma_wait3A_694 = arith.constant 0 : i32
      %dma_wait3A_695 = tpu.memref_slice %arg4[%add3A, %dma_wait3A_693, %dma_wait3A_694] : memref<32x80x125xi32, #tpu.memory_space<hbm>> -> memref<1x80x125xi32, #tpu.memory_space<hbm>>
      %dma_wait3A_696 = tpu.memref_squeeze %dma_wait3A_695 : memref<1x80x125xi32, #tpu.memory_space<hbm>> -> memref<80x125xi32, #tpu.memory_space<hbm>>
      %dma_wait3A_697 = arith.constant 0 : i32
      %dma_wait3A_698 = arith.constant 0 : i32
      %dma_wait3A_699 = tpu.memref_slice %arg4[%add3A, %dma_wait3A_697, %dma_wait3A_698] : memref<32x80x125xi32, #tpu.memory_space<hbm>> -> memref<1x80x125xi32, #tpu.memory_space<hbm>>
      %dma_wait3A_700 = tpu.memref_squeeze %dma_wait3A_699 : memref<1x80x125xi32, #tpu.memory_space<hbm>> -> memref<80x125xi32, #tpu.memory_space<hbm>>
      tpu.wait_dma2 semaphore(%run_scoped3A : memref<!tpu.dma_semaphore, #tpu.memory_space<semaphore_mem>>) src(%dma_wait3A_700 : memref<80x125xi32, #tpu.memory_space<hbm>>) dst(%arg7 : memref<80x125xi32, #tpu.memory_space<vmem>>)
      tpu.yield
    }) : () -> ()
    %barrier3A = arith.constant 0 : index
    tpu.barrier barrier_id(%barrier3A)
    %dma_start3A = arith.constant 0 : i32
    %dma_start3A_455 = arith.constant 0 : i32
    %dma_start3A_456 = tpu.memref_slice %arg6[%dma_start3A, %dma_start3A_455] : memref<80x125xi32, #tpu.memory_space<vmem>> -> memref<1x125xi32, #tpu.memory_space<vmem>>
    %dma_start3A_457 = tpu.memref_squeeze %dma_start3A_456 : memref<1x125xi32, #tpu.memory_space<vmem>> -> memref<125xi32, #tpu.memory_space<vmem>>
    %dma_start3A_458 = arith.constant 0 : i32
    %dma_start3A_459 = arith.constant 0 : i32
    %dma_start3A_460 = tpu.memref_slice %arg2[%dma_start3A_458, %dma_start3A_459] : memref<10000x40xf32, #tpu.memory_space<hbm>> -> memref<10000x40xf32, #tpu.memory_space<hbm>>
    tpu.enqueue_indirect_dma source(%dma_start3A_460 : memref<10000x40xf32, #tpu.memory_space<hbm>>) target(%arg8 : memref<125x40xf32, #tpu.memory_space<vmem>>) offsets(%dma_start3A_457 : memref<125xi32, #tpu.memory_space<vmem>>) semaphore(%arg18 : memref<!tpu.dma_semaphore, #tpu.memory_space<semaphore_mem>>)
    %dma_start3A_461 = arith.constant 1 : i32
    %dma_start3A_462 = arith.constant 0 : i32
    %dma_start3A_463 = tpu.memref_slice %arg6[%dma_start3A_461, %dma_start3A_462] : memref<80x125xi32, #tpu.memory_space<vmem>> -> memref<1x125xi32, #tpu.memory_space<vmem>>
    %dma_start3A_464 = tpu.memref_squeeze %dma_start3A_463 : memref<1x125xi32, #tpu.memory_space<vmem>> -> memref<125xi32, #tpu.memory_space<vmem>>
    %dma_start3A_465 = arith.constant 0 : i32
    %dma_start3A_466 = arith.constant 0 : i32
    %dma_start3A_467 = tpu.memref_slice %arg2[%dma_start3A_465, %dma_start3A_466] : memref<10000x40xf32, #tpu.memory_space<hbm>> -> memref<10000x40xf32, #tpu.memory_space<hbm>>
    tpu.enqueue_indirect_dma source(%dma_start3A_467 : memref<10000x40xf32, #tpu.memory_space<hbm>>) target(%arg9 : memref<125x40xf32, #tpu.memory_space<vmem>>) offsets(%dma_start3A_464 : memref<125xi32, #tpu.memory_space<vmem>>) semaphore(%arg18 : memref<!tpu.dma_semaphore, #tpu.memory_space<semaphore_mem>>)
    %dma_start3A_468 = arith.constant 2 : i32
    %dma_start3A_469 = arith.constant 0 : i32
    %dma_start3A_470 = tpu.memref_slice %arg6[%dma_start3A_468, %dma_start3A_469] : memref<80x125xi32, #tpu.memory_space<vmem>> -> memref<1x125xi32, #tpu.memory_space<vmem>>
    %dma_start3A_471 = tpu.memref_squeeze %dma_start3A_470 : memref<1x125xi32, #tpu.memory_space<vmem>> -> memref<125xi32, #tpu.memory_space<vmem>>
    %dma_start3A_472 = arith.constant 0 : i32
    %dma_start3A_473 = arith.constant 0 : i32
    %dma_start3A_474 = tpu.memref_slice %arg2[%dma_start3A_472, %dma_start3A_473] : memref<10000x40xf32, #tpu.memory_space<hbm>> -> memref<10000x40xf32, #tpu.memory_space<hbm>>
    tpu.enqueue_indirect_dma source(%dma_start3A_474 : memref<10000x40xf32, #tpu.memory_space<hbm>>) target(%arg10 : memref<125x40xf32, #tpu.memory_space<vmem>>) offsets(%dma_start3A_471 : memref<125xi32, #tpu.memory_space<vmem>>) semaphore(%arg18 : memref<!tpu.dma_semaphore, #tpu.memory_space<semaphore_mem>>)
    %dma_start3A_475 = arith.constant 3 : i32
    %dma_start3A_476 = arith.constant 0 : i32
    %dma_start3A_477 = tpu.memref_slice %arg6[%dma_start3A_475, %dma_start3A_476] : memref<80x125xi32, #tpu.memory_space<vmem>> -> memref<1x125xi32, #tpu.memory_space<vmem>>
    %dma_start3A_478 = tpu.memref_squeeze %dma_start3A_477 : memref<1x125xi32, #tpu.memory_space<vmem>> -> memref<125xi32, #tpu.memory_space<vmem>>
    %dma_start3A_479 = arith.constant 0 : i32
    %dma_start3A_480 = arith.constant 0 : i32
    %dma_start3A_481 = tpu.memref_slice %arg2[%dma_start3A_479, %dma_start3A_480] : memref<10000x40xf32, #tpu.memory_space<hbm>> -> memref<10000x40xf32, #tpu.memory_space<hbm>>
    tpu.enqueue_indirect_dma source(%dma_start3A_481 : memref<10000x40xf32, #tpu.memory_space<hbm>>) target(%arg11 : memref<125x40xf32, #tpu.memory_space<vmem>>) offsets(%dma_start3A_478 : memref<125xi32, #tpu.memory_space<vmem>>) semaphore(%arg18 : memref<!tpu.dma_semaphore, #tpu.memory_space<semaphore_mem>>)
    %dma_start3A_482 = arith.constant 4 : i32
    %dma_start3A_483 = arith.constant 0 : i32
    %dma_start3A_484 = tpu.memref_slice %arg6[%dma_start3A_482, %dma_start3A_483] : memref<80x125xi32, #tpu.memory_space<vmem>> -> memref<1x125xi32, #tpu.memory_space<vmem>>
    %dma_start3A_485 = tpu.memref_squeeze %dma_start3A_484 : memref<1x125xi32, #tpu.memory_space<vmem>> -> memref<125xi32, #tpu.memory_space<vmem>>
    %dma_start3A_486 = arith.constant 0 : i32
    %dma_start3A_487 = arith.constant 0 : i32
    %dma_start3A_488 = tpu.memref_slice %arg2[%dma_start3A_486, %dma_start3A_487] : memref<10000x40xf32, #tpu.memory_space<hbm>> -> memref<10000x40xf32, #tpu.memory_space<hbm>>
    tpu.enqueue_indirect_dma source(%dma_start3A_488 : memref<10000x40xf32, #tpu.memory_space<hbm>>) target(%arg12 : memref<125x40xf32, #tpu.memory_space<vmem>>) offsets(%dma_start3A_485 : memref<125xi32, #tpu.memory_space<vmem>>) semaphore(%arg19 : memref<!tpu.dma_semaphore, #tpu.memory_space<semaphore_mem>>)
    %dma_start3A_489 = arith.constant 5 : i32
    %dma_start3A_490 = arith.constant 0 : i32
    %dma_start3A_491 = tpu.memref_slice %arg6[%dma_start3A_489, %dma_start3A_490] : memref<80x125xi32, #tpu.memory_space<vmem>> -> memref<1x125xi32, #tpu.memory_space<vmem>>
    %dma_start3A_492 = tpu.memref_squeeze %dma_start3A_491 : memref<1x125xi32, #tpu.memory_space<vmem>> -> memref<125xi32, #tpu.memory_space<vmem>>
    %dma_start3A_493 = arith.constant 0 : i32
    %dma_start3A_494 = arith.constant 0 : i32
    %dma_start3A_495 = tpu.memref_slice %arg2[%dma_start3A_493, %dma_start3A_494] : memref<10000x40xf32, #tpu.memory_space<hbm>> -> memref<10000x40xf32, #tpu.memory_space<hbm>>
    tpu.enqueue_indirect_dma source(%dma_start3A_495 : memref<10000x40xf32, #tpu.memory_space<hbm>>) target(%arg13 : memref<125x40xf32, #tpu.memory_space<vmem>>) offsets(%dma_start3A_492 : memref<125xi32, #tpu.memory_space<vmem>>) semaphore(%arg19 : memref<!tpu.dma_semaphore, #tpu.memory_space<semaphore_mem>>)
    %dma_start3A_496 = arith.constant 6 : i32
    %dma_start3A_497 = arith.constant 0 : i32
    %dma_start3A_498 = tpu.memref_slice %arg6[%dma_start3A_496, %dma_start3A_497] : memref<80x125xi32, #tpu.memory_space<vmem>> -> memref<1x125xi32, #tpu.memory_space<vmem>>
    %dma_start3A_499 = tpu.memref_squeeze %dma_start3A_498 : memref<1x125xi32, #tpu.memory_space<vmem>> -> memref<125xi32, #tpu.memory_space<vmem>>
    %dma_start3A_500 = arith.constant 0 : i32
    %dma_start3A_501 = arith.constant 0 : i32
    %dma_start3A_502 = tpu.memref_slice %arg2[%dma_start3A_500, %dma_start3A_501] : memref<10000x40xf32, #tpu.memory_space<hbm>> -> memref<10000x40xf32, #tpu.memory_space<hbm>>
    tpu.enqueue_indirect_dma source(%dma_start3A_502 : memref<10000x40xf32, #tpu.memory_space<hbm>>) target(%arg14 : memref<125x40xf32, #tpu.memory_space<vmem>>) offsets(%dma_start3A_499 : memref<125xi32, #tpu.memory_space<vmem>>) semaphore(%arg19 : memref<!tpu.dma_semaphore, #tpu.memory_space<semaphore_mem>>)
    %dma_start3A_503 = arith.constant 7 : i32
    %dma_start3A_504 = arith.constant 0 : i32
    %dma_start3A_505 = tpu.memref_slice %arg6[%dma_start3A_503, %dma_start3A_504] : memref<80x125xi32, #tpu.memory_space<vmem>> -> memref<1x125xi32, #tpu.memory_space<vmem>>
    %dma_start3A_506 = tpu.memref_squeeze %dma_start3A_505 : memref<1x125xi32, #tpu.memory_space<vmem>> -> memref<125xi32, #tpu.memory_space<vmem>>
    %dma_start3A_507 = arith.constant 0 : i32
    %dma_start3A_508 = arith.constant 0 : i32
    %dma_start3A_509 = tpu.memref_slice %arg2[%dma_start3A_507, %dma_start3A_508] : memref<10000x40xf32, #tpu.memory_space<hbm>> -> memref<10000x40xf32, #tpu.memory_space<hbm>>
    tpu.enqueue_indirect_dma source(%dma_start3A_509 : memref<10000x40xf32, #tpu.memory_space<hbm>>) target(%arg15 : memref<125x40xf32, #tpu.memory_space<vmem>>) offsets(%dma_start3A_506 : memref<125xi32, #tpu.memory_space<vmem>>) semaphore(%arg19 : memref<!tpu.dma_semaphore, #tpu.memory_space<semaphore_mem>>)
    %dma_wait3A = arith.constant 0 : i32
    %dma_wait3A_510 = arith.constant 0 : i32
    %dma_wait3A_511 = tpu.memref_slice %arg6[%dma_wait3A, %dma_wait3A_510] : memref<80x125xi32, #tpu.memory_space<vmem>> -> memref<1x125xi32, #tpu.memory_space<vmem>>
    %dma_wait3A_512 = tpu.memref_squeeze %dma_wait3A_511 : memref<1x125xi32, #tpu.memory_space<vmem>> -> memref<125xi32, #tpu.memory_space<vmem>>
    %dma_wait3A_513 = arith.constant 0 : i32
    %dma_wait3A_514 = arith.constant 0 : i32
    %dma_wait3A_515 = tpu.memref_slice %arg2[%dma_wait3A_513, %dma_wait3A_514] : memref<10000x40xf32, #tpu.memory_space<hbm>> -> memref<10000x40xf32, #tpu.memory_space<hbm>>
    tpu.wait_indirect_dma semaphore(%arg18 : memref<!tpu.dma_semaphore, #tpu.memory_space<semaphore_mem>>) src(%dma_wait3A_515 : memref<10000x40xf32, #tpu.memory_space<hbm>>) dst(%arg8 : memref<125x40xf32, #tpu.memory_space<vmem>>)
    %dma_wait3A_516 = arith.constant 1 : i32
    %dma_wait3A_517 = arith.constant 0 : i32
    %dma_wait3A_518 = tpu.memref_slice %arg6[%dma_wait3A_516, %dma_wait3A_517] : memref<80x125xi32, #tpu.memory_space<vmem>> -> memref<1x125xi32, #tpu.memory_space<vmem>>
    %dma_wait3A_519 = tpu.memref_squeeze %dma_wait3A_518 : memref<1x125xi32, #tpu.memory_space<vmem>> -> memref<125xi32, #tpu.memory_space<vmem>>
    %dma_wait3A_520 = arith.constant 0 : i32
    %dma_wait3A_521 = arith.constant 0 : i32
    %dma_wait3A_522 = tpu.memref_slice %arg2[%dma_wait3A_520, %dma_wait3A_521] : memref<10000x40xf32, #tpu.memory_space<hbm>> -> memref<10000x40xf32, #tpu.memory_space<hbm>>
    tpu.wait_indirect_dma semaphore(%arg18 : memref<!tpu.dma_semaphore, #tpu.memory_space<semaphore_mem>>) src(%dma_wait3A_522 : memref<10000x40xf32, #tpu.memory_space<hbm>>) dst(%arg9 : memref<125x40xf32, #tpu.memory_space<vmem>>)
    %dma_wait3A_523 = arith.constant 2 : i32
    %dma_wait3A_524 = arith.constant 0 : i32
    %dma_wait3A_525 = tpu.memref_slice %arg6[%dma_wait3A_523, %dma_wait3A_524] : memref<80x125xi32, #tpu.memory_space<vmem>> -> memref<1x125xi32, #tpu.memory_space<vmem>>
    %dma_wait3A_526 = tpu.memref_squeeze %dma_wait3A_525 : memref<1x125xi32, #tpu.memory_space<vmem>> -> memref<125xi32, #tpu.memory_space<vmem>>
    %dma_wait3A_527 = arith.constant 0 : i32
    %dma_wait3A_528 = arith.constant 0 : i32
    %dma_wait3A_529 = tpu.memref_slice %arg2[%dma_wait3A_527, %dma_wait3A_528] : memref<10000x40xf32, #tpu.memory_space<hbm>> -> memref<10000x40xf32, #tpu.memory_space<hbm>>
    tpu.wait_indirect_dma semaphore(%arg18 : memref<!tpu.dma_semaphore, #tpu.memory_space<semaphore_mem>>) src(%dma_wait3A_529 : memref<10000x40xf32, #tpu.memory_space<hbm>>) dst(%arg10 : memref<125x40xf32, #tpu.memory_space<vmem>>)
    %dma_wait3A_530 = arith.constant 3 : i32
    %dma_wait3A_531 = arith.constant 0 : i32
    %dma_wait3A_532 = tpu.memref_slice %arg6[%dma_wait3A_530, %dma_wait3A_531] : memref<80x125xi32, #tpu.memory_space<vmem>> -> memref<1x125xi32, #tpu.memory_space<vmem>>
    %dma_wait3A_533 = tpu.memref_squeeze %dma_wait3A_532 : memref<1x125xi32, #tpu.memory_space<vmem>> -> memref<125xi32, #tpu.memory_space<vmem>>
    %dma_wait3A_534 = arith.constant 0 : i32
    %dma_wait3A_535 = arith.constant 0 : i32
    %dma_wait3A_536 = tpu.memref_slice %arg2[%dma_wait3A_534, %dma_wait3A_535] : memref<10000x40xf32, #tpu.memory_space<hbm>> -> memref<10000x40xf32, #tpu.memory_space<hbm>>
    tpu.wait_indirect_dma semaphore(%arg18 : memref<!tpu.dma_semaphore, #tpu.memory_space<semaphore_mem>>) src(%dma_wait3A_536 : memref<10000x40xf32, #tpu.memory_space<hbm>>) dst(%arg11 : memref<125x40xf32, #tpu.memory_space<vmem>>)
    %dma_start3A_537 = arith.constant 0 : i32
    %dma_start3A_538 = arith.constant 0 : i32
    %dma_start3A_539 = tpu.memref_slice %arg7[%dma_start3A_537, %dma_start3A_538] : memref<80x125xi32, #tpu.memory_space<vmem>> -> memref<1x125xi32, #tpu.memory_space<vmem>>
    %dma_start3A_540 = tpu.memref_squeeze %dma_start3A_539 : memref<1x125xi32, #tpu.memory_space<vmem>> -> memref<125xi32, #tpu.memory_space<vmem>>
    %dma_start3A_541 = arith.constant 0 : i32
    %dma_start3A_542 = arith.constant 0 : i32
    %dma_start3A_543 = tpu.memref_slice %arg17[%dma_start3A_541, %dma_start3A_542] : memref<10000x40xf32, #tpu.memory_space<vmem_shared>> -> memref<10000x40xf32, #tpu.memory_space<vmem_shared>>
    tpu.enqueue_indirect_dma source(%arg8 : memref<125x40xf32, #tpu.memory_space<vmem>>) target(%dma_start3A_543 : memref<10000x40xf32, #tpu.memory_space<vmem_shared>>) offsets(%dma_start3A_540 : memref<125xi32, #tpu.memory_space<vmem>>) semaphore(%arg20 : memref<!tpu.dma_semaphore, #tpu.memory_space<semaphore_mem>>) {add = true}
    %dma_start3A_544 = arith.constant 1 : i32
    %dma_start3A_545 = arith.constant 0 : i32
    %dma_start3A_546 = tpu.memref_slice %arg7[%dma_start3A_544, %dma_start3A_545] : memref<80x125xi32, #tpu.memory_space<vmem>> -> memref<1x125xi32, #tpu.memory_space<vmem>>
    %dma_start3A_547 = tpu.memref_squeeze %dma_start3A_546 : memref<1x125xi32, #tpu.memory_space<vmem>> -> memref<125xi32, #tpu.memory_space<vmem>>
    %dma_start3A_548 = arith.constant 0 : i32
    %dma_start3A_549 = arith.constant 0 : i32
    %dma_start3A_550 = tpu.memref_slice %arg17[%dma_start3A_548, %dma_start3A_549] : memref<10000x40xf32, #tpu.memory_space<vmem_shared>> -> memref<10000x40xf32, #tpu.memory_space<vmem_shared>>
    tpu.enqueue_indirect_dma source(%arg9 : memref<125x40xf32, #tpu.memory_space<vmem>>) target(%dma_start3A_550 : memref<10000x40xf32, #tpu.memory_space<vmem_shared>>) offsets(%dma_start3A_547 : memref<125xi32, #tpu.memory_space<vmem>>) semaphore(%arg20 : memref<!tpu.dma_semaphore, #tpu.memory_space<semaphore_mem>>) {add = true}
    %dma_start3A_551 = arith.constant 2 : i32
    %dma_start3A_552 = arith.constant 0 : i32
    %dma_start3A_553 = tpu.memref_slice %arg7[%dma_start3A_551, %dma_start3A_552] : memref<80x125xi32, #tpu.memory_space<vmem>> -> memref<1x125xi32, #tpu.memory_space<vmem>>
    %dma_start3A_554 = tpu.memref_squeeze %dma_start3A_553 : memref<1x125xi32, #tpu.memory_space<vmem>> -> memref<125xi32, #tpu.memory_space<vmem>>
    %dma_start3A_555 = arith.constant 0 : i32
    %dma_start3A_556 = arith.constant 0 : i32
    %dma_start3A_557 = tpu.memref_slice %arg17[%dma_start3A_555, %dma_start3A_556] : memref<10000x40xf32, #tpu.memory_space<vmem_shared>> -> memref<10000x40xf32, #tpu.memory_space<vmem_shared>>
    tpu.enqueue_indirect_dma source(%arg10 : memref<125x40xf32, #tpu.memory_space<vmem>>) target(%dma_start3A_557 : memref<10000x40xf32, #tpu.memory_space<vmem_shared>>) offsets(%dma_start3A_554 : memref<125xi32, #tpu.memory_space<vmem>>) semaphore(%arg20 : memref<!tpu.dma_semaphore, #tpu.memory_space<semaphore_mem>>) {add = true}
    %dma_start3A_558 = arith.constant 3 : i32
    %dma_start3A_559 = arith.constant 0 : i32
    %dma_start3A_560 = tpu.memref_slice %arg7[%dma_start3A_558, %dma_start3A_559] : memref<80x125xi32, #tpu.memory_space<vmem>> -> memref<1x125xi32, #tpu.memory_space<vmem>>
    %dma_start3A_561 = tpu.memref_squeeze %dma_start3A_560 : memref<1x125xi32, #tpu.memory_space<vmem>> -> memref<125xi32, #tpu.memory_space<vmem>>
    %dma_start3A_562 = arith.constant 0 : i32
    %dma_start3A_563 = arith.constant 0 : i32
    %dma_start3A_564 = tpu.memref_slice %arg17[%dma_start3A_562, %dma_start3A_563] : memref<10000x40xf32, #tpu.memory_space<vmem_shared>> -> memref<10000x40xf32, #tpu.memory_space<vmem_shared>>
    tpu.enqueue_indirect_dma source(%arg11 : memref<125x40xf32, #tpu.memory_space<vmem>>) target(%dma_start3A_564 : memref<10000x40xf32, #tpu.memory_space<vmem_shared>>) offsets(%dma_start3A_561 : memref<125xi32, #tpu.memory_space<vmem>>) semaphore(%arg20 : memref<!tpu.dma_semaphore, #tpu.memory_space<semaphore_mem>>) {add = true}
    %scan3A_565 = arith.constant 0 : i32
    %scan3A_566 = arith.constant 9 : i32
    %scan3A_567 = arith.addi %scan3A_565, %scan3A_566 : i32
    %scan3A_568 = arith.constant 1 : i32
    scf.for %scan3A_685 = %scan3A_565 to %scan3A_567 step %scan3A_568  : i32 {
      %mul3A_686 = arith.constant 2 : i32
      %mul3A_687 = arith.muli %mul3A_686, %scan3A_685 : i32
      %add3A_688 = arith.constant 1 : i32
      %add3A_689 = arith.addi %mul3A_687, %add3A_688 : i32
      %sub3A = arith.constant 1 : i32
      %sub3A_690 = arith.subi %add3A_689, %sub3A : i32
      %mul3A_691 = arith.constant 4 : i32
      %mul3A_692 = arith.muli %sub3A_690, %mul3A_691 : i32
      %add3A_693 = arith.constant 0 : i32
      %add3A_694 = arith.addi %mul3A_692, %add3A_693 : i32
      %dma_wait3A_695 = arith.constant 0 : i32
      %dma_wait3A_696 = tpu.memref_slice %arg7[%add3A_694, %dma_wait3A_695] : memref<80x125xi32, #tpu.memory_space<vmem>> -> memref<1x125xi32, #tpu.memory_space<vmem>>
      %dma_wait3A_697 = tpu.memref_squeeze %dma_wait3A_696 : memref<1x125xi32, #tpu.memory_space<vmem>> -> memref<125xi32, #tpu.memory_space<vmem>>
      %dma_wait3A_698 = arith.constant 0 : i32
      %dma_wait3A_699 = arith.constant 0 : i32
      %dma_wait3A_700 = tpu.memref_slice %arg17[%dma_wait3A_698, %dma_wait3A_699] : memref<10000x40xf32, #tpu.memory_space<vmem_shared>> -> memref<10000x40xf32, #tpu.memory_space<vmem_shared>>
      tpu.wait_indirect_dma semaphore(%arg20 : memref<!tpu.dma_semaphore, #tpu.memory_space<semaphore_mem>>) src(%arg8 : memref<125x40xf32, #tpu.memory_space<vmem>>) dst(%dma_wait3A_700 : memref<10000x40xf32, #tpu.memory_space<vmem_shared>>)
      %mul3A_701 = arith.constant 4 : i32
      %mul3A_702 = arith.muli %sub3A_690, %mul3A_701 : i32
      %add3A_703 = arith.constant 1 : i32
      %add3A_704 = arith.addi %mul3A_702, %add3A_703 : i32
      %dma_wait3A_705 = arith.constant 0 : i32
      %dma_wait3A_706 = tpu.memref_slice %arg7[%add3A_704, %dma_wait3A_705] : memref<80x125xi32, #tpu.memory_space<vmem>> -> memref<1x125xi32, #tpu.memory_space<vmem>>
      %dma_wait3A_707 = tpu.memref_squeeze %dma_wait3A_706 : memref<1x125xi32, #tpu.memory_space<vmem>> -> memref<125xi32, #tpu.memory_space<vmem>>
      %dma_wait3A_708 = arith.constant 0 : i32
      %dma_wait3A_709 = arith.constant 0 : i32
      %dma_wait3A_710 = tpu.memref_slice %arg17[%dma_wait3A_708, %dma_wait3A_709] : memref<10000x40xf32, #tpu.memory_space<vmem_shared>> -> memref<10000x40xf32, #tpu.memory_space<vmem_shared>>
      tpu.wait_indirect_dma semaphore(%arg20 : memref<!tpu.dma_semaphore, #tpu.memory_space<semaphore_mem>>) src(%arg9 : memref<125x40xf32, #tpu.memory_space<vmem>>) dst(%dma_wait3A_710 : memref<10000x40xf32, #tpu.memory_space<vmem_shared>>)
      %mul3A_711 = arith.constant 4 : i32
      %mul3A_712 = arith.muli %sub3A_690, %mul3A_711 : i32
      %add3A_713 = arith.constant 2 : i32
      %add3A_714 = arith.addi %mul3A_712, %add3A_713 : i32
      %dma_wait3A_715 = arith.constant 0 : i32
      %dma_wait3A_716 = tpu.memref_slice %arg7[%add3A_714, %dma_wait3A_715] : memref<80x125xi32, #tpu.memory_space<vmem>> -> memref<1x125xi32, #tpu.memory_space<vmem>>
      %dma_wait3A_717 = tpu.memref_squeeze %dma_wait3A_716 : memref<1x125xi32, #tpu.memory_space<vmem>> -> memref<125xi32, #tpu.memory_space<vmem>>
      %dma_wait3A_718 = arith.constant 0 : i32
      %dma_wait3A_719 = arith.constant 0 : i32
      %dma_wait3A_720 = tpu.memref_slice %arg17[%dma_wait3A_718, %dma_wait3A_719] : memref<10000x40xf32, #tpu.memory_space<vmem_shared>> -> memref<10000x40xf32, #tpu.memory_space<vmem_shared>>
      tpu.wait_indirect_dma semaphore(%arg20 : memref<!tpu.dma_semaphore, #tpu.memory_space<semaphore_mem>>) src(%arg10 : memref<125x40xf32, #tpu.memory_space<vmem>>) dst(%dma_wait3A_720 : memref<10000x40xf32, #tpu.memory_space<vmem_shared>>)
      %mul3A_721 = arith.constant 4 : i32
      %mul3A_722 = arith.muli %sub3A_690, %mul3A_721 : i32
      %add3A_723 = arith.constant 3 : i32
      %add3A_724 = arith.addi %mul3A_722, %add3A_723 : i32
      %dma_wait3A_725 = arith.constant 0 : i32
      %dma_wait3A_726 = tpu.memref_slice %arg7[%add3A_724, %dma_wait3A_725] : memref<80x125xi32, #tpu.memory_space<vmem>> -> memref<1x125xi32, #tpu.memory_space<vmem>>
      %dma_wait3A_727 = tpu.memref_squeeze %dma_wait3A_726 : memref<1x125xi32, #tpu.memory_space<vmem>> -> memref<125xi32, #tpu.memory_space<vmem>>
      %dma_wait3A_728 = arith.constant 0 : i32
      %dma_wait3A_729 = arith.constant 0 : i32
      %dma_wait3A_730 = tpu.memref_slice %arg17[%dma_wait3A_728, %dma_wait3A_729] : memref<10000x40xf32, #tpu.memory_space<vmem_shared>> -> memref<10000x40xf32, #tpu.memory_space<vmem_shared>>
      tpu.wait_indirect_dma semaphore(%arg20 : memref<!tpu.dma_semaphore, #tpu.memory_space<semaphore_mem>>) src(%arg11 : memref<125x40xf32, #tpu.memory_space<vmem>>) dst(%dma_wait3A_730 : memref<10000x40xf32, #tpu.memory_space<vmem_shared>>)
      %add3A_731 = arith.constant 1 : i32
      %add3A_732 = arith.addi %add3A_689, %add3A_731 : i32
      %mul3A_733 = arith.constant 4 : i32
      %mul3A_734 = arith.muli %add3A_732, %mul3A_733 : i32
      %add3A_735 = arith.constant 0 : i32
      %add3A_736 = arith.addi %mul3A_734, %add3A_735 : i32
      %dma_start3A_737 = arith.constant 0 : i32
      %dma_start3A_738 = tpu.memref_slice %arg6[%add3A_736, %dma_start3A_737] : memref<80x125xi32, #tpu.memory_space<vmem>> -> memref<1x125xi32, #tpu.memory_space<vmem>>
      %dma_start3A_739 = tpu.memref_squeeze %dma_start3A_738 : memref<1x125xi32, #tpu.memory_space<vmem>> -> memref<125xi32, #tpu.memory_space<vmem>>
      %dma_start3A_740 = arith.constant 0 : i32
      %dma_start3A_741 = arith.constant 0 : i32
      %dma_start3A_742 = tpu.memref_slice %arg2[%dma_start3A_740, %dma_start3A_741] : memref<10000x40xf32, #tpu.memory_space<hbm>> -> memref<10000x40xf32, #tpu.memory_space<hbm>>
      tpu.enqueue_indirect_dma source(%dma_start3A_742 : memref<10000x40xf32, #tpu.memory_space<hbm>>) target(%arg8 : memref<125x40xf32, #tpu.memory_space<vmem>>) offsets(%dma_start3A_739 : memref<125xi32, #tpu.memory_space<vmem>>) semaphore(%arg18 : memref<!tpu.dma_semaphore, #tpu.memory_space<semaphore_mem>>)
      %mul3A_743 = arith.constant 4 : i32
      %mul3A_744 = arith.muli %add3A_732, %mul3A_743 : i32
      %add3A_745 = arith.constant 1 : i32
      %add3A_746 = arith.addi %mul3A_744, %add3A_745 : i32
      %dma_start3A_747 = arith.constant 0 : i32
      %dma_start3A_748 = tpu.memref_slice %arg6[%add3A_746, %dma_start3A_747] : memref<80x125xi32, #tpu.memory_space<vmem>> -> memref<1x125xi32, #tpu.memory_space<vmem>>
      %dma_start3A_749 = tpu.memref_squeeze %dma_start3A_748 : memref<1x125xi32, #tpu.memory_space<vmem>> -> memref<125xi32, #tpu.memory_space<vmem>>
      %dma_start3A_750 = arith.constant 0 : i32
      %dma_start3A_751 = arith.constant 0 : i32
      %dma_start3A_752 = tpu.memref_slice %arg2[%dma_start3A_750, %dma_start3A_751] : memref<10000x40xf32, #tpu.memory_space<hbm>> -> memref<10000x40xf32, #tpu.memory_space<hbm>>
      tpu.enqueue_indirect_dma source(%dma_start3A_752 : memref<10000x40xf32, #tpu.memory_space<hbm>>) target(%arg9 : memref<125x40xf32, #tpu.memory_space<vmem>>) offsets(%dma_start3A_749 : memref<125xi32, #tpu.memory_space<vmem>>) semaphore(%arg18 : memref<!tpu.dma_semaphore, #tpu.memory_space<semaphore_mem>>)
      %mul3A_753 = arith.constant 4 : i32
      %mul3A_754 = arith.muli %add3A_732, %mul3A_753 : i32
      %add3A_755 = arith.constant 2 : i32
      %add3A_756 = arith.addi %mul3A_754, %add3A_755 : i32
      %dma_start3A_757 = arith.constant 0 : i32
      %dma_start3A_758 = tpu.memref_slice %arg6[%add3A_756, %dma_start3A_757] : memref<80x125xi32, #tpu.memory_space<vmem>> -> memref<1x125xi32, #tpu.memory_space<vmem>>
      %dma_start3A_759 = tpu.memref_squeeze %dma_start3A_758 : memref<1x125xi32, #tpu.memory_space<vmem>> -> memref<125xi32, #tpu.memory_space<vmem>>
      %dma_start3A_760 = arith.constant 0 : i32
      %dma_start3A_761 = arith.constant 0 : i32
      %dma_start3A_762 = tpu.memref_slice %arg2[%dma_start3A_760, %dma_start3A_761] : memref<10000x40xf32, #tpu.memory_space<hbm>> -> memref<10000x40xf32, #tpu.memory_space<hbm>>
      tpu.enqueue_indirect_dma source(%dma_start3A_762 : memref<10000x40xf32, #tpu.memory_space<hbm>>) target(%arg10 : memref<125x40xf32, #tpu.memory_space<vmem>>) offsets(%dma_start3A_759 : memref<125xi32, #tpu.memory_space<vmem>>) semaphore(%arg18 : memref<!tpu.dma_semaphore, #tpu.memory_space<semaphore_mem>>)
      %mul3A_763 = arith.constant 4 : i32
      %mul3A_764 = arith.muli %add3A_732, %mul3A_763 : i32
      %add3A_765 = arith.constant 3 : i32
      %add3A_766 = arith.addi %mul3A_764, %add3A_765 : i32
      %dma_start3A_767 = arith.constant 0 : i32
      %dma_start3A_768 = tpu.memref_slice %arg6[%add3A_766, %dma_start3A_767] : memref<80x125xi32, #tpu.memory_space<vmem>> -> memref<1x125xi32, #tpu.memory_space<vmem>>
      %dma_start3A_769 = tpu.memref_squeeze %dma_start3A_768 : memref<1x125xi32, #tpu.memory_space<vmem>> -> memref<125xi32, #tpu.memory_space<vmem>>
      %dma_start3A_770 = arith.constant 0 : i32
      %dma_start3A_771 = arith.constant 0 : i32
      %dma_start3A_772 = tpu.memref_slice %arg2[%dma_start3A_770, %dma_start3A_771] : memref<10000x40xf32, #tpu.memory_space<hbm>> -> memref<10000x40xf32, #tpu.memory_space<hbm>>
      tpu.enqueue_indirect_dma source(%dma_start3A_772 : memref<10000x40xf32, #tpu.memory_space<hbm>>) target(%arg11 : memref<125x40xf32, #tpu.memory_space<vmem>>) offsets(%dma_start3A_769 : memref<125xi32, #tpu.memory_space<vmem>>) semaphore(%arg18 : memref<!tpu.dma_semaphore, #tpu.memory_space<semaphore_mem>>)
      %mul3A_773 = arith.constant 4 : i32
      %mul3A_774 = arith.muli %add3A_689, %mul3A_773 : i32
      %add3A_775 = arith.constant 0 : i32
      %add3A_776 = arith.addi %mul3A_774, %add3A_775 : i32
      %dma_wait3A_777 = arith.constant 0 : i32
      %dma_wait3A_778 = tpu.memref_slice %arg6[%add3A_776, %dma_wait3A_777] : memref<80x125xi32, #tpu.memory_space<vmem>> -> memref<1x125xi32, #tpu.memory_space<vmem>>
      %dma_wait3A_779 = tpu.memref_squeeze %dma_wait3A_778 : memref<1x125xi32, #tpu.memory_space<vmem>> -> memref<125xi32, #tpu.memory_space<vmem>>
      %dma_wait3A_780 = arith.constant 0 : i32
      %dma_wait3A_781 = arith.constant 0 : i32
      %dma_wait3A_782 = tpu.memref_slice %arg2[%dma_wait3A_780, %dma_wait3A_781] : memref<10000x40xf32, #tpu.memory_space<hbm>> -> memref<10000x40xf32, #tpu.memory_space<hbm>>
      tpu.wait_indirect_dma semaphore(%arg19 : memref<!tpu.dma_semaphore, #tpu.memory_space<semaphore_mem>>) src(%dma_wait3A_782 : memref<10000x40xf32, #tpu.memory_space<hbm>>) dst(%arg12 : memref<125x40xf32, #tpu.memory_space<vmem>>)
      %mul3A_783 = arith.constant 4 : i32
      %mul3A_784 = arith.muli %add3A_689, %mul3A_783 : i32
      %add3A_785 = arith.constant 1 : i32
      %add3A_786 = arith.addi %mul3A_784, %add3A_785 : i32
      %dma_wait3A_787 = arith.constant 0 : i32
      %dma_wait3A_788 = tpu.memref_slice %arg6[%add3A_786, %dma_wait3A_787] : memref<80x125xi32, #tpu.memory_space<vmem>> -> memref<1x125xi32, #tpu.memory_space<vmem>>
      %dma_wait3A_789 = tpu.memref_squeeze %dma_wait3A_788 : memref<1x125xi32, #tpu.memory_space<vmem>> -> memref<125xi32, #tpu.memory_space<vmem>>
      %dma_wait3A_790 = arith.constant 0 : i32
      %dma_wait3A_791 = arith.constant 0 : i32
      %dma_wait3A_792 = tpu.memref_slice %arg2[%dma_wait3A_790, %dma_wait3A_791] : memref<10000x40xf32, #tpu.memory_space<hbm>> -> memref<10000x40xf32, #tpu.memory_space<hbm>>
      tpu.wait_indirect_dma semaphore(%arg19 : memref<!tpu.dma_semaphore, #tpu.memory_space<semaphore_mem>>) src(%dma_wait3A_792 : memref<10000x40xf32, #tpu.memory_space<hbm>>) dst(%arg13 : memref<125x40xf32, #tpu.memory_space<vmem>>)
      %mul3A_793 = arith.constant 4 : i32
      %mul3A_794 = arith.muli %add3A_689, %mul3A_793 : i32
      %add3A_795 = arith.constant 2 : i32
      %add3A_796 = arith.addi %mul3A_794, %add3A_795 : i32
      %dma_wait3A_797 = arith.constant 0 : i32
      %dma_wait3A_798 = tpu.memref_slice %arg6[%add3A_796, %dma_wait3A_797] : memref<80x125xi32, #tpu.memory_space<vmem>> -> memref<1x125xi32, #tpu.memory_space<vmem>>
      %dma_wait3A_799 = tpu.memref_squeeze %dma_wait3A_798 : memref<1x125xi32, #tpu.memory_space<vmem>> -> memref<125xi32, #tpu.memory_space<vmem>>
      %dma_wait3A_800 = arith.constant 0 : i32
      %dma_wait3A_801 = arith.constant 0 : i32
      %dma_wait3A_802 = tpu.memref_slice %arg2[%dma_wait3A_800, %dma_wait3A_801] : memref<10000x40xf32, #tpu.memory_space<hbm>> -> memref<10000x40xf32, #tpu.memory_space<hbm>>
      tpu.wait_indirect_dma semaphore(%arg19 : memref<!tpu.dma_semaphore, #tpu.memory_space<semaphore_mem>>) src(%dma_wait3A_802 : memref<10000x40xf32, #tpu.memory_space<hbm>>) dst(%arg14 : memref<125x40xf32, #tpu.memory_space<vmem>>)
      %mul3A_803 = arith.constant 4 : i32
      %mul3A_804 = arith.muli %add3A_689, %mul3A_803 : i32
      %add3A_805 = arith.constant 3 : i32
      %add3A_806 = arith.addi %mul3A_804, %add3A_805 : i32
      %dma_wait3A_807 = arith.constant 0 : i32
      %dma_wait3A_808 = tpu.memref_slice %arg6[%add3A_806, %dma_wait3A_807] : memref<80x125xi32, #tpu.memory_space<vmem>> -> memref<1x125xi32, #tpu.memory_space<vmem>>
      %dma_wait3A_809 = tpu.memref_squeeze %dma_wait3A_808 : memref<1x125xi32, #tpu.memory_space<vmem>> -> memref<125xi32, #tpu.memory_space<vmem>>
      %dma_wait3A_810 = arith.constant 0 : i32
      %dma_wait3A_811 = arith.constant 0 : i32
      %dma_wait3A_812 = tpu.memref_slice %arg2[%dma_wait3A_810, %dma_wait3A_811] : memref<10000x40xf32, #tpu.memory_space<hbm>> -> memref<10000x40xf32, #tpu.memory_space<hbm>>
      tpu.wait_indirect_dma semaphore(%arg19 : memref<!tpu.dma_semaphore, #tpu.memory_space<semaphore_mem>>) src(%dma_wait3A_812 : memref<10000x40xf32, #tpu.memory_space<hbm>>) dst(%arg15 : memref<125x40xf32, #tpu.memory_space<vmem>>)
      %mul3A_813 = arith.constant 4 : i32
      %mul3A_814 = arith.muli %add3A_689, %mul3A_813 : i32
      %add3A_815 = arith.constant 0 : i32
      %add3A_816 = arith.addi %mul3A_814, %add3A_815 : i32
      %dma_start3A_817 = arith.constant 0 : i32
      %dma_start3A_818 = tpu.memref_slice %arg7[%add3A_816, %dma_start3A_817] : memref<80x125xi32, #tpu.memory_space<vmem>> -> memref<1x125xi32, #tpu.memory_space<vmem>>
      %dma_start3A_819 = tpu.memref_squeeze %dma_start3A_818 : memref<1x125xi32, #tpu.memory_space<vmem>> -> memref<125xi32, #tpu.memory_space<vmem>>
      %dma_start3A_820 = arith.constant 0 : i32
      %dma_start3A_821 = arith.constant 0 : i32
      %dma_start3A_822 = tpu.memref_slice %arg17[%dma_start3A_820, %dma_start3A_821] : memref<10000x40xf32, #tpu.memory_space<vmem_shared>> -> memref<10000x40xf32, #tpu.memory_space<vmem_shared>>
      tpu.enqueue_indirect_dma source(%arg12 : memref<125x40xf32, #tpu.memory_space<vmem>>) target(%dma_start3A_822 : memref<10000x40xf32, #tpu.memory_space<vmem_shared>>) offsets(%dma_start3A_819 : memref<125xi32, #tpu.memory_space<vmem>>) semaphore(%arg21 : memref<!tpu.dma_semaphore, #tpu.memory_space<semaphore_mem>>) {add = true}
      %mul3A_823 = arith.constant 4 : i32
      %mul3A_824 = arith.muli %add3A_689, %mul3A_823 : i32
      %add3A_825 = arith.constant 1 : i32
      %add3A_826 = arith.addi %mul3A_824, %add3A_825 : i32
      %dma_start3A_827 = arith.constant 0 : i32
      %dma_start3A_828 = tpu.memref_slice %arg7[%add3A_826, %dma_start3A_827] : memref<80x125xi32, #tpu.memory_space<vmem>> -> memref<1x125xi32, #tpu.memory_space<vmem>>
      %dma_start3A_829 = tpu.memref_squeeze %dma_start3A_828 : memref<1x125xi32, #tpu.memory_space<vmem>> -> memref<125xi32, #tpu.memory_space<vmem>>
      %dma_start3A_830 = arith.constant 0 : i32
      %dma_start3A_831 = arith.constant 0 : i32
      %dma_start3A_832 = tpu.memref_slice %arg17[%dma_start3A_830, %dma_start3A_831] : memref<10000x40xf32, #tpu.memory_space<vmem_shared>> -> memref<10000x40xf32, #tpu.memory_space<vmem_shared>>
      tpu.enqueue_indirect_dma source(%arg13 : memref<125x40xf32, #tpu.memory_space<vmem>>) target(%dma_start3A_832 : memref<10000x40xf32, #tpu.memory_space<vmem_shared>>) offsets(%dma_start3A_829 : memref<125xi32, #tpu.memory_space<vmem>>) semaphore(%arg21 : memref<!tpu.dma_semaphore, #tpu.memory_space<semaphore_mem>>) {add = true}
      %mul3A_833 = arith.constant 4 : i32
      %mul3A_834 = arith.muli %add3A_689, %mul3A_833 : i32
      %add3A_835 = arith.constant 2 : i32
      %add3A_836 = arith.addi %mul3A_834, %add3A_835 : i32
      %dma_start3A_837 = arith.constant 0 : i32
      %dma_start3A_838 = tpu.memref_slice %arg7[%add3A_836, %dma_start3A_837] : memref<80x125xi32, #tpu.memory_space<vmem>> -> memref<1x125xi32, #tpu.memory_space<vmem>>
      %dma_start3A_839 = tpu.memref_squeeze %dma_start3A_838 : memref<1x125xi32, #tpu.memory_space<vmem>> -> memref<125xi32, #tpu.memory_space<vmem>>
      %dma_start3A_840 = arith.constant 0 : i32
      %dma_start3A_841 = arith.constant 0 : i32
      %dma_start3A_842 = tpu.memref_slice %arg17[%dma_start3A_840, %dma_start3A_841] : memref<10000x40xf32, #tpu.memory_space<vmem_shared>> -> memref<10000x40xf32, #tpu.memory_space<vmem_shared>>
      tpu.enqueue_indirect_dma source(%arg14 : memref<125x40xf32, #tpu.memory_space<vmem>>) target(%dma_start3A_842 : memref<10000x40xf32, #tpu.memory_space<vmem_shared>>) offsets(%dma_start3A_839 : memref<125xi32, #tpu.memory_space<vmem>>) semaphore(%arg21 : memref<!tpu.dma_semaphore, #tpu.memory_space<semaphore_mem>>) {add = true}
      %mul3A_843 = arith.constant 4 : i32
      %mul3A_844 = arith.muli %add3A_689, %mul3A_843 : i32
      %add3A_845 = arith.constant 3 : i32
      %add3A_846 = arith.addi %mul3A_844, %add3A_845 : i32
      %dma_start3A_847 = arith.constant 0 : i32
      %dma_start3A_848 = tpu.memref_slice %arg7[%add3A_846, %dma_start3A_847] : memref<80x125xi32, #tpu.memory_space<vmem>> -> memref<1x125xi32, #tpu.memory_space<vmem>>
      %dma_start3A_849 = tpu.memref_squeeze %dma_start3A_848 : memref<1x125xi32, #tpu.memory_space<vmem>> -> memref<125xi32, #tpu.memory_space<vmem>>
      %dma_start3A_850 = arith.constant 0 : i32
      %dma_start3A_851 = arith.constant 0 : i32
      %dma_start3A_852 = tpu.memref_slice %arg17[%dma_start3A_850, %dma_start3A_851] : memref<10000x40xf32, #tpu.memory_space<vmem_shared>> -> memref<10000x40xf32, #tpu.memory_space<vmem_shared>>
      tpu.enqueue_indirect_dma source(%arg15 : memref<125x40xf32, #tpu.memory_space<vmem>>) target(%dma_start3A_852 : memref<10000x40xf32, #tpu.memory_space<vmem_shared>>) offsets(%dma_start3A_849 : memref<125xi32, #tpu.memory_space<vmem>>) semaphore(%arg21 : memref<!tpu.dma_semaphore, #tpu.memory_space<semaphore_mem>>) {add = true}
      %add3A_853 = arith.constant 1 : i32
      %add3A_854 = arith.addi %add3A_689, %add3A_853 : i32
      %sub3A_855 = arith.constant 1 : i32
      %sub3A_856 = arith.subi %add3A_854, %sub3A_855 : i32
      %mul3A_857 = arith.constant 4 : i32
      %mul3A_858 = arith.muli %sub3A_856, %mul3A_857 : i32
      %add3A_859 = arith.constant 0 : i32
      %add3A_860 = arith.addi %mul3A_858, %add3A_859 : i32
      %dma_wait3A_861 = arith.constant 0 : i32
      %dma_wait3A_862 = tpu.memref_slice %arg7[%add3A_860, %dma_wait3A_861] : memref<80x125xi32, #tpu.memory_space<vmem>> -> memref<1x125xi32, #tpu.memory_space<vmem>>
      %dma_wait3A_863 = tpu.memref_squeeze %dma_wait3A_862 : memref<1x125xi32, #tpu.memory_space<vmem>> -> memref<125xi32, #tpu.memory_space<vmem>>
      %dma_wait3A_864 = arith.constant 0 : i32
      %dma_wait3A_865 = arith.constant 0 : i32
      %dma_wait3A_866 = tpu.memref_slice %arg17[%dma_wait3A_864, %dma_wait3A_865] : memref<10000x40xf32, #tpu.memory_space<vmem_shared>> -> memref<10000x40xf32, #tpu.memory_space<vmem_shared>>
      tpu.wait_indirect_dma semaphore(%arg21 : memref<!tpu.dma_semaphore, #tpu.memory_space<semaphore_mem>>) src(%arg12 : memref<125x40xf32, #tpu.memory_space<vmem>>) dst(%dma_wait3A_866 : memref<10000x40xf32, #tpu.memory_space<vmem_shared>>)
      %mul3A_867 = arith.constant 4 : i32
      %mul3A_868 = arith.muli %sub3A_856, %mul3A_867 : i32
      %add3A_869 = arith.constant 1 : i32
      %add3A_870 = arith.addi %mul3A_868, %add3A_869 : i32
      %dma_wait3A_871 = arith.constant 0 : i32
      %dma_wait3A_872 = tpu.memref_slice %arg7[%add3A_870, %dma_wait3A_871] : memref<80x125xi32, #tpu.memory_space<vmem>> -> memref<1x125xi32, #tpu.memory_space<vmem>>
      %dma_wait3A_873 = tpu.memref_squeeze %dma_wait3A_872 : memref<1x125xi32, #tpu.memory_space<vmem>> -> memref<125xi32, #tpu.memory_space<vmem>>
      %dma_wait3A_874 = arith.constant 0 : i32
      %dma_wait3A_875 = arith.constant 0 : i32
      %dma_wait3A_876 = tpu.memref_slice %arg17[%dma_wait3A_874, %dma_wait3A_875] : memref<10000x40xf32, #tpu.memory_space<vmem_shared>> -> memref<10000x40xf32, #tpu.memory_space<vmem_shared>>
      tpu.wait_indirect_dma semaphore(%arg21 : memref<!tpu.dma_semaphore, #tpu.memory_space<semaphore_mem>>) src(%arg13 : memref<125x40xf32, #tpu.memory_space<vmem>>) dst(%dma_wait3A_876 : memref<10000x40xf32, #tpu.memory_space<vmem_shared>>)
      %mul3A_877 = arith.constant 4 : i32
      %mul3A_878 = arith.muli %sub3A_856, %mul3A_877 : i32
      %add3A_879 = arith.constant 2 : i32
      %add3A_880 = arith.addi %mul3A_878, %add3A_879 : i32
      %dma_wait3A_881 = arith.constant 0 : i32
      %dma_wait3A_882 = tpu.memref_slice %arg7[%add3A_880, %dma_wait3A_881] : memref<80x125xi32, #tpu.memory_space<vmem>> -> memref<1x125xi32, #tpu.memory_space<vmem>>
      %dma_wait3A_883 = tpu.memref_squeeze %dma_wait3A_882 : memref<1x125xi32, #tpu.memory_space<vmem>> -> memref<125xi32, #tpu.memory_space<vmem>>
      %dma_wait3A_884 = arith.constant 0 : i32
      %dma_wait3A_885 = arith.constant 0 : i32
      %dma_wait3A_886 = tpu.memref_slice %arg17[%dma_wait3A_884, %dma_wait3A_885] : memref<10000x40xf32, #tpu.memory_space<vmem_shared>> -> memref<10000x40xf32, #tpu.memory_space<vmem_shared>>
      tpu.wait_indirect_dma semaphore(%arg21 : memref<!tpu.dma_semaphore, #tpu.memory_space<semaphore_mem>>) src(%arg14 : memref<125x40xf32, #tpu.memory_space<vmem>>) dst(%dma_wait3A_886 : memref<10000x40xf32, #tpu.memory_space<vmem_shared>>)
      %mul3A_887 = arith.constant 4 : i32
      %mul3A_888 = arith.muli %sub3A_856, %mul3A_887 : i32
      %add3A_889 = arith.constant 3 : i32
      %add3A_890 = arith.addi %mul3A_888, %add3A_889 : i32
      %dma_wait3A_891 = arith.constant 0 : i32
      %dma_wait3A_892 = tpu.memref_slice %arg7[%add3A_890, %dma_wait3A_891] : memref<80x125xi32, #tpu.memory_space<vmem>> -> memref<1x125xi32, #tpu.memory_space<vmem>>
      %dma_wait3A_893 = tpu.memref_squeeze %dma_wait3A_892 : memref<1x125xi32, #tpu.memory_space<vmem>> -> memref<125xi32, #tpu.memory_space<vmem>>
      %dma_wait3A_894 = arith.constant 0 : i32
      %dma_wait3A_895 = arith.constant 0 : i32
      %dma_wait3A_896 = tpu.memref_slice %arg17[%dma_wait3A_894, %dma_wait3A_895] : memref<10000x40xf32, #tpu.memory_space<vmem_shared>> -> memref<10000x40xf32, #tpu.memory_space<vmem_shared>>
      tpu.wait_indirect_dma semaphore(%arg21 : memref<!tpu.dma_semaphore, #tpu.memory_space<semaphore_mem>>) src(%arg15 : memref<125x40xf32, #tpu.memory_space<vmem>>) dst(%dma_wait3A_896 : memref<10000x40xf32, #tpu.memory_space<vmem_shared>>)
      %add3A_897 = arith.constant 1 : i32
      %add3A_898 = arith.addi %add3A_854, %add3A_897 : i32
      %mul3A_899 = arith.constant 4 : i32
      %mul3A_900 = arith.muli %add3A_898, %mul3A_899 : i32
      %add3A_901 = arith.constant 0 : i32
      %add3A_902 = arith.addi %mul3A_900, %add3A_901 : i32
      %dma_start3A_903 = arith.constant 0 : i32
      %dma_start3A_904 = tpu.memref_slice %arg6[%add3A_902, %dma_start3A_903] : memref<80x125xi32, #tpu.memory_space<vmem>> -> memref<1x125xi32, #tpu.memory_space<vmem>>
      %dma_start3A_905 = tpu.memref_squeeze %dma_start3A_904 : memref<1x125xi32, #tpu.memory_space<vmem>> -> memref<125xi32, #tpu.memory_space<vmem>>
      %dma_start3A_906 = arith.constant 0 : i32
      %dma_start3A_907 = arith.constant 0 : i32
      %dma_start3A_908 = tpu.memref_slice %arg2[%dma_start3A_906, %dma_start3A_907] : memref<10000x40xf32, #tpu.memory_space<hbm>> -> memref<10000x40xf32, #tpu.memory_space<hbm>>
      tpu.enqueue_indirect_dma source(%dma_start3A_908 : memref<10000x40xf32, #tpu.memory_space<hbm>>) target(%arg12 : memref<125x40xf32, #tpu.memory_space<vmem>>) offsets(%dma_start3A_905 : memref<125xi32, #tpu.memory_space<vmem>>) semaphore(%arg19 : memref<!tpu.dma_semaphore, #tpu.memory_space<semaphore_mem>>)
      %mul3A_909 = arith.constant 4 : i32
      %mul3A_910 = arith.muli %add3A_898, %mul3A_909 : i32
      %add3A_911 = arith.constant 1 : i32
      %add3A_912 = arith.addi %mul3A_910, %add3A_911 : i32
      %dma_start3A_913 = arith.constant 0 : i32
      %dma_start3A_914 = tpu.memref_slice %arg6[%add3A_912, %dma_start3A_913] : memref<80x125xi32, #tpu.memory_space<vmem>> -> memref<1x125xi32, #tpu.memory_space<vmem>>
      %dma_start3A_915 = tpu.memref_squeeze %dma_start3A_914 : memref<1x125xi32, #tpu.memory_space<vmem>> -> memref<125xi32, #tpu.memory_space<vmem>>
      %dma_start3A_916 = arith.constant 0 : i32
      %dma_start3A_917 = arith.constant 0 : i32
      %dma_start3A_918 = tpu.memref_slice %arg2[%dma_start3A_916, %dma_start3A_917] : memref<10000x40xf32, #tpu.memory_space<hbm>> -> memref<10000x40xf32, #tpu.memory_space<hbm>>
      tpu.enqueue_indirect_dma source(%dma_start3A_918 : memref<10000x40xf32, #tpu.memory_space<hbm>>) target(%arg13 : memref<125x40xf32, #tpu.memory_space<vmem>>) offsets(%dma_start3A_915 : memref<125xi32, #tpu.memory_space<vmem>>) semaphore(%arg19 : memref<!tpu.dma_semaphore, #tpu.memory_space<semaphore_mem>>)
      %mul3A_919 = arith.constant 4 : i32
      %mul3A_920 = arith.muli %add3A_898, %mul3A_919 : i32
      %add3A_921 = arith.constant 2 : i32
      %add3A_922 = arith.addi %mul3A_920, %add3A_921 : i32
      %dma_start3A_923 = arith.constant 0 : i32
      %dma_start3A_924 = tpu.memref_slice %arg6[%add3A_922, %dma_start3A_923] : memref<80x125xi32, #tpu.memory_space<vmem>> -> memref<1x125xi32, #tpu.memory_space<vmem>>
      %dma_start3A_925 = tpu.memref_squeeze %dma_start3A_924 : memref<1x125xi32, #tpu.memory_space<vmem>> -> memref<125xi32, #tpu.memory_space<vmem>>
      %dma_start3A_926 = arith.constant 0 : i32
      %dma_start3A_927 = arith.constant 0 : i32
      %dma_start3A_928 = tpu.memref_slice %arg2[%dma_start3A_926, %dma_start3A_927] : memref<10000x40xf32, #tpu.memory_space<hbm>> -> memref<10000x40xf32, #tpu.memory_space<hbm>>
      tpu.enqueue_indirect_dma source(%dma_start3A_928 : memref<10000x40xf32, #tpu.memory_space<hbm>>) target(%arg14 : memref<125x40xf32, #tpu.memory_space<vmem>>) offsets(%dma_start3A_925 : memref<125xi32, #tpu.memory_space<vmem>>) semaphore(%arg19 : memref<!tpu.dma_semaphore, #tpu.memory_space<semaphore_mem>>)
      %mul3A_929 = arith.constant 4 : i32
      %mul3A_930 = arith.muli %add3A_898, %mul3A_929 : i32
      %add3A_931 = arith.constant 3 : i32
      %add3A_932 = arith.addi %mul3A_930, %add3A_931 : i32
      %dma_start3A_933 = arith.constant 0 : i32
      %dma_start3A_934 = tpu.memref_slice %arg6[%add3A_932, %dma_start3A_933] : memref<80x125xi32, #tpu.memory_space<vmem>> -> memref<1x125xi32, #tpu.memory_space<vmem>>
      %dma_start3A_935 = tpu.memref_squeeze %dma_start3A_934 : memref<1x125xi32, #tpu.memory_space<vmem>> -> memref<125xi32, #tpu.memory_space<vmem>>
      %dma_start3A_936 = arith.constant 0 : i32
      %dma_start3A_937 = arith.constant 0 : i32
      %dma_start3A_938 = tpu.memref_slice %arg2[%dma_start3A_936, %dma_start3A_937] : memref<10000x40xf32, #tpu.memory_space<hbm>> -> memref<10000x40xf32, #tpu.memory_space<hbm>>
      tpu.enqueue_indirect_dma source(%dma_start3A_938 : memref<10000x40xf32, #tpu.memory_space<hbm>>) target(%arg15 : memref<125x40xf32, #tpu.memory_space<vmem>>) offsets(%dma_start3A_935 : memref<125xi32, #tpu.memory_space<vmem>>) semaphore(%arg19 : memref<!tpu.dma_semaphore, #tpu.memory_space<semaphore_mem>>)
      %mul3A_939 = arith.constant 4 : i32
      %mul3A_940 = arith.muli %add3A_854, %mul3A_939 : i32
      %add3A_941 = arith.constant 0 : i32
      %add3A_942 = arith.addi %mul3A_940, %add3A_941 : i32
      %dma_wait3A_943 = arith.constant 0 : i32
      %dma_wait3A_944 = tpu.memref_slice %arg6[%add3A_942, %dma_wait3A_943] : memref<80x125xi32, #tpu.memory_space<vmem>> -> memref<1x125xi32, #tpu.memory_space<vmem>>
      %dma_wait3A_945 = tpu.memref_squeeze %dma_wait3A_944 : memref<1x125xi32, #tpu.memory_space<vmem>> -> memref<125xi32, #tpu.memory_space<vmem>>
      %dma_wait3A_946 = arith.constant 0 : i32
      %dma_wait3A_947 = arith.constant 0 : i32
      %dma_wait3A_948 = tpu.memref_slice %arg2[%dma_wait3A_946, %dma_wait3A_947] : memref<10000x40xf32, #tpu.memory_space<hbm>> -> memref<10000x40xf32, #tpu.memory_space<hbm>>
      tpu.wait_indirect_dma semaphore(%arg18 : memref<!tpu.dma_semaphore, #tpu.memory_space<semaphore_mem>>) src(%dma_wait3A_948 : memref<10000x40xf32, #tpu.memory_space<hbm>>) dst(%arg8 : memref<125x40xf32, #tpu.memory_space<vmem>>)
      %mul3A_949 = arith.constant 4 : i32
      %mul3A_950 = arith.muli %add3A_854, %mul3A_949 : i32
      %add3A_951 = arith.constant 1 : i32
      %add3A_952 = arith.addi %mul3A_950, %add3A_951 : i32
      %dma_wait3A_953 = arith.constant 0 : i32
      %dma_wait3A_954 = tpu.memref_slice %arg6[%add3A_952, %dma_wait3A_953] : memref<80x125xi32, #tpu.memory_space<vmem>> -> memref<1x125xi32, #tpu.memory_space<vmem>>
      %dma_wait3A_955 = tpu.memref_squeeze %dma_wait3A_954 : memref<1x125xi32, #tpu.memory_space<vmem>> -> memref<125xi32, #tpu.memory_space<vmem>>
      %dma_wait3A_956 = arith.constant 0 : i32
      %dma_wait3A_957 = arith.constant 0 : i32
      %dma_wait3A_958 = tpu.memref_slice %arg2[%dma_wait3A_956, %dma_wait3A_957] : memref<10000x40xf32, #tpu.memory_space<hbm>> -> memref<10000x40xf32, #tpu.memory_space<hbm>>
      tpu.wait_indirect_dma semaphore(%arg18 : memref<!tpu.dma_semaphore, #tpu.memory_space<semaphore_mem>>) src(%dma_wait3A_958 : memref<10000x40xf32, #tpu.memory_space<hbm>>) dst(%arg9 : memref<125x40xf32, #tpu.memory_space<vmem>>)
      %mul3A_959 = arith.constant 4 : i32
      %mul3A_960 = arith.muli %add3A_854, %mul3A_959 : i32
      %add3A_961 = arith.constant 2 : i32
      %add3A_962 = arith.addi %mul3A_960, %add3A_961 : i32
      %dma_wait3A_963 = arith.constant 0 : i32
      %dma_wait3A_964 = tpu.memref_slice %arg6[%add3A_962, %dma_wait3A_963] : memref<80x125xi32, #tpu.memory_space<vmem>> -> memref<1x125xi32, #tpu.memory_space<vmem>>
      %dma_wait3A_965 = tpu.memref_squeeze %dma_wait3A_964 : memref<1x125xi32, #tpu.memory_space<vmem>> -> memref<125xi32, #tpu.memory_space<vmem>>
      %dma_wait3A_966 = arith.constant 0 : i32
      %dma_wait3A_967 = arith.constant 0 : i32
      %dma_wait3A_968 = tpu.memref_slice %arg2[%dma_wait3A_966, %dma_wait3A_967] : memref<10000x40xf32, #tpu.memory_space<hbm>> -> memref<10000x40xf32, #tpu.memory_space<hbm>>
      tpu.wait_indirect_dma semaphore(%arg18 : memref<!tpu.dma_semaphore, #tpu.memory_space<semaphore_mem>>) src(%dma_wait3A_968 : memref<10000x40xf32, #tpu.memory_space<hbm>>) dst(%arg10 : memref<125x40xf32, #tpu.memory_space<vmem>>)
      %mul3A_969 = arith.constant 4 : i32
      %mul3A_970 = arith.muli %add3A_854, %mul3A_969 : i32
      %add3A_971 = arith.constant 3 : i32
      %add3A_972 = arith.addi %mul3A_970, %add3A_971 : i32
      %dma_wait3A_973 = arith.constant 0 : i32
      %dma_wait3A_974 = tpu.memref_slice %arg6[%add3A_972, %dma_wait3A_973] : memref<80x125xi32, #tpu.memory_space<vmem>> -> memref<1x125xi32, #tpu.memory_space<vmem>>
      %dma_wait3A_975 = tpu.memref_squeeze %dma_wait3A_974 : memref<1x125xi32, #tpu.memory_space<vmem>> -> memref<125xi32, #tpu.memory_space<vmem>>
      %dma_wait3A_976 = arith.constant 0 : i32
      %dma_wait3A_977 = arith.constant 0 : i32
      %dma_wait3A_978 = tpu.memref_slice %arg2[%dma_wait3A_976, %dma_wait3A_977] : memref<10000x40xf32, #tpu.memory_space<hbm>> -> memref<10000x40xf32, #tpu.memory_space<hbm>>
      tpu.wait_indirect_dma semaphore(%arg18 : memref<!tpu.dma_semaphore, #tpu.memory_space<semaphore_mem>>) src(%dma_wait3A_978 : memref<10000x40xf32, #tpu.memory_space<hbm>>) dst(%arg11 : memref<125x40xf32, #tpu.memory_space<vmem>>)
      %mul3A_979 = arith.constant 4 : i32
      %mul3A_980 = arith.muli %add3A_854, %mul3A_979 : i32
      %add3A_981 = arith.constant 0 : i32
      %add3A_982 = arith.addi %mul3A_980, %add3A_981 : i32
      %dma_start3A_983 = arith.constant 0 : i32
      %dma_start3A_984 = tpu.memref_slice %arg7[%add3A_982, %dma_start3A_983] : memref<80x125xi32, #tpu.memory_space<vmem>> -> memref<1x125xi32, #tpu.memory_space<vmem>>
      %dma_start3A_985 = tpu.memref_squeeze %dma_start3A_984 : memref<1x125xi32, #tpu.memory_space<vmem>> -> memref<125xi32, #tpu.memory_space<vmem>>
      %dma_start3A_986 = arith.constant 0 : i32
      %dma_start3A_987 = arith.constant 0 : i32
      %dma_start3A_988 = tpu.memref_slice %arg17[%dma_start3A_986, %dma_start3A_987] : memref<10000x40xf32, #tpu.memory_space<vmem_shared>> -> memref<10000x40xf32, #tpu.memory_space<vmem_shared>>
      tpu.enqueue_indirect_dma source(%arg8 : memref<125x40xf32, #tpu.memory_space<vmem>>) target(%dma_start3A_988 : memref<10000x40xf32, #tpu.memory_space<vmem_shared>>) offsets(%dma_start3A_985 : memref<125xi32, #tpu.memory_space<vmem>>) semaphore(%arg20 : memref<!tpu.dma_semaphore, #tpu.memory_space<semaphore_mem>>) {add = true}
      %mul3A_989 = arith.constant 4 : i32
      %mul3A_990 = arith.muli %add3A_854, %mul3A_989 : i32
      %add3A_991 = arith.constant 1 : i32
      %add3A_992 = arith.addi %mul3A_990, %add3A_991 : i32
      %dma_start3A_993 = arith.constant 0 : i32
      %dma_start3A_994 = tpu.memref_slice %arg7[%add3A_992, %dma_start3A_993] : memref<80x125xi32, #tpu.memory_space<vmem>> -> memref<1x125xi32, #tpu.memory_space<vmem>>
      %dma_start3A_995 = tpu.memref_squeeze %dma_start3A_994 : memref<1x125xi32, #tpu.memory_space<vmem>> -> memref<125xi32, #tpu.memory_space<vmem>>
      %dma_start3A_996 = arith.constant 0 : i32
      %dma_start3A_997 = arith.constant 0 : i32
      %dma_start3A_998 = tpu.memref_slice %arg17[%dma_start3A_996, %dma_start3A_997] : memref<10000x40xf32, #tpu.memory_space<vmem_shared>> -> memref<10000x40xf32, #tpu.memory_space<vmem_shared>>
      tpu.enqueue_indirect_dma source(%arg9 : memref<125x40xf32, #tpu.memory_space<vmem>>) target(%dma_start3A_998 : memref<10000x40xf32, #tpu.memory_space<vmem_shared>>) offsets(%dma_start3A_995 : memref<125xi32, #tpu.memory_space<vmem>>) semaphore(%arg20 : memref<!tpu.dma_semaphore, #tpu.memory_space<semaphore_mem>>) {add = true}
      %mul3A_999 = arith.constant 4 : i32
      %mul3A_1000 = arith.muli %add3A_854, %mul3A_999 : i32
      %add3A_1001 = arith.constant 2 : i32
      %add3A_1002 = arith.addi %mul3A_1000, %add3A_1001 : i32
      %dma_start3A_1003 = arith.constant 0 : i32
      %dma_start3A_1004 = tpu.memref_slice %arg7[%add3A_1002, %dma_start3A_1003] : memref<80x125xi32, #tpu.memory_space<vmem>> -> memref<1x125xi32, #tpu.memory_space<vmem>>
      %dma_start3A_1005 = tpu.memref_squeeze %dma_start3A_1004 : memref<1x125xi32, #tpu.memory_space<vmem>> -> memref<125xi32, #tpu.memory_space<vmem>>
      %dma_start3A_1006 = arith.constant 0 : i32
      %dma_start3A_1007 = arith.constant 0 : i32
      %dma_start3A_1008 = tpu.memref_slice %arg17[%dma_start3A_1006, %dma_start3A_1007] : memref<10000x40xf32, #tpu.memory_space<vmem_shared>> -> memref<10000x40xf32, #tpu.memory_space<vmem_shared>>
      tpu.enqueue_indirect_dma source(%arg10 : memref<125x40xf32, #tpu.memory_space<vmem>>) target(%dma_start3A_1008 : memref<10000x40xf32, #tpu.memory_space<vmem_shared>>) offsets(%dma_start3A_1005 : memref<125xi32, #tpu.memory_space<vmem>>) semaphore(%arg20 : memref<!tpu.dma_semaphore, #tpu.memory_space<semaphore_mem>>) {add = true}
      %mul3A_1009 = arith.constant 4 : i32
      %mul3A_1010 = arith.muli %add3A_854, %mul3A_1009 : i32
      %add3A_1011 = arith.constant 3 : i32
      %add3A_1012 = arith.addi %mul3A_1010, %add3A_1011 : i32
      %dma_start3A_1013 = arith.constant 0 : i32
      %dma_start3A_1014 = tpu.memref_slice %arg7[%add3A_1012, %dma_start3A_1013] : memref<80x125xi32, #tpu.memory_space<vmem>> -> memref<1x125xi32, #tpu.memory_space<vmem>>
      %dma_start3A_1015 = tpu.memref_squeeze %dma_start3A_1014 : memref<1x125xi32, #tpu.memory_space<vmem>> -> memref<125xi32, #tpu.memory_space<vmem>>
      %dma_start3A_1016 = arith.constant 0 : i32
      %dma_start3A_1017 = arith.constant 0 : i32
      %dma_start3A_1018 = tpu.memref_slice %arg17[%dma_start3A_1016, %dma_start3A_1017] : memref<10000x40xf32, #tpu.memory_space<vmem_shared>> -> memref<10000x40xf32, #tpu.memory_space<vmem_shared>>
      tpu.enqueue_indirect_dma source(%arg11 : memref<125x40xf32, #tpu.memory_space<vmem>>) target(%dma_start3A_1018 : memref<10000x40xf32, #tpu.memory_space<vmem_shared>>) offsets(%dma_start3A_1015 : memref<125xi32, #tpu.memory_space<vmem>>) semaphore(%arg20 : memref<!tpu.dma_semaphore, #tpu.memory_space<semaphore_mem>>) {add = true}
    }
    %scan3A_569 = arith.constant 9 : i32
    %dma_wait3A_570 = arith.constant 72 : i32
    %dma_wait3A_571 = arith.constant 0 : i32
    %dma_wait3A_572 = tpu.memref_slice %arg7[%dma_wait3A_570, %dma_wait3A_571] : memref<80x125xi32, #tpu.memory_space<vmem>> -> memref<1x125xi32, #tpu.memory_space<vmem>>
    %dma_wait3A_573 = tpu.memref_squeeze %dma_wait3A_572 : memref<1x125xi32, #tpu.memory_space<vmem>> -> memref<125xi32, #tpu.memory_space<vmem>>
    %dma_wait3A_574 = arith.constant 0 : i32
    %dma_wait3A_575 = arith.constant 0 : i32
    %dma_wait3A_576 = tpu.memref_slice %arg17[%dma_wait3A_574, %dma_wait3A_575] : memref<10000x40xf32, #tpu.memory_space<vmem_shared>> -> memref<10000x40xf32, #tpu.memory_space<vmem_shared>>
    tpu.wait_indirect_dma semaphore(%arg20 : memref<!tpu.dma_semaphore, #tpu.memory_space<semaphore_mem>>) src(%arg8 : memref<125x40xf32, #tpu.memory_space<vmem>>) dst(%dma_wait3A_576 : memref<10000x40xf32, #tpu.memory_space<vmem_shared>>)
    %dma_wait3A_577 = arith.constant 73 : i32
    %dma_wait3A_578 = arith.constant 0 : i32
    %dma_wait3A_579 = tpu.memref_slice %arg7[%dma_wait3A_577, %dma_wait3A_578] : memref<80x125xi32, #tpu.memory_space<vmem>> -> memref<1x125xi32, #tpu.memory_space<vmem>>
    %dma_wait3A_580 = tpu.memref_squeeze %dma_wait3A_579 : memref<1x125xi32, #tpu.memory_space<vmem>> -> memref<125xi32, #tpu.memory_space<vmem>>
    %dma_wait3A_581 = arith.constant 0 : i32
    %dma_wait3A_582 = arith.constant 0 : i32
    %dma_wait3A_583 = tpu.memref_slice %arg17[%dma_wait3A_581, %dma_wait3A_582] : memref<10000x40xf32, #tpu.memory_space<vmem_shared>> -> memref<10000x40xf32, #tpu.memory_space<vmem_shared>>
    tpu.wait_indirect_dma semaphore(%arg20 : memref<!tpu.dma_semaphore, #tpu.memory_space<semaphore_mem>>) src(%arg9 : memref<125x40xf32, #tpu.memory_space<vmem>>) dst(%dma_wait3A_583 : memref<10000x40xf32, #tpu.memory_space<vmem_shared>>)
    %dma_wait3A_584 = arith.constant 74 : i32
    %dma_wait3A_585 = arith.constant 0 : i32
    %dma_wait3A_586 = tpu.memref_slice %arg7[%dma_wait3A_584, %dma_wait3A_585] : memref<80x125xi32, #tpu.memory_space<vmem>> -> memref<1x125xi32, #tpu.memory_space<vmem>>
    %dma_wait3A_587 = tpu.memref_squeeze %dma_wait3A_586 : memref<1x125xi32, #tpu.memory_space<vmem>> -> memref<125xi32, #tpu.memory_space<vmem>>
    %dma_wait3A_588 = arith.constant 0 : i32
    %dma_wait3A_589 = arith.constant 0 : i32
    %dma_wait3A_590 = tpu.memref_slice %arg17[%dma_wait3A_588, %dma_wait3A_589] : memref<10000x40xf32, #tpu.memory_space<vmem_shared>> -> memref<10000x40xf32, #tpu.memory_space<vmem_shared>>
    tpu.wait_indirect_dma semaphore(%arg20 : memref<!tpu.dma_semaphore, #tpu.memory_space<semaphore_mem>>) src(%arg10 : memref<125x40xf32, #tpu.memory_space<vmem>>) dst(%dma_wait3A_590 : memref<10000x40xf32, #tpu.memory_space<vmem_shared>>)
    %dma_wait3A_591 = arith.constant 75 : i32
    %dma_wait3A_592 = arith.constant 0 : i32
    %dma_wait3A_593 = tpu.memref_slice %arg7[%dma_wait3A_591, %dma_wait3A_592] : memref<80x125xi32, #tpu.memory_space<vmem>> -> memref<1x125xi32, #tpu.memory_space<vmem>>
    %dma_wait3A_594 = tpu.memref_squeeze %dma_wait3A_593 : memref<1x125xi32, #tpu.memory_space<vmem>> -> memref<125xi32, #tpu.memory_space<vmem>>
    %dma_wait3A_595 = arith.constant 0 : i32
    %dma_wait3A_596 = arith.constant 0 : i32
    %dma_wait3A_597 = tpu.memref_slice %arg17[%dma_wait3A_595, %dma_wait3A_596] : memref<10000x40xf32, #tpu.memory_space<vmem_shared>> -> memref<10000x40xf32, #tpu.memory_space<vmem_shared>>
    tpu.wait_indirect_dma semaphore(%arg20 : memref<!tpu.dma_semaphore, #tpu.memory_space<semaphore_mem>>) src(%arg11 : memref<125x40xf32, #tpu.memory_space<vmem>>) dst(%dma_wait3A_597 : memref<10000x40xf32, #tpu.memory_space<vmem_shared>>)
    %dma_wait3A_598 = arith.constant 76 : i32
    %dma_wait3A_599 = arith.constant 0 : i32
    %dma_wait3A_600 = tpu.memref_slice %arg6[%dma_wait3A_598, %dma_wait3A_599] : memref<80x125xi32, #tpu.memory_space<vmem>> -> memref<1x125xi32, #tpu.memory_space<vmem>>
    %dma_wait3A_601 = tpu.memref_squeeze %dma_wait3A_600 : memref<1x125xi32, #tpu.memory_space<vmem>> -> memref<125xi32, #tpu.memory_space<vmem>>
    %dma_wait3A_602 = arith.constant 0 : i32
    %dma_wait3A_603 = arith.constant 0 : i32
    %dma_wait3A_604 = tpu.memref_slice %arg2[%dma_wait3A_602, %dma_wait3A_603] : memref<10000x40xf32, #tpu.memory_space<hbm>> -> memref<10000x40xf32, #tpu.memory_space<hbm>>
    tpu.wait_indirect_dma semaphore(%arg19 : memref<!tpu.dma_semaphore, #tpu.memory_space<semaphore_mem>>) src(%dma_wait3A_604 : memref<10000x40xf32, #tpu.memory_space<hbm>>) dst(%arg12 : memref<125x40xf32, #tpu.memory_space<vmem>>)
    %dma_wait3A_605 = arith.constant 77 : i32
    %dma_wait3A_606 = arith.constant 0 : i32
    %dma_wait3A_607 = tpu.memref_slice %arg6[%dma_wait3A_605, %dma_wait3A_606] : memref<80x125xi32, #tpu.memory_space<vmem>> -> memref<1x125xi32, #tpu.memory_space<vmem>>
    %dma_wait3A_608 = tpu.memref_squeeze %dma_wait3A_607 : memref<1x125xi32, #tpu.memory_space<vmem>> -> memref<125xi32, #tpu.memory_space<vmem>>
    %dma_wait3A_609 = arith.constant 0 : i32
    %dma_wait3A_610 = arith.constant 0 : i32
    %dma_wait3A_611 = tpu.memref_slice %arg2[%dma_wait3A_609, %dma_wait3A_610] : memref<10000x40xf32, #tpu.memory_space<hbm>> -> memref<10000x40xf32, #tpu.memory_space<hbm>>
    tpu.wait_indirect_dma semaphore(%arg19 : memref<!tpu.dma_semaphore, #tpu.memory_space<semaphore_mem>>) src(%dma_wait3A_611 : memref<10000x40xf32, #tpu.memory_space<hbm>>) dst(%arg13 : memref<125x40xf32, #tpu.memory_space<vmem>>)
    %dma_wait3A_612 = arith.constant 78 : i32
    %dma_wait3A_613 = arith.constant 0 : i32
    %dma_wait3A_614 = tpu.memref_slice %arg6[%dma_wait3A_612, %dma_wait3A_613] : memref<80x125xi32, #tpu.memory_space<vmem>> -> memref<1x125xi32, #tpu.memory_space<vmem>>
    %dma_wait3A_615 = tpu.memref_squeeze %dma_wait3A_614 : memref<1x125xi32, #tpu.memory_space<vmem>> -> memref<125xi32, #tpu.memory_space<vmem>>
    %dma_wait3A_616 = arith.constant 0 : i32
    %dma_wait3A_617 = arith.constant 0 : i32
    %dma_wait3A_618 = tpu.memref_slice %arg2[%dma_wait3A_616, %dma_wait3A_617] : memref<10000x40xf32, #tpu.memory_space<hbm>> -> memref<10000x40xf32, #tpu.memory_space<hbm>>
    tpu.wait_indirect_dma semaphore(%arg19 : memref<!tpu.dma_semaphore, #tpu.memory_space<semaphore_mem>>) src(%dma_wait3A_618 : memref<10000x40xf32, #tpu.memory_space<hbm>>) dst(%arg14 : memref<125x40xf32, #tpu.memory_space<vmem>>)
    %dma_wait3A_619 = arith.constant 79 : i32
    %dma_wait3A_620 = arith.constant 0 : i32
    %dma_wait3A_621 = tpu.memref_slice %arg6[%dma_wait3A_619, %dma_wait3A_620] : memref<80x125xi32, #tpu.memory_space<vmem>> -> memref<1x125xi32, #tpu.memory_space<vmem>>
    %dma_wait3A_622 = tpu.memref_squeeze %dma_wait3A_621 : memref<1x125xi32, #tpu.memory_space<vmem>> -> memref<125xi32, #tpu.memory_space<vmem>>
    %dma_wait3A_623 = arith.constant 0 : i32
    %dma_wait3A_624 = arith.constant 0 : i32
    %dma_wait3A_625 = tpu.memref_slice %arg2[%dma_wait3A_623, %dma_wait3A_624] : memref<10000x40xf32, #tpu.memory_space<hbm>> -> memref<10000x40xf32, #tpu.memory_space<hbm>>
    tpu.wait_indirect_dma semaphore(%arg19 : memref<!tpu.dma_semaphore, #tpu.memory_space<semaphore_mem>>) src(%dma_wait3A_625 : memref<10000x40xf32, #tpu.memory_space<hbm>>) dst(%arg15 : memref<125x40xf32, #tpu.memory_space<vmem>>)
    %dma_start3A_626 = arith.constant 76 : i32
    %dma_start3A_627 = arith.constant 0 : i32
    %dma_start3A_628 = tpu.memref_slice %arg7[%dma_start3A_626, %dma_start3A_627] : memref<80x125xi32, #tpu.memory_space<vmem>> -> memref<1x125xi32, #tpu.memory_space<vmem>>
    %dma_start3A_629 = tpu.memref_squeeze %dma_start3A_628 : memref<1x125xi32, #tpu.memory_space<vmem>> -> memref<125xi32, #tpu.memory_space<vmem>>
    %dma_start3A_630 = arith.constant 0 : i32
    %dma_start3A_631 = arith.constant 0 : i32
    %dma_start3A_632 = tpu.memref_slice %arg17[%dma_start3A_630, %dma_start3A_631] : memref<10000x40xf32, #tpu.memory_space<vmem_shared>> -> memref<10000x40xf32, #tpu.memory_space<vmem_shared>>
    tpu.enqueue_indirect_dma source(%arg12 : memref<125x40xf32, #tpu.memory_space<vmem>>) target(%dma_start3A_632 : memref<10000x40xf32, #tpu.memory_space<vmem_shared>>) offsets(%dma_start3A_629 : memref<125xi32, #tpu.memory_space<vmem>>) semaphore(%arg21 : memref<!tpu.dma_semaphore, #tpu.memory_space<semaphore_mem>>) {add = true}
    %dma_start3A_633 = arith.constant 77 : i32
    %dma_start3A_634 = arith.constant 0 : i32
    %dma_start3A_635 = tpu.memref_slice %arg7[%dma_start3A_633, %dma_start3A_634] : memref<80x125xi32, #tpu.memory_space<vmem>> -> memref<1x125xi32, #tpu.memory_space<vmem>>
    %dma_start3A_636 = tpu.memref_squeeze %dma_start3A_635 : memref<1x125xi32, #tpu.memory_space<vmem>> -> memref<125xi32, #tpu.memory_space<vmem>>
    %dma_start3A_637 = arith.constant 0 : i32
    %dma_start3A_638 = arith.constant 0 : i32
    %dma_start3A_639 = tpu.memref_slice %arg17[%dma_start3A_637, %dma_start3A_638] : memref<10000x40xf32, #tpu.memory_space<vmem_shared>> -> memref<10000x40xf32, #tpu.memory_space<vmem_shared>>
    tpu.enqueue_indirect_dma source(%arg13 : memref<125x40xf32, #tpu.memory_space<vmem>>) target(%dma_start3A_639 : memref<10000x40xf32, #tpu.memory_space<vmem_shared>>) offsets(%dma_start3A_636 : memref<125xi32, #tpu.memory_space<vmem>>) semaphore(%arg21 : memref<!tpu.dma_semaphore, #tpu.memory_space<semaphore_mem>>) {add = true}
    %dma_start3A_640 = arith.constant 78 : i32
    %dma_start3A_641 = arith.constant 0 : i32
    %dma_start3A_642 = tpu.memref_slice %arg7[%dma_start3A_640, %dma_start3A_641] : memref<80x125xi32, #tpu.memory_space<vmem>> -> memref<1x125xi32, #tpu.memory_space<vmem>>
    %dma_start3A_643 = tpu.memref_squeeze %dma_start3A_642 : memref<1x125xi32, #tpu.memory_space<vmem>> -> memref<125xi32, #tpu.memory_space<vmem>>
    %dma_start3A_644 = arith.constant 0 : i32
    %dma_start3A_645 = arith.constant 0 : i32
    %dma_start3A_646 = tpu.memref_slice %arg17[%dma_start3A_644, %dma_start3A_645] : memref<10000x40xf32, #tpu.memory_space<vmem_shared>> -> memref<10000x40xf32, #tpu.memory_space<vmem_shared>>
    tpu.enqueue_indirect_dma source(%arg14 : memref<125x40xf32, #tpu.memory_space<vmem>>) target(%dma_start3A_646 : memref<10000x40xf32, #tpu.memory_space<vmem_shared>>) offsets(%dma_start3A_643 : memref<125xi32, #tpu.memory_space<vmem>>) semaphore(%arg21 : memref<!tpu.dma_semaphore, #tpu.memory_space<semaphore_mem>>) {add = true}
    %dma_start3A_647 = arith.constant 79 : i32
    %dma_start3A_648 = arith.constant 0 : i32
    %dma_start3A_649 = tpu.memref_slice %arg7[%dma_start3A_647, %dma_start3A_648] : memref<80x125xi32, #tpu.memory_space<vmem>> -> memref<1x125xi32, #tpu.memory_space<vmem>>
    %dma_start3A_650 = tpu.memref_squeeze %dma_start3A_649 : memref<1x125xi32, #tpu.memory_space<vmem>> -> memref<125xi32, #tpu.memory_space<vmem>>
    %dma_start3A_651 = arith.constant 0 : i32
    %dma_start3A_652 = arith.constant 0 : i32
    %dma_start3A_653 = tpu.memref_slice %arg17[%dma_start3A_651, %dma_start3A_652] : memref<10000x40xf32, #tpu.memory_space<vmem_shared>> -> memref<10000x40xf32, #tpu.memory_space<vmem_shared>>
    tpu.enqueue_indirect_dma source(%arg15 : memref<125x40xf32, #tpu.memory_space<vmem>>) target(%dma_start3A_653 : memref<10000x40xf32, #tpu.memory_space<vmem_shared>>) offsets(%dma_start3A_650 : memref<125xi32, #tpu.memory_space<vmem>>) semaphore(%arg21 : memref<!tpu.dma_semaphore, #tpu.memory_space<semaphore_mem>>) {add = true}
    %dma_wait3A_654 = arith.constant 76 : i32
    %dma_wait3A_655 = arith.constant 0 : i32
    %dma_wait3A_656 = tpu.memref_slice %arg7[%dma_wait3A_654, %dma_wait3A_655] : memref<80x125xi32, #tpu.memory_space<vmem>> -> memref<1x125xi32, #tpu.memory_space<vmem>>
    %dma_wait3A_657 = tpu.memref_squeeze %dma_wait3A_656 : memref<1x125xi32, #tpu.memory_space<vmem>> -> memref<125xi32, #tpu.memory_space<vmem>>
    %dma_wait3A_658 = arith.constant 0 : i32
    %dma_wait3A_659 = arith.constant 0 : i32
    %dma_wait3A_660 = tpu.memref_slice %arg17[%dma_wait3A_658, %dma_wait3A_659] : memref<10000x40xf32, #tpu.memory_space<vmem_shared>> -> memref<10000x40xf32, #tpu.memory_space<vmem_shared>>
    tpu.wait_indirect_dma semaphore(%arg21 : memref<!tpu.dma_semaphore, #tpu.memory_space<semaphore_mem>>) src(%arg12 : memref<125x40xf32, #tpu.memory_space<vmem>>) dst(%dma_wait3A_660 : memref<10000x40xf32, #tpu.memory_space<vmem_shared>>)
    %dma_wait3A_661 = arith.constant 77 : i32
    %dma_wait3A_662 = arith.constant 0 : i32
    %dma_wait3A_663 = tpu.memref_slice %arg7[%dma_wait3A_661, %dma_wait3A_662] : memref<80x125xi32, #tpu.memory_space<vmem>> -> memref<1x125xi32, #tpu.memory_space<vmem>>
    %dma_wait3A_664 = tpu.memref_squeeze %dma_wait3A_663 : memref<1x125xi32, #tpu.memory_space<vmem>> -> memref<125xi32, #tpu.memory_space<vmem>>
    %dma_wait3A_665 = arith.constant 0 : i32
    %dma_wait3A_666 = arith.constant 0 : i32
    %dma_wait3A_667 = tpu.memref_slice %arg17[%dma_wait3A_665, %dma_wait3A_666] : memref<10000x40xf32, #tpu.memory_space<vmem_shared>> -> memref<10000x40xf32, #tpu.memory_space<vmem_shared>>
    tpu.wait_indirect_dma semaphore(%arg21 : memref<!tpu.dma_semaphore, #tpu.memory_space<semaphore_mem>>) src(%arg13 : memref<125x40xf32, #tpu.memory_space<vmem>>) dst(%dma_wait3A_667 : memref<10000x40xf32, #tpu.memory_space<vmem_shared>>)
    %dma_wait3A_668 = arith.constant 78 : i32
    %dma_wait3A_669 = arith.constant 0 : i32
    %dma_wait3A_670 = tpu.memref_slice %arg7[%dma_wait3A_668, %dma_wait3A_669] : memref<80x125xi32, #tpu.memory_space<vmem>> -> memref<1x125xi32, #tpu.memory_space<vmem>>
    %dma_wait3A_671 = tpu.memref_squeeze %dma_wait3A_670 : memref<1x125xi32, #tpu.memory_space<vmem>> -> memref<125xi32, #tpu.memory_space<vmem>>
    %dma_wait3A_672 = arith.constant 0 : i32
    %dma_wait3A_673 = arith.constant 0 : i32
    %dma_wait3A_674 = tpu.memref_slice %arg17[%dma_wait3A_672, %dma_wait3A_673] : memref<10000x40xf32, #tpu.memory_space<vmem_shared>> -> memref<10000x40xf32, #tpu.memory_space<vmem_shared>>
    tpu.wait_indirect_dma semaphore(%arg21 : memref<!tpu.dma_semaphore, #tpu.memory_space<semaphore_mem>>) src(%arg14 : memref<125x40xf32, #tpu.memory_space<vmem>>) dst(%dma_wait3A_674 : memref<10000x40xf32, #tpu.memory_space<vmem_shared>>)
    %dma_wait3A_675 = arith.constant 79 : i32
    %dma_wait3A_676 = arith.constant 0 : i32
    %dma_wait3A_677 = tpu.memref_slice %arg7[%dma_wait3A_675, %dma_wait3A_676] : memref<80x125xi32, #tpu.memory_space<vmem>> -> memref<1x125xi32, #tpu.memory_space<vmem>>
    %dma_wait3A_678 = tpu.memref_squeeze %dma_wait3A_677 : memref<1x125xi32, #tpu.memory_space<vmem>> -> memref<125xi32, #tpu.memory_space<vmem>>
    %dma_wait3A_679 = arith.constant 0 : i32
    %dma_wait3A_680 = arith.constant 0 : i32
    %dma_wait3A_681 = tpu.memref_slice %arg17[%dma_wait3A_679, %dma_wait3A_680] : memref<10000x40xf32, #tpu.memory_space<vmem_shared>> -> memref<10000x40xf32, #tpu.memory_space<vmem_shared>>
    tpu.wait_indirect_dma semaphore(%arg21 : memref<!tpu.dma_semaphore, #tpu.memory_space<semaphore_mem>>) src(%arg15 : memref<125x40xf32, #tpu.memory_space<vmem>>) dst(%dma_wait3A_681 : memref<10000x40xf32, #tpu.memory_space<vmem_shared>>)
    %barrier3A_682 = arith.constant 0 : index
    tpu.barrier barrier_id(%barrier3A_682)
    %mul3A_683 = arith.constant 625 : i32
    %mul3A_684 = arith.muli %arg1, %mul3A_683 : i32
    "tpu.region"() ({
      %run_scoped3A = tpu.sem_alloc : memref<!tpu.dma_semaphore, #tpu.memory_space<semaphore_mem>>
      %dma_start3A_685 = arith.constant 0 : i32
      %dma_start3A_686 = tpu.memref_slice %arg5[%arg0, %mul3A_684, %dma_start3A_685] : memref<2x10000x40xf32, #tpu.memory_space<hbm>> -> memref<1x625x40xf32, #tpu.memory_space<hbm>>
      %dma_start3A_687 = tpu.memref_squeeze %dma_start3A_686 : memref<1x625x40xf32, #tpu.memory_space<hbm>> -> memref<625x40xf32, #tpu.memory_space<hbm>>
      %dma_start3A_688 = arith.constant 0 : i32
      %dma_start3A_689 = tpu.memref_slice %arg17[%mul3A_684, %dma_start3A_688] : memref<10000x40xf32, #tpu.memory_space<vmem_shared>> -> memref<625x40xf32, #tpu.memory_space<vmem_shared>>
      tpu.enqueue_dma source(%dma_start3A_689 : memref<625x40xf32, #tpu.memory_space<vmem_shared>>) target(%dma_start3A_687 : memref<625x40xf32, #tpu.memory_space<hbm>>) target_semaphore(%run_scoped3A : memref<!tpu.dma_semaphore, #tpu.memory_space<semaphore_mem>>)
      %dma_wait3A_690 = arith.constant 0 : i32
      %dma_wait3A_691 = tpu.memref_slice %arg5[%arg0, %mul3A_684, %dma_wait3A_690] : memref<2x10000x40xf32, #tpu.memory_space<hbm>> -> memref<1x625x40xf32, #tpu.memory_space<hbm>>
      %dma_wait3A_692 = tpu.memref_squeeze %dma_wait3A_691 : memref<1x625x40xf32, #tpu.memory_space<hbm>> -> memref<625x40xf32, #tpu.memory_space<hbm>>
      %dma_wait3A_693 = arith.constant 0 : i32
      %dma_wait3A_694 = tpu.memref_slice %arg17[%mul3A_684, %dma_wait3A_693] : memref<10000x40xf32, #tpu.memory_space<vmem_shared>> -> memref<625x40xf32, #tpu.memory_space<vmem_shared>>
      tpu.wait_dma2 semaphore(%run_scoped3A : memref<!tpu.dma_semaphore, #tpu.memory_space<semaphore_mem>>) src(%dma_wait3A_694 : memref<625x40xf32, #tpu.memory_space<vmem_shared>>) dst(%dma_wait3A_692 : memref<625x40xf32, #tpu.memory_space<hbm>>)
      tpu.yield
    }) : () -> ()
    return
  }
}

module attributes {stable_mosaic.version = 14 : i64} {
  func.func @body(%arg0: i32, %arg1: memref<2000x128xf32, #tpu.memory_space<vmem>>, %arg2: memref<128x128xf32, #tpu.memory_space<vmem>>, %arg3: memref<128x40xf32, #tpu.memory_space<vmem>>, %arg4: memref<2000x40xf32, #tpu.memory_space<vmem>>) attributes {dimension_semantics = [#tpu.dimension_semantics<arbitrary>], iteration_bounds = array<i64: 5>, scalar_prefetch = 0 : i64, scratch_operands = 0 : i64, tpu.core_type = #tpu.core_type<tc>, window_params = [{transform_indices = @transform_0, window_bounds = array<i64: 2000, 128>}, {pipeline_mode = #tpu.pipeline_mode<synchronous>, transform_indices = @transform_1, window_bounds = array<i64: 128, 128>}, {pipeline_mode = #tpu.pipeline_mode<synchronous>, transform_indices = @transform_2, window_bounds = array<i64: 128, 40>}, {transform_indices = @transform_3, window_bounds = array<i64: 2000, 40>}]} {
    %get3A = arith.constant 0 : index
    %get3A_0 = arith.constant 0 : index
    %get3A_1 = vector.load %arg2[%get3A, %get3A_0] : memref<128x128xf32, #tpu.memory_space<vmem>>, vector<128x128xf32>
    %get3A_2 = arith.constant 0 : index
    %get3A_3 = arith.constant 0 : index
    %get3A_4 = vector.load %arg3[%get3A_2, %get3A_3] : memref<128x40xf32, #tpu.memory_space<vmem>>, vector<128x40xf32>
    %dot_general3A = arith.constant dense<0.000000e+00> : vector<128x40xf32>
    %dot_general3A_5 = tpu.matmul %get3A_1, %get3A_4, %dot_general3A {dimension_numbers = #tpu.dot_dimension_numbers<[1], [0], [0], [1], [0, 0, 1, 1], [], []>, transpose_lhs_hint = false} : vector<128x128xf32>, vector<128x40xf32>, vector<128x40xf32> -> vector<128x40xf32>
    %get3A_6 = arith.constant 0 : index
    %get3A_7 = arith.constant 0 : index
    %get3A_8 = vector.load %arg1[%get3A_6, %get3A_7] : memref<2000x128xf32, #tpu.memory_space<vmem>>, vector<2000x128xf32>
    %dot_general3A_9 = arith.constant dense<0.000000e+00> : vector<2000x40xf32>
    %dot_general3A_10 = tpu.matmul %get3A_8, %dot_general3A_5, %dot_general3A_9 {dimension_numbers = #tpu.dot_dimension_numbers<[1], [0], [0], [1], [0, 0, 1, 1], [], []>, transpose_lhs_hint = false} : vector<2000x128xf32>, vector<128x40xf32>, vector<2000x40xf32> -> vector<2000x40xf32>
    %swap3A = arith.constant 0 : index
    %swap3A_11 = arith.constant 0 : index
    %swap3A_12 = vector.load %arg4[%swap3A, %swap3A_11] : memref<2000x40xf32, #tpu.memory_space<vmem>>, vector<2000x40xf32>
    tpu.vector_store %arg4[%swap3A, %swap3A_11], %dot_general3A_10 {strides = array<i32>} : memref<2000x40xf32, #tpu.memory_space<vmem>>, vector<2000x40xf32>,
    return
  }
  func.func @transform_0(%arg0: i32) -> (i32, i32) {
    %c0_i32 = arith.constant 0 : i32
    %c0_i32_0 = arith.constant 0 : i32
    return %arg0, %c0_i32 : i32, i32
  }
  func.func @transform_1(%arg0: i32) -> (i32, i32) {
    %c0_i32 = arith.constant 0 : i32
    %c0_i32_0 = arith.constant 0 : i32
    %c0_i32_1 = arith.constant 0 : i32
    return %c0_i32, %c0_i32_0 : i32, i32
  }
  func.func @transform_2(%arg0: i32) -> (i32, i32) {
    %c0_i32 = arith.constant 0 : i32
    %c0_i32_0 = arith.constant 0 : i32
    %c0_i32_1 = arith.constant 0 : i32
    return %c0_i32, %c0_i32_0 : i32, i32
  }
  func.func @transform_3(%arg0: i32) -> (i32, i32) {
    %c0_i32 = arith.constant 0 : i32
    %c0_i32_0 = arith.constant 0 : i32
    return %arg0, %c0_i32 : i32, i32
  }
}

module attributes {stable_mosaic.version = 14 : i64} {
  func.func @body(%arg0: memref<2x2x10000xf32, #tpu.memory_space<vmem>>, %arg1: memref<10000x2xf32, #tpu.memory_space<vmem>>) attributes {dimension_semantics = [], scalar_prefetch = 0 : i64, scratch_operands = 0 : i64, tpu.core_type = #tpu.core_type<tc>} {
    %get3A = arith.constant 0 : index
    %get3A_0 = arith.constant 0 : index
    %get3A_1 = arith.constant 0 : index
    %get3A_2 = vector.load %arg0[%get3A, %get3A_0, %get3A_1] : memref<2x2x10000xf32, #tpu.memory_space<vmem>>, vector<2x2x10000xf32>
    %slice3A = vector.extract_strided_slice %get3A_2 {offsets = [0, 0, 0], sizes = [1, 2, 10000], strides = [1, 1, 1]} : vector<2x2x10000xf32> to vector<1x2x10000xf32>
    %squeeze3A = vector.shape_cast %slice3A : vector<1x2x10000xf32> to vector<2x10000xf32>
    %slice3A_3 = vector.extract_strided_slice %get3A_2 {offsets = [1, 0, 0], sizes = [1, 2, 10000], strides = [1, 1, 1]} : vector<2x2x10000xf32> to vector<1x2x10000xf32>
    %squeeze3A_4 = vector.shape_cast %slice3A_3 : vector<1x2x10000xf32> to vector<2x10000xf32>
    %add3A = arith.addf %squeeze3A, %squeeze3A_4 : vector<2x10000xf32>
    %max3A = arith.constant 1.000000e+00 : f32
    %max3A_5 = vector.broadcast %max3A : f32 to vector<2x10000xf32>
    %max3A_6 = arith.maximumf %add3A, %max3A_5 : vector<2x10000xf32>
    %rsqrt3A = math.rsqrt %max3A_6 : vector<2x10000xf32>
    %transpose3A = tpu.transpose %rsqrt3A, [1, 0] : vector<2x10000xf32> -> vector<10000x2xf32>
    %swap3A = arith.constant 0 : index
    %swap3A_7 = arith.constant 0 : index
    %swap3A_8 = vector.load %arg1[%swap3A, %swap3A_7] : memref<10000x2xf32, #tpu.memory_space<vmem>>, vector<10000x2xf32>
    tpu.vector_store %arg1[%swap3A, %swap3A_7], %transpose3A {strides = array<i32>} : memref<10000x2xf32, #tpu.memory_space<vmem>>, vector<10000x2xf32>,
    return
  }
}

module attributes {stable_mosaic.version = 14 : i64} {
  func.func @body(%arg0: i32, %arg1: memref<2000x40xf32, #tpu.memory_space<vmem>>, %arg2: memref<2000x2xf32, #tpu.memory_space<vmem>>, %arg3: memref<2000x48xf32, #tpu.memory_space<vmem>>) attributes {dimension_semantics = [#tpu.dimension_semantics<arbitrary>], iteration_bounds = array<i64: 5>, scalar_prefetch = 0 : i64, scratch_operands = 0 : i64, tpu.core_type = #tpu.core_type<tc>, window_params = [{transform_indices = @transform_0, window_bounds = array<i64: 2000, 40>}, {transform_indices = @transform_1, window_bounds = array<i64: 2000, 2>}, {transform_indices = @transform_2, window_bounds = array<i64: 2000, 48>}]} {
    %get3A = arith.constant 0 : index
    %get3A_0 = arith.constant 0 : index
    %get3A_1 = vector.load %arg1[%get3A, %get3A_0] : memref<2000x40xf32, #tpu.memory_space<vmem>>, vector<2000x40xf32>
    %get3A_2 = arith.constant 0 : index
    %get3A_3 = arith.constant 0 : index
    %get3A_4 = vector.load %arg2[%get3A_2, %get3A_3] : memref<2000x2xf32, #tpu.memory_space<vmem>>, vector<2000x1xf32>
    %mul3A = vector.broadcast %get3A_4 : vector<2000x1xf32> to vector<2000x40xf32>
    %mul3A_5 = arith.mulf %get3A_1, %mul3A : vector<2000x40xf32>
    %swap3A = arith.constant 0 : index
    %swap3A_6 = arith.constant 0 : index
    %swap3A_7 = vector.load %arg3[%swap3A, %swap3A_6] : memref<2000x48xf32, #tpu.memory_space<vmem>>, vector<2000x40xf32>
    tpu.vector_store %arg3[%swap3A, %swap3A_6], %mul3A_5 {strides = array<i32>} : memref<2000x48xf32, #tpu.memory_space<vmem>>, vector<2000x40xf32>,
    %swap3A_8 = arith.constant 0 : index
    %swap3A_9 = arith.constant 40 : index
    %swap3A_10 = vector.load %arg3[%swap3A_8, %swap3A_9] : memref<2000x48xf32, #tpu.memory_space<vmem>>, vector<2000x1xf32>
    tpu.vector_store %arg3[%swap3A_8, %swap3A_9], %get3A_4 {strides = array<i32>} : memref<2000x48xf32, #tpu.memory_space<vmem>>, vector<2000x1xf32>,
    %broadcast_in_dim3A = arith.constant 0.000000e+00 : f32
    %broadcast_in_dim3A_11 = vector.broadcast %broadcast_in_dim3A : f32 to vector<2000x7xf32>
    %swap3A_12 = arith.constant 0 : index
    %swap3A_13 = arith.constant 41 : index
    %swap3A_14 = vector.load %arg3[%swap3A_12, %swap3A_13] : memref<2000x48xf32, #tpu.memory_space<vmem>>, vector<2000x7xf32>
    tpu.vector_store %arg3[%swap3A_12, %swap3A_13], %broadcast_in_dim3A_11 {strides = array<i32>} : memref<2000x48xf32, #tpu.memory_space<vmem>>, vector<2000x7xf32>,
    return
  }
  func.func @transform_0(%arg0: i32) -> (i32, i32) {
    %c0_i32 = arith.constant 0 : i32
    %c0_i32_0 = arith.constant 0 : i32
    return %arg0, %c0_i32 : i32, i32
  }
  func.func @transform_1(%arg0: i32) -> (i32, i32) {
    %c0_i32 = arith.constant 0 : i32
    %c0_i32_0 = arith.constant 0 : i32
    return %arg0, %c0_i32 : i32, i32
  }
  func.func @transform_2(%arg0: i32) -> (i32, i32) {
    %c0_i32 = arith.constant 0 : i32
    %c0_i32_0 = arith.constant 0 : i32
    return %arg0, %c0_i32 : i32, i32
  }
}

module attributes {stable_mosaic.version = 14 : i64} {
  func.func @body(%arg0: i32, %arg1: memref<2x2000x48xf32, #tpu.memory_space<vmem>>, %arg2: memref<2000x2xf32, #tpu.memory_space<vmem>>, %arg3: memref<2000x40xf32, #tpu.memory_space<vmem>>, %arg4: memref<2000x1xf32, #tpu.memory_space<vmem>>) attributes {dimension_semantics = [#tpu.dimension_semantics<arbitrary>], iteration_bounds = array<i64: 5>, scalar_prefetch = 0 : i64, scratch_operands = 0 : i64, tpu.core_type = #tpu.core_type<tc>, window_params = [{transform_indices = @transform_0, window_bounds = array<i64: 2, 2000, 48>}, {transform_indices = @transform_1, window_bounds = array<i64: 2000, 2>}, {transform_indices = @transform_2, window_bounds = array<i64: 2000, 40>}, {transform_indices = @transform_3, window_bounds = array<i64: 2000, 1>}]} {
    %get3A = arith.constant 0 : index
    %get3A_0 = arith.constant 0 : index
    %get3A_1 = arith.constant 0 : index
    %get3A_2 = vector.load %arg1[%get3A, %get3A_0, %get3A_1] : memref<2x2000x48xf32, #tpu.memory_space<vmem>>, vector<2x2000x48xf32>
    %get3A_3 = arith.constant 0 : index
    %get3A_4 = arith.constant 0 : index
    %get3A_5 = vector.load %arg2[%get3A_3, %get3A_4] : memref<2000x2xf32, #tpu.memory_space<vmem>>, vector<2000x1xf32>
    %get3A_6 = arith.constant 0 : index
    %get3A_7 = arith.constant 1 : index
    %get3A_8 = vector.load %arg2[%get3A_6, %get3A_7] : memref<2000x2xf32, #tpu.memory_space<vmem>>, vector<2000x1xf32>
    %slice3A = vector.extract_strided_slice %get3A_2 {offsets = [0, 0, 0], sizes = [1, 2000, 48], strides = [1, 1, 1]} : vector<2x2000x48xf32> to vector<1x2000x48xf32>
    %squeeze3A = vector.shape_cast %slice3A : vector<1x2000x48xf32> to vector<2000x48xf32>
    %slice3A_9 = vector.extract_strided_slice %get3A_2 {offsets = [1, 0, 0], sizes = [1, 2000, 48], strides = [1, 1, 1]} : vector<2x2000x48xf32> to vector<1x2000x48xf32>
    %squeeze3A_10 = vector.shape_cast %slice3A_9 : vector<1x2000x48xf32> to vector<2000x48xf32>
    %add3A = arith.addf %squeeze3A, %squeeze3A_10 : vector<2000x48xf32>
    %mul3A = arith.mulf %get3A_5, %get3A_8 : vector<2000x1xf32>
    %slice3A_11 = vector.extract_strided_slice %add3A {offsets = [0, 0], sizes = [2000, 40], strides = [1, 1]} : vector<2000x48xf32> to vector<2000x40xf32>
    %mul3A_12 = vector.broadcast %mul3A : vector<2000x1xf32> to vector<2000x40xf32>
    %mul3A_13 = arith.mulf %mul3A_12, %slice3A_11 : vector<2000x40xf32>
    %swap3A = arith.constant 0 : index
    %swap3A_14 = arith.constant 0 : index
    %swap3A_15 = vector.load %arg3[%swap3A, %swap3A_14] : memref<2000x40xf32, #tpu.memory_space<vmem>>, vector<2000x40xf32>
    tpu.vector_store %arg3[%swap3A, %swap3A_14], %mul3A_13 {strides = array<i32>} : memref<2000x40xf32, #tpu.memory_space<vmem>>, vector<2000x40xf32>,
    %slice3A_16 = vector.extract_strided_slice %add3A {offsets = [0, 40], sizes = [2000, 1], strides = [1, 1]} : vector<2000x48xf32> to vector<2000x1xf32>
    %mul3A_17 = arith.mulf %get3A_8, %slice3A_16 : vector<2000x1xf32>
    %swap3A_18 = arith.constant 0 : index
    %swap3A_19 = arith.constant 0 : index
    %swap3A_20 = vector.load %arg4[%swap3A_18, %swap3A_19] : memref<2000x1xf32, #tpu.memory_space<vmem>>, vector<2000x1xf32>
    tpu.vector_store %arg4[%swap3A_18, %swap3A_19], %mul3A_17 {strides = array<i32>} : memref<2000x1xf32, #tpu.memory_space<vmem>>, vector<2000x1xf32>,
    return
  }
  func.func @transform_0(%arg0: i32) -> (i32, i32, i32) {
    %c0_i32 = arith.constant 0 : i32
    %c0_i32_0 = arith.constant 0 : i32
    %c0_i32_1 = arith.constant 0 : i32
    return %c0_i32, %arg0, %c0_i32_0 : i32, i32, i32
  }
  func.func @transform_1(%arg0: i32) -> (i32, i32) {
    %c0_i32 = arith.constant 0 : i32
    %c0_i32_0 = arith.constant 0 : i32
    return %arg0, %c0_i32 : i32, i32
  }
  func.func @transform_2(%arg0: i32) -> (i32, i32) {
    %c0_i32 = arith.constant 0 : i32
    %c0_i32_0 = arith.constant 0 : i32
    return %arg0, %c0_i32 : i32, i32
  }
  func.func @transform_3(%arg0: i32) -> (i32, i32) {
    %c0_i32 = arith.constant 0 : i32
    %c0_i32_0 = arith.constant 0 : i32
    return %arg0, %c0_i32 : i32, i32
  }
}

module attributes {stable_mosaic.version = 14 : i64} {
  func.func @body(%arg0: i32, %arg1: memref<2x2000x40xf32, #tpu.memory_space<vmem>>, %arg2: memref<2000x2xf32, #tpu.memory_space<vmem>>, %arg3: memref<2000x1xf32, #tpu.memory_space<vmem>>, %arg4: memref<1x128xf32, #tpu.memory_space<vmem>>, %arg5: memref<128x40xf32, #tpu.memory_space<vmem>>, %arg6: memref<1x40xf32, #tpu.memory_space<vmem>>, %arg7: memref<2000x40xf32, #tpu.memory_space<vmem>>) attributes {dimension_semantics = [#tpu.dimension_semantics<arbitrary>], iteration_bounds = array<i64: 5>, scalar_prefetch = 0 : i64, scratch_operands = 0 : i64, tpu.core_type = #tpu.core_type<tc>, window_params = [{transform_indices = @transform_0, window_bounds = array<i64: 2, 2000, 40>}, {transform_indices = @transform_1, window_bounds = array<i64: 2000, 2>}, {transform_indices = @transform_2, window_bounds = array<i64: 2000, 1>}, {pipeline_mode = #tpu.pipeline_mode<synchronous>, transform_indices = @transform_3, window_bounds = array<i64: 1, 128>}, {pipeline_mode = #tpu.pipeline_mode<synchronous>, transform_indices = @transform_4, window_bounds = array<i64: 128, 40>}, {pipeline_mode = #tpu.pipeline_mode<synchronous>, transform_indices = @transform_5, window_bounds = array<i64: 1, 40>}, {transform_indices = @transform_6, window_bounds = array<i64: 2000, 40>}]} {
    %get3A = arith.constant 0 : index
    %get3A_0 = arith.constant 0 : index
    %get3A_1 = arith.constant 0 : index
    %get3A_2 = vector.load %arg1[%get3A, %get3A_0, %get3A_1] : memref<2x2000x40xf32, #tpu.memory_space<vmem>>, vector<2x2000x40xf32>
    %get3A_3 = arith.constant 0 : index
    %get3A_4 = arith.constant 1 : index
    %get3A_5 = vector.load %arg2[%get3A_3, %get3A_4] : memref<2000x2xf32, #tpu.memory_space<vmem>>, vector<2000x1xf32>
    %get3A_6 = arith.constant 0 : index
    %get3A_7 = arith.constant 0 : index
    %get3A_8 = vector.load %arg4[%get3A_6, %get3A_7] : memref<1x128xf32, #tpu.memory_space<vmem>>, vector<1x128xf32>
    %get3A_9 = arith.constant 0 : index
    %get3A_10 = arith.constant 0 : index
    %get3A_11 = vector.load %arg5[%get3A_9, %get3A_10] : memref<128x40xf32, #tpu.memory_space<vmem>>, vector<128x40xf32>
    %dot_general3A = arith.constant dense<0.000000e+00> : vector<1x40xf32>
    %dot_general3A_12 = tpu.matmul %get3A_8, %get3A_11, %dot_general3A {dimension_numbers = #tpu.dot_dimension_numbers<[1], [0], [0], [1], [0, 0, 1, 1], [], []>, transpose_lhs_hint = false} : vector<1x128xf32>, vector<128x40xf32>, vector<1x40xf32> -> vector<1x40xf32>
    %slice3A = vector.extract_strided_slice %get3A_2 {offsets = [0, 0, 0], sizes = [1, 2000, 40], strides = [1, 1, 1]} : vector<2x2000x40xf32> to vector<1x2000x40xf32>
    %squeeze3A = vector.shape_cast %slice3A : vector<1x2000x40xf32> to vector<2000x40xf32>
    %slice3A_13 = vector.extract_strided_slice %get3A_2 {offsets = [1, 0, 0], sizes = [1, 2000, 40], strides = [1, 1, 1]} : vector<2x2000x40xf32> to vector<1x2000x40xf32>
    %squeeze3A_14 = vector.shape_cast %slice3A_13 : vector<1x2000x40xf32> to vector<2000x40xf32>
    %add3A = arith.addf %squeeze3A, %squeeze3A_14 : vector<2000x40xf32>
    %mul3A = vector.broadcast %get3A_5 : vector<2000x1xf32> to vector<2000x40xf32>
    %mul3A_15 = arith.mulf %mul3A, %add3A : vector<2000x40xf32>
    %get3A_16 = arith.constant 0 : index
    %get3A_17 = arith.constant 0 : index
    %get3A_18 = vector.load %arg3[%get3A_16, %get3A_17] : memref<2000x1xf32, #tpu.memory_space<vmem>>, vector<2000x1xf32>
    %mul3A_19 = vector.broadcast %get3A_18 : vector<2000x1xf32> to vector<2000x40xf32>
    %mul3A_20 = vector.broadcast %dot_general3A_12 : vector<1x40xf32> to vector<2000x40xf32>
    %mul3A_21 = arith.mulf %mul3A_19, %mul3A_20 : vector<2000x40xf32>
    %add3A_22 = arith.addf %mul3A_15, %mul3A_21 : vector<2000x40xf32>
    %get3A_23 = arith.constant 0 : index
    %get3A_24 = arith.constant 0 : index
    %get3A_25 = vector.load %arg6[%get3A_23, %get3A_24] : memref<1x40xf32, #tpu.memory_space<vmem>>, vector<1x40xf32>
    %add3A_26 = vector.broadcast %get3A_25 : vector<1x40xf32> to vector<2000x40xf32>
    %add3A_27 = arith.addf %add3A_22, %add3A_26 : vector<2000x40xf32>
    %reduce_max3A = arith.constant dense<0xFF800000> : vector<2000xf32>
    %reduce_max3A_28 = vector.multi_reduction <maximumf>, %add3A_27, %reduce_max3A [1] : vector<2000x40xf32> to vector<2000xf32>
    %broadcast_in_dim3A = vector.shape_cast %reduce_max3A_28 : vector<2000xf32> to vector<2000x1xf32>
    %sub3A = vector.broadcast %broadcast_in_dim3A : vector<2000x1xf32> to vector<2000x40xf32>
    %sub3A_29 = arith.subf %add3A_27, %sub3A : vector<2000x40xf32>
    %exp3A = math.exp %sub3A_29 : vector<2000x40xf32>
    %reduce_sum3A = arith.constant dense<0.000000e+00> : vector<2000xf32>
    %reduce_sum3A_30 = vector.multi_reduction <add>, %exp3A, %reduce_sum3A [1] : vector<2000x40xf32> to vector<2000xf32>
    %broadcast_in_dim3A_31 = vector.shape_cast %reduce_sum3A_30 : vector<2000xf32> to vector<2000x1xf32>
    %log3A = math.log %broadcast_in_dim3A_31 : vector<2000x1xf32>
    %add3A_32 = arith.addf %log3A, %broadcast_in_dim3A : vector<2000x1xf32>
    %sub3A_33 = vector.broadcast %add3A_32 : vector<2000x1xf32> to vector<2000x40xf32>
    %sub3A_34 = arith.subf %add3A_27, %sub3A_33 : vector<2000x40xf32>
    %swap3A = arith.constant 0 : index
    %swap3A_35 = arith.constant 0 : index
    %swap3A_36 = vector.load %arg7[%swap3A, %swap3A_35] : memref<2000x40xf32, #tpu.memory_space<vmem>>, vector<2000x40xf32>
    tpu.vector_store %arg7[%swap3A, %swap3A_35], %sub3A_34 {strides = array<i32>} : memref<2000x40xf32, #tpu.memory_space<vmem>>, vector<2000x40xf32>,
    return
  }
  func.func @transform_0(%arg0: i32) -> (i32, i32, i32) {
    %c0_i32 = arith.constant 0 : i32
    %c0_i32_0 = arith.constant 0 : i32
    %c0_i32_1 = arith.constant 0 : i32
    return %c0_i32, %arg0, %c0_i32_0 : i32, i32, i32
  }
  func.func @transform_1(%arg0: i32) -> (i32, i32) {
    %c0_i32 = arith.constant 0 : i32
    %c0_i32_0 = arith.constant 0 : i32
    return %arg0, %c0_i32 : i32, i32
  }
  func.func @transform_2(%arg0: i32) -> (i32, i32) {
    %c0_i32 = arith.constant 0 : i32
    %c0_i32_0 = arith.constant 0 : i32
    return %arg0, %c0_i32 : i32, i32
  }
  func.func @transform_3(%arg0: i32) -> (i32, i32) {
    %c0_i32 = arith.constant 0 : i32
    %c0_i32_0 = arith.constant 0 : i32
    %c0_i32_1 = arith.constant 0 : i32
    return %c0_i32, %c0_i32_0 : i32, i32
  }
  func.func @transform_4(%arg0: i32) -> (i32, i32) {
    %c0_i32 = arith.constant 0 : i32
    %c0_i32_0 = arith.constant 0 : i32
    %c0_i32_1 = arith.constant 0 : i32
    return %c0_i32, %c0_i32_0 : i32, i32
  }
  func.func @transform_5(%arg0: i32) -> (i32, i32) {
    %c0_i32 = arith.constant 0 : i32
    %c0_i32_0 = arith.constant 0 : i32
    %c0_i32_1 = arith.constant 0 : i32
    return %c0_i32, %c0_i32_0 : i32, i32
  }
  func.func @transform_6(%arg0: i32) -> (i32, i32) {
    %c0_i32 = arith.constant 0 : i32
    %c0_i32_0 = arith.constant 0 : i32
    return %arg0, %c0_i32 : i32, i32
  }
}

</mosaic_0001>

<sc_bundles>
// kernel: kernel.10.cloned.1.call-start
scs
__scs_entry_jumppad:
0x0: {  	(pc) =	sbr.rel $0x88, $3  }
0x1: {  	(tag) =	ssettag $0x0;
	lr =	simm.s32 $0x1  }
0x2: {  	[smem:$0x3F9B] =	sst lr;
	_ =	strace $0xD0000000  }
0x3: {  	_ = 	snop  }
0x4: {  	_ = 	snop  }
0x5: {  	_ = 	snop  }
0x6: {  	_ = 	snop  }
0x7: {  	_ = 	snop  }
__scs_overlays_trampoline_lowered:
0x8: {  	[smem:$0x3FAA] =	sst s0  }
0x9: {  	[smem:$0x3FAB] =	sst s1  }
0xa: {  	[smem:$0x3FAC] =	sst s2  }
0xb: {  	[smem:$0x3FAD] =	sst s3  }
0xc: {  	[smem:$0x3FAE] =	sst s4  }
0xd: {  	[smem:$0x3FAF] =	sst s5  }
0xe: {  	[smem:$0x3FB0] =	sst s6  }
0xf: {  	[smem:$0x3FB1] =	sst s7  }
0x10: {  	[smem:$0x3FB2] =	sst s8  }
0x11: {  	[smem:$0x3FB3] =	sst s9;
	s0 =	simm.s32 @!p0 $0x0  }
0x12: {  	s1 =	sld [smem:$0x3F99];
	s0 =	simm.s32 @p0 $0x1  }
0x13: {  	[smem:$0x3FB4] =	sst s0;
	s0 =	simm.s32 @!p1 $0x0  }
0x14: {  	s2 =	sld [smem:$0x3F98];
	s0 =	simm.s32 @p1 $0x1  }
0x15: {  	[smem:$0x3FB5] =	sst s0;
	s0 =	simm.s32 @!p2 $0x0  }
0x16: {  	s3 =	sld [smem:$0x3FDB];
	s0 =	simm.s32 @p2 $0x1  }
0x17: {  	s4 =	simm.s32 $0x1BF5;
	[smem:$0x3FB7] =	sst s0  }
0x18: {  	s0 =	sld [smem:$0x3F9A];
	_ =	swait.ge [sflag:s4], $0x0  }
0x19: {  	s7 =	sld [smem:$0x3F9B]  }
0x1a: {  	s8 =	sadd.s32 $0xFFFFE003, lr  }
0x1b: {  	s9 =	sadd.s32 $0xFFFFFEF7, lr;
	s5 =	simm.s32 $0xFFFFFFFF;
	p2 =	slt.u32 s8, $0xFFFFF086  }
0x1c: {  	p1 =	slt.u32 s9, $0xF7A;
	s5 =	simm.s32 @!p2 $0x0  }
0x1d: {  	s5 =	simm.s32 @p1 $0x1;
	p0 =	seq.s32 s7, s2  }
0x1e: {  	s7 =	smul.u32 @!p0 $0xF7A, s2;
	p2 =	seq.s32 @!p0 s5, $0x0  }
0x1f: {  	s9 =	smul.u32 $0xF7A, s1;
	s8 =	simm.s32 @!p0 $0x1BF5;
	p2 =	por !p2, p0  }
0x20: {  	[sflag:s8] =	ssyncset.s32 @!p0 $0xFFFFF086;
	s6 =	sadd.s32 @!p0 s3, s7;
	s7 =	simm.s32 @!p0 $0x108  }
0x21: {  	s3 =	sadd.s32 s3, s9;
	s6 =	sadd.s32 @!p0 $0x88, s6;
	s7 =	simm.s32 @p2 $0x1082  }
0x22: {  	[simem:s7], [sflag:s8] =	dma.local @!p0 [hbm:s6], $0xF7A  }
0x23: {  	s9 =	sor.u32 $0xD0000000, s2;
	s6 =	simm.s32 $0x108;
	_ =	swait.ge @!p0 [sflag:s8], $0x0  }
0x24: {  	s3 =	sadd.s32 $0x88, s3;
	s6 =	simm.s32 @!p1 $0x1082;
	[sflag:s4] =	ssyncset.s32 $0xFFFFF086  }
0x25: {  	[simem:s6], [sflag:s4] =	dma.local [hbm:s3], $0xF7A  }
0x26: {  	[smem:$0x3F9B] =	sst s1;
	(tag) =	ssettag s2;
	_ =	strace s9  }
0x27: {  	s1 =	sld [smem:$0x3FAB]  }
0x28: {  	s2 =	sld [smem:$0x3FAC]  }
0x29: {  	s4 =	sld [smem:$0x3FAE]  }
0x2a: {  	p0 =	seq.s32 s5, $0x0;
	s5 =	sld [smem:$0x3FAF]  }
0x2b: {  	s6 =	sld [smem:$0x3FB0]  }
0x2c: {  	s7 =	sld [smem:$0x3FB1]  }
0x2d: {  	s3 =	simm.s32 $0x108;
	s8 =	sld [smem:$0x3FB2]  }
0x2e: {  	s3 =	simm.s32 @!p0 $0x1082;
	s9 =	sld [smem:$0x3FB3]  }
0x2f: {  	lr =	sadd.s32 s0, s3;
	s0 =	sld [smem:$0x3FAA]  }
0x30: {  	s3 =	sld [smem:$0x3FAD]  }
0x31: {  	[smem:$0x3FB6] =	sst s10  }
0x32: {  	s10 =	sld [smem:$0x3FB4];
	_ =	sdelay $0x3  }
0x33: {  	p0 =	seq.s32 s10, $0x1;
	s10 =	sld [smem:$0x3FB6];
	_ =	sdelay $0x3  }
0x34: {  	[smem:$0x3FB6] =	sst s10  }
0x35: {  	s10 =	sld [smem:$0x3FB5];
	_ =	sdelay $0x3  }
0x36: {  	p1 =	seq.s32 s10, $0x1;
	s10 =	sld [smem:$0x3FB6];
	_ =	sdelay $0x3  }
0x37: {  	[smem:$0x3FB6] =	sst s10  }
0x38: {  	s10 =	sld [smem:$0x3FB7]  }
0x39: {  	_ = 	snop;
	(pc) =	sbr.ind lr, $3  }
0x3a: {  	_ = 	snop  }
0x3b: {  	_ = 	snop  }
0x3c: {  	p2 =	seq.s32 s10, $0x1;
	s10 =	sld [smem:$0x3FB6]  }
0x3d: {  	_ =	shalt  }
0x3e: {  	_ =	shalt  }
0x3f: {  	_ =	shalt  }
0x40: {  	_ =	shalt  }
0x41: {  	_ =	shalt  }
0x42: {  	_ =	shalt  }
0x43: {  	_ =	shalt  }
0x44: {  	_ =	shalt  }
0x45: {  	_ =	shalt  }
0x46: {  	_ =	shalt  }
0x47: {  	_ =	shalt  }
0x48: {  	_ =	shalt  }
0x49: {  	_ =	shalt  }
0x4a: {  	_ =	shalt  }
0x4b: {  	_ =	shalt  }
0x4c: {  	_ =	shalt  }
0x4d: {  	_ =	shalt  }
0x4e: {  	_ =	shalt  }
0x4f: {  	_ =	shalt  }
0x50: {  	_ =	shalt  }
0x51: {  	_ =	shalt  }
0x52: {  	_ =	shalt  }
0x53: {  	_ =	shalt  }
0x54: {  	_ =	shalt  }
0x55: {  	_ =	shalt  }
0x56: {  	_ =	shalt  }
0x57: {  	_ =	shalt  }
0x58: {  	_ =	shalt  }
0x59: {  	_ =	shalt  }
0x5a: {  	_ =	shalt  }
0x5b: {  	_ =	shalt  }
0x5c: {  	_ =	shalt  }
0x5d: {  	_ =	shalt  }
0x5e: {  	_ =	shalt  }
0x5f: {  	_ =	shalt  }
0x60: {  	_ =	shalt  }
0x61: {  	_ =	shalt  }
0x62: {  	_ =	shalt  }
0x63: {  	_ =	shalt  }
0x64: {  	_ =	shalt  }
0x65: {  	_ =	shalt  }
0x66: {  	_ =	shalt  }
0x67: {  	_ =	shalt  }
0x68: {  	_ =	shalt  }
0x69: {  	_ =	shalt  }
0x6a: {  	_ =	shalt  }
0x6b: {  	_ =	shalt  }
0x6c: {  	_ =	shalt  }
0x6d: {  	_ =	shalt  }
0x6e: {  	_ =	shalt  }
0x6f: {  	_ =	shalt  }
0x70: {  	_ =	shalt  }
0x71: {  	_ =	shalt  }
0x72: {  	_ =	shalt  }
0x73: {  	_ =	shalt  }
0x74: {  	_ =	shalt  }
0x75: {  	_ =	shalt  }
0x76: {  	_ =	shalt  }
0x77: {  	_ =	shalt  }
0x78: {  	_ =	shalt  }
0x79: {  	_ =	shalt  }
0x7a: {  	_ =	shalt  }
0x7b: {  	_ =	shalt  }
0x7c: {  	_ =	shalt  }
0x7d: {  	_ =	shalt  }
0x7e: {  	_ =	shalt  }
0x7f: {  	_ =	shalt  }
0x80: {  	_ =	shalt  }
0x81: {  	_ =	shalt  }
0x82: {  	_ =	shalt  }
0x83: {  	_ =	shalt  }
0x84: {  	_ =	shalt  }
0x85: {  	_ =	shalt  }
0x86: {  	_ =	shalt  }
0x87: {  	_ =	shalt  }
.Lfunc_end0:
.L_simem_size_0:
called_computation_lowered:
.L_overlay_start_0:
0x88: {  	s2 =	sld [smem:$0x3FD9]  }
0x89: {  	s3 =	sld [smem:$0x3FFE];
	_ =	sdelay $0x1  }
0x8a: {  	s1 =	srdreg.scid  }
0x8b: {  	s0 =	sand.u32 $0x1, s1  }
0x8c: {  	s17 =	sshll.u32 s0, $0xA;
	s2 =	sadd.s32 s3, s2  }
0x8d: {  	s2 =	sadd.s32 s2, s17  }
0x8e: {  	[smem:$0x3FC2] =	sst s2  }
0x8f: {  	_ = 	snop  }
0x90: {  	s2 =	sld [smem:$0x3FD0];
	(tm) =	ssettm $0x1  }
0x91: {  	s18 =	sld [smem:$0x3FFB];
	_ =	sdelay $0x3  }
0x92: {  	_ =	strace s18  }
0x93: {  	s3 =	sld [smem:$0x3FFC];
	_ =	sdelay $0x3  }
0x94: {  	_ =	strace s3  }
0x95: {  	s3 =	sld [smem:$0x3FFD];
	_ =	sdelay $0x3  }
0x96: {  	_ =	strace s3  }
0x97: {  	_ =	strace $0x8FFFFFFF  }
0x98: {  	s19 =	sld [smem:$0x3FDB];
	_ =	sdelay $0x1  }
0x99: {  	s4 =	simm.s32 $_scs_section_size  }
0x9a: {  	s5 =	simm.s32 $_size__tile_overlayer_lowered;
	s6 =	simm.s32 $_tile_overlayer_lowered  }
0x9b: {  	s22 =	simm.s32 $0x1BFF;
	s21 =	sshll.u32 s6, $0x1;
	s3 =	sadd.s32 s4, s19  }
0x9c: {  	s7 =	simm.s32 $0x0;
	s20 =	sshll.u32 s5, $0x1;
	s5 =	sadd.s32 s21, s3  }
0x9d: {  	[timem:s7], [sflag:s22] =	dma.local [hbm:s5], s20  }
0x9e: {  	_ =	swait.ge [sflag:s22], s20  }
0x9f: {  	s4 =	ssub.s32 $0x0, s20;
	[sflag:s22] =	ssyncset.done $0x0  }
0xa0: {  	[sflag:s22] =	ssyncadd.s32 s4;
	_ =	sdelay $0x1  }
0xa1: {  	s23 =	simm.s32 $0x1B8B  }
0xa2: {  	_ =	swait.ge [sflag:s23], $0x1  }
0xa3: {  	[sflag:s23] =	ssyncset.done $0x0  }
0xa4: {  	s25 =	simm.s32 $0x1B8E;
	s24 =	sld [smem:$0x3FFE];
	[sflag:s23] =	ssyncadd.s32 $0xFFFFFFFF  }
0xa5: {  	s26 =	simm.s32 $execute0_lowered;
	[smem:$0x3FD2] =	sst s25  }
0xa6: {  	s5 =	sshll.u32 s26, $0x1;
	_ =	strace $0x80000046;
	[dreg:$0x1] =	wrdreg $0xFFFFFFFF  }
0xa7: {  	s28 =	simm.s32 $_size_execute0_lowered;
	s3 =	sadd.s32 s3, s5;
	[dreg:$0x0] =	wrdreg $0x0  }
0xa8: {  	s5 =	sshll.u32 s28, $0x1;
	[dreg:$0x2] =	wrdreg s3  }
0xa9: {  	[dreg:$0x3] =	wrdreg s5  }
0xaa: {  	[dreg:$0x4] =	wrdreg $0xC0  }
0xab: {  	_ =	task [dreg:s7], $0x5FFFF  }
0xac: {  	[dreg:$0x1] =	wrdreg $0xFFFFFFFF  }
0xad: {  	[dreg:$0x0] =	wrdreg $0x60  }
0xae: {  	[dreg:$0x2] =	wrdreg s24  }
0xaf: {  	[dreg:$0x3] =	wrdreg s2  }
0xb0: {  	[dreg:$0x4] =	wrdreg $0x53000  }
0xb1: {  	[dreg:$0x5] =	wrdreg $0x55780  }
0xb2: {  	[dreg:$0x6] =	wrdreg $0x9  }
0xb3: {  	_ =	task.clear_ibuf [dreg:s7], $0x7FFFF;
	_ =	strace $0x90000046  }
0xb4: {  	s29 =	simm.s32 $0x9;
	_ =	strace $0x80000048  }
0xb5: {  	_ =	swait.ge [sflag:s29], $0x1  }
0xb6: {  	[sflag:s29] =	ssyncadd.s32 $0xFFFFFFFF  }
0xb7: {  	_ =	strace $0x90000048  }
0xb8: {  	_ =	sfence  }
0xb9: {  	s30 =	sld [smem:$0x0];
	_ =	sdelay $0x2  }
0xba: {  	s31 =	sshll.u32 s1, $0xD;
	s1 =	sshrl.u32 s1, $0x2  }
0xbb: {  	s3 =	sand.u32 $0x4000, s31;
	s1 =	sadd.s32 s1, s30  }
0xbc: {  	s0 =	sor.u32 s3, s0;
	s1 =	sshll.u32 s1, $0x11  }
0xbd: {  	s0 =	sor.u32 s1, s0  }
0xbe: {  	s0 =	sadd.s32 $0x8F2B, s0  }
0xbf: {  	[sflag:s0] =	ssyncadd.remote.s32 $0x1  }
0xc0: {  	_ =	sfence.sel $0xFFFF  }
0xc1: {  	[dreg:$0x0] =	wrdreg $0xFFFFFFFF;
	(pc) =	sbr.abs _section_cstart, $3  }
0xc2: {  	[dreg:$0x1] =	wrdreg $0xFFFFFFFF  }
0xc3: {  	_ =	task.clear_ibuf [dreg:s7], $0x2FFFF;
	_ =	strace $0x9FFFFFFF  }
0xc4: {  	(tm) =	ssettm $0x7FFFFFFF  }
0xc5: {  	_ =	shalt  }
tec
execute0_lowered:
.L_overlay_start_1:
0x0: {  	(tag) =	ssettag $0x1  }
0x1: {  	s5 =	rddreg [dreg:$0x0]  }
0x2: {  	s7 =	rddreg [dreg:$0x1]  }
0x3: {  	s1 =	rddreg [dreg:$0x2]  }
0x4: {  	s3 =	rddreg [dreg:$0x3]  }
0x5: {  	s0 =	rddreg [dreg:$0x4]  }
0x6: {  	s4 =	simm.s32 $0x0;
	s6 =	srdreg.scid;
	s2 =	stileid.u32  }
0x7: {  	s13 =	simm.s32 $0x2;
	s14 =	simm.s32 $0x2800;
	s15 =	simm.s32 $0x7D  }
0x8: {  	s16 =	simm.s32 $0x5000;
	s17 =	simm.s32 $0x1;
	s21 =	simm.s32 $0x0  }
0x9: {  	s6 =	sand.u32 $0x1, s6;
	s8 =	sshll.u32 s2, $0x1;
	s9 =	smul.u32 $0x280, s2  }
0xa: {  	[smem:$0x7FF] =	sst s4;
	s18 =	sshll.u32 s2, $0x6;
	s8 =	sor.u32 s6, s8  }
0xb: {  	s10 =	smul.u32 $0x4E20, s6;
	s6 =	ssub.s32 $0x2, s6;
	_ =	strace $0x80000047  }
0xc: {  	s8 =	smul.u32 $0x500, s8;
	s9 =	smin.u32 s9, $0x2490;
	s11 =	sshrl.u32 s6, $0x1  }
0xd: {  	s18 =	sor.u32 $0x1C02, s18;
	s10 =	sadd.s32 s10, s9;
	s11 =	ssub.s32 s6, s11  }
0xe: {  	s6 =	sadd.s32 s9, s3;
	s12 =	sadd.s32 s8, s5;
	s31 =	sshrl.u32 s10, $0x3  }
0xf: {  	s5 =	sadd.s32 s9, s1;
	s11 =	smax.u32 s11, $0x1;
	s20 =	sshrl.u32 s6, $0x3  }
0x10: {  	s7 =	sadd.s32 s7, s31;
	s8 =	sadd.s32 $0xB600, s12;
	s9 =	sadd.s32 $0x1600, s12  }
0x11: {  	v0 =	vimm.f32 $1.000000000e+00;
	v1 =	vimm.f32 $0.0e+00;
	s12 =	simm.s32 $0x5080;
	s19 =	sshrl.u32 s5, $0x3;
	s10 =	sadd.s32 $0x4E2, s7  }
.LBB2_1:
0x12: {  	[tilespmem:$0x5000] =	vst v0  }
0x13: {  	[tilespmem:$0x5010] =	vst v0  }
0x14: {  	[tilespmem:$0x5020] =	vst v0  }
0x15: {  	[tilespmem:$0x5030] =	vst v0  }
0x16: {  	[tilespmem:$0x5040] =	vst v0  }
0x17: {  	[tilespmem:$0x5050] =	vst v0  }
0x18: {  	[tilespmem:$0x5060] =	vst v0  }
0x19: {  	[tilespmem:$0x5080] =	vst v1  }
0x1a: {  	[tilespmem:$0x5090] =	vst v1  }
0x1b: {  	[tilespmem:$0x50A0] =	vst v1  }
0x1c: {  	[tilespmem:$0x50B0] =	vst v1  }
0x1d: {  	[tilespmem:$0x50C0] =	vst v1  }
0x1e: {  	[tilespmem:$0x50D0] =	vst v1  }
0x1f: {  	[tilespmem:$0x50E0] =	vst v1  }
0x20: {  	[tilespmem:$0x50F0] =	vst v1  }
0x21: {  	[tilespmem:$0x5100] =	vst v1  }
0x22: {  	[tilespmem:$0x5110] =	vst v1  }
0x23: {  	[tilespmem:$0x5120] =	vst v1  }
0x24: {  	[tilespmem:$0x5130] =	vst v1  }
0x25: {  	[tilespmem:$0x5140] =	vst v1  }
0x26: {  	[tilespmem:$0x5150] =	vst v1  }
0x27: {  	[tilespmem:$0x5160] =	vst v1  }
0x28: {  	[tilespmem:$0x5170] =	vst v1  }
0x29: {  	[tilespmem:$0x5180] =	vst v1  }
0x2a: {  	[tilespmem:$0x5190] =	vst v1  }
0x2b: {  	[tilespmem:$0x51A0] =	vst v1  }
0x2c: {  	[tilespmem:$0x51B0] =	vst v1  }
0x2d: {  	[tilespmem:$0x51C0] =	vst v1  }
0x2e: {  	[tilespmem:$0x51D0] =	vst v1  }
0x2f: {  	[tilespmem:$0x51E0] =	vst v1  }
0x30: {  	[tilespmem:$0x51F0] =	vst v1  }
0x31: {  	[tilespmem:$0x5200] =	vst v1  }
0x32: {  	[tilespmem:$0x5210] =	vst v1  }
0x33: {  	[tilespmem:$0x5220] =	vst v1  }
0x34: {  	[tilespmem:$0x5230] =	vst v1  }
0x35: {  	[tilespmem:$0x5240] =	vst v1  }
0x36: {  	[tilespmem:$0x5250] =	vst v1  }
0x37: {  	[tilespmem:$0x5260] =	vst v1  }
0x38: {  	[tilespmem:$0x5270] =	vst v1  }
0x39: {  	[tilespmem:$0x5280] =	vst v1  }
0x3a: {  	[tilespmem:$0x5290] =	vst v1  }
0x3b: {  	[tilespmem:$0x52A0] =	vst v1  }
0x3c: {  	[tilespmem:$0x52B0] =	vst v1  }
0x3d: {  	[tilespmem:$0x52C0] =	vst v1  }
0x3e: {  	[tilespmem:$0x52D0] =	vst v1  }
0x3f: {  	[tilespmem:$0x52E0] =	vst v1  }
0x40: {  	[tilespmem:$0x52F0] =	vst v1  }
0x41: {  	[tilespmem:$0x506D] =	vst v0  }
0x42: {  	[spmem:s5] =	stream.linear.scatter [tilespmem:s12], [sflag:$0x2], $0x280, $0x38;
	[tilespmem:$0x57F0] =	vst v63  }
0x43: {  	_ =	swait.ge [sflag:s13], $0x280  }
0x44: {  	[sflag:s13] =	ssyncset.done $0x0  }
0x45: {  	[sflag:s13] =	ssyncadd.s32 $0xFFFFFD80  }
0x46: {  	[spmem:s6] =	stream.linear.scatter [tilespmem:s12], [sflag:$0x2], $0x280, $0x38;
	[tilespmem:$0x57F0] =	vst v63  }
0x47: {  	_ =	swait.ge [sflag:s13], $0x280  }
0x48: {  	[sflag:s13] =	ssyncset.done $0x0  }
0x49: {  	[sflag:s13] =	ssyncadd.s32 $0xFFFFFD80  }
0x4a: {  	[tilespmem:s4], [sflag:$0x2] =	stream.linear.gather [hbm4b:s8+s4], $0x2800, $0x38;
	[tilespmem:$0x57F0] =	vst v63  }
0x4b: {  	_ =	swait.ge [sflag:s13], $0x2800  }
0x4c: {  	[sflag:s13] =	ssyncset.done $0x0  }
0x4d: {  	[sflag:s13] =	ssyncadd.s32 $0xFFFFD800  }
0x4e: {  	[tilespmem:s14], [sflag:$0x2] =	stream.linear.gather [hbm4b:s9+s4], $0x2800, $0x38;
	[tilespmem:$0x57F0] =	vst v63  }
0x4f: {  	_ =	swait.ge [sflag:s13], $0x2800  }
0x50: {  	[sflag:s13] =	ssyncset.done $0x0  }
0x51: {  	[sflag:s13] =	ssyncadd.s32 $0xFFFFD800  }
0x52: {  	s22 =	simm.s32 $0x0;
	[bflag:$0x0] =	sbarrier.arrive $0xFFFF  }
0x53: {  	[spmem:s1] =	stream.indirect.scatter.add.f32 [tilespmem:s16], [sflag:$0x1], $0x1, s22, s15, $0xb8;
	[tilespmem:$0x57F0] =	vst v63  }
0x54: {  	s24 =	simm.s32 $0x2800  }
0x55: {  	[spmem:s3] =	stream.indirect.scatter.add.f32 [tilespmem:s16], [sflag:$0x1], $0x1, s24, s15, $0xb8;
	[tilespmem:$0x57F0] =	vst v63  }
0x56: {  	s25 =	simm.s32 $0x80  }
0x57: {  	[spmem:s1] =	stream.indirect.scatter.add.f32 [tilespmem:s16], [sflag:$0x1], $0x1, s25, s15, $0xb8;
	[tilespmem:$0x57F0] =	vst v63  }
0x58: {  	s26 =	simm.s32 $0x2880  }
0x59: {  	[spmem:s3] =	stream.indirect.scatter.add.f32 [tilespmem:s16], [sflag:$0x1], $0x1, s26, s15, $0xb8;
	[tilespmem:$0x57F0] =	vst v63  }
0x5a: {  	s28 =	simm.s32 $0x100  }
0x5b: {  	[spmem:s1] =	stream.indirect.scatter.add.f32 [tilespmem:s16], [sflag:$0x1], $0x1, s28, s15, $0xb8;
	[tilespmem:$0x57F0] =	vst v63  }
0x5c: {  	s29 =	simm.s32 $0x2900  }
0x5d: {  	[spmem:s3] =	stream.indirect.scatter.add.f32 [tilespmem:s16], [sflag:$0x1], $0x1, s29, s15, $0xb8;
	[tilespmem:$0x57F0] =	vst v63  }
0x5e: {  	s30 =	simm.s32 $0x180  }
0x5f: {  	[spmem:s1] =	stream.indirect.scatter.add.f32 [tilespmem:s16], [sflag:$0x1], $0x1, s30, s15, $0xb8;
	[tilespmem:$0x57F0] =	vst v63  }
0x60: {  	s31 =	simm.s32 $0x2980  }
0x61: {  	[spmem:s3] =	stream.indirect.scatter.add.f32 [tilespmem:s16], [sflag:$0x1], $0x1, s31, s15, $0xb8;
	[tilespmem:$0x57F0] =	vst v63  }
0x62: {  	s23 =	simm.s32 $0x200  }
0x63: {  	[spmem:s1] =	stream.indirect.scatter.add.f32 [tilespmem:s16], [sflag:$0x1], $0x1, s23, s15, $0xb8;
	[tilespmem:$0x57F0] =	vst v63  }
0x64: {  	s24 =	simm.s32 $0x2A00  }
0x65: {  	[spmem:s3] =	stream.indirect.scatter.add.f32 [tilespmem:s16], [sflag:$0x1], $0x1, s24, s15, $0xb8;
	[tilespmem:$0x57F0] =	vst v63  }
0x66: {  	s25 =	simm.s32 $0x280  }
0x67: {  	[spmem:s1] =	stream.indirect.scatter.add.f32 [tilespmem:s16], [sflag:$0x1], $0x1, s25, s15, $0xb8;
	[tilespmem:$0x57F0] =	vst v63  }
0x68: {  	s26 =	simm.s32 $0x2A80  }
0x69: {  	[spmem:s3] =	stream.indirect.scatter.add.f32 [tilespmem:s16], [sflag:$0x1], $0x1, s26, s15, $0xb8;
	[tilespmem:$0x57F0] =	vst v63  }
0x6a: {  	s28 =	simm.s32 $0x300  }
0x6b: {  	[spmem:s1] =	stream.indirect.scatter.add.f32 [tilespmem:s16], [sflag:$0x1], $0x1, s28, s15, $0xb8;
	[tilespmem:$0x57F0] =	vst v63  }
0x6c: {  	s29 =	simm.s32 $0x2B00  }
0x6d: {  	[spmem:s3] =	stream.indirect.scatter.add.f32 [tilespmem:s16], [sflag:$0x1], $0x1, s29, s15, $0xb8;
	[tilespmem:$0x57F0] =	vst v63  }
0x6e: {  	s30 =	simm.s32 $0x380  }
0x6f: {  	[spmem:s1] =	stream.indirect.scatter.add.f32 [tilespmem:s16], [sflag:$0x1], $0x1, s30, s15, $0xb8;
	[tilespmem:$0x57F0] =	vst v63  }
0x70: {  	s31 =	simm.s32 $0x2B80  }
0x71: {  	[spmem:s3] =	stream.indirect.scatter.add.f32 [tilespmem:s16], [sflag:$0x1], $0x1, s31, s15, $0xb8;
	[tilespmem:$0x57F0] =	vst v63  }
0x72: {  	_ =	swait.ge [sflag:s17], $0x7D  }
0x73: {  	[sflag:s17] =	ssyncset.done $0x0  }
0x74: {  	[sflag:s17] =	ssyncadd.s32 $0xFFFFFF83  }
0x75: {  	_ =	swait.ge [sflag:s17], $0x7D  }
0x76: {  	[sflag:s17] =	ssyncset.done $0x0  }
0x77: {  	[sflag:s17] =	ssyncadd.s32 $0xFFFFFF83  }
0x78: {  	_ =	swait.ge [sflag:s17], $0x7D  }
0x79: {  	[sflag:s17] =	ssyncset.done $0x0  }
0x7a: {  	[sflag:s17] =	ssyncadd.s32 $0xFFFFFF83  }
0x7b: {  	_ =	swait.ge [sflag:s17], $0x7D  }
0x7c: {  	[sflag:s17] =	ssyncset.done $0x0  }
0x7d: {  	[sflag:s17] =	ssyncadd.s32 $0xFFFFFF83  }
0x7e: {  	_ =	swait.ge [sflag:s17], $0x7D  }
0x7f: {  	[sflag:s17] =	ssyncset.done $0x0  }
0x80: {  	[sflag:s17] =	ssyncadd.s32 $0xFFFFFF83  }
0x81: {  	_ =	swait.ge [sflag:s17], $0x7D  }
0x82: {  	[sflag:s17] =	ssyncset.done $0x0  }
0x83: {  	[sflag:s17] =	ssyncadd.s32 $0xFFFFFF83  }
0x84: {  	_ =	swait.ge [sflag:s17], $0x7D  }
0x85: {  	[sflag:s17] =	ssyncset.done $0x0  }
0x86: {  	[sflag:s17] =	ssyncadd.s32 $0xFFFFFF83  }
0x87: {  	_ =	swait.ge [sflag:s17], $0x7D  }
0x88: {  	[sflag:s17] =	ssyncset.done $0x0  }
0x89: {  	[sflag:s17] =	ssyncadd.s32 $0xFFFFFF83  }
0x8a: {  	_ =	swait.ge [sflag:s17], $0x7D  }
0x8b: {  	[sflag:s17] =	ssyncset.done $0x0  }
0x8c: {  	[sflag:s17] =	ssyncadd.s32 $0xFFFFFF83  }
0x8d: {  	_ =	swait.ge [sflag:s17], $0x7D  }
0x8e: {  	[sflag:s17] =	ssyncset.done $0x0  }
0x8f: {  	[sflag:s17] =	ssyncadd.s32 $0xFFFFFF83  }
0x90: {  	_ =	swait.ge [sflag:s17], $0x7D  }
0x91: {  	[sflag:s17] =	ssyncset.done $0x0  }
0x92: {  	[sflag:s17] =	ssyncadd.s32 $0xFFFFFF83  }
0x93: {  	_ =	swait.ge [sflag:s17], $0x7D  }
0x94: {  	[sflag:s17] =	ssyncset.done $0x0  }
0x95: {  	[sflag:s17] =	ssyncadd.s32 $0xFFFFFF83  }
0x96: {  	_ =	swait.ge [sflag:s17], $0x7D  }
0x97: {  	[sflag:s17] =	ssyncset.done $0x0  }
0x98: {  	[sflag:s17] =	ssyncadd.s32 $0xFFFFFF83  }
0x99: {  	_ =	swait.ge [sflag:s17], $0x7D  }
0x9a: {  	[sflag:s17] =	ssyncset.done $0x0  }
0x9b: {  	[sflag:s17] =	ssyncadd.s32 $0xFFFFFF83  }
0x9c: {  	_ =	swait.ge [sflag:s17], $0x7D  }
0x9d: {  	[sflag:s17] =	ssyncset.done $0x0  }
0x9e: {  	[sflag:s17] =	ssyncadd.s32 $0xFFFFFF83  }
0x9f: {  	_ =	swait.ge [sflag:s17], $0x7D  }
0xa0: {  	s22 =	simm.s32 $0x1000;
	s25 =	simm.s32 $0x2000;
	[sflag:s17] =	ssyncset.done $0x0  }
.LBB2_2:
0xa1: {  	s24 =	sshra.s32 s22, $0x2  }
0xa2: {  	[sflag:s17] =	ssyncadd.s32 $0xFFFFFF83;
	s22 =	smov.u32 s25;
	s23 =	sadd.s32 $0x1000, s25  }
0xa3: {  	[spmem:s1] =	stream.indirect.scatter.add.f32 [tilespmem:s16], [sflag:$0x1], $0x1, s24, s15, $0xb8;
	[tilespmem:$0x57F0] =	vst v63  }
0xa4: {  	p0 =	sne.s32 s25, $0x9000;
	s25 =	sadd.s32 $0x2800, s24  }
0xa5: {  	[spmem:s3] =	stream.indirect.scatter.add.f32 [tilespmem:s16], [sflag:$0x1], $0x1, s25, s15, $0xb8;
	[tilespmem:$0x57F0] =	vst v63  }
0xa6: {  	s25 =	sadd.s32 $0x80, s24  }
0xa7: {  	[spmem:s1] =	stream.indirect.scatter.add.f32 [tilespmem:s16], [sflag:$0x1], $0x1, s25, s15, $0xb8;
	[tilespmem:$0x57F0] =	vst v63  }
0xa8: {  	s25 =	sadd.s32 $0x2880, s24  }
0xa9: {  	[spmem:s3] =	stream.indirect.scatter.add.f32 [tilespmem:s16], [sflag:$0x1], $0x1, s25, s15, $0xb8;
	[tilespmem:$0x57F0] =	vst v63  }
0xaa: {  	s25 =	sadd.s32 $0x100, s24  }
0xab: {  	[spmem:s1] =	stream.indirect.scatter.add.f32 [tilespmem:s16], [sflag:$0x1], $0x1, s25, s15, $0xb8;
	[tilespmem:$0x57F0] =	vst v63  }
0xac: {  	s25 =	sadd.s32 $0x2900, s24  }
0xad: {  	[spmem:s3] =	stream.indirect.scatter.add.f32 [tilespmem:s16], [sflag:$0x1], $0x1, s25, s15, $0xb8;
	[tilespmem:$0x57F0] =	vst v63  }
0xae: {  	s25 =	sadd.s32 $0x180, s24  }
0xaf: {  	[spmem:s1] =	stream.indirect.scatter.add.f32 [tilespmem:s16], [sflag:$0x1], $0x1, s25, s15, $0xb8;
	[tilespmem:$0x57F0] =	vst v63  }
0xb0: {  	s25 =	sadd.s32 $0x2980, s24  }
0xb1: {  	[spmem:s3] =	stream.indirect.scatter.add.f32 [tilespmem:s16], [sflag:$0x1], $0x1, s25, s15, $0xb8;
	[tilespmem:$0x57F0] =	vst v63  }
0xb2: {  	s25 =	sadd.s32 $0x200, s24  }
0xb3: {  	[spmem:s1] =	stream.indirect.scatter.add.f32 [tilespmem:s16], [sflag:$0x1], $0x1, s25, s15, $0xb8;
	[tilespmem:$0x57F0] =	vst v63  }
0xb4: {  	s25 =	sadd.s32 $0x2A00, s24  }
0xb5: {  	[spmem:s3] =	stream.indirect.scatter.add.f32 [tilespmem:s16], [sflag:$0x1], $0x1, s25, s15, $0xb8;
	[tilespmem:$0x57F0] =	vst v63  }
0xb6: {  	s25 =	sadd.s32 $0x280, s24  }
0xb7: {  	[spmem:s1] =	stream.indirect.scatter.add.f32 [tilespmem:s16], [sflag:$0x1], $0x1, s25, s15, $0xb8;
	[tilespmem:$0x57F0] =	vst v63  }
0xb8: {  	s25 =	sadd.s32 $0x2A80, s24  }
0xb9: {  	[spmem:s3] =	stream.indirect.scatter.add.f32 [tilespmem:s16], [sflag:$0x1], $0x1, s25, s15, $0xb8;
	[tilespmem:$0x57F0] =	vst v63  }
0xba: {  	s25 =	sadd.s32 $0x300, s24  }
0xbb: {  	[spmem:s1] =	stream.indirect.scatter.add.f32 [tilespmem:s16], [sflag:$0x1], $0x1, s25, s15, $0xb8;
	[tilespmem:$0x57F0] =	vst v63  }
0xbc: {  	s25 =	sadd.s32 $0x2B00, s24  }
0xbd: {  	[spmem:s3] =	stream.indirect.scatter.add.f32 [tilespmem:s16], [sflag:$0x1], $0x1, s25, s15, $0xb8;
	[tilespmem:$0x57F0] =	vst v63  }
0xbe: {  	s25 =	sadd.s32 $0x380, s24  }
0xbf: {  	[spmem:s1] =	stream.indirect.scatter.add.f32 [tilespmem:s16], [sflag:$0x1], $0x1, s25, s15, $0xb8;
	[tilespmem:$0x57F0] =	vst v63  }
0xc0: {  	s24 =	sadd.s32 $0x2B80, s24  }
0xc1: {  	[spmem:s3] =	stream.indirect.scatter.add.f32 [tilespmem:s16], [sflag:$0x1], $0x1, s24, s15, $0xb8;
	[tilespmem:$0x57F0] =	vst v63  }
0xc2: {  	_ =	swait.ge [sflag:s17], $0x7D  }
0xc3: {  	[sflag:s17] =	ssyncset.done $0x0  }
0xc4: {  	[sflag:s17] =	ssyncadd.s32 $0xFFFFFF83  }
0xc5: {  	_ =	swait.ge [sflag:s17], $0x7D  }
0xc6: {  	[sflag:s17] =	ssyncset.done $0x0  }
0xc7: {  	[sflag:s17] =	ssyncadd.s32 $0xFFFFFF83  }
0xc8: {  	_ =	swait.ge [sflag:s17], $0x7D  }
0xc9: {  	[sflag:s17] =	ssyncset.done $0x0  }
0xca: {  	[sflag:s17] =	ssyncadd.s32 $0xFFFFFF83  }
0xcb: {  	_ =	swait.ge [sflag:s17], $0x7D  }
0xcc: {  	[sflag:s17] =	ssyncset.done $0x0  }
0xcd: {  	[sflag:s17] =	ssyncadd.s32 $0xFFFFFF83  }
0xce: {  	_ =	swait.ge [sflag:s17], $0x7D  }
0xcf: {  	[sflag:s17] =	ssyncset.done $0x0  }
0xd0: {  	[sflag:s17] =	ssyncadd.s32 $0xFFFFFF83  }
0xd1: {  	_ =	swait.ge [sflag:s17], $0x7D  }
0xd2: {  	[sflag:s17] =	ssyncset.done $0x0  }
0xd3: {  	[sflag:s17] =	ssyncadd.s32 $0xFFFFFF83  }
0xd4: {  	_ =	swait.ge [sflag:s17], $0x7D  }
0xd5: {  	[sflag:s17] =	ssyncset.done $0x0  }
0xd6: {  	[sflag:s17] =	ssyncadd.s32 $0xFFFFFF83  }
0xd7: {  	_ =	swait.ge [sflag:s17], $0x7D  }
0xd8: {  	[sflag:s17] =	ssyncset.done $0x0  }
0xd9: {  	[sflag:s17] =	ssyncadd.s32 $0xFFFFFF83  }
0xda: {  	_ =	swait.ge [sflag:s17], $0x7D  }
0xdb: {  	[sflag:s17] =	ssyncset.done $0x0  }
0xdc: {  	[sflag:s17] =	ssyncadd.s32 $0xFFFFFF83  }
0xdd: {  	_ =	swait.ge [sflag:s17], $0x7D  }
0xde: {  	[sflag:s17] =	ssyncset.done $0x0  }
0xdf: {  	[sflag:s17] =	ssyncadd.s32 $0xFFFFFF83  }
0xe0: {  	_ =	swait.ge [sflag:s17], $0x7D  }
0xe1: {  	[sflag:s17] =	ssyncset.done $0x0  }
0xe2: {  	[sflag:s17] =	ssyncadd.s32 $0xFFFFFF83  }
0xe3: {  	_ =	swait.ge [sflag:s17], $0x7D  }
0xe4: {  	[sflag:s17] =	ssyncset.done $0x0  }
0xe5: {  	[sflag:s17] =	ssyncadd.s32 $0xFFFFFF83  }
0xe6: {  	_ =	swait.ge [sflag:s17], $0x7D  }
0xe7: {  	[sflag:s17] =	ssyncset.done $0x0  }
0xe8: {  	[sflag:s17] =	ssyncadd.s32 $0xFFFFFF83  }
0xe9: {  	_ =	swait.ge [sflag:s17], $0x7D  }
0xea: {  	[sflag:s17] =	ssyncset.done $0x0  }
0xeb: {  	[sflag:s17] =	ssyncadd.s32 $0xFFFFFF83  }
.Ltmp0:
0xec: {  	_ =	swait.ge [sflag:s17], $0x7D;
	(pc) =	sbr.rel @p0 .LBB2_2-.Ltmp0, $4  }
0xed: {  	[sflag:s17] =	ssyncset.done $0x0  }
0xee: {  	[sflag:s17] =	ssyncadd.s32 $0xFFFFFF83  }
0xef: {  	_ =	swait.ge [sflag:s17], $0x7D  }
0xf0: {  	s25 =	smov.u32 s23;
	[sflag:s17] =	ssyncset.done $0x0  }
0xf1: {  	s22 =	sshra.s32 s22, $0x2;
	[sflag:s17] =	ssyncadd.s32 $0xFFFFFF83  }
0xf2: {  	[spmem:s1] =	stream.indirect.scatter.add.f32 [tilespmem:s16], [sflag:$0x1], $0x1, s22, s15, $0xb8;
	[tilespmem:$0x57F0] =	vst v63  }
0xf3: {  	s23 =	sadd.s32 $0x2800, s22  }
0xf4: {  	[spmem:s3] =	stream.indirect.scatter.add.f32 [tilespmem:s16], [sflag:$0x1], $0x1, s23, s15, $0xb8;
	[tilespmem:$0x57F0] =	vst v63  }
0xf5: {  	s25 =	sadd.s32 $0x80, s22  }
0xf6: {  	[spmem:s1] =	stream.indirect.scatter.add.f32 [tilespmem:s16], [sflag:$0x1], $0x1, s25, s15, $0xb8;
	[tilespmem:$0x57F0] =	vst v63  }
0xf7: {  	s26 =	sadd.s32 $0x2880, s22  }
0xf8: {  	[spmem:s3] =	stream.indirect.scatter.add.f32 [tilespmem:s16], [sflag:$0x1], $0x1, s26, s15, $0xb8;
	[tilespmem:$0x57F0] =	vst v63  }
0xf9: {  	s28 =	sadd.s32 $0x100, s22  }
0xfa: {  	[spmem:s1] =	stream.indirect.scatter.add.f32 [tilespmem:s16], [sflag:$0x1], $0x1, s28, s15, $0xb8;
	[tilespmem:$0x57F0] =	vst v63  }
0xfb: {  	s29 =	sadd.s32 $0x2900, s22  }
0xfc: {  	[spmem:s3] =	stream.indirect.scatter.add.f32 [tilespmem:s16], [sflag:$0x1], $0x1, s29, s15, $0xb8;
	[tilespmem:$0x57F0] =	vst v63  }
0xfd: {  	s30 =	sadd.s32 $0x180, s22  }
0xfe: {  	[spmem:s1] =	stream.indirect.scatter.add.f32 [tilespmem:s16], [sflag:$0x1], $0x1, s30, s15, $0xb8;
	[tilespmem:$0x57F0] =	vst v63  }
0xff: {  	s31 =	sadd.s32 $0x2980, s22  }
0x100: {  	[spmem:s3] =	stream.indirect.scatter.add.f32 [tilespmem:s16], [sflag:$0x1], $0x1, s31, s15, $0xb8;
	[tilespmem:$0x57F0] =	vst v63  }
0x101: {  	s24 =	sadd.s32 $0x200, s22  }
0x102: {  	[spmem:s1] =	stream.indirect.scatter.add.f32 [tilespmem:s16], [sflag:$0x1], $0x1, s24, s15, $0xb8;
	[tilespmem:$0x57F0] =	vst v63  }
0x103: {  	s25 =	sadd.s32 $0x2A00, s22  }
0x104: {  	[spmem:s3] =	stream.indirect.scatter.add.f32 [tilespmem:s16], [sflag:$0x1], $0x1, s25, s15, $0xb8;
	[tilespmem:$0x57F0] =	vst v63  }
0x105: {  	s26 =	sadd.s32 $0x280, s22  }
0x106: {  	[spmem:s1] =	stream.indirect.scatter.add.f32 [tilespmem:s16], [sflag:$0x1], $0x1, s26, s15, $0xb8;
	[tilespmem:$0x57F0] =	vst v63  }
0x107: {  	s28 =	sadd.s32 $0x2A80, s22  }
0x108: {  	[spmem:s3] =	stream.indirect.scatter.add.f32 [tilespmem:s16], [sflag:$0x1], $0x1, s28, s15, $0xb8;
	[tilespmem:$0x57F0] =	vst v63  }
0x109: {  	s29 =	sadd.s32 $0x300, s22  }
0x10a: {  	[spmem:s1] =	stream.indirect.scatter.add.f32 [tilespmem:s16], [sflag:$0x1], $0x1, s29, s15, $0xb8;
	[tilespmem:$0x57F0] =	vst v63  }
0x10b: {  	s30 =	sadd.s32 $0x2B00, s22  }
0x10c: {  	[spmem:s3] =	stream.indirect.scatter.add.f32 [tilespmem:s16], [sflag:$0x1], $0x1, s30, s15, $0xb8;
	[tilespmem:$0x57F0] =	vst v63  }
0x10d: {  	s31 =	sadd.s32 $0x380, s22  }
0x10e: {  	[spmem:s1] =	stream.indirect.scatter.add.f32 [tilespmem:s16], [sflag:$0x1], $0x1, s31, s15, $0xb8;
	[tilespmem:$0x57F0] =	vst v63  }
0x10f: {  	s22 =	sadd.s32 $0x2B80, s22  }
0x110: {  	[spmem:s3] =	stream.indirect.scatter.add.f32 [tilespmem:s16], [sflag:$0x1], $0x1, s22, s15, $0xb8;
	[tilespmem:$0x57F0] =	vst v63  }
0x111: {  	_ =	swait.ge [sflag:s17], $0x7D  }
0x112: {  	[sflag:s17] =	ssyncset.done $0x0  }
0x113: {  	[sflag:s17] =	ssyncadd.s32 $0xFFFFFF83  }
0x114: {  	_ =	swait.ge [sflag:s17], $0x7D  }
0x115: {  	[sflag:s17] =	ssyncset.done $0x0  }
0x116: {  	[sflag:s17] =	ssyncadd.s32 $0xFFFFFF83  }
0x117: {  	_ =	swait.ge [sflag:s17], $0x7D  }
0x118: {  	[sflag:s17] =	ssyncset.done $0x0  }
0x119: {  	[sflag:s17] =	ssyncadd.s32 $0xFFFFFF83  }
0x11a: {  	_ =	swait.ge [sflag:s17], $0x7D  }
0x11b: {  	[sflag:s17] =	ssyncset.done $0x0  }
0x11c: {  	[sflag:s17] =	ssyncadd.s32 $0xFFFFFF83  }
0x11d: {  	_ =	swait.ge [sflag:s17], $0x7D  }
0x11e: {  	[sflag:s17] =	ssyncset.done $0x0  }
0x11f: {  	[sflag:s17] =	ssyncadd.s32 $0xFFFFFF83  }
0x120: {  	_ =	swait.ge [sflag:s17], $0x7D  }
0x121: {  	[sflag:s17] =	ssyncset.done $0x0  }
0x122: {  	[sflag:s17] =	ssyncadd.s32 $0xFFFFFF83  }
0x123: {  	_ =	swait.ge [sflag:s17], $0x7D  }
0x124: {  	[sflag:s17] =	ssyncset.done $0x0  }
0x125: {  	[sflag:s17] =	ssyncadd.s32 $0xFFFFFF83  }
0x126: {  	_ =	swait.ge [sflag:s17], $0x7D  }
0x127: {  	[sflag:s17] =	ssyncset.done $0x0  }
0x128: {  	[sflag:s17] =	ssyncadd.s32 $0xFFFFFF83  }
0x129: {  	_ =	swait.ge [sflag:s17], $0x7D  }
0x12a: {  	[sflag:s17] =	ssyncset.done $0x0  }
0x12b: {  	[sflag:s17] =	ssyncadd.s32 $0xFFFFFF83  }
0x12c: {  	_ =	swait.ge [sflag:s17], $0x7D  }
0x12d: {  	[sflag:s17] =	ssyncset.done $0x0  }
0x12e: {  	[sflag:s17] =	ssyncadd.s32 $0xFFFFFF83  }
0x12f: {  	_ =	swait.ge [sflag:s17], $0x7D  }
0x130: {  	[sflag:s17] =	ssyncset.done $0x0  }
0x131: {  	[sflag:s17] =	ssyncadd.s32 $0xFFFFFF83  }
0x132: {  	_ =	swait.ge [sflag:s17], $0x7D  }
0x133: {  	[sflag:s17] =	ssyncset.done $0x0  }
0x134: {  	[sflag:s17] =	ssyncadd.s32 $0xFFFFFF83  }
0x135: {  	_ =	swait.ge [sflag:s17], $0x7D  }
0x136: {  	[sflag:s17] =	ssyncset.done $0x0  }
0x137: {  	[sflag:s17] =	ssyncadd.s32 $0xFFFFFF83  }
0x138: {  	_ =	swait.ge [sflag:s17], $0x7D  }
0x139: {  	[sflag:s17] =	ssyncset.done $0x0  }
0x13a: {  	[sflag:s17] =	ssyncadd.s32 $0xFFFFFF83  }
0x13b: {  	_ =	swait.ge [sflag:s17], $0x7D  }
0x13c: {  	[sflag:s17] =	ssyncset.done $0x0  }
0x13d: {  	[sflag:s17] =	ssyncadd.s32 $0xFFFFFF83  }
0x13e: {  	_ =	swait.ge [sflag:s17], $0x7D  }
0x13f: {  	[sflag:s17] =	ssyncset.done $0x0  }
0x140: {  	[sflag:s17] =	ssyncadd.s32 $0xFFFFFF83  }
0x141: {  	[bflag:$0x0] =	sbarrier.arrive $0xFFFF  }
0x142: {  	[hbm:s7], [sflag:s18] =	dma.local [spmem:s19], $0x50  }
0x143: {  	s21 =	sadd.s32 $0x1, s21;
	_ =	swait.ge [sflag:s13], $0x50  }
0x144: {  	p0 =	sne.s32 s21, s11;
	[sflag:s13] =	ssyncset.done $0x0  }
.Ltmp1:
0x145: {  	[sflag:s13] =	ssyncadd.s32 $0xFFFFFFB0;
	(pc) =	sbr.rel @p0 .LBB2_1-.Ltmp1, $4  }
0x146: {  	[hbm:s10], [sflag:s18] =	dma.local [spmem:s20], $0x50  }
0x147: {  	_ =	swait.ge [sflag:s13], $0x50  }
0x148: {  	[sflag:s13] =	ssyncset.done $0x0  }
0x149: {  	[sflag:s13] =	ssyncadd.s32 $0xFFFFFFB0  }
0x14a: {  	_ =	sfence.sel $0x180000  }
0x14b: {  	[bflag:$0x0] =	sbarrier.arrive $0xFFFF  }
0x14c: {  	p0 =	sne.s32 s2, $0x0;
	_ =	strace $0x90000047  }
0x14d: {  	s0 =	sadd.s32 @!p0 $0x100000, s0;
	[bflag:$0x2] =	sbarrier.arrive $0xFFFF  }
0x14e: {  	[sflag:s0] =	ssyncadd.tile.s32 @!p0 $0x1;
	_ =	shalt  }
.Lfunc_end2:
_tile_overlayer_lowered:
.L_overlay_start_2:
0x14f: {  	(tag) =	ssettag $0x2  }
0x150: {  	s0 =	rddreg [dreg:$0x0];
	s2 =	stileid.u32  }
0x151: {  	s1 =	rddreg [dreg:$0x1];
	p0 =	sne.s32 s2, $0x0  }
0x152: {  	s3 =	rddreg [dreg:$0x2];
	[bflag:$0x3] =	sbarrier.arrive $0xFFFF;
	s2 =	simm.s32 @!p0 $0x1C02  }
0x153: {  	[timem:s3], [sflag:s2] =	dma.local @!p0 [hbm:s0], s1  }
0x154: {  	s0 =	simm.s32 @!p0 $0x2  }
0x155: {  	_ =	swait.ge @!p0 [sflag:s0], s1  }
0x156: {  	s1 =	ssub.s32 @!p0 $0x0, s1;
	[sflag:s0] =	ssyncset.done @!p0 $0x0  }
0x157: {  	[sflag:s0] =	ssyncadd.s32 @!p0 s1  }
0x158: {  	[bflag:$0x3] =	sbarrier.arrive $0xFFFF  }
0x159: {  	_ =	shalt  }

// kernel: kernel.13.cloned.1.call-start
scs
__scs_entry_jumppad:
0x0: {  	(pc) =	sbr.rel $0x88, $3  }
0x1: {  	(tag) =	ssettag $0x0;
	lr =	simm.s32 $0x1  }
0x2: {  	[smem:$0x3F9B] =	sst lr;
	_ =	strace $0xD0000000  }
0x3: {  	_ = 	snop  }
0x4: {  	_ = 	snop  }
0x5: {  	_ = 	snop  }
0x6: {  	_ = 	snop  }
0x7: {  	_ = 	snop  }
__scs_overlays_trampoline_lowered:
0x8: {  	[smem:$0x3FAA] =	sst s0  }
0x9: {  	[smem:$0x3FAB] =	sst s1  }
0xa: {  	[smem:$0x3FAC] =	sst s2  }
0xb: {  	[smem:$0x3FAD] =	sst s3  }
0xc: {  	[smem:$0x3FAE] =	sst s4  }
0xd: {  	[smem:$0x3FAF] =	sst s5  }
0xe: {  	[smem:$0x3FB0] =	sst s6  }
0xf: {  	[smem:$0x3FB1] =	sst s7  }
0x10: {  	[smem:$0x3FB2] =	sst s8  }
0x11: {  	[smem:$0x3FB3] =	sst s9;
	s0 =	simm.s32 @!p0 $0x0  }
0x12: {  	s1 =	sld [smem:$0x3F99];
	s0 =	simm.s32 @p0 $0x1  }
0x13: {  	[smem:$0x3FB4] =	sst s0;
	s0 =	simm.s32 @!p1 $0x0  }
0x14: {  	s2 =	sld [smem:$0x3F98];
	s0 =	simm.s32 @p1 $0x1  }
0x15: {  	[smem:$0x3FB5] =	sst s0;
	s0 =	simm.s32 @!p2 $0x0  }
0x16: {  	s3 =	sld [smem:$0x3FDB];
	s0 =	simm.s32 @p2 $0x1  }
0x17: {  	s4 =	simm.s32 $0x1BF5;
	[smem:$0x3FB7] =	sst s0  }
0x18: {  	s0 =	sld [smem:$0x3F9A];
	_ =	swait.ge [sflag:s4], $0x0  }
0x19: {  	s7 =	sld [smem:$0x3F9B]  }
0x1a: {  	s8 =	sadd.s32 $0xFFFFE003, lr  }
0x1b: {  	s9 =	sadd.s32 $0xFFFFFEF7, lr;
	s5 =	simm.s32 $0xFFFFFFFF;
	p2 =	slt.u32 s8, $0xFFFFF086  }
0x1c: {  	p1 =	slt.u32 s9, $0xF7A;
	s5 =	simm.s32 @!p2 $0x0  }
0x1d: {  	s5 =	simm.s32 @p1 $0x1;
	p0 =	seq.s32 s7, s2  }
0x1e: {  	s7 =	smul.u32 @!p0 $0xF7A, s2;
	p2 =	seq.s32 @!p0 s5, $0x0  }
0x1f: {  	s9 =	smul.u32 $0xF7A, s1;
	s8 =	simm.s32 @!p0 $0x1BF5;
	p2 =	por !p2, p0  }
0x20: {  	[sflag:s8] =	ssyncset.s32 @!p0 $0xFFFFF086;
	s6 =	sadd.s32 @!p0 s3, s7;
	s7 =	simm.s32 @!p0 $0x108  }
0x21: {  	s3 =	sadd.s32 s3, s9;
	s6 =	sadd.s32 @!p0 $0x88, s6;
	s7 =	simm.s32 @p2 $0x1082  }
0x22: {  	[simem:s7], [sflag:s8] =	dma.local @!p0 [hbm:s6], $0xF7A  }
0x23: {  	s9 =	sor.u32 $0xD0000000, s2;
	s6 =	simm.s32 $0x108;
	_ =	swait.ge @!p0 [sflag:s8], $0x0  }
0x24: {  	s3 =	sadd.s32 $0x88, s3;
	s6 =	simm.s32 @!p1 $0x1082;
	[sflag:s4] =	ssyncset.s32 $0xFFFFF086  }
0x25: {  	[simem:s6], [sflag:s4] =	dma.local [hbm:s3], $0xF7A  }
0x26: {  	[smem:$0x3F9B] =	sst s1;
	(tag) =	ssettag s2;
	_ =	strace s9  }
0x27: {  	s1 =	sld [smem:$0x3FAB]  }
0x28: {  	s2 =	sld [smem:$0x3FAC]  }
0x29: {  	s4 =	sld [smem:$0x3FAE]  }
0x2a: {  	p0 =	seq.s32 s5, $0x0;
	s5 =	sld [smem:$0x3FAF]  }
0x2b: {  	s6 =	sld [smem:$0x3FB0]  }
0x2c: {  	s7 =	sld [smem:$0x3FB1]  }
0x2d: {  	s3 =	simm.s32 $0x108;
	s8 =	sld [smem:$0x3FB2]  }
0x2e: {  	s3 =	simm.s32 @!p0 $0x1082;
	s9 =	sld [smem:$0x3FB3]  }
0x2f: {  	lr =	sadd.s32 s0, s3;
	s0 =	sld [smem:$0x3FAA]  }
0x30: {  	s3 =	sld [smem:$0x3FAD]  }
0x31: {  	[smem:$0x3FB6] =	sst s10  }
0x32: {  	s10 =	sld [smem:$0x3FB4];
	_ =	sdelay $0x3  }
0x33: {  	p0 =	seq.s32 s10, $0x1;
	s10 =	sld [smem:$0x3FB6];
	_ =	sdelay $0x3  }
0x34: {  	[smem:$0x3FB6] =	sst s10  }
0x35: {  	s10 =	sld [smem:$0x3FB5];
	_ =	sdelay $0x3  }
0x36: {  	p1 =	seq.s32 s10, $0x1;
	s10 =	sld [smem:$0x3FB6];
	_ =	sdelay $0x3  }
0x37: {  	[smem:$0x3FB6] =	sst s10  }
0x38: {  	s10 =	sld [smem:$0x3FB7]  }
0x39: {  	_ = 	snop;
	(pc) =	sbr.ind lr, $3  }
0x3a: {  	_ = 	snop  }
0x3b: {  	_ = 	snop  }
0x3c: {  	p2 =	seq.s32 s10, $0x1;
	s10 =	sld [smem:$0x3FB6]  }
0x3d: {  	_ =	shalt  }
0x3e: {  	_ =	shalt  }
0x3f: {  	_ =	shalt  }
0x40: {  	_ =	shalt  }
0x41: {  	_ =	shalt  }
0x42: {  	_ =	shalt  }
0x43: {  	_ =	shalt  }
0x44: {  	_ =	shalt  }
0x45: {  	_ =	shalt  }
0x46: {  	_ =	shalt  }
0x47: {  	_ =	shalt  }
0x48: {  	_ =	shalt  }
0x49: {  	_ =	shalt  }
0x4a: {  	_ =	shalt  }
0x4b: {  	_ =	shalt  }
0x4c: {  	_ =	shalt  }
0x4d: {  	_ =	shalt  }
0x4e: {  	_ =	shalt  }
0x4f: {  	_ =	shalt  }
0x50: {  	_ =	shalt  }
0x51: {  	_ =	shalt  }
0x52: {  	_ =	shalt  }
0x53: {  	_ =	shalt  }
0x54: {  	_ =	shalt  }
0x55: {  	_ =	shalt  }
0x56: {  	_ =	shalt  }
0x57: {  	_ =	shalt  }
0x58: {  	_ =	shalt  }
0x59: {  	_ =	shalt  }
0x5a: {  	_ =	shalt  }
0x5b: {  	_ =	shalt  }
0x5c: {  	_ =	shalt  }
0x5d: {  	_ =	shalt  }
0x5e: {  	_ =	shalt  }
0x5f: {  	_ =	shalt  }
0x60: {  	_ =	shalt  }
0x61: {  	_ =	shalt  }
0x62: {  	_ =	shalt  }
0x63: {  	_ =	shalt  }
0x64: {  	_ =	shalt  }
0x65: {  	_ =	shalt  }
0x66: {  	_ =	shalt  }
0x67: {  	_ =	shalt  }
0x68: {  	_ =	shalt  }
0x69: {  	_ =	shalt  }
0x6a: {  	_ =	shalt  }
0x6b: {  	_ =	shalt  }
0x6c: {  	_ =	shalt  }
0x6d: {  	_ =	shalt  }
0x6e: {  	_ =	shalt  }
0x6f: {  	_ =	shalt  }
0x70: {  	_ =	shalt  }
0x71: {  	_ =	shalt  }
0x72: {  	_ =	shalt  }
0x73: {  	_ =	shalt  }
0x74: {  	_ =	shalt  }
0x75: {  	_ =	shalt  }
0x76: {  	_ =	shalt  }
0x77: {  	_ =	shalt  }
0x78: {  	_ =	shalt  }
0x79: {  	_ =	shalt  }
0x7a: {  	_ =	shalt  }
0x7b: {  	_ =	shalt  }
0x7c: {  	_ =	shalt  }
0x7d: {  	_ =	shalt  }
0x7e: {  	_ =	shalt  }
0x7f: {  	_ =	shalt  }
0x80: {  	_ =	shalt  }
0x81: {  	_ =	shalt  }
0x82: {  	_ =	shalt  }
0x83: {  	_ =	shalt  }
0x84: {  	_ =	shalt  }
0x85: {  	_ =	shalt  }
0x86: {  	_ =	shalt  }
0x87: {  	_ =	shalt  }
.Lfunc_end0:
.L_simem_size_0:
called_computation.1_lowered:
.L_overlay_start_0:
0x88: {  	s2 =	sld [smem:$0x3FD9]  }
0x89: {  	s3 =	sld [smem:$0x3FFE];
	_ =	sdelay $0x1  }
0x8a: {  	s1 =	srdreg.scid  }
0x8b: {  	s0 =	sand.u32 $0x1, s1  }
0x8c: {  	s16 =	sshll.u32 s0, $0xA;
	s2 =	sadd.s32 s3, s2  }
0x8d: {  	s2 =	sadd.s32 s2, s16  }
0x8e: {  	[smem:$0x3FC2] =	sst s2  }
0x8f: {  	_ = 	snop  }
0x90: {  	(tm) =	ssettm $0x1  }
0x91: {  	s17 =	sld [smem:$0x3FFB];
	_ =	sdelay $0x3  }
0x92: {  	_ =	strace s17  }
0x93: {  	s2 =	sld [smem:$0x3FFC];
	_ =	sdelay $0x3  }
0x94: {  	_ =	strace s2  }
0x95: {  	s2 =	sld [smem:$0x3FFD];
	_ =	sdelay $0x3  }
0x96: {  	_ =	strace s2  }
0x97: {  	_ =	strace $0x8FFFFFFF  }
0x98: {  	s18 =	sld [smem:$0x3FDB];
	_ =	sdelay $0x1  }
0x99: {  	s19 =	simm.s32 $_scs_section_size  }
0x9a: {  	s4 =	simm.s32 $_size__tile_overlayer_lowered;
	s5 =	simm.s32 $_tile_overlayer_lowered  }
0x9b: {  	s22 =	simm.s32 $0x1BFF;
	s21 =	sshll.u32 s5, $0x1;
	s2 =	sadd.s32 s19, s18  }
0x9c: {  	s6 =	simm.s32 $0x0;
	s20 =	sshll.u32 s4, $0x1;
	s4 =	sadd.s32 s21, s2  }
0x9d: {  	[timem:s6], [sflag:s22] =	dma.local [hbm:s4], s20  }
0x9e: {  	_ =	swait.ge [sflag:s22], s20  }
0x9f: {  	s3 =	ssub.s32 $0x0, s20;
	[sflag:s22] =	ssyncset.done $0x0  }
0xa0: {  	[sflag:s22] =	ssyncadd.s32 s3;
	_ =	sdelay $0x1  }
0xa1: {  	s23 =	simm.s32 $0x1B8B  }
0xa2: {  	_ =	swait.ge [sflag:s23], $0x1  }
0xa3: {  	[sflag:s23] =	ssyncset.done $0x0  }
0xa4: {  	s25 =	simm.s32 $0x1B8E;
	s24 =	sld [smem:$0x3FFE];
	[sflag:s23] =	ssyncadd.s32 $0xFFFFFFFF  }
0xa5: {  	s26 =	simm.s32 $execute0_lowered;
	[smem:$0x3FD2] =	sst s25  }
0xa6: {  	s4 =	sshll.u32 s26, $0x1;
	_ =	strace $0x80000049;
	[dreg:$0x1] =	wrdreg $0xFFFFFFFF  }
0xa7: {  	s28 =	simm.s32 $_size_execute0_lowered;
	s2 =	sadd.s32 s2, s4;
	[dreg:$0x0] =	wrdreg $0x0  }
0xa8: {  	s4 =	sshll.u32 s28, $0x1;
	[dreg:$0x2] =	wrdreg s2  }
0xa9: {  	[dreg:$0x3] =	wrdreg s4  }
0xaa: {  	[dreg:$0x4] =	wrdreg $0xC0  }
0xab: {  	_ =	task [dreg:s6], $0x5FFFF  }
0xac: {  	[dreg:$0x1] =	wrdreg $0xFFFFFFFF  }
0xad: {  	[dreg:$0x0] =	wrdreg $0x60  }
0xae: {  	[dreg:$0x2] =	wrdreg s24  }
0xaf: {  	[dreg:$0x3] =	wrdreg $0x110300  }
0xb0: {  	[dreg:$0x4] =	wrdreg $0x9  }
0xb1: {  	_ =	task.clear_ibuf [dreg:s6], $0x5FFFF;
	_ =	strace $0x90000049  }
0xb2: {  	s29 =	simm.s32 $0x9;
	_ =	strace $0x8000004B  }
0xb3: {  	_ =	swait.ge [sflag:s29], $0x1  }
0xb4: {  	[sflag:s29] =	ssyncadd.s32 $0xFFFFFFFF  }
0xb5: {  	_ =	strace $0x9000004B  }
0xb6: {  	_ =	sfence  }
0xb7: {  	s30 =	sld [smem:$0x0];
	_ =	sdelay $0x2  }
0xb8: {  	s31 =	sshll.u32 s1, $0xD;
	s1 =	sshrl.u32 s1, $0x2  }
0xb9: {  	s3 =	sand.u32 $0x4000, s31;
	s1 =	sadd.s32 s1, s30  }
0xba: {  	s0 =	sor.u32 s3, s0;
	s1 =	sshll.u32 s1, $0x11  }
0xbb: {  	s0 =	sor.u32 s1, s0  }
0xbc: {  	s0 =	sadd.s32 $0x8F2B, s0  }
0xbd: {  	[sflag:s0] =	ssyncadd.remote.s32 $0x1  }
0xbe: {  	_ =	sfence.sel $0xFFFF  }
0xbf: {  	[dreg:$0x0] =	wrdreg $0xFFFFFFFF;
	(pc) =	sbr.abs _section_cstart, $3  }
0xc0: {  	[dreg:$0x1] =	wrdreg $0xFFFFFFFF  }
0xc1: {  	_ =	task.clear_ibuf [dreg:s6], $0x2FFFF;
	_ =	strace $0x9FFFFFFF  }
0xc2: {  	(tm) =	ssettm $0x7FFFFFFF  }
0xc3: {  	_ =	shalt  }
tec
execute0_lowered:
.L_overlay_start_1:
0x0: {  	(tag) =	ssettag $0x1  }
0x1: {  	s0 =	rddreg [dreg:$0x0];
	s1 =	srdreg.scid  }
0x2: {  	s2 =	rddreg [dreg:$0x1];
	s7 =	stileid.u32  }
0x3: {  	s3 =	simm.s32 $0x0;
	s10 =	simm.s32 $0x10B80;
	s11 =	simm.s32 $0x5  }
0x4: {  	s12 =	simm.s32 $0x2800;
	s13 =	simm.s32 $0x7D;
	s14 =	simm.s32 $0x5000  }
0x5: {  	s16 =	simm.s32 $0x6770;
	s18 =	simm.s32 $0x7EE0;
	s20 =	simm.s32 $0x9650  }
0x6: {  	s22 =	simm.s32 $0xADC0;
	s24 =	simm.s32 $0xC530;
	s28 =	simm.s32 $0xDCA0  }
0x7: {  	s30 =	simm.s32 $0xF410;
	s31 =	simm.s32 $0x1;
	s19 =	simm.s32 $0x3  }
0x8: {  	s21 =	simm.s32 $0x2;
	s23 =	simm.s32 $0x4;
	s29 =	simm.s32 $0x4E80  }
0x9: {  	s15 =	simm.s32 $0x4F80;
	s1 =	sand.u32 $0x1, s1;
	s8 =	smul.u32 $0x7530, s7  }
0xa: {  	s4 =	sshll.u32 s7, $0x1;
	[smem:$0x7FF] =	sst s3;
	s9 =	smul.u32 $0x1D4C0, s7  }
0xb: {  	s5 =	smul.u32 $0x75300, s1;
	s4 =	sor.u32 s1, s4;
	_ =	strace $0x8000004A  }
0xc: {  	s1 =	ssub.s32 $0x2, s1;
	s6 =	smul.u32 $0x500, s4;
	s4 =	sadd.s32 $0x15600, s0  }
0xd: {  	s25 =	sshrl.u32 s1, $0x1;
	s26 =	sadd.s32 s8, s2;
	s9 =	sshrl.u32 s9, $0x2  }
0xe: {  	s5 =	sadd.s32 s8, s5;
	s1 =	ssub.s32 s1, s25;
	s9 =	sadd.s32 s9, s2  }
0xf: {  	s25 =	sshrl.u32 s26, $0x3;
	s6 =	sadd.s32 s6, s0;
	s5 =	sshrl.u32 s5, $0x3  }
0x10: {  	s8 =	smax.u32 s1, $0x1;
	s0 =	sadd.s32 s5, s0;
	s5 =	sadd.s32 $0xB600, s6  }
0x11: {  	v0 =	vimm.f32 $0.0e+00;
	s6 =	sadd.s32 $0x1600, s6;
	s7 =	sadd.s32 $0x24200, s0;
	s0 =	simm.s32 $0x4F00  }
.LBB2_1:
0x12: {  	[tilespmem:$0x10B80] =	vst v0  }
0x13: {  	[tilespmem:$0x10B90] =	vst v0  }
0x14: {  	[tilespmem:$0x10BA0] =	vst v0  }
0x15: {  	[tilespmem:$0x10BB0] =	vst v0  }
0x16: {  	[tilespmem:$0x10BC0] =	vst v0  }
0x17: {  	[tilespmem:$0x10BD0] =	vst v0  }
0x18: {  	[tilespmem:$0x10BE0] =	vst v0  }
0x19: {  	[tilespmem:$0x10BF0] =	vst v0  }
0x1a: {  	[tilespmem:$0x10C00] =	vst v0  }
0x1b: {  	[tilespmem:$0x10C10] =	vst v0  }
0x1c: {  	[tilespmem:$0x10C20] =	vst v0  }
0x1d: {  	[tilespmem:$0x10C30] =	vst v0  }
0x1e: {  	[tilespmem:$0x10C40] =	vst v0  }
0x1f: {  	[tilespmem:$0x10C50] =	vst v0  }
0x20: {  	[tilespmem:$0x10C60] =	vst v0  }
0x21: {  	[tilespmem:$0x10C70] =	vst v0  }
0x22: {  	[tilespmem:$0x10C80] =	vst v0  }
0x23: {  	[tilespmem:$0x10C90] =	vst v0  }
0x24: {  	[tilespmem:$0x10CA0] =	vst v0  }
0x25: {  	[tilespmem:$0x10CB0] =	vst v0  }
0x26: {  	[tilespmem:$0x10CC0] =	vst v0  }
0x27: {  	[tilespmem:$0x10CD0] =	vst v0  }
0x28: {  	[tilespmem:$0x10CE0] =	vst v0  }
0x29: {  	[tilespmem:$0x10CF0] =	vst v0  }
0x2a: {  	[tilespmem:$0x10D00] =	vst v0  }
0x2b: {  	[tilespmem:$0x10D10] =	vst v0  }
0x2c: {  	[tilespmem:$0x10D20] =	vst v0  }
0x2d: {  	[tilespmem:$0x10D30] =	vst v0  }
0x2e: {  	[tilespmem:$0x10D40] =	vst v0  }
0x2f: {  	[tilespmem:$0x10D50] =	vst v0  }
0x30: {  	[tilespmem:$0x10D60] =	vst v0  }
0x31: {  	[tilespmem:$0x10D70] =	vst v0  }
0x32: {  	[tilespmem:$0x10D80] =	vst v0  }
0x33: {  	[tilespmem:$0x10D90] =	vst v0  }
0x34: {  	[tilespmem:$0x10DA0] =	vst v0  }
0x35: {  	[tilespmem:$0x10DB0] =	vst v0  }
0x36: {  	[tilespmem:$0x10DC0] =	vst v0  }
0x37: {  	[tilespmem:$0x10DD0] =	vst v0  }
0x38: {  	[tilespmem:$0x10DE0] =	vst v0  }
0x39: {  	[tilespmem:$0x10DF0] =	vst v0  }
0x3a: {  	[tilespmem:$0x10E00] =	vst v0  }
0x3b: {  	[tilespmem:$0x10E10] =	vst v0  }
0x3c: {  	[tilespmem:$0x10E20] =	vst v0  }
0x3d: {  	[tilespmem:$0x10E30] =	vst v0  }
0x3e: {  	[tilespmem:$0x10E40] =	vst v0  }
0x3f: {  	[tilespmem:$0x10E50] =	vst v0  }
0x40: {  	[tilespmem:$0x10E60] =	vst v0  }
0x41: {  	[tilespmem:$0x10E70] =	vst v0  }
0x42: {  	[tilespmem:$0x10E80] =	vst v0  }
0x43: {  	[tilespmem:$0x10E90] =	vst v0  }
0x44: {  	[tilespmem:$0x10EA0] =	vst v0  }
0x45: {  	[tilespmem:$0x10EB0] =	vst v0  }
0x46: {  	[tilespmem:$0x10EC0] =	vst v0  }
0x47: {  	[tilespmem:$0x10ED0] =	vst v0  }
0x48: {  	[tilespmem:$0x10EE0] =	vst v0  }
0x49: {  	[tilespmem:$0x10EF0] =	vst v0  }
0x4a: {  	[tilespmem:$0x10F00] =	vst v0  }
0x4b: {  	[tilespmem:$0x10F10] =	vst v0  }
0x4c: {  	[tilespmem:$0x10F20] =	vst v0  }
0x4d: {  	[tilespmem:$0x10F30] =	vst v0  }
0x4e: {  	[tilespmem:$0x10F40] =	vst v0  }
0x4f: {  	[tilespmem:$0x10F50] =	vst v0  }
0x50: {  	[tilespmem:$0x10F60] =	vst v0  }
0x51: {  	[tilespmem:$0x10F70] =	vst v0  }
0x52: {  	[tilespmem:$0x10F80] =	vst v0  }
0x53: {  	[tilespmem:$0x10F90] =	vst v0  }
0x54: {  	[tilespmem:$0x10FA0] =	vst v0  }
0x55: {  	[tilespmem:$0x10FB0] =	vst v0  }
0x56: {  	[tilespmem:$0x10FC0] =	vst v0  }
0x57: {  	[tilespmem:$0x10FD0] =	vst v0  }
0x58: {  	[tilespmem:$0x10FE0] =	vst v0  }
0x59: {  	[tilespmem:$0x10FF0] =	vst v0  }
0x5a: {  	[tilespmem:$0x11000] =	vst v0  }
0x5b: {  	[tilespmem:$0x11010] =	vst v0  }
0x5c: {  	[tilespmem:$0x11020] =	vst v0;
	s1 =	sadd.s32 $0x0, s9  }
0x5d: {  	[spmem:s1] =	stream.linear.scatter [tilespmem:s10], [sflag:$0x5], $0x4B0, $0x38;
	[tilespmem:$0x18560] =	vst v63  }
0x5e: {  	s1 =	simm.s32 $0x12C0;
	_ =	swait.ge [sflag:s11], $0x4B0  }
.LBB2_2:
0x5f: {  	s17 =	sshra.s32 s1, $0x2;
	[sflag:s11] =	ssyncset.done $0x0;
	p0 =	sne.s32 s1, $0x1C200  }
.Ltmp0:
0x60: {  	s17 =	sadd.s32 s17, s9;
	[sflag:s11] =	ssyncadd.s32 $0xFFFFFB50;
	(pc) =	sbr.rel @p0 .LBB2_2-.Ltmp0, $3  }
0x61: {  	[spmem:s17] =	stream.linear.scatter [tilespmem:s10], [sflag:$0x5], $0x4B0, $0x38;
	[tilespmem:$0x18560] =	vst v63  }
0x62: {  	s1 =	sadd.s32 $0x12C0, s1;
	_ =	sdelay $0x1  }
0x63: {  	_ =	swait.ge [sflag:s11], $0x4B0  }
0x64: {  	[sflag:s11] =	ssyncset.done $0x0  }
0x65: {  	s1 =	simm.s32 $0x0;
	[sflag:s11] =	ssyncadd.s32 $0xFFFFFB50  }
0x66: {  	[tilespmem:s1], [sflag:$0x5] =	stream.linear.gather [hbm4b:s5+s1], $0x2800, $0x38;
	[tilespmem:$0x18560] =	vst v63  }
0x67: {  	_ =	swait.ge [sflag:s11], $0x2800  }
0x68: {  	[sflag:s11] =	ssyncset.done $0x0  }
0x69: {  	[sflag:s11] =	ssyncadd.s32 $0xFFFFD800  }
0x6a: {  	[tilespmem:s12], [sflag:$0x5] =	stream.linear.gather [hbm4b:s6+s1], $0x2800, $0x38;
	[tilespmem:$0x18560] =	vst v63  }
0x6b: {  	_ =	swait.ge [sflag:s11], $0x2800  }
0x6c: {  	[sflag:s11] =	ssyncset.done $0x0  }
0x6d: {  	[sflag:s11] =	ssyncadd.s32 $0xFFFFD800  }
0x6e: {  	[bflag:$0x0] =	sbarrier.arrive $0xFFFF  }
0x6f: {  	[tilespmem:s14], [sflag:$0x1] =	stream.indirect.gather [hbm4b:s4+s13], $0x30, s1, s13, $0xb8;
	[tilespmem:$0x18560] =	vst v63  }
0x70: {  	s26 =	simm.s32 $0x80  }
0x71: {  	[tilespmem:s16], [sflag:$0x1] =	stream.indirect.gather [hbm4b:s4+s13], $0x30, s26, s13, $0xb8;
	[tilespmem:$0x18560] =	vst v63  }
0x72: {  	s17 =	simm.s32 $0x100  }
0x73: {  	[tilespmem:s18], [sflag:$0x1] =	stream.indirect.gather [hbm4b:s4+s13], $0x30, s17, s13, $0xb8;
	[tilespmem:$0x18560] =	vst v63  }
0x74: {  	s26 =	simm.s32 $0x180  }
0x75: {  	[tilespmem:s20], [sflag:$0x1] =	stream.indirect.gather [hbm4b:s4+s13], $0x30, s26, s13, $0xb8;
	[tilespmem:$0x18560] =	vst v63  }
0x76: {  	s17 =	simm.s32 $0x200  }
0x77: {  	[tilespmem:s22], [sflag:$0x2] =	stream.indirect.gather [hbm4b:s4+s13], $0x30, s17, s13, $0xb8;
	[tilespmem:$0x18560] =	vst v63  }
0x78: {  	s26 =	simm.s32 $0x280  }
0x79: {  	[tilespmem:s24], [sflag:$0x2] =	stream.indirect.gather [hbm4b:s4+s13], $0x30, s26, s13, $0xb8;
	[tilespmem:$0x18560] =	vst v63  }
0x7a: {  	s17 =	simm.s32 $0x300  }
0x7b: {  	[tilespmem:s28], [sflag:$0x2] =	stream.indirect.gather [hbm4b:s4+s13], $0x30, s17, s13, $0xb8;
	[tilespmem:$0x18560] =	vst v63  }
0x7c: {  	s26 =	simm.s32 $0x380  }
0x7d: {  	[tilespmem:s30], [sflag:$0x2] =	stream.indirect.gather [hbm4b:s4+s13], $0x30, s26, s13, $0xb8;
	[tilespmem:$0x18560] =	vst v63  }
0x7e: {  	_ =	swait.ge [sflag:s31], $0x1770  }
0x7f: {  	[sflag:s31] =	ssyncset.done $0x0  }
0x80: {  	[sflag:s31] =	ssyncadd.s32 $0xFFFFE890  }
0x81: {  	_ =	swait.ge [sflag:s31], $0x1770  }
0x82: {  	[sflag:s31] =	ssyncset.done $0x0  }
0x83: {  	[sflag:s31] =	ssyncadd.s32 $0xFFFFE890  }
0x84: {  	_ =	swait.ge [sflag:s31], $0x1770  }
0x85: {  	[sflag:s31] =	ssyncset.done $0x0  }
0x86: {  	[sflag:s31] =	ssyncadd.s32 $0xFFFFE890  }
0x87: {  	_ =	swait.ge [sflag:s31], $0x1770  }
0x88: {  	[sflag:s31] =	ssyncset.done $0x0  }
0x89: {  	[sflag:s31] =	ssyncadd.s32 $0xFFFFE890  }
0x8a: {  	[spmem:s2] =	stream.indirect.scatter.add.f32 [tilespmem:s14], [sflag:$0x3], $0x30, s12, s13, $0xb8;
	[tilespmem:$0x18560] =	vst v63  }
0x8b: {  	s17 =	simm.s32 $0x2880  }
0x8c: {  	[spmem:s2] =	stream.indirect.scatter.add.f32 [tilespmem:s16], [sflag:$0x3], $0x30, s17, s13, $0xb8;
	[tilespmem:$0x18560] =	vst v63  }
0x8d: {  	s26 =	simm.s32 $0x2900  }
0x8e: {  	[spmem:s2] =	stream.indirect.scatter.add.f32 [tilespmem:s18], [sflag:$0x3], $0x30, s26, s13, $0xb8;
	[tilespmem:$0x18560] =	vst v63  }
0x8f: {  	s17 =	simm.s32 $0x2980  }
0x90: {  	[spmem:s2] =	stream.indirect.scatter.add.f32 [tilespmem:s20], [sflag:$0x3], $0x30, s17, s13, $0xb8;
	[tilespmem:$0x18560] =	vst v63  }
0x91: {  	_ =	swait.ge [sflag:s19], $0x1770  }
0x92: {  	[sflag:s19] =	ssyncset.done $0x0  }
0x93: {  	[sflag:s19] =	ssyncadd.s32 $0xFFFFE890  }
0x94: {  	_ =	swait.ge [sflag:s19], $0x1770  }
0x95: {  	[sflag:s19] =	ssyncset.done $0x0  }
0x96: {  	[sflag:s19] =	ssyncadd.s32 $0xFFFFE890  }
0x97: {  	_ =	swait.ge [sflag:s19], $0x1770  }
0x98: {  	[sflag:s19] =	ssyncset.done $0x0  }
0x99: {  	[sflag:s19] =	ssyncadd.s32 $0xFFFFE890  }
0x9a: {  	_ =	swait.ge [sflag:s19], $0x1770  }
0x9b: {  	[sflag:s19] =	ssyncset.done $0x0  }
0x9c: {  	s26 =	simm.s32 $0x400;
	[sflag:s19] =	ssyncadd.s32 $0xFFFFE890  }
0x9d: {  	[tilespmem:s14], [sflag:$0x1] =	stream.indirect.gather [hbm4b:s4+s13], $0x30, s26, s13, $0xb8;
	[tilespmem:$0x18560] =	vst v63  }
0x9e: {  	s17 =	simm.s32 $0x480  }
0x9f: {  	[tilespmem:s16], [sflag:$0x1] =	stream.indirect.gather [hbm4b:s4+s13], $0x30, s17, s13, $0xb8;
	[tilespmem:$0x18560] =	vst v63  }
0xa0: {  	s26 =	simm.s32 $0x500  }
0xa1: {  	[tilespmem:s18], [sflag:$0x1] =	stream.indirect.gather [hbm4b:s4+s13], $0x30, s26, s13, $0xb8;
	[tilespmem:$0x18560] =	vst v63  }
0xa2: {  	s17 =	simm.s32 $0x580  }
0xa3: {  	[tilespmem:s20], [sflag:$0x1] =	stream.indirect.gather [hbm4b:s4+s13], $0x30, s17, s13, $0xb8;
	[tilespmem:$0x18560] =	vst v63  }
0xa4: {  	_ =	swait.ge [sflag:s21], $0x1770  }
0xa5: {  	[sflag:s21] =	ssyncset.done $0x0  }
0xa6: {  	[sflag:s21] =	ssyncadd.s32 $0xFFFFE890  }
0xa7: {  	_ =	swait.ge [sflag:s21], $0x1770  }
0xa8: {  	[sflag:s21] =	ssyncset.done $0x0  }
0xa9: {  	[sflag:s21] =	ssyncadd.s32 $0xFFFFE890  }
0xaa: {  	_ =	swait.ge [sflag:s21], $0x1770  }
0xab: {  	[sflag:s21] =	ssyncset.done $0x0  }
0xac: {  	[sflag:s21] =	ssyncadd.s32 $0xFFFFE890  }
0xad: {  	_ =	swait.ge [sflag:s21], $0x1770  }
0xae: {  	[sflag:s21] =	ssyncset.done $0x0  }
0xaf: {  	s26 =	simm.s32 $0x2A00;
	[sflag:s21] =	ssyncadd.s32 $0xFFFFE890  }
0xb0: {  	[spmem:s2] =	stream.indirect.scatter.add.f32 [tilespmem:s22], [sflag:$0x4], $0x30, s26, s13, $0xb8;
	[tilespmem:$0x18560] =	vst v63  }
0xb1: {  	s17 =	simm.s32 $0x2A80  }
0xb2: {  	[spmem:s2] =	stream.indirect.scatter.add.f32 [tilespmem:s24], [sflag:$0x4], $0x30, s17, s13, $0xb8;
	[tilespmem:$0x18560] =	vst v63  }
0xb3: {  	s26 =	simm.s32 $0x2B00  }
0xb4: {  	[spmem:s2] =	stream.indirect.scatter.add.f32 [tilespmem:s28], [sflag:$0x4], $0x30, s26, s13, $0xb8;
	[tilespmem:$0x18560] =	vst v63  }
0xb5: {  	s17 =	simm.s32 $0x2B80  }
0xb6: {  	[spmem:s2] =	stream.indirect.scatter.add.f32 [tilespmem:s30], [sflag:$0x4], $0x30, s17, s13, $0xb8;
	[tilespmem:$0x18560] =	vst v63  }
0xb7: {  	_ =	swait.ge [sflag:s23], $0x1770  }
0xb8: {  	[sflag:s23] =	ssyncset.done $0x0  }
0xb9: {  	[sflag:s23] =	ssyncadd.s32 $0xFFFFE890  }
0xba: {  	_ =	swait.ge [sflag:s23], $0x1770  }
0xbb: {  	[sflag:s23] =	ssyncset.done $0x0  }
0xbc: {  	[sflag:s23] =	ssyncadd.s32 $0xFFFFE890  }
0xbd: {  	_ =	swait.ge [sflag:s23], $0x1770  }
0xbe: {  	[sflag:s23] =	ssyncset.done $0x0  }
0xbf: {  	[sflag:s23] =	ssyncadd.s32 $0xFFFFE890  }
0xc0: {  	_ =	swait.ge [sflag:s23], $0x1770  }
0xc1: {  	[sflag:s23] =	ssyncset.done $0x0  }
0xc2: {  	s26 =	simm.s32 $0x600;
	[sflag:s23] =	ssyncadd.s32 $0xFFFFE890  }
0xc3: {  	[tilespmem:s22], [sflag:$0x2] =	stream.indirect.gather [hbm4b:s4+s13], $0x30, s26, s13, $0xb8;
	[tilespmem:$0x18560] =	vst v63  }
0xc4: {  	s17 =	simm.s32 $0x680  }
0xc5: {  	[tilespmem:s24], [sflag:$0x2] =	stream.indirect.gather [hbm4b:s4+s13], $0x30, s17, s13, $0xb8;
	[tilespmem:$0x18560] =	vst v63  }
0xc6: {  	s26 =	simm.s32 $0x700  }
0xc7: {  	[tilespmem:s28], [sflag:$0x2] =	stream.indirect.gather [hbm4b:s4+s13], $0x30, s26, s13, $0xb8;
	[tilespmem:$0x18560] =	vst v63  }
0xc8: {  	s17 =	simm.s32 $0x780  }
0xc9: {  	[tilespmem:s30], [sflag:$0x2] =	stream.indirect.gather [hbm4b:s4+s13], $0x30, s17, s13, $0xb8;
	[tilespmem:$0x18560] =	vst v63  }
0xca: {  	_ =	swait.ge [sflag:s31], $0x1770  }
0xcb: {  	[sflag:s31] =	ssyncset.done $0x0  }
0xcc: {  	[sflag:s31] =	ssyncadd.s32 $0xFFFFE890  }
0xcd: {  	_ =	swait.ge [sflag:s31], $0x1770  }
0xce: {  	[sflag:s31] =	ssyncset.done $0x0  }
0xcf: {  	[sflag:s31] =	ssyncadd.s32 $0xFFFFE890  }
0xd0: {  	_ =	swait.ge [sflag:s31], $0x1770  }
0xd1: {  	[sflag:s31] =	ssyncset.done $0x0  }
0xd2: {  	[sflag:s31] =	ssyncadd.s32 $0xFFFFE890  }
0xd3: {  	_ =	swait.ge [sflag:s31], $0x1770  }
0xd4: {  	[sflag:s31] =	ssyncset.done $0x0  }
0xd5: {  	s26 =	simm.s32 $0x2C00;
	[sflag:s31] =	ssyncadd.s32 $0xFFFFE890  }
0xd6: {  	[spmem:s2] =	stream.indirect.scatter.add.f32 [tilespmem:s14], [sflag:$0x3], $0x30, s26, s13, $0xb8;
	[tilespmem:$0x18560] =	vst v63  }
0xd7: {  	s17 =	simm.s32 $0x2C80  }
0xd8: {  	[spmem:s2] =	stream.indirect.scatter.add.f32 [tilespmem:s16], [sflag:$0x3], $0x30, s17, s13, $0xb8;
	[tilespmem:$0x18560] =	vst v63  }
0xd9: {  	s1 =	simm.s32 $0x2D80;
	s26 =	simm.s32 $0x2D00;
	s17 =	simm.s32 $0x1000  }
0xda: {  	[spmem:s2] =	stream.indirect.scatter.add.f32 [tilespmem:s18], [sflag:$0x3], $0x30, s26, s13, $0xb8;
	[tilespmem:$0x18560] =	vst v63  }
.LBB2_4:
0xdb: {  	[spmem:s2] =	stream.indirect.scatter.add.f32 [tilespmem:s20], [sflag:$0x3], $0x30, s1, s13, $0xb8;
	[tilespmem:$0x18560] =	vst v63  }
0xdc: {  	s1 =	smov.u32 s17  }
0xdd: {  	p0 =	sne.s32 s17, $0x8000;
	s17 =	sadd.s32 $0x1000, s17;
	_ =	swait.ge [sflag:s19], $0x1770  }
0xde: {  	[sflag:s19] =	ssyncset.done $0x0  }
0xdf: {  	[sflag:s19] =	ssyncadd.s32 $0xFFFFE890  }
0xe0: {  	_ =	swait.ge [sflag:s19], $0x1770  }
0xe1: {  	[sflag:s19] =	ssyncset.done $0x0  }
0xe2: {  	[sflag:s19] =	ssyncadd.s32 $0xFFFFE890  }
0xe3: {  	_ =	swait.ge [sflag:s19], $0x1770  }
0xe4: {  	[sflag:s19] =	ssyncset.done $0x0  }
0xe5: {  	[sflag:s19] =	ssyncadd.s32 $0xFFFFE890  }
0xe6: {  	_ =	swait.ge [sflag:s19], $0x1770  }
0xe7: {  	s1 =	sshra.s32 s1, $0x2;
	[sflag:s19] =	ssyncset.done $0x0  }
0xe8: {  	s26 =	sadd.s32 $0x400, s1;
	[sflag:s19] =	ssyncadd.s32 $0xFFFFE890  }
0xe9: {  	[tilespmem:s14], [sflag:$0x1] =	stream.indirect.gather [hbm4b:s4+s13], $0x30, s26, s13, $0xb8;
	[tilespmem:$0x18560] =	vst v63  }
0xea: {  	s26 =	sadd.s32 $0x480, s1  }
0xeb: {  	[tilespmem:s16], [sflag:$0x1] =	stream.indirect.gather [hbm4b:s4+s13], $0x30, s26, s13, $0xb8;
	[tilespmem:$0x18560] =	vst v63  }
0xec: {  	s26 =	sadd.s32 $0x500, s1  }
0xed: {  	[tilespmem:s18], [sflag:$0x1] =	stream.indirect.gather [hbm4b:s4+s13], $0x30, s26, s13, $0xb8;
	[tilespmem:$0x18560] =	vst v63  }
0xee: {  	s26 =	sadd.s32 $0x580, s1  }
0xef: {  	[tilespmem:s20], [sflag:$0x1] =	stream.indirect.gather [hbm4b:s4+s13], $0x30, s26, s13, $0xb8;
	[tilespmem:$0x18560] =	vst v63  }
0xf0: {  	_ =	swait.ge [sflag:s21], $0x1770  }
0xf1: {  	[sflag:s21] =	ssyncset.done $0x0  }
0xf2: {  	[sflag:s21] =	ssyncadd.s32 $0xFFFFE890  }
0xf3: {  	_ =	swait.ge [sflag:s21], $0x1770  }
0xf4: {  	[sflag:s21] =	ssyncset.done $0x0  }
0xf5: {  	[sflag:s21] =	ssyncadd.s32 $0xFFFFE890  }
0xf6: {  	_ =	swait.ge [sflag:s21], $0x1770  }
0xf7: {  	[sflag:s21] =	ssyncset.done $0x0  }
0xf8: {  	[sflag:s21] =	ssyncadd.s32 $0xFFFFE890  }
0xf9: {  	_ =	swait.ge [sflag:s21], $0x1770  }
0xfa: {  	[sflag:s21] =	ssyncset.done $0x0  }
0xfb: {  	s26 =	sadd.s32 $0x2A00, s1;
	[sflag:s21] =	ssyncadd.s32 $0xFFFFE890  }
0xfc: {  	[spmem:s2] =	stream.indirect.scatter.add.f32 [tilespmem:s22], [sflag:$0x4], $0x30, s26, s13, $0xb8;
	[tilespmem:$0x18560] =	vst v63  }
0xfd: {  	s26 =	sadd.s32 $0x2A80, s1  }
0xfe: {  	[spmem:s2] =	stream.indirect.scatter.add.f32 [tilespmem:s24], [sflag:$0x4], $0x30, s26, s13, $0xb8;
	[tilespmem:$0x18560] =	vst v63  }
0xff: {  	s26 =	sadd.s32 $0x2B00, s1  }
0x100: {  	[spmem:s2] =	stream.indirect.scatter.add.f32 [tilespmem:s28], [sflag:$0x4], $0x30, s26, s13, $0xb8;
	[tilespmem:$0x18560] =	vst v63  }
0x101: {  	s26 =	sadd.s32 $0x2B80, s1  }
0x102: {  	[spmem:s2] =	stream.indirect.scatter.add.f32 [tilespmem:s30], [sflag:$0x4], $0x30, s26, s13, $0xb8;
	[tilespmem:$0x18560] =	vst v63  }
0x103: {  	_ =	swait.ge [sflag:s23], $0x1770  }
0x104: {  	[sflag:s23] =	ssyncset.done $0x0  }
0x105: {  	[sflag:s23] =	ssyncadd.s32 $0xFFFFE890  }
0x106: {  	_ =	swait.ge [sflag:s23], $0x1770  }
0x107: {  	[sflag:s23] =	ssyncset.done $0x0  }
0x108: {  	[sflag:s23] =	ssyncadd.s32 $0xFFFFE890  }
0x109: {  	_ =	swait.ge [sflag:s23], $0x1770  }
0x10a: {  	[sflag:s23] =	ssyncset.done $0x0  }
0x10b: {  	[sflag:s23] =	ssyncadd.s32 $0xFFFFE890  }
0x10c: {  	_ =	swait.ge [sflag:s23], $0x1770  }
0x10d: {  	[sflag:s23] =	ssyncset.done $0x0  }
0x10e: {  	s26 =	sadd.s32 $0x600, s1;
	[sflag:s23] =	ssyncadd.s32 $0xFFFFE890  }
0x10f: {  	[tilespmem:s22], [sflag:$0x2] =	stream.indirect.gather [hbm4b:s4+s13], $0x30, s26, s13, $0xb8;
	[tilespmem:$0x18560] =	vst v63  }
0x110: {  	s26 =	sadd.s32 $0x680, s1  }
0x111: {  	[tilespmem:s24], [sflag:$0x2] =	stream.indirect.gather [hbm4b:s4+s13], $0x30, s26, s13, $0xb8;
	[tilespmem:$0x18560] =	vst v63  }
0x112: {  	s26 =	sadd.s32 $0x700, s1  }
0x113: {  	[tilespmem:s28], [sflag:$0x2] =	stream.indirect.gather [hbm4b:s4+s13], $0x30, s26, s13, $0xb8;
	[tilespmem:$0x18560] =	vst v63  }
0x114: {  	s26 =	sadd.s32 $0x780, s1  }
0x115: {  	[tilespmem:s30], [sflag:$0x2] =	stream.indirect.gather [hbm4b:s4+s13], $0x30, s26, s13, $0xb8;
	[tilespmem:$0x18560] =	vst v63  }
0x116: {  	_ =	swait.ge [sflag:s31], $0x1770  }
0x117: {  	[sflag:s31] =	ssyncset.done $0x0  }
0x118: {  	[sflag:s31] =	ssyncadd.s32 $0xFFFFE890  }
0x119: {  	_ =	swait.ge [sflag:s31], $0x1770  }
0x11a: {  	[sflag:s31] =	ssyncset.done $0x0  }
0x11b: {  	[sflag:s31] =	ssyncadd.s32 $0xFFFFE890  }
0x11c: {  	_ =	swait.ge [sflag:s31], $0x1770  }
0x11d: {  	[sflag:s31] =	ssyncset.done $0x0  }
0x11e: {  	[sflag:s31] =	ssyncadd.s32 $0xFFFFE890  }
0x11f: {  	_ =	swait.ge [sflag:s31], $0x1770  }
0x120: {  	[sflag:s31] =	ssyncset.done $0x0  }
0x121: {  	s26 =	sadd.s32 $0x2C00, s1;
	[sflag:s31] =	ssyncadd.s32 $0xFFFFE890  }
0x122: {  	[spmem:s2] =	stream.indirect.scatter.add.f32 [tilespmem:s14], [sflag:$0x3], $0x30, s26, s13, $0xb8;
	[tilespmem:$0x18560] =	vst v63  }
.Ltmp1:
0x123: {  	s26 =	sadd.s32 $0x2C80, s1;
	(pc) =	sbr.rel @p0 .LBB2_4-.Ltmp1, $4  }
0x124: {  	[spmem:s2] =	stream.indirect.scatter.add.f32 [tilespmem:s16], [sflag:$0x3], $0x30, s26, s13, $0xb8;
	[tilespmem:$0x18560] =	vst v63  }
0x125: {  	s26 =	sadd.s32 $0x2D00, s1  }
0x126: {  	[spmem:s2] =	stream.indirect.scatter.add.f32 [tilespmem:s18], [sflag:$0x3], $0x30, s26, s13, $0xb8;
	[tilespmem:$0x18560] =	vst v63  }
0x127: {  	s1 =	sadd.s32 $0x2D80, s1  }
0x128: {  	[spmem:s2] =	stream.indirect.scatter.add.f32 [tilespmem:s20], [sflag:$0x3], $0x30, s1, s13, $0xb8;
	[tilespmem:$0x18560] =	vst v63  }
0x129: {  	_ =	swait.ge [sflag:s19], $0x1770  }
0x12a: {  	[sflag:s19] =	ssyncset.done $0x0  }
0x12b: {  	[sflag:s19] =	ssyncadd.s32 $0xFFFFE890  }
0x12c: {  	_ =	swait.ge [sflag:s19], $0x1770  }
0x12d: {  	[sflag:s19] =	ssyncset.done $0x0  }
0x12e: {  	[sflag:s19] =	ssyncadd.s32 $0xFFFFE890  }
0x12f: {  	_ =	swait.ge [sflag:s19], $0x1770  }
0x130: {  	[sflag:s19] =	ssyncset.done $0x0  }
0x131: {  	[sflag:s19] =	ssyncadd.s32 $0xFFFFE890  }
0x132: {  	_ =	swait.ge [sflag:s19], $0x1770  }
0x133: {  	[sflag:s19] =	ssyncset.done $0x0  }
0x134: {  	[sflag:s19] =	ssyncadd.s32 $0xFFFFE890  }
0x135: {  	_ =	swait.ge [sflag:s21], $0x1770  }
0x136: {  	[sflag:s21] =	ssyncset.done $0x0  }
0x137: {  	[sflag:s21] =	ssyncadd.s32 $0xFFFFE890  }
0x138: {  	_ =	swait.ge [sflag:s21], $0x1770  }
0x139: {  	[sflag:s21] =	ssyncset.done $0x0  }
0x13a: {  	[sflag:s21] =	ssyncadd.s32 $0xFFFFE890  }
0x13b: {  	_ =	swait.ge [sflag:s21], $0x1770  }
0x13c: {  	[sflag:s21] =	ssyncset.done $0x0  }
0x13d: {  	[sflag:s21] =	ssyncadd.s32 $0xFFFFE890  }
0x13e: {  	_ =	swait.ge [sflag:s21], $0x1770  }
0x13f: {  	[sflag:s21] =	ssyncset.done $0x0  }
0x140: {  	s17 =	simm.s32 $0x4E00;
	[sflag:s21] =	ssyncadd.s32 $0xFFFFE890  }
0x141: {  	[spmem:s2] =	stream.indirect.scatter.add.f32 [tilespmem:s22], [sflag:$0x4], $0x30, s17, s13, $0xb8;
	[tilespmem:$0x18560] =	vst v63  }
0x142: {  	_ = 	snop  }
0x143: {  	[spmem:s2] =	stream.indirect.scatter.add.f32 [tilespmem:s24], [sflag:$0x4], $0x30, s29, s13, $0xb8;
	[tilespmem:$0x18560] =	vst v63  }
0x144: {  	_ = 	snop  }
0x145: {  	[spmem:s2] =	stream.indirect.scatter.add.f32 [tilespmem:s28], [sflag:$0x4], $0x30, s0, s13, $0xb8;
	[tilespmem:$0x18560] =	vst v63  }
0x146: {  	_ = 	snop  }
0x147: {  	[spmem:s2] =	stream.indirect.scatter.add.f32 [tilespmem:s30], [sflag:$0x4], $0x30, s15, s13, $0xb8;
	[tilespmem:$0x18560] =	vst v63  }
0x148: {  	_ =	swait.ge [sflag:s23], $0x1770  }
0x149: {  	[sflag:s23] =	ssyncset.done $0x0  }
0x14a: {  	[sflag:s23] =	ssyncadd.s32 $0xFFFFE890  }
0x14b: {  	_ =	swait.ge [sflag:s23], $0x1770  }
0x14c: {  	[sflag:s23] =	ssyncset.done $0x0  }
0x14d: {  	[sflag:s23] =	ssyncadd.s32 $0xFFFFE890  }
0x14e: {  	_ =	swait.ge [sflag:s23], $0x1770  }
0x14f: {  	[sflag:s23] =	ssyncset.done $0x0  }
0x150: {  	[sflag:s23] =	ssyncadd.s32 $0xFFFFE890  }
0x151: {  	_ =	swait.ge [sflag:s23], $0x1770  }
0x152: {  	s26 =	stileid.u32;
	s3 =	sadd.s32 $0x1, s3;
	[sflag:s23] =	ssyncset.done $0x0  }
0x153: {  	s1 =	sshll.u32 s26, $0x6;
	p0 =	sne.s32 s3, s8;
	[sflag:s23] =	ssyncadd.s32 $0xFFFFE890  }
.Ltmp2:
0x154: {  	s1 =	sor.u32 $0x1C05, s1;
	[bflag:$0x0] =	sbarrier.arrive $0xFFFF;
	(pc) =	sbr.rel @p0 .LBB2_1-.Ltmp2, $4  }
0x155: {  	[hbm:s7], [sflag:s1] =	dma.local [spmem:s25], $0xEA6  }
0x156: {  	_ =	swait.ge [sflag:s11], $0xEA6  }
0x157: {  	[sflag:s11] =	ssyncset.done $0x0  }
0x158: {  	[sflag:s11] =	ssyncadd.s32 $0xFFFFF15A  }
0x159: {  	_ =	sfence.sel $0x180000  }
0x15a: {  	[bflag:$0x0] =	sbarrier.arrive $0xFFFF  }
0x15b: {  	_ =	strace $0x9000004A  }
0x15c: {  	s0 =	stileid.u32;
	[bflag:$0x2] =	sbarrier.arrive $0xFFFF  }
0x15d: {  	p0 =	sne.s32 s0, $0x0;
	s0 =	rddreg [dreg:$0x2]  }
0x15e: {  	s0 =	sadd.s32 @!p0 $0x100000, s0  }
0x15f: {  	[sflag:s0] =	ssyncadd.tile.s32 @!p0 $0x1;
	_ =	shalt  }
.Lfunc_end2:
_tile_overlayer_lowered:
.L_overlay_start_2:
0x160: {  	(tag) =	ssettag $0x2  }
0x161: {  	s0 =	rddreg [dreg:$0x0];
	s2 =	stileid.u32  }
0x162: {  	s1 =	rddreg [dreg:$0x1];
	p0 =	sne.s32 s2, $0x0  }
0x163: {  	s3 =	rddreg [dreg:$0x2];
	[bflag:$0x3] =	sbarrier.arrive $0xFFFF;
	s2 =	simm.s32 @!p0 $0x1C05  }
0x164: {  	[timem:s3], [sflag:s2] =	dma.local @!p0 [hbm:s0], s1  }
0x165: {  	s0 =	simm.s32 @!p0 $0x5  }
0x166: {  	_ =	swait.ge @!p0 [sflag:s0], s1  }
0x167: {  	s1 =	ssub.s32 @!p0 $0x0, s1;
	[sflag:s0] =	ssyncset.done @!p0 $0x0  }
0x168: {  	[sflag:s0] =	ssyncadd.s32 @!p0 s1  }
0x169: {  	[bflag:$0x3] =	sbarrier.arrive $0xFFFF  }
0x16a: {  	_ =	shalt  }

// kernel: kernel.16.cloned.1.call-start
scs
__scs_entry_jumppad:
0x0: {  	(pc) =	sbr.rel $0x88, $3  }
0x1: {  	(tag) =	ssettag $0x0;
	lr =	simm.s32 $0x1  }
0x2: {  	[smem:$0x3F9B] =	sst lr;
	_ =	strace $0xD0000000  }
0x3: {  	_ = 	snop  }
0x4: {  	_ = 	snop  }
0x5: {  	_ = 	snop  }
0x6: {  	_ = 	snop  }
0x7: {  	_ = 	snop  }
__scs_overlays_trampoline_lowered:
0x8: {  	[smem:$0x3FAA] =	sst s0  }
0x9: {  	[smem:$0x3FAB] =	sst s1  }
0xa: {  	[smem:$0x3FAC] =	sst s2  }
0xb: {  	[smem:$0x3FAD] =	sst s3  }
0xc: {  	[smem:$0x3FAE] =	sst s4  }
0xd: {  	[smem:$0x3FAF] =	sst s5  }
0xe: {  	[smem:$0x3FB0] =	sst s6  }
0xf: {  	[smem:$0x3FB1] =	sst s7  }
0x10: {  	[smem:$0x3FB2] =	sst s8  }
0x11: {  	[smem:$0x3FB3] =	sst s9;
	s0 =	simm.s32 @!p0 $0x0  }
0x12: {  	s1 =	sld [smem:$0x3F99];
	s0 =	simm.s32 @p0 $0x1  }
0x13: {  	[smem:$0x3FB4] =	sst s0;
	s0 =	simm.s32 @!p1 $0x0  }
0x14: {  	s2 =	sld [smem:$0x3F98];
	s0 =	simm.s32 @p1 $0x1  }
0x15: {  	[smem:$0x3FB5] =	sst s0;
	s0 =	simm.s32 @!p2 $0x0  }
0x16: {  	s3 =	sld [smem:$0x3FDB];
	s0 =	simm.s32 @p2 $0x1  }
0x17: {  	s4 =	simm.s32 $0x1BF5;
	[smem:$0x3FB7] =	sst s0  }
0x18: {  	s0 =	sld [smem:$0x3F9A];
	_ =	swait.ge [sflag:s4], $0x0  }
0x19: {  	s7 =	sld [smem:$0x3F9B]  }
0x1a: {  	s8 =	sadd.s32 $0xFFFFE003, lr  }
0x1b: {  	s9 =	sadd.s32 $0xFFFFFEF7, lr;
	s5 =	simm.s32 $0xFFFFFFFF;
	p2 =	slt.u32 s8, $0xFFFFF086  }
0x1c: {  	p1 =	slt.u32 s9, $0xF7A;
	s5 =	simm.s32 @!p2 $0x0  }
0x1d: {  	s5 =	simm.s32 @p1 $0x1;
	p0 =	seq.s32 s7, s2  }
0x1e: {  	s7 =	smul.u32 @!p0 $0xF7A, s2;
	p2 =	seq.s32 @!p0 s5, $0x0  }
0x1f: {  	s9 =	smul.u32 $0xF7A, s1;
	s8 =	simm.s32 @!p0 $0x1BF5;
	p2 =	por !p2, p0  }
0x20: {  	[sflag:s8] =	ssyncset.s32 @!p0 $0xFFFFF086;
	s6 =	sadd.s32 @!p0 s3, s7;
	s7 =	simm.s32 @!p0 $0x108  }
0x21: {  	s3 =	sadd.s32 s3, s9;
	s6 =	sadd.s32 @!p0 $0x88, s6;
	s7 =	simm.s32 @p2 $0x1082  }
0x22: {  	[simem:s7], [sflag:s8] =	dma.local @!p0 [hbm:s6], $0xF7A  }
0x23: {  	s9 =	sor.u32 $0xD0000000, s2;
	s6 =	simm.s32 $0x108;
	_ =	swait.ge @!p0 [sflag:s8], $0x0  }
0x24: {  	s3 =	sadd.s32 $0x88, s3;
	s6 =	simm.s32 @!p1 $0x1082;
	[sflag:s4] =	ssyncset.s32 $0xFFFFF086  }
0x25: {  	[simem:s6], [sflag:s4] =	dma.local [hbm:s3], $0xF7A  }
0x26: {  	[smem:$0x3F9B] =	sst s1;
	(tag) =	ssettag s2;
	_ =	strace s9  }
0x27: {  	s1 =	sld [smem:$0x3FAB]  }
0x28: {  	s2 =	sld [smem:$0x3FAC]  }
0x29: {  	s4 =	sld [smem:$0x3FAE]  }
0x2a: {  	p0 =	seq.s32 s5, $0x0;
	s5 =	sld [smem:$0x3FAF]  }
0x2b: {  	s6 =	sld [smem:$0x3FB0]  }
0x2c: {  	s7 =	sld [smem:$0x3FB1]  }
0x2d: {  	s3 =	simm.s32 $0x108;
	s8 =	sld [smem:$0x3FB2]  }
0x2e: {  	s3 =	simm.s32 @!p0 $0x1082;
	s9 =	sld [smem:$0x3FB3]  }
0x2f: {  	lr =	sadd.s32 s0, s3;
	s0 =	sld [smem:$0x3FAA]  }
0x30: {  	s3 =	sld [smem:$0x3FAD]  }
0x31: {  	[smem:$0x3FB6] =	sst s10  }
0x32: {  	s10 =	sld [smem:$0x3FB4];
	_ =	sdelay $0x3  }
0x33: {  	p0 =	seq.s32 s10, $0x1;
	s10 =	sld [smem:$0x3FB6];
	_ =	sdelay $0x3  }
0x34: {  	[smem:$0x3FB6] =	sst s10  }
0x35: {  	s10 =	sld [smem:$0x3FB5];
	_ =	sdelay $0x3  }
0x36: {  	p1 =	seq.s32 s10, $0x1;
	s10 =	sld [smem:$0x3FB6];
	_ =	sdelay $0x3  }
0x37: {  	[smem:$0x3FB6] =	sst s10  }
0x38: {  	s10 =	sld [smem:$0x3FB7]  }
0x39: {  	_ = 	snop;
	(pc) =	sbr.ind lr, $3  }
0x3a: {  	_ = 	snop  }
0x3b: {  	_ = 	snop  }
0x3c: {  	p2 =	seq.s32 s10, $0x1;
	s10 =	sld [smem:$0x3FB6]  }
0x3d: {  	_ =	shalt  }
0x3e: {  	_ =	shalt  }
0x3f: {  	_ =	shalt  }
0x40: {  	_ =	shalt  }
0x41: {  	_ =	shalt  }
0x42: {  	_ =	shalt  }
0x43: {  	_ =	shalt  }
0x44: {  	_ =	shalt  }
0x45: {  	_ =	shalt  }
0x46: {  	_ =	shalt  }
0x47: {  	_ =	shalt  }
0x48: {  	_ =	shalt  }
0x49: {  	_ =	shalt  }
0x4a: {  	_ =	shalt  }
0x4b: {  	_ =	shalt  }
0x4c: {  	_ =	shalt  }
0x4d: {  	_ =	shalt  }
0x4e: {  	_ =	shalt  }
0x4f: {  	_ =	shalt  }
0x50: {  	_ =	shalt  }
0x51: {  	_ =	shalt  }
0x52: {  	_ =	shalt  }
0x53: {  	_ =	shalt  }
0x54: {  	_ =	shalt  }
0x55: {  	_ =	shalt  }
0x56: {  	_ =	shalt  }
0x57: {  	_ =	shalt  }
0x58: {  	_ =	shalt  }
0x59: {  	_ =	shalt  }
0x5a: {  	_ =	shalt  }
0x5b: {  	_ =	shalt  }
0x5c: {  	_ =	shalt  }
0x5d: {  	_ =	shalt  }
0x5e: {  	_ =	shalt  }
0x5f: {  	_ =	shalt  }
0x60: {  	_ =	shalt  }
0x61: {  	_ =	shalt  }
0x62: {  	_ =	shalt  }
0x63: {  	_ =	shalt  }
0x64: {  	_ =	shalt  }
0x65: {  	_ =	shalt  }
0x66: {  	_ =	shalt  }
0x67: {  	_ =	shalt  }
0x68: {  	_ =	shalt  }
0x69: {  	_ =	shalt  }
0x6a: {  	_ =	shalt  }
0x6b: {  	_ =	shalt  }
0x6c: {  	_ =	shalt  }
0x6d: {  	_ =	shalt  }
0x6e: {  	_ =	shalt  }
0x6f: {  	_ =	shalt  }
0x70: {  	_ =	shalt  }
0x71: {  	_ =	shalt  }
0x72: {  	_ =	shalt  }
0x73: {  	_ =	shalt  }
0x74: {  	_ =	shalt  }
0x75: {  	_ =	shalt  }
0x76: {  	_ =	shalt  }
0x77: {  	_ =	shalt  }
0x78: {  	_ =	shalt  }
0x79: {  	_ =	shalt  }
0x7a: {  	_ =	shalt  }
0x7b: {  	_ =	shalt  }
0x7c: {  	_ =	shalt  }
0x7d: {  	_ =	shalt  }
0x7e: {  	_ =	shalt  }
0x7f: {  	_ =	shalt  }
0x80: {  	_ =	shalt  }
0x81: {  	_ =	shalt  }
0x82: {  	_ =	shalt  }
0x83: {  	_ =	shalt  }
0x84: {  	_ =	shalt  }
0x85: {  	_ =	shalt  }
0x86: {  	_ =	shalt  }
0x87: {  	_ =	shalt  }
.Lfunc_end0:
.L_simem_size_0:
called_computation.2_lowered:
.L_overlay_start_0:
0x88: {  	s2 =	sld [smem:$0x3FD9]  }
0x89: {  	s3 =	sld [smem:$0x3FFE];
	_ =	sdelay $0x1  }
0x8a: {  	s1 =	srdreg.scid  }
0x8b: {  	s0 =	sand.u32 $0x1, s1  }
0x8c: {  	s17 =	sshll.u32 s0, $0xA;
	s2 =	sadd.s32 s3, s2  }
0x8d: {  	s2 =	sadd.s32 s2, s17  }
0x8e: {  	[smem:$0x3FC2] =	sst s2  }
0x8f: {  	_ = 	snop  }
0x90: {  	s2 =	sld [smem:$0x3FD0];
	(tm) =	ssettm $0x1  }
0x91: {  	s18 =	sld [smem:$0x3FFB];
	_ =	sdelay $0x3  }
0x92: {  	_ =	strace s18  }
0x93: {  	s3 =	sld [smem:$0x3FFC];
	_ =	sdelay $0x3  }
0x94: {  	_ =	strace s3  }
0x95: {  	s3 =	sld [smem:$0x3FFD];
	_ =	sdelay $0x3  }
0x96: {  	_ =	strace s3  }
0x97: {  	_ =	strace $0x8FFFFFFF  }
0x98: {  	s19 =	sld [smem:$0x3FDB];
	_ =	sdelay $0x1  }
0x99: {  	s4 =	simm.s32 $_scs_section_size  }
0x9a: {  	s5 =	simm.s32 $_size__tile_overlayer_lowered;
	s6 =	simm.s32 $_tile_overlayer_lowered  }
0x9b: {  	s22 =	simm.s32 $0x1BFF;
	s21 =	sshll.u32 s6, $0x1;
	s3 =	sadd.s32 s4, s19  }
0x9c: {  	s7 =	simm.s32 $0x0;
	s20 =	sshll.u32 s5, $0x1;
	s5 =	sadd.s32 s21, s3  }
0x9d: {  	[timem:s7], [sflag:s22] =	dma.local [hbm:s5], s20  }
0x9e: {  	_ =	swait.ge [sflag:s22], s20  }
0x9f: {  	s4 =	ssub.s32 $0x0, s20;
	[sflag:s22] =	ssyncset.done $0x0  }
0xa0: {  	[sflag:s22] =	ssyncadd.s32 s4;
	_ =	sdelay $0x1  }
0xa1: {  	s23 =	simm.s32 $0x1B8B  }
0xa2: {  	_ =	swait.ge [sflag:s23], $0x1  }
0xa3: {  	[sflag:s23] =	ssyncset.done $0x0  }
0xa4: {  	s25 =	simm.s32 $0x1B8E;
	s24 =	sld [smem:$0x3FFE];
	[sflag:s23] =	ssyncadd.s32 $0xFFFFFFFF  }
0xa5: {  	s26 =	simm.s32 $execute0_lowered;
	[smem:$0x3FD2] =	sst s25  }
0xa6: {  	s5 =	sshll.u32 s26, $0x1;
	_ =	strace $0x8000004C;
	[dreg:$0x1] =	wrdreg $0xFFFFFFFF  }
0xa7: {  	s28 =	simm.s32 $_size_execute0_lowered;
	s3 =	sadd.s32 s3, s5;
	[dreg:$0x0] =	wrdreg $0x0  }
0xa8: {  	s5 =	sshll.u32 s28, $0x1;
	[dreg:$0x2] =	wrdreg s3  }
0xa9: {  	[dreg:$0x3] =	wrdreg s5  }
0xaa: {  	[dreg:$0x4] =	wrdreg $0xC0  }
0xab: {  	_ =	task [dreg:s7], $0x5FFFF  }
0xac: {  	[dreg:$0x1] =	wrdreg $0xFFFFFFFF  }
0xad: {  	[dreg:$0x0] =	wrdreg $0x60  }
0xae: {  	[dreg:$0x2] =	wrdreg s2  }
0xaf: {  	[dreg:$0x3] =	wrdreg s24  }
0xb0: {  	[dreg:$0x4] =	wrdreg $0xF0280  }
0xb1: {  	[dreg:$0x5] =	wrdreg $0x9  }
0xb2: {  	_ =	task.clear_ibuf [dreg:s7], $0x6FFFF;
	_ =	strace $0x9000004C  }
0xb3: {  	s29 =	simm.s32 $0x9;
	_ =	strace $0x8000004E  }
0xb4: {  	_ =	swait.ge [sflag:s29], $0x1  }
0xb5: {  	[sflag:s29] =	ssyncadd.s32 $0xFFFFFFFF  }
0xb6: {  	_ =	strace $0x9000004E  }
0xb7: {  	_ =	sfence  }
0xb8: {  	s30 =	sld [smem:$0x0];
	_ =	sdelay $0x2  }
0xb9: {  	s31 =	sshll.u32 s1, $0xD;
	s1 =	sshrl.u32 s1, $0x2  }
0xba: {  	s3 =	sand.u32 $0x4000, s31;
	s1 =	sadd.s32 s1, s30  }
0xbb: {  	s0 =	sor.u32 s3, s0;
	s1 =	sshll.u32 s1, $0x11  }
0xbc: {  	s0 =	sor.u32 s1, s0  }
0xbd: {  	s0 =	sadd.s32 $0x8F2B, s0  }
0xbe: {  	[sflag:s0] =	ssyncadd.remote.s32 $0x1  }
0xbf: {  	_ =	sfence.sel $0xFFFF  }
0xc0: {  	[dreg:$0x0] =	wrdreg $0xFFFFFFFF;
	(pc) =	sbr.abs _section_cstart, $3  }
0xc1: {  	[dreg:$0x1] =	wrdreg $0xFFFFFFFF  }
0xc2: {  	_ =	task.clear_ibuf [dreg:s7], $0x2FFFF;
	_ =	strace $0x9FFFFFFF  }
0xc3: {  	(tm) =	ssettm $0x7FFFFFFF  }
tec
execute0_lowered:
.L_overlay_start_1:
0x0: {  	(tag) =	ssettag $0x1  }
0x1: {  	s2 =	rddreg [dreg:$0x0]  }
0x2: {  	s0 =	rddreg [dreg:$0x1]  }
0x3: {  	s1 =	srdreg.scid;
	s3 =	rddreg [dreg:$0x2]  }
0x4: {  	s9 =	stileid.u32;
	s4 =	simm.s32 $0x0;
	s10 =	simm.s32 $0xEC40  }
0x5: {  	s11 =	simm.s32 $0x5;
	s12 =	simm.s32 $0x2800;
	s13 =	simm.s32 $0x7D  }
0x6: {  	s14 =	simm.s32 $0x5000;
	s16 =	simm.s32 $0x6388;
	s18 =	simm.s32 $0x7710  }
0x7: {  	s20 =	simm.s32 $0x8A98;
	s22 =	simm.s32 $0x9E20;
	s28 =	simm.s32 $0xC530  }
0x8: {  	s30 =	simm.s32 $0xD8B8;
	s31 =	simm.s32 $0x1;
	s19 =	simm.s32 $0x3  }
0x9: {  	s21 =	simm.s32 $0x2;
	s23 =	simm.s32 $0x4;
	s29 =	simm.s32 $0x4E80  }
0xa: {  	s15 =	simm.s32 $0x4F80;
	s1 =	sand.u32 $0x1, s1;
	s8 =	smul.u32 $0x61A8, s9  }
0xb: {  	s5 =	sshll.u32 s9, $0x1;
	[smem:$0x7FF] =	sst s4;
	s9 =	smul.u32 $0x186A0, s9  }
0xc: {  	s6 =	smul.u32 $0x61A80, s1;
	s5 =	sor.u32 s1, s5;
	s1 =	ssub.s32 $0x2, s1  }
0xd: {  	_ =	strace $0x8000004D;
	s5 =	smul.u32 $0x500, s5;
	s25 =	sshrl.u32 s1, $0x1  }
0xe: {  	s26 =	sadd.s32 s8, s3;
	s9 =	sshrl.u32 s9, $0x2;
	s6 =	sadd.s32 s8, s6  }
0xf: {  	s1 =	ssub.s32 s1, s25;
	s9 =	sadd.s32 s9, s3;
	s25 =	sshrl.u32 s26, $0x3  }
0x10: {  	s7 =	sadd.s32 s5, s0;
	s24 =	sshrl.u32 s6, $0x3;
	s8 =	smax.u32 s1, $0x1  }
0x11: {  	s0 =	sadd.s32 s24, s0;
	s5 =	sadd.s32 $0xB600, s7;
	s6 =	sadd.s32 $0x1600, s7  }
0x12: {  	v0 =	vimm.f32 $0.0e+00;
	s24 =	simm.s32 $0xB1A8;
	s7 =	sadd.s32 $0x15600, s0;
	s0 =	simm.s32 $0x4F00  }
.LBB2_1:
0x13: {  	[tilespmem:$0xEC40] =	vst v0  }
0x14: {  	[tilespmem:$0xEC50] =	vst v0  }
0x15: {  	[tilespmem:$0xEC68] =	vst v0  }
0x16: {  	[tilespmem:$0xEC78] =	vst v0  }
0x17: {  	[tilespmem:$0xEC90] =	vst v0  }
0x18: {  	[tilespmem:$0xECA0] =	vst v0  }
0x19: {  	[tilespmem:$0xECB8] =	vst v0  }
0x1a: {  	[tilespmem:$0xECC8] =	vst v0  }
0x1b: {  	[tilespmem:$0xECE0] =	vst v0  }
0x1c: {  	[tilespmem:$0xECF0] =	vst v0  }
0x1d: {  	[tilespmem:$0xED08] =	vst v0  }
0x1e: {  	[tilespmem:$0xED18] =	vst v0  }
0x1f: {  	[tilespmem:$0xED30] =	vst v0  }
0x20: {  	[tilespmem:$0xED40] =	vst v0  }
0x21: {  	[tilespmem:$0xED58] =	vst v0  }
0x22: {  	[tilespmem:$0xED68] =	vst v0  }
0x23: {  	[tilespmem:$0xED80] =	vst v0  }
0x24: {  	[tilespmem:$0xED90] =	vst v0  }
0x25: {  	[tilespmem:$0xEDA8] =	vst v0  }
0x26: {  	[tilespmem:$0xEDB8] =	vst v0  }
0x27: {  	[tilespmem:$0xEDD0] =	vst v0  }
0x28: {  	[tilespmem:$0xEDE0] =	vst v0  }
0x29: {  	[tilespmem:$0xEDF8] =	vst v0  }
0x2a: {  	[tilespmem:$0xEE08] =	vst v0  }
0x2b: {  	[tilespmem:$0xEE20] =	vst v0  }
0x2c: {  	[tilespmem:$0xEE30] =	vst v0  }
0x2d: {  	[tilespmem:$0xEE48] =	vst v0  }
0x2e: {  	[tilespmem:$0xEE58] =	vst v0  }
0x2f: {  	[tilespmem:$0xEE70] =	vst v0  }
0x30: {  	[tilespmem:$0xEE80] =	vst v0  }
0x31: {  	[tilespmem:$0xEE98] =	vst v0  }
0x32: {  	[tilespmem:$0xEEA8] =	vst v0  }
0x33: {  	[tilespmem:$0xEEC0] =	vst v0  }
0x34: {  	[tilespmem:$0xEED0] =	vst v0  }
0x35: {  	[tilespmem:$0xEEE8] =	vst v0  }
0x36: {  	[tilespmem:$0xEEF8] =	vst v0  }
0x37: {  	[tilespmem:$0xEF10] =	vst v0  }
0x38: {  	[tilespmem:$0xEF20] =	vst v0  }
0x39: {  	[tilespmem:$0xEF38] =	vst v0  }
0x3a: {  	[tilespmem:$0xEF48] =	vst v0  }
0x3b: {  	[tilespmem:$0xEF60] =	vst v0  }
0x3c: {  	[tilespmem:$0xEF70] =	vst v0  }
0x3d: {  	[tilespmem:$0xEF88] =	vst v0  }
0x3e: {  	[tilespmem:$0xEF98] =	vst v0  }
0x3f: {  	[tilespmem:$0xEFB0] =	vst v0  }
0x40: {  	[tilespmem:$0xEFC0] =	vst v0  }
0x41: {  	[tilespmem:$0xEFD8] =	vst v0  }
0x42: {  	[tilespmem:$0xEFE8] =	vst v0  }
0x43: {  	[tilespmem:$0xF000] =	vst v0  }
0x44: {  	[tilespmem:$0xF010] =	vst v0  }
0x45: {  	[tilespmem:$0xEC58] =	vst v0  }
0x46: {  	[tilespmem:$0xEC80] =	vst v0  }
0x47: {  	[tilespmem:$0xECA8] =	vst v0  }
0x48: {  	[tilespmem:$0xECD0] =	vst v0  }
0x49: {  	[tilespmem:$0xECF8] =	vst v0  }
0x4a: {  	[tilespmem:$0xED20] =	vst v0  }
0x4b: {  	[tilespmem:$0xED48] =	vst v0  }
0x4c: {  	[tilespmem:$0xED70] =	vst v0  }
0x4d: {  	[tilespmem:$0xED98] =	vst v0  }
0x4e: {  	[tilespmem:$0xEDC0] =	vst v0  }
0x4f: {  	[tilespmem:$0xEDE8] =	vst v0  }
0x50: {  	[tilespmem:$0xEE10] =	vst v0  }
0x51: {  	[tilespmem:$0xEE38] =	vst v0  }
0x52: {  	[tilespmem:$0xEE60] =	vst v0  }
0x53: {  	[tilespmem:$0xEE88] =	vst v0  }
0x54: {  	[tilespmem:$0xEEB0] =	vst v0  }
0x55: {  	[tilespmem:$0xEED8] =	vst v0  }
0x56: {  	[tilespmem:$0xEF00] =	vst v0  }
0x57: {  	[tilespmem:$0xEF28] =	vst v0  }
0x58: {  	[tilespmem:$0xEF50] =	vst v0  }
0x59: {  	[tilespmem:$0xEF78] =	vst v0  }
0x5a: {  	[tilespmem:$0xEFA0] =	vst v0  }
0x5b: {  	[tilespmem:$0xEFC8] =	vst v0  }
0x5c: {  	[tilespmem:$0xEFF0] =	vst v0  }
0x5d: {  	s1 =	sadd.s32 $0x0, s9;
	[tilespmem:$0xF018] =	vst v0  }
0x5e: {  	[spmem:s1] =	stream.linear.scatter [tilespmem:s10], [sflag:$0x5], $0x3E8, $0x38;
	[tilespmem:$0x151D0] =	vst v63  }
0x5f: {  	s1 =	simm.s32 $0xFA0;
	_ =	swait.ge [sflag:s11], $0x3E8  }
.LBB2_2:
0x60: {  	s17 =	sshra.s32 s1, $0x2;
	[sflag:s11] =	ssyncset.done $0x0;
	p0 =	sne.s32 s1, $0x17700  }
.Ltmp0:
0x61: {  	s17 =	sadd.s32 s17, s9;
	[sflag:s11] =	ssyncadd.s32 $0xFFFFFC18;
	(pc) =	sbr.rel @p0 .LBB2_2-.Ltmp0, $3  }
0x62: {  	[spmem:s17] =	stream.linear.scatter [tilespmem:s10], [sflag:$0x5], $0x3E8, $0x38;
	[tilespmem:$0x151D0] =	vst v63  }
0x63: {  	s1 =	sadd.s32 $0xFA0, s1;
	_ =	sdelay $0x1  }
0x64: {  	_ =	swait.ge [sflag:s11], $0x3E8  }
0x65: {  	[sflag:s11] =	ssyncset.done $0x0  }
0x66: {  	s1 =	simm.s32 $0x0;
	[sflag:s11] =	ssyncadd.s32 $0xFFFFFC18  }
0x67: {  	[tilespmem:s1], [sflag:$0x5] =	stream.linear.gather [hbm4b:s5+s1], $0x2800, $0x38;
	[tilespmem:$0x151D0] =	vst v63  }
0x68: {  	_ =	swait.ge [sflag:s11], $0x2800  }
0x69: {  	[sflag:s11] =	ssyncset.done $0x0  }
0x6a: {  	[sflag:s11] =	ssyncadd.s32 $0xFFFFD800  }
0x6b: {  	[tilespmem:s12], [sflag:$0x5] =	stream.linear.gather [hbm4b:s6+s1], $0x2800, $0x38;
	[tilespmem:$0x151D0] =	vst v63  }
0x6c: {  	_ =	swait.ge [sflag:s11], $0x2800  }
0x6d: {  	[sflag:s11] =	ssyncset.done $0x0  }
0x6e: {  	[sflag:s11] =	ssyncadd.s32 $0xFFFFD800  }
0x6f: {  	[bflag:$0x0] =	sbarrier.arrive $0xFFFF  }
0x70: {  	[tilespmem:s14], [sflag:$0x1] =	stream.indirect.gather [hbm4b:s2+s13], $0x28, s1, s13, $0xb8;
	[tilespmem:$0x151D0] =	vst v63  }
0x71: {  	s26 =	simm.s32 $0x80  }
0x72: {  	[tilespmem:s16], [sflag:$0x1] =	stream.indirect.gather [hbm4b:s2+s13], $0x28, s26, s13, $0xb8;
	[tilespmem:$0x151D0] =	vst v63  }
0x73: {  	s17 =	simm.s32 $0x100  }
0x74: {  	[tilespmem:s18], [sflag:$0x1] =	stream.indirect.gather [hbm4b:s2+s13], $0x28, s17, s13, $0xb8;
	[tilespmem:$0x151D0] =	vst v63  }
0x75: {  	s26 =	simm.s32 $0x180  }
0x76: {  	[tilespmem:s20], [sflag:$0x1] =	stream.indirect.gather [hbm4b:s2+s13], $0x28, s26, s13, $0xb8;
	[tilespmem:$0x151D0] =	vst v63  }
0x77: {  	s17 =	simm.s32 $0x200  }
0x78: {  	[tilespmem:s22], [sflag:$0x2] =	stream.indirect.gather [hbm4b:s2+s13], $0x28, s17, s13, $0xb8;
	[tilespmem:$0x151D0] =	vst v63  }
0x79: {  	s26 =	simm.s32 $0x280  }
0x7a: {  	[tilespmem:s24], [sflag:$0x2] =	stream.indirect.gather [hbm4b:s2+s13], $0x28, s26, s13, $0xb8;
	[tilespmem:$0x151D0] =	vst v63  }
0x7b: {  	s17 =	simm.s32 $0x300  }
0x7c: {  	[tilespmem:s28], [sflag:$0x2] =	stream.indirect.gather [hbm4b:s2+s13], $0x28, s17, s13, $0xb8;
	[tilespmem:$0x151D0] =	vst v63  }
0x7d: {  	s26 =	simm.s32 $0x380  }
0x7e: {  	[tilespmem:s30], [sflag:$0x2] =	stream.indirect.gather [hbm4b:s2+s13], $0x28, s26, s13, $0xb8;
	[tilespmem:$0x151D0] =	vst v63  }
0x7f: {  	_ =	swait.ge [sflag:s31], $0x1388  }
0x80: {  	[sflag:s31] =	ssyncset.done $0x0  }
0x81: {  	[sflag:s31] =	ssyncadd.s32 $0xFFFFEC78  }
0x82: {  	_ =	swait.ge [sflag:s31], $0x1388  }
0x83: {  	[sflag:s31] =	ssyncset.done $0x0  }
0x84: {  	[sflag:s31] =	ssyncadd.s32 $0xFFFFEC78  }
0x85: {  	_ =	swait.ge [sflag:s31], $0x1388  }
0x86: {  	[sflag:s31] =	ssyncset.done $0x0  }
0x87: {  	[sflag:s31] =	ssyncadd.s32 $0xFFFFEC78  }
0x88: {  	_ =	swait.ge [sflag:s31], $0x1388  }
0x89: {  	[sflag:s31] =	ssyncset.done $0x0  }
0x8a: {  	[sflag:s31] =	ssyncadd.s32 $0xFFFFEC78  }
0x8b: {  	[spmem:s3] =	stream.indirect.scatter.add.f32 [tilespmem:s14], [sflag:$0x3], $0x28, s12, s13, $0xb8;
	[tilespmem:$0x151D0] =	vst v63  }
0x8c: {  	s17 =	simm.s32 $0x2880  }
0x8d: {  	[spmem:s3] =	stream.indirect.scatter.add.f32 [tilespmem:s16], [sflag:$0x3], $0x28, s17, s13, $0xb8;
	[tilespmem:$0x151D0] =	vst v63  }
0x8e: {  	s26 =	simm.s32 $0x2900  }
0x8f: {  	[spmem:s3] =	stream.indirect.scatter.add.f32 [tilespmem:s18], [sflag:$0x3], $0x28, s26, s13, $0xb8;
	[tilespmem:$0x151D0] =	vst v63  }
0x90: {  	s17 =	simm.s32 $0x2980  }
0x91: {  	[spmem:s3] =	stream.indirect.scatter.add.f32 [tilespmem:s20], [sflag:$0x3], $0x28, s17, s13, $0xb8;
	[tilespmem:$0x151D0] =	vst v63  }
0x92: {  	_ =	swait.ge [sflag:s19], $0x1388  }
0x93: {  	[sflag:s19] =	ssyncset.done $0x0  }
0x94: {  	[sflag:s19] =	ssyncadd.s32 $0xFFFFEC78  }
0x95: {  	_ =	swait.ge [sflag:s19], $0x1388  }
0x96: {  	[sflag:s19] =	ssyncset.done $0x0  }
0x97: {  	[sflag:s19] =	ssyncadd.s32 $0xFFFFEC78  }
0x98: {  	_ =	swait.ge [sflag:s19], $0x1388  }
0x99: {  	[sflag:s19] =	ssyncset.done $0x0  }
0x9a: {  	[sflag:s19] =	ssyncadd.s32 $0xFFFFEC78  }
0x9b: {  	_ =	swait.ge [sflag:s19], $0x1388  }
0x9c: {  	[sflag:s19] =	ssyncset.done $0x0  }
0x9d: {  	s26 =	simm.s32 $0x400;
	[sflag:s19] =	ssyncadd.s32 $0xFFFFEC78  }
0x9e: {  	[tilespmem:s14], [sflag:$0x1] =	stream.indirect.gather [hbm4b:s2+s13], $0x28, s26, s13, $0xb8;
	[tilespmem:$0x151D0] =	vst v63  }
0x9f: {  	s17 =	simm.s32 $0x480  }
0xa0: {  	[tilespmem:s16], [sflag:$0x1] =	stream.indirect.gather [hbm4b:s2+s13], $0x28, s17, s13, $0xb8;
	[tilespmem:$0x151D0] =	vst v63  }
0xa1: {  	s26 =	simm.s32 $0x500  }
0xa2: {  	[tilespmem:s18], [sflag:$0x1] =	stream.indirect.gather [hbm4b:s2+s13], $0x28, s26, s13, $0xb8;
	[tilespmem:$0x151D0] =	vst v63  }
0xa3: {  	s17 =	simm.s32 $0x580  }
0xa4: {  	[tilespmem:s20], [sflag:$0x1] =	stream.indirect.gather [hbm4b:s2+s13], $0x28, s17, s13, $0xb8;
	[tilespmem:$0x151D0] =	vst v63  }
0xa5: {  	_ =	swait.ge [sflag:s21], $0x1388  }
0xa6: {  	[sflag:s21] =	ssyncset.done $0x0  }
0xa7: {  	[sflag:s21] =	ssyncadd.s32 $0xFFFFEC78  }
0xa8: {  	_ =	swait.ge [sflag:s21], $0x1388  }
0xa9: {  	[sflag:s21] =	ssyncset.done $0x0  }
0xaa: {  	[sflag:s21] =	ssyncadd.s32 $0xFFFFEC78  }
0xab: {  	_ =	swait.ge [sflag:s21], $0x1388  }
0xac: {  	[sflag:s21] =	ssyncset.done $0x0  }
0xad: {  	[sflag:s21] =	ssyncadd.s32 $0xFFFFEC78  }
0xae: {  	_ =	swait.ge [sflag:s21], $0x1388  }
0xaf: {  	[sflag:s21] =	ssyncset.done $0x0  }
0xb0: {  	s26 =	simm.s32 $0x2A00;
	[sflag:s21] =	ssyncadd.s32 $0xFFFFEC78  }
0xb1: {  	[spmem:s3] =	stream.indirect.scatter.add.f32 [tilespmem:s22], [sflag:$0x4], $0x28, s26, s13, $0xb8;
	[tilespmem:$0x151D0] =	vst v63  }
0xb2: {  	s17 =	simm.s32 $0x2A80  }
0xb3: {  	[spmem:s3] =	stream.indirect.scatter.add.f32 [tilespmem:s24], [sflag:$0x4], $0x28, s17, s13, $0xb8;
	[tilespmem:$0x151D0] =	vst v63  }
0xb4: {  	s26 =	simm.s32 $0x2B00  }
0xb5: {  	[spmem:s3] =	stream.indirect.scatter.add.f32 [tilespmem:s28], [sflag:$0x4], $0x28, s26, s13, $0xb8;
	[tilespmem:$0x151D0] =	vst v63  }
0xb6: {  	s17 =	simm.s32 $0x2B80  }
0xb7: {  	[spmem:s3] =	stream.indirect.scatter.add.f32 [tilespmem:s30], [sflag:$0x4], $0x28, s17, s13, $0xb8;
	[tilespmem:$0x151D0] =	vst v63  }
0xb8: {  	_ =	swait.ge [sflag:s23], $0x1388  }
0xb9: {  	[sflag:s23] =	ssyncset.done $0x0  }
0xba: {  	[sflag:s23] =	ssyncadd.s32 $0xFFFFEC78  }
0xbb: {  	_ =	swait.ge [sflag:s23], $0x1388  }
0xbc: {  	[sflag:s23] =	ssyncset.done $0x0  }
0xbd: {  	[sflag:s23] =	ssyncadd.s32 $0xFFFFEC78  }
0xbe: {  	_ =	swait.ge [sflag:s23], $0x1388  }
0xbf: {  	[sflag:s23] =	ssyncset.done $0x0  }
0xc0: {  	[sflag:s23] =	ssyncadd.s32 $0xFFFFEC78  }
0xc1: {  	_ =	swait.ge [sflag:s23], $0x1388  }
0xc2: {  	[sflag:s23] =	ssyncset.done $0x0  }
0xc3: {  	s26 =	simm.s32 $0x600;
	[sflag:s23] =	ssyncadd.s32 $0xFFFFEC78  }
0xc4: {  	[tilespmem:s22], [sflag:$0x2] =	stream.indirect.gather [hbm4b:s2+s13], $0x28, s26, s13, $0xb8;
	[tilespmem:$0x151D0] =	vst v63  }
0xc5: {  	s17 =	simm.s32 $0x680  }
0xc6: {  	[tilespmem:s24], [sflag:$0x2] =	stream.indirect.gather [hbm4b:s2+s13], $0x28, s17, s13, $0xb8;
	[tilespmem:$0x151D0] =	vst v63  }
0xc7: {  	s26 =	simm.s32 $0x700  }
0xc8: {  	[tilespmem:s28], [sflag:$0x2] =	stream.indirect.gather [hbm4b:s2+s13], $0x28, s26, s13, $0xb8;
	[tilespmem:$0x151D0] =	vst v63  }
0xc9: {  	s17 =	simm.s32 $0x780  }
0xca: {  	[tilespmem:s30], [sflag:$0x2] =	stream.indirect.gather [hbm4b:s2+s13], $0x28, s17, s13, $0xb8;
	[tilespmem:$0x151D0] =	vst v63  }
0xcb: {  	_ =	swait.ge [sflag:s31], $0x1388  }
0xcc: {  	[sflag:s31] =	ssyncset.done $0x0  }
0xcd: {  	[sflag:s31] =	ssyncadd.s32 $0xFFFFEC78  }
0xce: {  	_ =	swait.ge [sflag:s31], $0x1388  }
0xcf: {  	[sflag:s31] =	ssyncset.done $0x0  }
0xd0: {  	[sflag:s31] =	ssyncadd.s32 $0xFFFFEC78  }
0xd1: {  	_ =	swait.ge [sflag:s31], $0x1388  }
0xd2: {  	[sflag:s31] =	ssyncset.done $0x0  }
0xd3: {  	[sflag:s31] =	ssyncadd.s32 $0xFFFFEC78  }
0xd4: {  	_ =	swait.ge [sflag:s31], $0x1388  }
0xd5: {  	[sflag:s31] =	ssyncset.done $0x0  }
0xd6: {  	s26 =	simm.s32 $0x2C00;
	[sflag:s31] =	ssyncadd.s32 $0xFFFFEC78  }
0xd7: {  	[spmem:s3] =	stream.indirect.scatter.add.f32 [tilespmem:s14], [sflag:$0x3], $0x28, s26, s13, $0xb8;
	[tilespmem:$0x151D0] =	vst v63  }
0xd8: {  	s17 =	simm.s32 $0x2C80  }
0xd9: {  	[spmem:s3] =	stream.indirect.scatter.add.f32 [tilespmem:s16], [sflag:$0x3], $0x28, s17, s13, $0xb8;
	[tilespmem:$0x151D0] =	vst v63  }
0xda: {  	s1 =	simm.s32 $0x2D80;
	s26 =	simm.s32 $0x2D00;
	s17 =	simm.s32 $0x1000  }
0xdb: {  	[spmem:s3] =	stream.indirect.scatter.add.f32 [tilespmem:s18], [sflag:$0x3], $0x28, s26, s13, $0xb8;
	[tilespmem:$0x151D0] =	vst v63  }
.LBB2_4:
0xdc: {  	[spmem:s3] =	stream.indirect.scatter.add.f32 [tilespmem:s20], [sflag:$0x3], $0x28, s1, s13, $0xb8;
	[tilespmem:$0x151D0] =	vst v63  }
0xdd: {  	s1 =	smov.u32 s17  }
0xde: {  	p0 =	sne.s32 s17, $0x8000;
	s17 =	sadd.s32 $0x1000, s17;
	_ =	swait.ge [sflag:s19], $0x1388  }
0xdf: {  	[sflag:s19] =	ssyncset.done $0x0  }
0xe0: {  	[sflag:s19] =	ssyncadd.s32 $0xFFFFEC78  }
0xe1: {  	_ =	swait.ge [sflag:s19], $0x1388  }
0xe2: {  	[sflag:s19] =	ssyncset.done $0x0  }
0xe3: {  	[sflag:s19] =	ssyncadd.s32 $0xFFFFEC78  }
0xe4: {  	_ =	swait.ge [sflag:s19], $0x1388  }
0xe5: {  	[sflag:s19] =	ssyncset.done $0x0  }
0xe6: {  	[sflag:s19] =	ssyncadd.s32 $0xFFFFEC78  }
0xe7: {  	_ =	swait.ge [sflag:s19], $0x1388  }
0xe8: {  	s1 =	sshra.s32 s1, $0x2;
	[sflag:s19] =	ssyncset.done $0x0  }
0xe9: {  	s26 =	sadd.s32 $0x400, s1;
	[sflag:s19] =	ssyncadd.s32 $0xFFFFEC78  }
0xea: {  	[tilespmem:s14], [sflag:$0x1] =	stream.indirect.gather [hbm4b:s2+s13], $0x28, s26, s13, $0xb8;
	[tilespmem:$0x151D0] =	vst v63  }
0xeb: {  	s26 =	sadd.s32 $0x480, s1  }
0xec: {  	[tilespmem:s16], [sflag:$0x1] =	stream.indirect.gather [hbm4b:s2+s13], $0x28, s26, s13, $0xb8;
	[tilespmem:$0x151D0] =	vst v63  }
0xed: {  	s26 =	sadd.s32 $0x500, s1  }
0xee: {  	[tilespmem:s18], [sflag:$0x1] =	stream.indirect.gather [hbm4b:s2+s13], $0x28, s26, s13, $0xb8;
	[tilespmem:$0x151D0] =	vst v63  }
0xef: {  	s26 =	sadd.s32 $0x580, s1  }
0xf0: {  	[tilespmem:s20], [sflag:$0x1] =	stream.indirect.gather [hbm4b:s2+s13], $0x28, s26, s13, $0xb8;
	[tilespmem:$0x151D0] =	vst v63  }
0xf1: {  	_ =	swait.ge [sflag:s21], $0x1388  }
0xf2: {  	[sflag:s21] =	ssyncset.done $0x0  }
0xf3: {  	[sflag:s21] =	ssyncadd.s32 $0xFFFFEC78  }
0xf4: {  	_ =	swait.ge [sflag:s21], $0x1388  }
0xf5: {  	[sflag:s21] =	ssyncset.done $0x0  }
0xf6: {  	[sflag:s21] =	ssyncadd.s32 $0xFFFFEC78  }
0xf7: {  	_ =	swait.ge [sflag:s21], $0x1388  }
0xf8: {  	[sflag:s21] =	ssyncset.done $0x0  }
0xf9: {  	[sflag:s21] =	ssyncadd.s32 $0xFFFFEC78  }
0xfa: {  	_ =	swait.ge [sflag:s21], $0x1388  }
0xfb: {  	[sflag:s21] =	ssyncset.done $0x0  }
0xfc: {  	s26 =	sadd.s32 $0x2A00, s1;
	[sflag:s21] =	ssyncadd.s32 $0xFFFFEC78  }
0xfd: {  	[spmem:s3] =	stream.indirect.scatter.add.f32 [tilespmem:s22], [sflag:$0x4], $0x28, s26, s13, $0xb8;
	[tilespmem:$0x151D0] =	vst v63  }
0xfe: {  	s26 =	sadd.s32 $0x2A80, s1  }
0xff: {  	[spmem:s3] =	stream.indirect.scatter.add.f32 [tilespmem:s24], [sflag:$0x4], $0x28, s26, s13, $0xb8;
	[tilespmem:$0x151D0] =	vst v63  }
0x100: {  	s26 =	sadd.s32 $0x2B00, s1  }
0x101: {  	[spmem:s3] =	stream.indirect.scatter.add.f32 [tilespmem:s28], [sflag:$0x4], $0x28, s26, s13, $0xb8;
	[tilespmem:$0x151D0] =	vst v63  }
0x102: {  	s26 =	sadd.s32 $0x2B80, s1  }
0x103: {  	[spmem:s3] =	stream.indirect.scatter.add.f32 [tilespmem:s30], [sflag:$0x4], $0x28, s26, s13, $0xb8;
	[tilespmem:$0x151D0] =	vst v63  }
0x104: {  	_ =	swait.ge [sflag:s23], $0x1388  }
0x105: {  	[sflag:s23] =	ssyncset.done $0x0  }
0x106: {  	[sflag:s23] =	ssyncadd.s32 $0xFFFFEC78  }
0x107: {  	_ =	swait.ge [sflag:s23], $0x1388  }
0x108: {  	[sflag:s23] =	ssyncset.done $0x0  }
0x109: {  	[sflag:s23] =	ssyncadd.s32 $0xFFFFEC78  }
0x10a: {  	_ =	swait.ge [sflag:s23], $0x1388  }
0x10b: {  	[sflag:s23] =	ssyncset.done $0x0  }
0x10c: {  	[sflag:s23] =	ssyncadd.s32 $0xFFFFEC78  }
0x10d: {  	_ =	swait.ge [sflag:s23], $0x1388  }
0x10e: {  	[sflag:s23] =	ssyncset.done $0x0  }
0x10f: {  	s26 =	sadd.s32 $0x600, s1;
	[sflag:s23] =	ssyncadd.s32 $0xFFFFEC78  }
0x110: {  	[tilespmem:s22], [sflag:$0x2] =	stream.indirect.gather [hbm4b:s2+s13], $0x28, s26, s13, $0xb8;
	[tilespmem:$0x151D0] =	vst v63  }
0x111: {  	s26 =	sadd.s32 $0x680, s1  }
0x112: {  	[tilespmem:s24], [sflag:$0x2] =	stream.indirect.gather [hbm4b:s2+s13], $0x28, s26, s13, $0xb8;
	[tilespmem:$0x151D0] =	vst v63  }
0x113: {  	s26 =	sadd.s32 $0x700, s1  }
0x114: {  	[tilespmem:s28], [sflag:$0x2] =	stream.indirect.gather [hbm4b:s2+s13], $0x28, s26, s13, $0xb8;
	[tilespmem:$0x151D0] =	vst v63  }
0x115: {  	s26 =	sadd.s32 $0x780, s1  }
0x116: {  	[tilespmem:s30], [sflag:$0x2] =	stream.indirect.gather [hbm4b:s2+s13], $0x28, s26, s13, $0xb8;
	[tilespmem:$0x151D0] =	vst v63  }
0x117: {  	_ =	swait.ge [sflag:s31], $0x1388  }
0x118: {  	[sflag:s31] =	ssyncset.done $0x0  }
0x119: {  	[sflag:s31] =	ssyncadd.s32 $0xFFFFEC78  }
0x11a: {  	_ =	swait.ge [sflag:s31], $0x1388  }
0x11b: {  	[sflag:s31] =	ssyncset.done $0x0  }
0x11c: {  	[sflag:s31] =	ssyncadd.s32 $0xFFFFEC78  }
0x11d: {  	_ =	swait.ge [sflag:s31], $0x1388  }
0x11e: {  	[sflag:s31] =	ssyncset.done $0x0  }
0x11f: {  	[sflag:s31] =	ssyncadd.s32 $0xFFFFEC78  }
0x120: {  	_ =	swait.ge [sflag:s31], $0x1388  }
0x121: {  	[sflag:s31] =	ssyncset.done $0x0  }
0x122: {  	s26 =	sadd.s32 $0x2C00, s1;
	[sflag:s31] =	ssyncadd.s32 $0xFFFFEC78  }
0x123: {  	[spmem:s3] =	stream.indirect.scatter.add.f32 [tilespmem:s14], [sflag:$0x3], $0x28, s26, s13, $0xb8;
	[tilespmem:$0x151D0] =	vst v63  }
.Ltmp1:
0x124: {  	s26 =	sadd.s32 $0x2C80, s1;
	(pc) =	sbr.rel @p0 .LBB2_4-.Ltmp1, $4  }
0x125: {  	[spmem:s3] =	stream.indirect.scatter.add.f32 [tilespmem:s16], [sflag:$0x3], $0x28, s26, s13, $0xb8;
	[tilespmem:$0x151D0] =	vst v63  }
0x126: {  	s26 =	sadd.s32 $0x2D00, s1  }
0x127: {  	[spmem:s3] =	stream.indirect.scatter.add.f32 [tilespmem:s18], [sflag:$0x3], $0x28, s26, s13, $0xb8;
	[tilespmem:$0x151D0] =	vst v63  }
0x128: {  	s1 =	sadd.s32 $0x2D80, s1  }
0x129: {  	[spmem:s3] =	stream.indirect.scatter.add.f32 [tilespmem:s20], [sflag:$0x3], $0x28, s1, s13, $0xb8;
	[tilespmem:$0x151D0] =	vst v63  }
0x12a: {  	_ =	swait.ge [sflag:s19], $0x1388  }
0x12b: {  	[sflag:s19] =	ssyncset.done $0x0  }
0x12c: {  	[sflag:s19] =	ssyncadd.s32 $0xFFFFEC78  }
0x12d: {  	_ =	swait.ge [sflag:s19], $0x1388  }
0x12e: {  	[sflag:s19] =	ssyncset.done $0x0  }
0x12f: {  	[sflag:s19] =	ssyncadd.s32 $0xFFFFEC78  }
0x130: {  	_ =	swait.ge [sflag:s19], $0x1388  }
0x131: {  	[sflag:s19] =	ssyncset.done $0x0  }
0x132: {  	[sflag:s19] =	ssyncadd.s32 $0xFFFFEC78  }
0x133: {  	_ =	swait.ge [sflag:s19], $0x1388  }
0x134: {  	[sflag:s19] =	ssyncset.done $0x0  }
0x135: {  	[sflag:s19] =	ssyncadd.s32 $0xFFFFEC78  }
0x136: {  	_ =	swait.ge [sflag:s21], $0x1388  }
0x137: {  	[sflag:s21] =	ssyncset.done $0x0  }
0x138: {  	[sflag:s21] =	ssyncadd.s32 $0xFFFFEC78  }
0x139: {  	_ =	swait.ge [sflag:s21], $0x1388  }
0x13a: {  	[sflag:s21] =	ssyncset.done $0x0  }
0x13b: {  	[sflag:s21] =	ssyncadd.s32 $0xFFFFEC78  }
0x13c: {  	_ =	swait.ge [sflag:s21], $0x1388  }
0x13d: {  	[sflag:s21] =	ssyncset.done $0x0  }
0x13e: {  	[sflag:s21] =	ssyncadd.s32 $0xFFFFEC78  }
0x13f: {  	_ =	swait.ge [sflag:s21], $0x1388  }
0x140: {  	[sflag:s21] =	ssyncset.done $0x0  }
0x141: {  	s17 =	simm.s32 $0x4E00;
	[sflag:s21] =	ssyncadd.s32 $0xFFFFEC78  }
0x142: {  	[spmem:s3] =	stream.indirect.scatter.add.f32 [tilespmem:s22], [sflag:$0x4], $0x28, s17, s13, $0xb8;
	[tilespmem:$0x151D0] =	vst v63  }
0x143: {  	_ = 	snop  }
0x144: {  	[spmem:s3] =	stream.indirect.scatter.add.f32 [tilespmem:s24], [sflag:$0x4], $0x28, s29, s13, $0xb8;
	[tilespmem:$0x151D0] =	vst v63  }
0x145: {  	_ = 	snop  }
0x146: {  	[spmem:s3] =	stream.indirect.scatter.add.f32 [tilespmem:s28], [sflag:$0x4], $0x28, s0, s13, $0xb8;
	[tilespmem:$0x151D0] =	vst v63  }
0x147: {  	_ = 	snop  }
0x148: {  	[spmem:s3] =	stream.indirect.scatter.add.f32 [tilespmem:s30], [sflag:$0x4], $0x28, s15, s13, $0xb8;
	[tilespmem:$0x151D0] =	vst v63  }
0x149: {  	_ =	swait.ge [sflag:s23], $0x1388  }
0x14a: {  	[sflag:s23] =	ssyncset.done $0x0  }
0x14b: {  	[sflag:s23] =	ssyncadd.s32 $0xFFFFEC78  }
0x14c: {  	_ =	swait.ge [sflag:s23], $0x1388  }
0x14d: {  	[sflag:s23] =	ssyncset.done $0x0  }
0x14e: {  	[sflag:s23] =	ssyncadd.s32 $0xFFFFEC78  }
0x14f: {  	_ =	swait.ge [sflag:s23], $0x1388  }
0x150: {  	[sflag:s23] =	ssyncset.done $0x0  }
0x151: {  	[sflag:s23] =	ssyncadd.s32 $0xFFFFEC78  }
0x152: {  	_ =	swait.ge [sflag:s23], $0x1388  }
0x153: {  	s26 =	stileid.u32;
	s4 =	sadd.s32 $0x1, s4;
	[sflag:s23] =	ssyncset.done $0x0  }
0x154: {  	s1 =	sshll.u32 s26, $0x6;
	p0 =	sne.s32 s4, s8;
	[sflag:s23] =	ssyncadd.s32 $0xFFFFEC78  }
.Ltmp2:
0x155: {  	s1 =	sor.u32 $0x1C05, s1;
	[bflag:$0x0] =	sbarrier.arrive $0xFFFF;
	(pc) =	sbr.rel @p0 .LBB2_1-.Ltmp2, $4  }
0x156: {  	[hbm:s7], [sflag:s1] =	dma.local [spmem:s25], $0xC35  }
0x157: {  	_ =	swait.ge [sflag:s11], $0xC35  }
0x158: {  	[sflag:s11] =	ssyncset.done $0x0  }
0x159: {  	[sflag:s11] =	ssyncadd.s32 $0xFFFFF3CB  }
0x15a: {  	_ =	sfence.sel $0x180000  }
0x15b: {  	[bflag:$0x0] =	sbarrier.arrive $0xFFFF  }
0x15c: {  	_ =	strace $0x9000004D  }
0x15d: {  	s0 =	stileid.u32;
	[bflag:$0x2] =	sbarrier.arrive $0xFFFF  }
0x15e: {  	p0 =	sne.s32 s0, $0x0;
	s0 =	rddreg [dreg:$0x3]  }
0x15f: {  	s0 =	sadd.s32 @!p0 $0x100000, s0  }
0x160: {  	[sflag:s0] =	ssyncadd.tile.s32 @!p0 $0x1;
	_ =	shalt  }
.Lfunc_end2:
_tile_overlayer_lowered:
.L_overlay_start_2:
0x161: {  	(tag) =	ssettag $0x2  }
0x162: {  	s0 =	rddreg [dreg:$0x0];
	s2 =	stileid.u32  }
0x163: {  	s1 =	rddreg [dreg:$0x1];
	p0 =	sne.s32 s2, $0x0  }
0x164: {  	s3 =	rddreg [dreg:$0x2];
	[bflag:$0x3] =	sbarrier.arrive $0xFFFF;
	s2 =	simm.s32 @!p0 $0x1C05  }
0x165: {  	[timem:s3], [sflag:s2] =	dma.local @!p0 [hbm:s0], s1  }
0x166: {  	s0 =	simm.s32 @!p0 $0x5  }
0x167: {  	_ =	swait.ge @!p0 [sflag:s0], s1  }
0x168: {  	s1 =	ssub.s32 @!p0 $0x0, s1;
	[sflag:s0] =	ssyncset.done @!p0 $0x0  }
0x169: {  	[sflag:s0] =	ssyncadd.s32 @!p0 s1  }
0x16a: {  	[bflag:$0x3] =	sbarrier.arrive $0xFFFF  }
0x16b: {  	_ =	shalt  }

</sc_bundles>
